<compile_context>
chip_gen: v7x
topology: tpu7x:2x2x1
jax: 0.10.2.dev20260603
libtpu: 0.0.44.dev20260713+nightly
codegen_flags: <defaults>
</compile_context>

<pallas_src>
import functools

import jax
import jax.numpy as jnp
import numpy as np
from jax import lax
from jax.experimental import pallas as pl
from jax.experimental.pallas import tpu as pltpu
from jax.experimental.pallas import tpu_sc as plsc

SPARSE_DIM = 16
GRID_DIM = 8
RES = SPARSE_DIM * GRID_DIM
N_PTS = 1048576

NC = 2
NS = 16
NW = NC * NS
L = 16

C = 2048
PER_W = N_PTS // NW
CHUNKS = PER_W // C

HI = np.float32(RES - 1.0 - 1e-6)
SCALE = np.float32(0.5 * RES)


def _axis_math(p):
    u_raw = (p + 1.0) * SCALE
    u = jnp.minimum(jnp.maximum(u_raw, 0.0), HI)
    b = u.astype(jnp.int32)
    f = u - b.astype(jnp.float32)
    inside = (u_raw > 0.0) & (u_raw < HI)
    edge = (u_raw == 0.0) | (u_raw == HI)
    gf = jnp.where(inside, SCALE, jnp.where(edge, np.float32(0.5) * SCALE, np.float32(0.0)))
    return b, f, gf


def _sc_body(px_hbm, py_hbm, pz_hbm, flat_hbm, emb_hbm, gx_hbm, gy_hbm, gz_hbm,
             *rest):
    pos_bufs = (rest[0:3], rest[3:6])
    idx_bufs = (rest[6:14], rest[14:22])
    val_bufs = (rest[22:30], rest[30:38])
    f_bufs = (rest[38:41], rest[41:44])
    g_bufs = (rest[44:47], rest[47:50])
    out_bufs = (rest[50:54], rest[54:58])
    gat_sems = rest[58:60]
    pos_sems = rest[60:62]
    out_sems = rest[62:64]

    wid = lax.axis_index("s") * NC + lax.axis_index("c")

    def fire_pos(t, which):
        ps, sem = pos_bufs[which], pos_sems[which]
        base = wid * PER_W + t * C
        pltpu.async_copy(px_hbm.at[pl.ds(base, C)], ps[0], sem)
        pltpu.async_copy(py_hbm.at[pl.ds(base, C)], ps[1], sem)
        pltpu.async_copy(pz_hbm.at[pl.ds(base, C)], ps[2], sem)

    def wait_pos(which):
        ps, sem = pos_bufs[which], pos_sems[which]
        base0 = wid * PER_W
        pltpu.make_async_copy(px_hbm.at[pl.ds(base0, C)], ps[0], sem).wait()
        pltpu.make_async_copy(py_hbm.at[pl.ds(base0, C)], ps[1], sem).wait()
        pltpu.make_async_copy(pz_hbm.at[pl.ds(base0, C)], ps[2], sem).wait()

    def stage(t, which):
        ps = pos_bufs[which]
        idxs, fs, gs = idx_bufs[which], f_bufs[which], g_bufs[which]
        vals, sem = val_bufs[which], gat_sems[which]
        wait_pos(which)

        @plsc.parallel_loop(0, C // L, unroll=4)
        def index_phase(i):
            s = pl.ds(i * L, L)
            bx, fx, gfx = _axis_math(ps[0][s])
            by, fy, gfy = _axis_math(ps[1][s])
            bz, fz, gfz = _axis_math(ps[2][s])
            x1 = jnp.minimum(bx + 1, RES - 1)
            y1 = jnp.minimum(by + 1, RES - 1)
            z1 = jnp.minimum(bz + 1, RES - 1)
            tx0 = (bx >> 3) << 17 | (bx & 7) << 6
            tx1 = (x1 >> 3) << 17 | (x1 & 7) << 6
            ty0 = (by >> 3) << 13 | (by & 7) << 3
            ty1 = (y1 >> 3) << 13 | (y1 & 7) << 3
            tz0 = (bz >> 3) << 9 | (bz & 7)
            tz1 = (z1 >> 3) << 9 | (z1 & 7)
            idxs[0][s] = tx0 | ty0 | tz0
            idxs[1][s] = tx0 | ty0 | tz1
            idxs[2][s] = tx0 | ty1 | tz0
            idxs[3][s] = tx0 | ty1 | tz1
            idxs[4][s] = tx1 | ty0 | tz0
            idxs[5][s] = tx1 | ty0 | tz1
            idxs[6][s] = tx1 | ty1 | tz0
            idxs[7][s] = tx1 | ty1 | tz1
            fs[0][s] = fx
            fs[1][s] = fy
            fs[2][s] = fz
            gs[0][s] = gfx
            gs[1][s] = gfy
            gs[2][s] = gfz
        for cc in range(8):
            pltpu.async_copy(flat_hbm.at[idxs[cc]], vals[cc], sem)

        @pl.when(t + 2 < CHUNKS)
        def _():
            fire_pos(t + 2, which)

    def wait_out(which):
        ob, sem = out_bufs[which], out_sems[which]
        base0 = wid * PER_W
        pltpu.make_async_copy(ob[0], emb_hbm.at[pl.ds(base0, C)], sem).wait()
        pltpu.make_async_copy(ob[1], gx_hbm.at[pl.ds(base0, C)], sem).wait()
        pltpu.make_async_copy(ob[2], gy_hbm.at[pl.ds(base0, C)], sem).wait()
        pltpu.make_async_copy(ob[3], gz_hbm.at[pl.ds(base0, C)], sem).wait()

    def finish(t, which):
        idxs, vals, sem = idx_bufs[which], val_bufs[which], gat_sems[which]
        fs, gs = f_bufs[which], g_bufs[which]
        ob, osem = out_bufs[which], out_sems[which]
        for cc in range(8):
            pltpu.make_async_copy(flat_hbm.at[idxs[cc]], vals[cc], sem).wait()

        @pl.when(t >= 2)
        def _():
            wait_out(which)

        @plsc.parallel_loop(0, C // L, unroll=4)
        def value_phase(i):
            s = pl.ds(i * L, L)
            fx, fy, fz = fs[0][s], fs[1][s], fs[2][s]
            gfx, gfy, gfz = gs[0][s], gs[1][s], gs[2][s]
            v = [vals[cc][s] for cc in range(8)]
            wz0, wz1 = 1.0 - fz, fz
            t00 = wz0 * v[0] + wz1 * v[1]
            t01 = wz0 * v[2] + wz1 * v[3]
            t10 = wz0 * v[4] + wz1 * v[5]
            t11 = wz0 * v[6] + wz1 * v[7]
            d00 = v[1] - v[0]
            d01 = v[3] - v[2]
            d10 = v[5] - v[4]
            d11 = v[7] - v[6]
            wy0, wy1 = 1.0 - fy, fy
            r0 = wy0 * t00 + wy1 * t01
            r1 = wy0 * t10 + wy1 * t11
            rz0 = wy0 * d00 + wy1 * d01
            rz1 = wy0 * d10 + wy1 * d11
            ry0 = t01 - t00
            ry1 = t11 - t10
            wx0, wx1 = 1.0 - fx, fx
            ob[0][s] = wx0 * r0 + wx1 * r1
            ob[3][s] = gfz * (wx0 * rz0 + wx1 * rz1)
            ob[2][s] = gfy * (wx0 * ry0 + wx1 * ry1)
            ob[1][s] = gfx * (r1 - r0)
        base = wid * PER_W + t * C
        pltpu.async_copy(ob[0], emb_hbm.at[pl.ds(base, C)], osem)
        pltpu.async_copy(ob[1], gx_hbm.at[pl.ds(base, C)], osem)
        pltpu.async_copy(ob[2], gy_hbm.at[pl.ds(base, C)], osem)
        pltpu.async_copy(ob[3], gz_hbm.at[pl.ds(base, C)], osem)

    fire_pos(0, 0)
    fire_pos(1, 1)
    stage(0, 0)

    def body(j, carry):
        t0 = 2 * j
        stage(t0 + 1, 1)
        finish(t0, 0)

        @pl.when(t0 + 2 < CHUNKS)
        def _():
            stage(t0 + 2, 0)

        finish(t0 + 1, 1)
        return carry

    lax.fori_loop(0, CHUNKS // 2, body, 0)
    wait_out(0)
    wait_out(1)


@jax.jit
def kernel(positions, table):
    pos_t = positions.T
    flat = table.reshape(-1)

    mesh = plsc.VectorSubcoreMesh(core_axis_name="c", subcore_axis_name="s")
    run = functools.partial(
        pl.kernel,
        mesh=mesh,
        out_type=(
            jax.ShapeDtypeStruct((N_PTS,), jnp.float32),
            jax.ShapeDtypeStruct((N_PTS,), jnp.float32),
            jax.ShapeDtypeStruct((N_PTS,), jnp.float32),
            jax.ShapeDtypeStruct((N_PTS,), jnp.float32),
        ),
        scratch_types=(
            [pltpu.VMEM((C,), jnp.float32) for _ in range(6)]
            + [pltpu.VMEM((C,), jnp.int32) for _ in range(16)]
            + [pltpu.VMEM((C,), jnp.float32) for _ in range(16)]
            + [pltpu.VMEM((C,), jnp.float32) for _ in range(12)]
            + [pltpu.VMEM((C,), jnp.float32) for _ in range(8)]
            + [pltpu.SemaphoreType.DMA for _ in range(6)]
        ),
    )(_sc_body)
    emb, gx, gy, gz = run(pos_t[0], pos_t[1], pos_t[2], flat)
    mask = jnp.all(jnp.abs(positions) <= 1.0, axis=-1)
    return emb[:, None], jnp.stack([gx, gy, gz], axis=-1), mask

# --- scband reference (transcript-rebuilt; emitter-appended) ---
"""Pipeline reference for scband-neural-poisson-plain-7456063226615 (READ-ONLY COPY).

The authoritative reference and input builder live on the scoring server;
editing this copy changes nothing except your own understanding.
"""

import jax, jax.numpy as jnp
import numpy as np

SPARSE_DIM = 16   # grid_resolution (sparse_grid_dim)
GRID_DIM = 8      # dense block dim per sparse cell
RES = SPARSE_DIM * GRID_DIM  # 128 effective resolution over [-1, 1]^3
NUM_EMB = 12000
EMB_DIM = 1
N_PTS = 1048576


def _interp(positions, table):
    # world [-1,1] -> cell coords [0, RES)
    u = (positions + 1.0) * 0.5 * RES
    u = jnp.clip(u, 0.0, RES - 1.0 - 1e-6)
    base = jnp.floor(u)
    frac = u - base
    base_i = base.astype(jnp.int32)
    acc = jnp.zeros((positions.shape[0], EMB_DIM), dtype=table.dtype)
    for dx in (0, 1):
        for dy in (0, 1):
            for dz in (0, 1):
                off = jnp.array([dx, dy, dz], dtype=jnp.int32)
                cc = jnp.clip(base_i + off, 0, RES - 1)
                wx = frac[:, 0] if dx else (1.0 - frac[:, 0])
                wy = frac[:, 1] if dy else (1.0 - frac[:, 1])
                wz = frac[:, 2] if dz else (1.0 - frac[:, 2])
                w = wx * wy * wz
                block = cc // GRID_DIM
                local = cc % GRID_DIM
                emb_idx = (block[:, 0] * SPARSE_DIM + block[:, 1]) * SPARSE_DIM + block[:, 2]
                cell_idx = (local[:, 0] * GRID_DIM + local[:, 1]) * GRID_DIM + local[:, 2]
                vals = table[emb_idx, cell_idx]  # [N, EMB_DIM] gather
                acc = acc + w[:, None] * vals
    return acc


def setup_inputs(seed: int = 0) -> dict:
    key = jax.random.key(seed)
    k1, k2 = jax.random.split(key)
    positions = jax.random.uniform(k1, (N_PTS, 3), dtype=jnp.float32, minval=-1.0, maxval=1.0)
    # Original zero-inits embeddings; use small random values so outputs/grads are nontrivial.
    table = jax.random.normal(k2, (NUM_EMB, GRID_DIM ** 3, EMB_DIM), dtype=jnp.float32) * 0.1
    return {"positions": positions, "table": table}


def reference(positions, table):
    embedding = _interp(positions, table)
    # grad of embedding[..., 0] w.r.t. positions (create_graph analog handled by jax tracing)
    grad_x = jax.grad(lambda p: jnp.sum(_interp(p, table)[..., 0]))(positions)
    mask = jnp.all(jnp.abs(positions) <= 1.0, axis=-1)
    return (embedding, grad_x, mask)

if __name__ == "__main__":
    import jax
    _d = setup_inputs()
    print(jax.jit(kernel)(*tuple(_d.values())))

</pallas_src>

<mosaic_0001>
#map = affine_map<(d0, d1) -> (0)>
module attributes {stable_mosaic.version = 14 : i64} {
  func.func @_sc_body(%arg0: i32, %arg1: i32, %arg2: memref<1048576xf32, #tpu.memory_space<hbm>>, %arg3: memref<1048576xf32, #tpu.memory_space<hbm>>, %arg4: memref<1048576xf32, #tpu.memory_space<hbm>>, %arg5: memref<6144000xf32, #tpu.memory_space<hbm>>, %arg6: memref<1048576xf32, #tpu.memory_space<hbm>>, %arg7: memref<1048576xf32, #tpu.memory_space<hbm>>, %arg8: memref<1048576xf32, #tpu.memory_space<hbm>>, %arg9: memref<1048576xf32, #tpu.memory_space<hbm>>, %arg10: memref<2048xf32, #tpu.memory_space<vmem>>, %arg11: memref<2048xf32, #tpu.memory_space<vmem>>, %arg12: memref<2048xf32, #tpu.memory_space<vmem>>, %arg13: memref<2048xf32, #tpu.memory_space<vmem>>, %arg14: memref<2048xf32, #tpu.memory_space<vmem>>, %arg15: memref<2048xf32, #tpu.memory_space<vmem>>, %arg16: memref<2048xi32, #tpu.memory_space<vmem>>, %arg17: memref<2048xi32, #tpu.memory_space<vmem>>, %arg18: memref<2048xi32, #tpu.memory_space<vmem>>, %arg19: memref<2048xi32, #tpu.memory_space<vmem>>, %arg20: memref<2048xi32, #tpu.memory_space<vmem>>, %arg21: memref<2048xi32, #tpu.memory_space<vmem>>, %arg22: memref<2048xi32, #tpu.memory_space<vmem>>, %arg23: memref<2048xi32, #tpu.memory_space<vmem>>, %arg24: memref<2048xi32, #tpu.memory_space<vmem>>, %arg25: memref<2048xi32, #tpu.memory_space<vmem>>, %arg26: memref<2048xi32, #tpu.memory_space<vmem>>, %arg27: memref<2048xi32, #tpu.memory_space<vmem>>, %arg28: memref<2048xi32, #tpu.memory_space<vmem>>, %arg29: memref<2048xi32, #tpu.memory_space<vmem>>, %arg30: memref<2048xi32, #tpu.memory_space<vmem>>, %arg31: memref<2048xi32, #tpu.memory_space<vmem>>, %arg32: memref<2048xf32, #tpu.memory_space<vmem>>, %arg33: memref<2048xf32, #tpu.memory_space<vmem>>, %arg34: memref<2048xf32, #tpu.memory_space<vmem>>, %arg35: memref<2048xf32, #tpu.memory_space<vmem>>, %arg36: memref<2048xf32, #tpu.memory_space<vmem>>, %arg37: memref<2048xf32, #tpu.memory_space<vmem>>, %arg38: memref<2048xf32, #tpu.memory_space<vmem>>, %arg39: memref<2048xf32, #tpu.memory_space<vmem>>, %arg40: memref<2048xf32, #tpu.memory_space<vmem>>, %arg41: memref<2048xf32, #tpu.memory_space<vmem>>, %arg42: memref<2048xf32, #tpu.memory_space<vmem>>, %arg43: memref<2048xf32, #tpu.memory_space<vmem>>, %arg44: memref<2048xf32, #tpu.memory_space<vmem>>, %arg45: memref<2048xf32, #tpu.memory_space<vmem>>, %arg46: memref<2048xf32, #tpu.memory_space<vmem>>, %arg47: memref<2048xf32, #tpu.memory_space<vmem>>, %arg48: memref<2048xf32, #tpu.memory_space<vmem>>, %arg49: memref<2048xf32, #tpu.memory_space<vmem>>, %arg50: memref<2048xf32, #tpu.memory_space<vmem>>, %arg51: memref<2048xf32, #tpu.memory_space<vmem>>, %arg52: memref<2048xf32, #tpu.memory_space<vmem>>, %arg53: memref<2048xf32, #tpu.memory_space<vmem>>, %arg54: memref<2048xf32, #tpu.memory_space<vmem>>, %arg55: memref<2048xf32, #tpu.memory_space<vmem>>, %arg56: memref<2048xf32, #tpu.memory_space<vmem>>, %arg57: memref<2048xf32, #tpu.memory_space<vmem>>, %arg58: memref<2048xf32, #tpu.memory_space<vmem>>, %arg59: memref<2048xf32, #tpu.memory_space<vmem>>, %arg60: memref<2048xf32, #tpu.memory_space<vmem>>, %arg61: memref<2048xf32, #tpu.memory_space<vmem>>, %arg62: memref<2048xf32, #tpu.memory_space<vmem>>, %arg63: memref<2048xf32, #tpu.memory_space<vmem>>, %arg64: memref<2048xf32, #tpu.memory_space<vmem>>, %arg65: memref<2048xf32, #tpu.memory_space<vmem>>, %arg66: memref<2048xf32, #tpu.memory_space<vmem>>, %arg67: memref<2048xf32, #tpu.memory_space<vmem>>, %arg68: memref<!tpu.dma_semaphore, #tpu.memory_space<semaphore_mem>>, %arg69: memref<!tpu.dma_semaphore, #tpu.memory_space<semaphore_mem>>, %arg70: memref<!tpu.dma_semaphore, #tpu.memory_space<semaphore_mem>>, %arg71: memref<!tpu.dma_semaphore, #tpu.memory_space<semaphore_mem>>, %arg72: memref<!tpu.dma_semaphore, #tpu.memory_space<semaphore_mem>>, %arg73: memref<!tpu.dma_semaphore, #tpu.memory_space<semaphore_mem>>) attributes {dimension_semantics = [#tpu.dimension_semantics<core_parallel>, #tpu.dimension_semantics<subcore_parallel>], iteration_bounds = array<i64: 2, 16>, scalar_prefetch = 0 : i64, scratch_operands = 64 : i64, tpu.core_type = #tpu.core_type<sc_vector_subcore>, window_params = [{transform_indices = #map}, {transform_indices = #map}, {transform_indices = #map}, {transform_indices = #map}, {transform_indices = #map}, {transform_indices = #map}, {transform_indices = #map}, {transform_indices = #map}]} {
    %mul3A = arith.constant 2 : i32
    %mul3A_0 = arith.muli %arg1, %mul3A : i32
    %add3A = arith.addi %mul3A_0, %arg0 : i32
    %mul3A_1 = arith.constant 32768 : i32
    %mul3A_2 = arith.muli %add3A, %mul3A_1 : i32
    %add3A_3 = arith.constant 0 : i32
    %add3A_4 = arith.addi %mul3A_2, %add3A_3 : i32
    %dma_start3A = tpu.memref_slice %arg2[%add3A_4] : memref<1048576xf32, #tpu.memory_space<hbm>> -> memref<2048xf32, #tpu.memory_space<hbm>>
    %dma_start3A_5 = tpu.memref_slice %arg2[%add3A_4] : memref<1048576xf32, #tpu.memory_space<hbm>> -> memref<2048xf32, #tpu.memory_space<hbm>>
    tpu.enqueue_dma source(%dma_start3A_5 : memref<2048xf32, #tpu.memory_space<hbm>>) target(%arg10 : memref<2048xf32, #tpu.memory_space<vmem>>) target_semaphore(%arg70 : memref<!tpu.dma_semaphore, #tpu.memory_space<semaphore_mem>>)
    %dma_start3A_6 = tpu.memref_slice %arg3[%add3A_4] : memref<1048576xf32, #tpu.memory_space<hbm>> -> memref<2048xf32, #tpu.memory_space<hbm>>
    %dma_start3A_7 = tpu.memref_slice %arg3[%add3A_4] : memref<1048576xf32, #tpu.memory_space<hbm>> -> memref<2048xf32, #tpu.memory_space<hbm>>
    tpu.enqueue_dma source(%dma_start3A_7 : memref<2048xf32, #tpu.memory_space<hbm>>) target(%arg11 : memref<2048xf32, #tpu.memory_space<vmem>>) target_semaphore(%arg70 : memref<!tpu.dma_semaphore, #tpu.memory_space<semaphore_mem>>)
    %dma_start3A_8 = tpu.memref_slice %arg4[%add3A_4] : memref<1048576xf32, #tpu.memory_space<hbm>> -> memref<2048xf32, #tpu.memory_space<hbm>>
    %dma_start3A_9 = tpu.memref_slice %arg4[%add3A_4] : memref<1048576xf32, #tpu.memory_space<hbm>> -> memref<2048xf32, #tpu.memory_space<hbm>>
    tpu.enqueue_dma source(%dma_start3A_9 : memref<2048xf32, #tpu.memory_space<hbm>>) target(%arg12 : memref<2048xf32, #tpu.memory_space<vmem>>) target_semaphore(%arg70 : memref<!tpu.dma_semaphore, #tpu.memory_space<semaphore_mem>>)
    %mul3A_10 = arith.constant 32768 : i32
    %mul3A_11 = arith.muli %add3A, %mul3A_10 : i32
    %add3A_12 = arith.constant 2048 : i32
    %add3A_13 = arith.addi %mul3A_11, %add3A_12 : i32
    %dma_start3A_14 = tpu.memref_slice %arg2[%add3A_13] : memref<1048576xf32, #tpu.memory_space<hbm>> -> memref<2048xf32, #tpu.memory_space<hbm>>
    %dma_start3A_15 = tpu.memref_slice %arg2[%add3A_13] : memref<1048576xf32, #tpu.memory_space<hbm>> -> memref<2048xf32, #tpu.memory_space<hbm>>
    tpu.enqueue_dma source(%dma_start3A_15 : memref<2048xf32, #tpu.memory_space<hbm>>) target(%arg13 : memref<2048xf32, #tpu.memory_space<vmem>>) target_semaphore(%arg71 : memref<!tpu.dma_semaphore, #tpu.memory_space<semaphore_mem>>)
    %dma_start3A_16 = tpu.memref_slice %arg3[%add3A_13] : memref<1048576xf32, #tpu.memory_space<hbm>> -> memref<2048xf32, #tpu.memory_space<hbm>>
    %dma_start3A_17 = tpu.memref_slice %arg3[%add3A_13] : memref<1048576xf32, #tpu.memory_space<hbm>> -> memref<2048xf32, #tpu.memory_space<hbm>>
    tpu.enqueue_dma source(%dma_start3A_17 : memref<2048xf32, #tpu.memory_space<hbm>>) target(%arg14 : memref<2048xf32, #tpu.memory_space<vmem>>) target_semaphore(%arg71 : memref<!tpu.dma_semaphore, #tpu.memory_space<semaphore_mem>>)
    %dma_start3A_18 = tpu.memref_slice %arg4[%add3A_13] : memref<1048576xf32, #tpu.memory_space<hbm>> -> memref<2048xf32, #tpu.memory_space<hbm>>
    %dma_start3A_19 = tpu.memref_slice %arg4[%add3A_13] : memref<1048576xf32, #tpu.memory_space<hbm>> -> memref<2048xf32, #tpu.memory_space<hbm>>
    tpu.enqueue_dma source(%dma_start3A_19 : memref<2048xf32, #tpu.memory_space<hbm>>) target(%arg15 : memref<2048xf32, #tpu.memory_space<vmem>>) target_semaphore(%arg71 : memref<!tpu.dma_semaphore, #tpu.memory_space<semaphore_mem>>)
    %mul3A_20 = arith.constant 32768 : i32
    %mul3A_21 = arith.muli %add3A, %mul3A_20 : i32
    %dma_wait3A = tpu.memref_slice %arg2[%mul3A_21] : memref<1048576xf32, #tpu.memory_space<hbm>> -> memref<2048xf32, #tpu.memory_space<hbm>>
    %dma_wait3A_22 = tpu.memref_slice %arg2[%mul3A_21] : memref<1048576xf32, #tpu.memory_space<hbm>> -> memref<2048xf32, #tpu.memory_space<hbm>>
    tpu.wait_dma2 semaphore(%arg70 : memref<!tpu.dma_semaphore, #tpu.memory_space<semaphore_mem>>) src(%dma_wait3A_22 : memref<2048xf32, #tpu.memory_space<hbm>>) dst(%arg10 : memref<2048xf32, #tpu.memory_space<vmem>>)
    %dma_wait3A_23 = tpu.memref_slice %arg3[%mul3A_21] : memref<1048576xf32, #tpu.memory_space<hbm>> -> memref<2048xf32, #tpu.memory_space<hbm>>
    %dma_wait3A_24 = tpu.memref_slice %arg3[%mul3A_21] : memref<1048576xf32, #tpu.memory_space<hbm>> -> memref<2048xf32, #tpu.memory_space<hbm>>
    tpu.wait_dma2 semaphore(%arg70 : memref<!tpu.dma_semaphore, #tpu.memory_space<semaphore_mem>>) src(%dma_wait3A_24 : memref<2048xf32, #tpu.memory_space<hbm>>) dst(%arg11 : memref<2048xf32, #tpu.memory_space<vmem>>)
    %dma_wait3A_25 = tpu.memref_slice %arg4[%mul3A_21] : memref<1048576xf32, #tpu.memory_space<hbm>> -> memref<2048xf32, #tpu.memory_space<hbm>>
    %dma_wait3A_26 = tpu.memref_slice %arg4[%mul3A_21] : memref<1048576xf32, #tpu.memory_space<hbm>> -> memref<2048xf32, #tpu.memory_space<hbm>>
    tpu.wait_dma2 semaphore(%arg70 : memref<!tpu.dma_semaphore, #tpu.memory_space<semaphore_mem>>) src(%dma_wait3A_26 : memref<2048xf32, #tpu.memory_space<hbm>>) dst(%arg12 : memref<2048xf32, #tpu.memory_space<vmem>>)
    %parallel_loop3A = arith.constant 0 : i32
    %parallel_loop3A_27 = arith.constant 128 : i32
    %parallel_loop3A_28 = arith.constant 1 : i32
    scf.for %parallel_loop3A_80 = %parallel_loop3A to %parallel_loop3A_27 step %parallel_loop3A_28  : i32 {
      %parallel_loop3A_81 = arith.constant 16 : i32
      %parallel_loop3A_82 = arith.muli %parallel_loop3A_80, %parallel_loop3A_81 : i32
      %parallel_loop3A_83 = arith.index_cast %parallel_loop3A_82 : i32 to index
      %parallel_loop3A_84 = tpu.vector_load %arg10[%parallel_loop3A_83] {strides = array<i32>} : memref<2048xf32, #tpu.memory_space<vmem>>, vector<16xf32>,
      %parallel_loop3A_85 = vector.shape_cast %parallel_loop3A_84 : vector<16xf32> to vector<16xf32>
      %parallel_loop3A_86 = arith.constant 1.000000e+00 : f32
      %parallel_loop3A_87 = vector.broadcast %parallel_loop3A_86 : f32 to vector<16xf32>
      %parallel_loop3A_88 = arith.addf %parallel_loop3A_85, %parallel_loop3A_87 : vector<16xf32>
      %parallel_loop3A_89 = arith.constant 6.400000e+01 : f32
      %parallel_loop3A_90 = vector.broadcast %parallel_loop3A_89 : f32 to vector<16xf32>
      %parallel_loop3A_91 = arith.mulf %parallel_loop3A_88, %parallel_loop3A_90 : vector<16xf32>
      %parallel_loop3A_92 = arith.constant 0.000000e+00 : f32
      %parallel_loop3A_93 = vector.broadcast %parallel_loop3A_92 : f32 to vector<16xf32>
      %parallel_loop3A_94 = arith.maximumf %parallel_loop3A_91, %parallel_loop3A_93 : vector<16xf32>
      %parallel_loop3A_95 = arith.constant 1.270000e+02 : f32
      %parallel_loop3A_96 = vector.broadcast %parallel_loop3A_95 : f32 to vector<16xf32>
      %parallel_loop3A_97 = arith.minimumf %parallel_loop3A_94, %parallel_loop3A_96 : vector<16xf32>
      %parallel_loop3A_98 = arith.fptosi %parallel_loop3A_97 : vector<16xf32> to vector<16xi32>
      %parallel_loop3A_99 = arith.sitofp %parallel_loop3A_98 : vector<16xi32> to vector<16xf32>
      %parallel_loop3A_100 = arith.subf %parallel_loop3A_97, %parallel_loop3A_99 : vector<16xf32>
      %parallel_loop3A_101 = arith.constant 0.000000e+00 : f32
      %parallel_loop3A_102 = vector.broadcast %parallel_loop3A_101 : f32 to vector<16xf32>
      %parallel_loop3A_103 = arith.cmpf ogt, %parallel_loop3A_91, %parallel_loop3A_102 : vector<16xf32>
      %parallel_loop3A_104 = arith.constant 1.270000e+02 : f32
      %parallel_loop3A_105 = vector.broadcast %parallel_loop3A_104 : f32 to vector<16xf32>
      %parallel_loop3A_106 = arith.cmpf olt, %parallel_loop3A_91, %parallel_loop3A_105 : vector<16xf32>
      %parallel_loop3A_107 = arith.andi %parallel_loop3A_103, %parallel_loop3A_106 : vector<16xi1>
      %parallel_loop3A_108 = arith.constant 0.000000e+00 : f32
      %parallel_loop3A_109 = vector.broadcast %parallel_loop3A_108 : f32 to vector<16xf32>
      %parallel_loop3A_110 = arith.cmpf oeq, %parallel_loop3A_91, %parallel_loop3A_109 : vector<16xf32>
      %parallel_loop3A_111 = arith.constant 1.270000e+02 : f32
      %parallel_loop3A_112 = vector.broadcast %parallel_loop3A_111 : f32 to vector<16xf32>
      %parallel_loop3A_113 = arith.cmpf oeq, %parallel_loop3A_91, %parallel_loop3A_112 : vector<16xf32>
      %parallel_loop3A_114 = arith.ori %parallel_loop3A_110, %parallel_loop3A_113 : vector<16xi1>
      %parallel_loop3A_115 = arith.constant 3.200000e+01 : f32
      %parallel_loop3A_116 = arith.constant 0.000000e+00 : f32
      %parallel_loop3A_117 = vector.broadcast %parallel_loop3A_115 : f32 to vector<16xf32>
      %parallel_loop3A_118 = vector.broadcast %parallel_loop3A_116 : f32 to vector<16xf32>
      %parallel_loop3A_119 = arith.select %parallel_loop3A_114, %parallel_loop3A_117, %parallel_loop3A_118 : vector<16xi1>, vector<16xf32>
      %parallel_loop3A_120 = arith.constant 6.400000e+01 : f32
      %parallel_loop3A_121 = vector.broadcast %parallel_loop3A_120 : f32 to vector<16xf32>
      %parallel_loop3A_122 = arith.select %parallel_loop3A_107, %parallel_loop3A_121, %parallel_loop3A_119 : vector<16xi1>, vector<16xf32>
      %parallel_loop3A_123 = arith.index_cast %parallel_loop3A_82 : i32 to index
      %parallel_loop3A_124 = tpu.vector_load %arg11[%parallel_loop3A_123] {strides = array<i32>} : memref<2048xf32, #tpu.memory_space<vmem>>, vector<16xf32>,
      %parallel_loop3A_125 = vector.shape_cast %parallel_loop3A_124 : vector<16xf32> to vector<16xf32>
      %parallel_loop3A_126 = arith.constant 1.000000e+00 : f32
      %parallel_loop3A_127 = vector.broadcast %parallel_loop3A_126 : f32 to vector<16xf32>
      %parallel_loop3A_128 = arith.addf %parallel_loop3A_125, %parallel_loop3A_127 : vector<16xf32>
      %parallel_loop3A_129 = arith.constant 6.400000e+01 : f32
      %parallel_loop3A_130 = vector.broadcast %parallel_loop3A_129 : f32 to vector<16xf32>
      %parallel_loop3A_131 = arith.mulf %parallel_loop3A_128, %parallel_loop3A_130 : vector<16xf32>
      %parallel_loop3A_132 = arith.constant 0.000000e+00 : f32
      %parallel_loop3A_133 = vector.broadcast %parallel_loop3A_132 : f32 to vector<16xf32>
      %parallel_loop3A_134 = arith.maximumf %parallel_loop3A_131, %parallel_loop3A_133 : vector<16xf32>
      %parallel_loop3A_135 = arith.constant 1.270000e+02 : f32
      %parallel_loop3A_136 = vector.broadcast %parallel_loop3A_135 : f32 to vector<16xf32>
      %parallel_loop3A_137 = arith.minimumf %parallel_loop3A_134, %parallel_loop3A_136 : vector<16xf32>
      %parallel_loop3A_138 = arith.fptosi %parallel_loop3A_137 : vector<16xf32> to vector<16xi32>
      %parallel_loop3A_139 = arith.sitofp %parallel_loop3A_138 : vector<16xi32> to vector<16xf32>
      %parallel_loop3A_140 = arith.subf %parallel_loop3A_137, %parallel_loop3A_139 : vector<16xf32>
      %parallel_loop3A_141 = arith.constant 0.000000e+00 : f32
      %parallel_loop3A_142 = vector.broadcast %parallel_loop3A_141 : f32 to vector<16xf32>
      %parallel_loop3A_143 = arith.cmpf ogt, %parallel_loop3A_131, %parallel_loop3A_142 : vector<16xf32>
      %parallel_loop3A_144 = arith.constant 1.270000e+02 : f32
      %parallel_loop3A_145 = vector.broadcast %parallel_loop3A_144 : f32 to vector<16xf32>
      %parallel_loop3A_146 = arith.cmpf olt, %parallel_loop3A_131, %parallel_loop3A_145 : vector<16xf32>
      %parallel_loop3A_147 = arith.andi %parallel_loop3A_143, %parallel_loop3A_146 : vector<16xi1>
      %parallel_loop3A_148 = arith.constant 0.000000e+00 : f32
      %parallel_loop3A_149 = vector.broadcast %parallel_loop3A_148 : f32 to vector<16xf32>
      %parallel_loop3A_150 = arith.cmpf oeq, %parallel_loop3A_131, %parallel_loop3A_149 : vector<16xf32>
      %parallel_loop3A_151 = arith.constant 1.270000e+02 : f32
      %parallel_loop3A_152 = vector.broadcast %parallel_loop3A_151 : f32 to vector<16xf32>
      %parallel_loop3A_153 = arith.cmpf oeq, %parallel_loop3A_131, %parallel_loop3A_152 : vector<16xf32>
      %parallel_loop3A_154 = arith.ori %parallel_loop3A_150, %parallel_loop3A_153 : vector<16xi1>
      %parallel_loop3A_155 = arith.constant 3.200000e+01 : f32
      %parallel_loop3A_156 = arith.constant 0.000000e+00 : f32
      %parallel_loop3A_157 = vector.broadcast %parallel_loop3A_155 : f32 to vector<16xf32>
      %parallel_loop3A_158 = vector.broadcast %parallel_loop3A_156 : f32 to vector<16xf32>
      %parallel_loop3A_159 = arith.select %parallel_loop3A_154, %parallel_loop3A_157, %parallel_loop3A_158 : vector<16xi1>, vector<16xf32>
      %parallel_loop3A_160 = arith.constant 6.400000e+01 : f32
      %parallel_loop3A_161 = vector.broadcast %parallel_loop3A_160 : f32 to vector<16xf32>
      %parallel_loop3A_162 = arith.select %parallel_loop3A_147, %parallel_loop3A_161, %parallel_loop3A_159 : vector<16xi1>, vector<16xf32>
      %parallel_loop3A_163 = arith.index_cast %parallel_loop3A_82 : i32 to index
      %parallel_loop3A_164 = tpu.vector_load %arg12[%parallel_loop3A_163] {strides = array<i32>} : memref<2048xf32, #tpu.memory_space<vmem>>, vector<16xf32>,
      %parallel_loop3A_165 = vector.shape_cast %parallel_loop3A_164 : vector<16xf32> to vector<16xf32>
      %parallel_loop3A_166 = arith.constant 1.000000e+00 : f32
      %parallel_loop3A_167 = vector.broadcast %parallel_loop3A_166 : f32 to vector<16xf32>
      %parallel_loop3A_168 = arith.addf %parallel_loop3A_165, %parallel_loop3A_167 : vector<16xf32>
      %parallel_loop3A_169 = arith.constant 6.400000e+01 : f32
      %parallel_loop3A_170 = vector.broadcast %parallel_loop3A_169 : f32 to vector<16xf32>
      %parallel_loop3A_171 = arith.mulf %parallel_loop3A_168, %parallel_loop3A_170 : vector<16xf32>
      %parallel_loop3A_172 = arith.constant 0.000000e+00 : f32
      %parallel_loop3A_173 = vector.broadcast %parallel_loop3A_172 : f32 to vector<16xf32>
      %parallel_loop3A_174 = arith.maximumf %parallel_loop3A_171, %parallel_loop3A_173 : vector<16xf32>
      %parallel_loop3A_175 = arith.constant 1.270000e+02 : f32
      %parallel_loop3A_176 = vector.broadcast %parallel_loop3A_175 : f32 to vector<16xf32>
      %parallel_loop3A_177 = arith.minimumf %parallel_loop3A_174, %parallel_loop3A_176 : vector<16xf32>
      %parallel_loop3A_178 = arith.fptosi %parallel_loop3A_177 : vector<16xf32> to vector<16xi32>
      %parallel_loop3A_179 = arith.sitofp %parallel_loop3A_178 : vector<16xi32> to vector<16xf32>
      %parallel_loop3A_180 = arith.subf %parallel_loop3A_177, %parallel_loop3A_179 : vector<16xf32>
      %parallel_loop3A_181 = arith.constant 0.000000e+00 : f32
      %parallel_loop3A_182 = vector.broadcast %parallel_loop3A_181 : f32 to vector<16xf32>
      %parallel_loop3A_183 = arith.cmpf ogt, %parallel_loop3A_171, %parallel_loop3A_182 : vector<16xf32>
      %parallel_loop3A_184 = arith.constant 1.270000e+02 : f32
      %parallel_loop3A_185 = vector.broadcast %parallel_loop3A_184 : f32 to vector<16xf32>
      %parallel_loop3A_186 = arith.cmpf olt, %parallel_loop3A_171, %parallel_loop3A_185 : vector<16xf32>
      %parallel_loop3A_187 = arith.andi %parallel_loop3A_183, %parallel_loop3A_186 : vector<16xi1>
      %parallel_loop3A_188 = arith.constant 0.000000e+00 : f32
      %parallel_loop3A_189 = vector.broadcast %parallel_loop3A_188 : f32 to vector<16xf32>
      %parallel_loop3A_190 = arith.cmpf oeq, %parallel_loop3A_171, %parallel_loop3A_189 : vector<16xf32>
      %parallel_loop3A_191 = arith.constant 1.270000e+02 : f32
      %parallel_loop3A_192 = vector.broadcast %parallel_loop3A_191 : f32 to vector<16xf32>
      %parallel_loop3A_193 = arith.cmpf oeq, %parallel_loop3A_171, %parallel_loop3A_192 : vector<16xf32>
      %parallel_loop3A_194 = arith.ori %parallel_loop3A_190, %parallel_loop3A_193 : vector<16xi1>
      %parallel_loop3A_195 = arith.constant 3.200000e+01 : f32
      %parallel_loop3A_196 = arith.constant 0.000000e+00 : f32
      %parallel_loop3A_197 = vector.broadcast %parallel_loop3A_195 : f32 to vector<16xf32>
      %parallel_loop3A_198 = vector.broadcast %parallel_loop3A_196 : f32 to vector<16xf32>
      %parallel_loop3A_199 = arith.select %parallel_loop3A_194, %parallel_loop3A_197, %parallel_loop3A_198 : vector<16xi1>, vector<16xf32>
      %parallel_loop3A_200 = arith.constant 6.400000e+01 : f32
      %parallel_loop3A_201 = vector.broadcast %parallel_loop3A_200 : f32 to vector<16xf32>
      %parallel_loop3A_202 = arith.select %parallel_loop3A_187, %parallel_loop3A_201, %parallel_loop3A_199 : vector<16xi1>, vector<16xf32>
      %parallel_loop3A_203 = arith.constant 1 : i32
      %parallel_loop3A_204 = vector.broadcast %parallel_loop3A_203 : i32 to vector<16xi32>
      %parallel_loop3A_205 = arith.addi %parallel_loop3A_98, %parallel_loop3A_204 : vector<16xi32>
      %parallel_loop3A_206 = arith.constant 127 : i32
      %parallel_loop3A_207 = vector.broadcast %parallel_loop3A_206 : i32 to vector<16xi32>
      %parallel_loop3A_208 = arith.minsi %parallel_loop3A_205, %parallel_loop3A_207 : vector<16xi32>
      %parallel_loop3A_209 = arith.constant 1 : i32
      %parallel_loop3A_210 = vector.broadcast %parallel_loop3A_209 : i32 to vector<16xi32>
      %parallel_loop3A_211 = arith.addi %parallel_loop3A_138, %parallel_loop3A_210 : vector<16xi32>
      %parallel_loop3A_212 = arith.constant 127 : i32
      %parallel_loop3A_213 = vector.broadcast %parallel_loop3A_212 : i32 to vector<16xi32>
      %parallel_loop3A_214 = arith.minsi %parallel_loop3A_211, %parallel_loop3A_213 : vector<16xi32>
      %parallel_loop3A_215 = arith.constant 1 : i32
      %parallel_loop3A_216 = vector.broadcast %parallel_loop3A_215 : i32 to vector<16xi32>
      %parallel_loop3A_217 = arith.addi %parallel_loop3A_178, %parallel_loop3A_216 : vector<16xi32>
      %parallel_loop3A_218 = arith.constant 127 : i32
      %parallel_loop3A_219 = vector.broadcast %parallel_loop3A_218 : i32 to vector<16xi32>
      %parallel_loop3A_220 = arith.minsi %parallel_loop3A_217, %parallel_loop3A_219 : vector<16xi32>
      %parallel_loop3A_221 = arith.constant 3 : i32
      %parallel_loop3A_222 = vector.broadcast %parallel_loop3A_221 : i32 to vector<16xi32>
      %parallel_loop3A_223 = arith.shrsi %parallel_loop3A_98, %parallel_loop3A_222 : vector<16xi32>
      %parallel_loop3A_224 = arith.constant 17 : i32
      %parallel_loop3A_225 = vector.broadcast %parallel_loop3A_224 : i32 to vector<16xi32>
      %parallel_loop3A_226 = arith.shli %parallel_loop3A_223, %parallel_loop3A_225 : vector<16xi32>
      %parallel_loop3A_227 = arith.constant 7 : i32
      %parallel_loop3A_228 = vector.broadcast %parallel_loop3A_227 : i32 to vector<16xi32>
      %parallel_loop3A_229 = arith.andi %parallel_loop3A_98, %parallel_loop3A_228 : vector<16xi32>
      %parallel_loop3A_230 = arith.constant 6 : i32
      %parallel_loop3A_231 = vector.broadcast %parallel_loop3A_230 : i32 to vector<16xi32>
      %parallel_loop3A_232 = arith.shli %parallel_loop3A_229, %parallel_loop3A_231 : vector<16xi32>
      %parallel_loop3A_233 = arith.ori %parallel_loop3A_226, %parallel_loop3A_232 : vector<16xi32>
      %parallel_loop3A_234 = arith.constant 3 : i32
      %parallel_loop3A_235 = vector.broadcast %parallel_loop3A_234 : i32 to vector<16xi32>
      %parallel_loop3A_236 = arith.shrsi %parallel_loop3A_208, %parallel_loop3A_235 : vector<16xi32>
      %parallel_loop3A_237 = arith.constant 17 : i32
      %parallel_loop3A_238 = vector.broadcast %parallel_loop3A_237 : i32 to vector<16xi32>
      %parallel_loop3A_239 = arith.shli %parallel_loop3A_236, %parallel_loop3A_238 : vector<16xi32>
      %parallel_loop3A_240 = arith.constant 7 : i32
      %parallel_loop3A_241 = vector.broadcast %parallel_loop3A_240 : i32 to vector<16xi32>
      %parallel_loop3A_242 = arith.andi %parallel_loop3A_208, %parallel_loop3A_241 : vector<16xi32>
      %parallel_loop3A_243 = arith.constant 6 : i32
      %parallel_loop3A_244 = vector.broadcast %parallel_loop3A_243 : i32 to vector<16xi32>
      %parallel_loop3A_245 = arith.shli %parallel_loop3A_242, %parallel_loop3A_244 : vector<16xi32>
      %parallel_loop3A_246 = arith.ori %parallel_loop3A_239, %parallel_loop3A_245 : vector<16xi32>
      %parallel_loop3A_247 = arith.constant 3 : i32
      %parallel_loop3A_248 = vector.broadcast %parallel_loop3A_247 : i32 to vector<16xi32>
      %parallel_loop3A_249 = arith.shrsi %parallel_loop3A_138, %parallel_loop3A_248 : vector<16xi32>
      %parallel_loop3A_250 = arith.constant 13 : i32
      %parallel_loop3A_251 = vector.broadcast %parallel_loop3A_250 : i32 to vector<16xi32>
      %parallel_loop3A_252 = arith.shli %parallel_loop3A_249, %parallel_loop3A_251 : vector<16xi32>
      %parallel_loop3A_253 = arith.constant 7 : i32
      %parallel_loop3A_254 = vector.broadcast %parallel_loop3A_253 : i32 to vector<16xi32>
      %parallel_loop3A_255 = arith.andi %parallel_loop3A_138, %parallel_loop3A_254 : vector<16xi32>
      %parallel_loop3A_256 = arith.constant 3 : i32
      %parallel_loop3A_257 = vector.broadcast %parallel_loop3A_256 : i32 to vector<16xi32>
      %parallel_loop3A_258 = arith.shli %parallel_loop3A_255, %parallel_loop3A_257 : vector<16xi32>
      %parallel_loop3A_259 = arith.ori %parallel_loop3A_252, %parallel_loop3A_258 : vector<16xi32>
      %parallel_loop3A_260 = arith.constant 3 : i32
      %parallel_loop3A_261 = vector.broadcast %parallel_loop3A_260 : i32 to vector<16xi32>
      %parallel_loop3A_262 = arith.shrsi %parallel_loop3A_214, %parallel_loop3A_261 : vector<16xi32>
      %parallel_loop3A_263 = arith.constant 13 : i32
      %parallel_loop3A_264 = vector.broadcast %parallel_loop3A_263 : i32 to vector<16xi32>
      %parallel_loop3A_265 = arith.shli %parallel_loop3A_262, %parallel_loop3A_264 : vector<16xi32>
      %parallel_loop3A_266 = arith.constant 7 : i32
      %parallel_loop3A_267 = vector.broadcast %parallel_loop3A_266 : i32 to vector<16xi32>
      %parallel_loop3A_268 = arith.andi %parallel_loop3A_214, %parallel_loop3A_267 : vector<16xi32>
      %parallel_loop3A_269 = arith.constant 3 : i32
      %parallel_loop3A_270 = vector.broadcast %parallel_loop3A_269 : i32 to vector<16xi32>
      %parallel_loop3A_271 = arith.shli %parallel_loop3A_268, %parallel_loop3A_270 : vector<16xi32>
      %parallel_loop3A_272 = arith.ori %parallel_loop3A_265, %parallel_loop3A_271 : vector<16xi32>
      %parallel_loop3A_273 = arith.constant 3 : i32
      %parallel_loop3A_274 = vector.broadcast %parallel_loop3A_273 : i32 to vector<16xi32>
      %parallel_loop3A_275 = arith.shrsi %parallel_loop3A_178, %parallel_loop3A_274 : vector<16xi32>
      %parallel_loop3A_276 = arith.constant 9 : i32
      %parallel_loop3A_277 = vector.broadcast %parallel_loop3A_276 : i32 to vector<16xi32>
      %parallel_loop3A_278 = arith.shli %parallel_loop3A_275, %parallel_loop3A_277 : vector<16xi32>
      %parallel_loop3A_279 = arith.constant 7 : i32
      %parallel_loop3A_280 = vector.broadcast %parallel_loop3A_279 : i32 to vector<16xi32>
      %parallel_loop3A_281 = arith.andi %parallel_loop3A_178, %parallel_loop3A_280 : vector<16xi32>
      %parallel_loop3A_282 = arith.ori %parallel_loop3A_278, %parallel_loop3A_281 : vector<16xi32>
      %parallel_loop3A_283 = arith.constant 3 : i32
      %parallel_loop3A_284 = vector.broadcast %parallel_loop3A_283 : i32 to vector<16xi32>
      %parallel_loop3A_285 = arith.shrsi %parallel_loop3A_220, %parallel_loop3A_284 : vector<16xi32>
      %parallel_loop3A_286 = arith.constant 9 : i32
      %parallel_loop3A_287 = vector.broadcast %parallel_loop3A_286 : i32 to vector<16xi32>
      %parallel_loop3A_288 = arith.shli %parallel_loop3A_285, %parallel_loop3A_287 : vector<16xi32>
      %parallel_loop3A_289 = arith.constant 7 : i32
      %parallel_loop3A_290 = vector.broadcast %parallel_loop3A_289 : i32 to vector<16xi32>
      %parallel_loop3A_291 = arith.andi %parallel_loop3A_220, %parallel_loop3A_290 : vector<16xi32>
      %parallel_loop3A_292 = arith.ori %parallel_loop3A_288, %parallel_loop3A_291 : vector<16xi32>
      %parallel_loop3A_293 = arith.ori %parallel_loop3A_233, %parallel_loop3A_259 : vector<16xi32>
      %parallel_loop3A_294 = arith.ori %parallel_loop3A_293, %parallel_loop3A_282 : vector<16xi32>
      %parallel_loop3A_295 = arith.index_cast %parallel_loop3A_82 : i32 to index
      %parallel_loop3A_296 = tpu.vector_load %arg16[%parallel_loop3A_295] {strides = array<i32>} : memref<2048xi32, #tpu.memory_space<vmem>>, vector<16xi32>,
      %parallel_loop3A_297 = vector.shape_cast %parallel_loop3A_296 : vector<16xi32> to vector<16xi32>
      %parallel_loop3A_298 = vector.shape_cast %parallel_loop3A_294 : vector<16xi32> to vector<16xi32>
      tpu.vector_store %arg16[%parallel_loop3A_295], %parallel_loop3A_298 {strides = array<i32>} : memref<2048xi32, #tpu.memory_space<vmem>>, vector<16xi32>,
      %parallel_loop3A_299 = arith.ori %parallel_loop3A_233, %parallel_loop3A_259 : vector<16xi32>
      %parallel_loop3A_300 = arith.ori %parallel_loop3A_299, %parallel_loop3A_292 : vector<16xi32>
      %parallel_loop3A_301 = arith.index_cast %parallel_loop3A_82 : i32 to index
      %parallel_loop3A_302 = tpu.vector_load %arg17[%parallel_loop3A_301] {strides = array<i32>} : memref<2048xi32, #tpu.memory_space<vmem>>, vector<16xi32>,
      %parallel_loop3A_303 = vector.shape_cast %parallel_loop3A_302 : vector<16xi32> to vector<16xi32>
      %parallel_loop3A_304 = vector.shape_cast %parallel_loop3A_300 : vector<16xi32> to vector<16xi32>
      tpu.vector_store %arg17[%parallel_loop3A_301], %parallel_loop3A_304 {strides = array<i32>} : memref<2048xi32, #tpu.memory_space<vmem>>, vector<16xi32>,
      %parallel_loop3A_305 = arith.ori %parallel_loop3A_233, %parallel_loop3A_272 : vector<16xi32>
      %parallel_loop3A_306 = arith.ori %parallel_loop3A_305, %parallel_loop3A_282 : vector<16xi32>
      %parallel_loop3A_307 = arith.index_cast %parallel_loop3A_82 : i32 to index
      %parallel_loop3A_308 = tpu.vector_load %arg18[%parallel_loop3A_307] {strides = array<i32>} : memref<2048xi32, #tpu.memory_space<vmem>>, vector<16xi32>,
      %parallel_loop3A_309 = vector.shape_cast %parallel_loop3A_308 : vector<16xi32> to vector<16xi32>
      %parallel_loop3A_310 = vector.shape_cast %parallel_loop3A_306 : vector<16xi32> to vector<16xi32>
      tpu.vector_store %arg18[%parallel_loop3A_307], %parallel_loop3A_310 {strides = array<i32>} : memref<2048xi32, #tpu.memory_space<vmem>>, vector<16xi32>,
      %parallel_loop3A_311 = arith.ori %parallel_loop3A_233, %parallel_loop3A_272 : vector<16xi32>
      %parallel_loop3A_312 = arith.ori %parallel_loop3A_311, %parallel_loop3A_292 : vector<16xi32>
      %parallel_loop3A_313 = arith.index_cast %parallel_loop3A_82 : i32 to index
      %parallel_loop3A_314 = tpu.vector_load %arg19[%parallel_loop3A_313] {strides = array<i32>} : memref<2048xi32, #tpu.memory_space<vmem>>, vector<16xi32>,
      %parallel_loop3A_315 = vector.shape_cast %parallel_loop3A_314 : vector<16xi32> to vector<16xi32>
      %parallel_loop3A_316 = vector.shape_cast %parallel_loop3A_312 : vector<16xi32> to vector<16xi32>
      tpu.vector_store %arg19[%parallel_loop3A_313], %parallel_loop3A_316 {strides = array<i32>} : memref<2048xi32, #tpu.memory_space<vmem>>, vector<16xi32>,
      %parallel_loop3A_317 = arith.ori %parallel_loop3A_246, %parallel_loop3A_259 : vector<16xi32>
      %parallel_loop3A_318 = arith.ori %parallel_loop3A_317, %parallel_loop3A_282 : vector<16xi32>
      %parallel_loop3A_319 = arith.index_cast %parallel_loop3A_82 : i32 to index
      %parallel_loop3A_320 = tpu.vector_load %arg20[%parallel_loop3A_319] {strides = array<i32>} : memref<2048xi32, #tpu.memory_space<vmem>>, vector<16xi32>,
      %parallel_loop3A_321 = vector.shape_cast %parallel_loop3A_320 : vector<16xi32> to vector<16xi32>
      %parallel_loop3A_322 = vector.shape_cast %parallel_loop3A_318 : vector<16xi32> to vector<16xi32>
      tpu.vector_store %arg20[%parallel_loop3A_319], %parallel_loop3A_322 {strides = array<i32>} : memref<2048xi32, #tpu.memory_space<vmem>>, vector<16xi32>,
      %parallel_loop3A_323 = arith.ori %parallel_loop3A_246, %parallel_loop3A_259 : vector<16xi32>
      %parallel_loop3A_324 = arith.ori %parallel_loop3A_323, %parallel_loop3A_292 : vector<16xi32>
      %parallel_loop3A_325 = arith.index_cast %parallel_loop3A_82 : i32 to index
      %parallel_loop3A_326 = tpu.vector_load %arg21[%parallel_loop3A_325] {strides = array<i32>} : memref<2048xi32, #tpu.memory_space<vmem>>, vector<16xi32>,
      %parallel_loop3A_327 = vector.shape_cast %parallel_loop3A_326 : vector<16xi32> to vector<16xi32>
      %parallel_loop3A_328 = vector.shape_cast %parallel_loop3A_324 : vector<16xi32> to vector<16xi32>
      tpu.vector_store %arg21[%parallel_loop3A_325], %parallel_loop3A_328 {strides = array<i32>} : memref<2048xi32, #tpu.memory_space<vmem>>, vector<16xi32>,
      %parallel_loop3A_329 = arith.ori %parallel_loop3A_246, %parallel_loop3A_272 : vector<16xi32>
      %parallel_loop3A_330 = arith.ori %parallel_loop3A_329, %parallel_loop3A_282 : vector<16xi32>
      %parallel_loop3A_331 = arith.index_cast %parallel_loop3A_82 : i32 to index
      %parallel_loop3A_332 = tpu.vector_load %arg22[%parallel_loop3A_331] {strides = array<i32>} : memref<2048xi32, #tpu.memory_space<vmem>>, vector<16xi32>,
      %parallel_loop3A_333 = vector.shape_cast %parallel_loop3A_332 : vector<16xi32> to vector<16xi32>
      %parallel_loop3A_334 = vector.shape_cast %parallel_loop3A_330 : vector<16xi32> to vector<16xi32>
      tpu.vector_store %arg22[%parallel_loop3A_331], %parallel_loop3A_334 {strides = array<i32>} : memref<2048xi32, #tpu.memory_space<vmem>>, vector<16xi32>,
      %parallel_loop3A_335 = arith.ori %parallel_loop3A_246, %parallel_loop3A_272 : vector<16xi32>
      %parallel_loop3A_336 = arith.ori %parallel_loop3A_335, %parallel_loop3A_292 : vector<16xi32>
      %parallel_loop3A_337 = arith.index_cast %parallel_loop3A_82 : i32 to index
      %parallel_loop3A_338 = tpu.vector_load %arg23[%parallel_loop3A_337] {strides = array<i32>} : memref<2048xi32, #tpu.memory_space<vmem>>, vector<16xi32>,
      %parallel_loop3A_339 = vector.shape_cast %parallel_loop3A_338 : vector<16xi32> to vector<16xi32>
      %parallel_loop3A_340 = vector.shape_cast %parallel_loop3A_336 : vector<16xi32> to vector<16xi32>
      tpu.vector_store %arg23[%parallel_loop3A_337], %parallel_loop3A_340 {strides = array<i32>} : memref<2048xi32, #tpu.memory_space<vmem>>, vector<16xi32>,
      %parallel_loop3A_341 = arith.index_cast %parallel_loop3A_82 : i32 to index
      %parallel_loop3A_342 = tpu.vector_load %arg48[%parallel_loop3A_341] {strides = array<i32>} : memref<2048xf32, #tpu.memory_space<vmem>>, vector<16xf32>,
      %parallel_loop3A_343 = vector.shape_cast %parallel_loop3A_342 : vector<16xf32> to vector<16xf32>
      %parallel_loop3A_344 = vector.shape_cast %parallel_loop3A_100 : vector<16xf32> to vector<16xf32>
      tpu.vector_store %arg48[%parallel_loop3A_341], %parallel_loop3A_344 {strides = array<i32>} : memref<2048xf32, #tpu.memory_space<vmem>>, vector<16xf32>,
      %parallel_loop3A_345 = arith.index_cast %parallel_loop3A_82 : i32 to index
      %parallel_loop3A_346 = tpu.vector_load %arg49[%parallel_loop3A_345] {strides = array<i32>} : memref<2048xf32, #tpu.memory_space<vmem>>, vector<16xf32>,
      %parallel_loop3A_347 = vector.shape_cast %parallel_loop3A_346 : vector<16xf32> to vector<16xf32>
      %parallel_loop3A_348 = vector.shape_cast %parallel_loop3A_140 : vector<16xf32> to vector<16xf32>
      tpu.vector_store %arg49[%parallel_loop3A_345], %parallel_loop3A_348 {strides = array<i32>} : memref<2048xf32, #tpu.memory_space<vmem>>, vector<16xf32>,
      %parallel_loop3A_349 = arith.index_cast %parallel_loop3A_82 : i32 to index
      %parallel_loop3A_350 = tpu.vector_load %arg50[%parallel_loop3A_349] {strides = array<i32>} : memref<2048xf32, #tpu.memory_space<vmem>>, vector<16xf32>,
      %parallel_loop3A_351 = vector.shape_cast %parallel_loop3A_350 : vector<16xf32> to vector<16xf32>
      %parallel_loop3A_352 = vector.shape_cast %parallel_loop3A_180 : vector<16xf32> to vector<16xf32>
      tpu.vector_store %arg50[%parallel_loop3A_349], %parallel_loop3A_352 {strides = array<i32>} : memref<2048xf32, #tpu.memory_space<vmem>>, vector<16xf32>,
      %parallel_loop3A_353 = arith.index_cast %parallel_loop3A_82 : i32 to index
      %parallel_loop3A_354 = tpu.vector_load %arg54[%parallel_loop3A_353] {strides = array<i32>} : memref<2048xf32, #tpu.memory_space<vmem>>, vector<16xf32>,
      %parallel_loop3A_355 = vector.shape_cast %parallel_loop3A_354 : vector<16xf32> to vector<16xf32>
      %parallel_loop3A_356 = vector.shape_cast %parallel_loop3A_122 : vector<16xf32> to vector<16xf32>
      tpu.vector_store %arg54[%parallel_loop3A_353], %parallel_loop3A_356 {strides = array<i32>} : memref<2048xf32, #tpu.memory_space<vmem>>, vector<16xf32>,
      %parallel_loop3A_357 = arith.index_cast %parallel_loop3A_82 : i32 to index
      %parallel_loop3A_358 = tpu.vector_load %arg55[%parallel_loop3A_357] {strides = array<i32>} : memref<2048xf32, #tpu.memory_space<vmem>>, vector<16xf32>,
      %parallel_loop3A_359 = vector.shape_cast %parallel_loop3A_358 : vector<16xf32> to vector<16xf32>
      %parallel_loop3A_360 = vector.shape_cast %parallel_loop3A_162 : vector<16xf32> to vector<16xf32>
      tpu.vector_store %arg55[%parallel_loop3A_357], %parallel_loop3A_360 {strides = array<i32>} : memref<2048xf32, #tpu.memory_space<vmem>>, vector<16xf32>,
      %parallel_loop3A_361 = arith.index_cast %parallel_loop3A_82 : i32 to index
      %parallel_loop3A_362 = tpu.vector_load %arg56[%parallel_loop3A_361] {strides = array<i32>} : memref<2048xf32, #tpu.memory_space<vmem>>, vector<16xf32>,
      %parallel_loop3A_363 = vector.shape_cast %parallel_loop3A_362 : vector<16xf32> to vector<16xf32>
      %parallel_loop3A_364 = vector.shape_cast %parallel_loop3A_202 : vector<16xf32> to vector<16xf32>
      tpu.vector_store %arg56[%parallel_loop3A_361], %parallel_loop3A_364 {strides = array<i32>} : memref<2048xf32, #tpu.memory_space<vmem>>, vector<16xf32>,
    } {sc.loop_unroll_factor = 4 : i64, sc.parallel_access}
    %dma_start3A_29 = arith.constant 0 : i32
    %dma_start3A_30 = tpu.memref_slice %arg5[%dma_start3A_29] : memref<6144000xf32, #tpu.memory_space<hbm>> -> memref<6144000xf32, #tpu.memory_space<hbm>>
    tpu.enqueue_indirect_dma source(%dma_start3A_30 : memref<6144000xf32, #tpu.memory_space<hbm>>) target(%arg32 : memref<2048xf32, #tpu.memory_space<vmem>>) offsets(%arg16 : memref<2048xi32, #tpu.memory_space<vmem>>) semaphore(%arg68 : memref<!tpu.dma_semaphore, #tpu.memory_space<semaphore_mem>>)
    %dma_start3A_31 = arith.constant 0 : i32
    %dma_start3A_32 = tpu.memref_slice %arg5[%dma_start3A_31] : memref<6144000xf32, #tpu.memory_space<hbm>> -> memref<6144000xf32, #tpu.memory_space<hbm>>
    tpu.enqueue_indirect_dma source(%dma_start3A_32 : memref<6144000xf32, #tpu.memory_space<hbm>>) target(%arg33 : memref<2048xf32, #tpu.memory_space<vmem>>) offsets(%arg17 : memref<2048xi32, #tpu.memory_space<vmem>>) semaphore(%arg68 : memref<!tpu.dma_semaphore, #tpu.memory_space<semaphore_mem>>)
    %dma_start3A_33 = arith.constant 0 : i32
    %dma_start3A_34 = tpu.memref_slice %arg5[%dma_start3A_33] : memref<6144000xf32, #tpu.memory_space<hbm>> -> memref<6144000xf32, #tpu.memory_space<hbm>>
    tpu.enqueue_indirect_dma source(%dma_start3A_34 : memref<6144000xf32, #tpu.memory_space<hbm>>) target(%arg34 : memref<2048xf32, #tpu.memory_space<vmem>>) offsets(%arg18 : memref<2048xi32, #tpu.memory_space<vmem>>) semaphore(%arg68 : memref<!tpu.dma_semaphore, #tpu.memory_space<semaphore_mem>>)
    %dma_start3A_35 = arith.constant 0 : i32
    %dma_start3A_36 = tpu.memref_slice %arg5[%dma_start3A_35] : memref<6144000xf32, #tpu.memory_space<hbm>> -> memref<6144000xf32, #tpu.memory_space<hbm>>
    tpu.enqueue_indirect_dma source(%dma_start3A_36 : memref<6144000xf32, #tpu.memory_space<hbm>>) target(%arg35 : memref<2048xf32, #tpu.memory_space<vmem>>) offsets(%arg19 : memref<2048xi32, #tpu.memory_space<vmem>>) semaphore(%arg68 : memref<!tpu.dma_semaphore, #tpu.memory_space<semaphore_mem>>)
    %dma_start3A_37 = arith.constant 0 : i32
    %dma_start3A_38 = tpu.memref_slice %arg5[%dma_start3A_37] : memref<6144000xf32, #tpu.memory_space<hbm>> -> memref<6144000xf32, #tpu.memory_space<hbm>>
    tpu.enqueue_indirect_dma source(%dma_start3A_38 : memref<6144000xf32, #tpu.memory_space<hbm>>) target(%arg36 : memref<2048xf32, #tpu.memory_space<vmem>>) offsets(%arg20 : memref<2048xi32, #tpu.memory_space<vmem>>) semaphore(%arg68 : memref<!tpu.dma_semaphore, #tpu.memory_space<semaphore_mem>>)
    %dma_start3A_39 = arith.constant 0 : i32
    %dma_start3A_40 = tpu.memref_slice %arg5[%dma_start3A_39] : memref<6144000xf32, #tpu.memory_space<hbm>> -> memref<6144000xf32, #tpu.memory_space<hbm>>
    tpu.enqueue_indirect_dma source(%dma_start3A_40 : memref<6144000xf32, #tpu.memory_space<hbm>>) target(%arg37 : memref<2048xf32, #tpu.memory_space<vmem>>) offsets(%arg21 : memref<2048xi32, #tpu.memory_space<vmem>>) semaphore(%arg68 : memref<!tpu.dma_semaphore, #tpu.memory_space<semaphore_mem>>)
    %dma_start3A_41 = arith.constant 0 : i32
    %dma_start3A_42 = tpu.memref_slice %arg5[%dma_start3A_41] : memref<6144000xf32, #tpu.memory_space<hbm>> -> memref<6144000xf32, #tpu.memory_space<hbm>>
    tpu.enqueue_indirect_dma source(%dma_start3A_42 : memref<6144000xf32, #tpu.memory_space<hbm>>) target(%arg38 : memref<2048xf32, #tpu.memory_space<vmem>>) offsets(%arg22 : memref<2048xi32, #tpu.memory_space<vmem>>) semaphore(%arg68 : memref<!tpu.dma_semaphore, #tpu.memory_space<semaphore_mem>>)
    %dma_start3A_43 = arith.constant 0 : i32
    %dma_start3A_44 = tpu.memref_slice %arg5[%dma_start3A_43] : memref<6144000xf32, #tpu.memory_space<hbm>> -> memref<6144000xf32, #tpu.memory_space<hbm>>
    tpu.enqueue_indirect_dma source(%dma_start3A_44 : memref<6144000xf32, #tpu.memory_space<hbm>>) target(%arg39 : memref<2048xf32, #tpu.memory_space<vmem>>) offsets(%arg23 : memref<2048xi32, #tpu.memory_space<vmem>>) semaphore(%arg68 : memref<!tpu.dma_semaphore, #tpu.memory_space<semaphore_mem>>)
    %mul3A_45 = arith.constant 32768 : i32
    %mul3A_46 = arith.muli %add3A, %mul3A_45 : i32
    %add3A_47 = arith.constant 4096 : i32
    %add3A_48 = arith.addi %mul3A_46, %add3A_47 : i32
    %dma_start3A_49 = tpu.memref_slice %arg2[%add3A_48] : memref<1048576xf32, #tpu.memory_space<hbm>> -> memref<2048xf32, #tpu.memory_space<hbm>>
    %dma_start3A_50 = tpu.memref_slice %arg2[%add3A_48] : memref<1048576xf32, #tpu.memory_space<hbm>> -> memref<2048xf32, #tpu.memory_space<hbm>>
    tpu.enqueue_dma source(%dma_start3A_50 : memref<2048xf32, #tpu.memory_space<hbm>>) target(%arg10 : memref<2048xf32, #tpu.memory_space<vmem>>) target_semaphore(%arg70 : memref<!tpu.dma_semaphore, #tpu.memory_space<semaphore_mem>>)
    %dma_start3A_51 = tpu.memref_slice %arg3[%add3A_48] : memref<1048576xf32, #tpu.memory_space<hbm>> -> memref<2048xf32, #tpu.memory_space<hbm>>
    %dma_start3A_52 = tpu.memref_slice %arg3[%add3A_48] : memref<1048576xf32, #tpu.memory_space<hbm>> -> memref<2048xf32, #tpu.memory_space<hbm>>
    tpu.enqueue_dma source(%dma_start3A_52 : memref<2048xf32, #tpu.memory_space<hbm>>) target(%arg11 : memref<2048xf32, #tpu.memory_space<vmem>>) target_semaphore(%arg70 : memref<!tpu.dma_semaphore, #tpu.memory_space<semaphore_mem>>)
    %dma_start3A_53 = tpu.memref_slice %arg4[%add3A_48] : memref<1048576xf32, #tpu.memory_space<hbm>> -> memref<2048xf32, #tpu.memory_space<hbm>>
    %dma_start3A_54 = tpu.memref_slice %arg4[%add3A_48] : memref<1048576xf32, #tpu.memory_space<hbm>> -> memref<2048xf32, #tpu.memory_space<hbm>>
    tpu.enqueue_dma source(%dma_start3A_54 : memref<2048xf32, #tpu.memory_space<hbm>>) target(%arg12 : memref<2048xf32, #tpu.memory_space<vmem>>) target_semaphore(%arg70 : memref<!tpu.dma_semaphore, #tpu.memory_space<semaphore_mem>>)
    %scan3A = arith.constant 0 : i32
    %scan3A_55 = arith.constant 0 : i32
    %scan3A_56 = arith.constant 8 : i32
    %scan3A_57 = arith.addi %scan3A_55, %scan3A_56 : i32
    %scan3A_58 = arith.constant 1 : i32
    scf.for %scan3A_80 = %scan3A_55 to %scan3A_57 step %scan3A_58  : i32 {
      %mul3A_81 = arith.constant 2 : i32
      %mul3A_82 = arith.muli %mul3A_81, %scan3A_80 : i32
      %add3A_83 = arith.constant 1 : i32
      %add3A_84 = arith.addi %mul3A_82, %add3A_83 : i32
      %mul3A_85 = arith.constant 32768 : i32
      %mul3A_86 = arith.muli %add3A, %mul3A_85 : i32
      %dma_wait3A_87 = tpu.memref_slice %arg2[%mul3A_86] : memref<1048576xf32, #tpu.memory_space<hbm>> -> memref<2048xf32, #tpu.memory_space<hbm>>
      %dma_wait3A_88 = tpu.memref_slice %arg2[%mul3A_86] : memref<1048576xf32, #tpu.memory_space<hbm>> -> memref<2048xf32, #tpu.memory_space<hbm>>
      tpu.wait_dma2 semaphore(%arg71 : memref<!tpu.dma_semaphore, #tpu.memory_space<semaphore_mem>>) src(%dma_wait3A_88 : memref<2048xf32, #tpu.memory_space<hbm>>) dst(%arg13 : memref<2048xf32, #tpu.memory_space<vmem>>)
      %dma_wait3A_89 = tpu.memref_slice %arg3[%mul3A_86] : memref<1048576xf32, #tpu.memory_space<hbm>> -> memref<2048xf32, #tpu.memory_space<hbm>>
      %dma_wait3A_90 = tpu.memref_slice %arg3[%mul3A_86] : memref<1048576xf32, #tpu.memory_space<hbm>> -> memref<2048xf32, #tpu.memory_space<hbm>>
      tpu.wait_dma2 semaphore(%arg71 : memref<!tpu.dma_semaphore, #tpu.memory_space<semaphore_mem>>) src(%dma_wait3A_90 : memref<2048xf32, #tpu.memory_space<hbm>>) dst(%arg14 : memref<2048xf32, #tpu.memory_space<vmem>>)
      %dma_wait3A_91 = tpu.memref_slice %arg4[%mul3A_86] : memref<1048576xf32, #tpu.memory_space<hbm>> -> memref<2048xf32, #tpu.memory_space<hbm>>
      %dma_wait3A_92 = tpu.memref_slice %arg4[%mul3A_86] : memref<1048576xf32, #tpu.memory_space<hbm>> -> memref<2048xf32, #tpu.memory_space<hbm>>
      tpu.wait_dma2 semaphore(%arg71 : memref<!tpu.dma_semaphore, #tpu.memory_space<semaphore_mem>>) src(%dma_wait3A_92 : memref<2048xf32, #tpu.memory_space<hbm>>) dst(%arg15 : memref<2048xf32, #tpu.memory_space<vmem>>)
      %parallel_loop3A_93 = arith.constant 0 : i32
      %parallel_loop3A_94 = arith.constant 128 : i32
      %parallel_loop3A_95 = arith.constant 1 : i32
      scf.for %parallel_loop3A_198 = %parallel_loop3A_93 to %parallel_loop3A_94 step %parallel_loop3A_95  : i32 {
        %parallel_loop3A_199 = arith.constant 16 : i32
        %parallel_loop3A_200 = arith.muli %parallel_loop3A_198, %parallel_loop3A_199 : i32
        %parallel_loop3A_201 = arith.index_cast %parallel_loop3A_200 : i32 to index
        %parallel_loop3A_202 = tpu.vector_load %arg13[%parallel_loop3A_201] {strides = array<i32>} : memref<2048xf32, #tpu.memory_space<vmem>>, vector<16xf32>,
        %parallel_loop3A_203 = vector.shape_cast %parallel_loop3A_202 : vector<16xf32> to vector<16xf32>
        %parallel_loop3A_204 = arith.constant 1.000000e+00 : f32
        %parallel_loop3A_205 = vector.broadcast %parallel_loop3A_204 : f32 to vector<16xf32>
        %parallel_loop3A_206 = arith.addf %parallel_loop3A_203, %parallel_loop3A_205 : vector<16xf32>
        %parallel_loop3A_207 = arith.constant 6.400000e+01 : f32
        %parallel_loop3A_208 = vector.broadcast %parallel_loop3A_207 : f32 to vector<16xf32>
        %parallel_loop3A_209 = arith.mulf %parallel_loop3A_206, %parallel_loop3A_208 : vector<16xf32>
        %parallel_loop3A_210 = arith.constant 0.000000e+00 : f32
        %parallel_loop3A_211 = vector.broadcast %parallel_loop3A_210 : f32 to vector<16xf32>
        %parallel_loop3A_212 = arith.maximumf %parallel_loop3A_209, %parallel_loop3A_211 : vector<16xf32>
        %parallel_loop3A_213 = arith.constant 1.270000e+02 : f32
        %parallel_loop3A_214 = vector.broadcast %parallel_loop3A_213 : f32 to vector<16xf32>
        %parallel_loop3A_215 = arith.minimumf %parallel_loop3A_212, %parallel_loop3A_214 : vector<16xf32>
        %parallel_loop3A_216 = arith.fptosi %parallel_loop3A_215 : vector<16xf32> to vector<16xi32>
        %parallel_loop3A_217 = arith.sitofp %parallel_loop3A_216 : vector<16xi32> to vector<16xf32>
        %parallel_loop3A_218 = arith.subf %parallel_loop3A_215, %parallel_loop3A_217 : vector<16xf32>
        %parallel_loop3A_219 = arith.constant 0.000000e+00 : f32
        %parallel_loop3A_220 = vector.broadcast %parallel_loop3A_219 : f32 to vector<16xf32>
        %parallel_loop3A_221 = arith.cmpf ogt, %parallel_loop3A_209, %parallel_loop3A_220 : vector<16xf32>
        %parallel_loop3A_222 = arith.constant 1.270000e+02 : f32
        %parallel_loop3A_223 = vector.broadcast %parallel_loop3A_222 : f32 to vector<16xf32>
        %parallel_loop3A_224 = arith.cmpf olt, %parallel_loop3A_209, %parallel_loop3A_223 : vector<16xf32>
        %parallel_loop3A_225 = arith.andi %parallel_loop3A_221, %parallel_loop3A_224 : vector<16xi1>
        %parallel_loop3A_226 = arith.constant 0.000000e+00 : f32
        %parallel_loop3A_227 = vector.broadcast %parallel_loop3A_226 : f32 to vector<16xf32>
        %parallel_loop3A_228 = arith.cmpf oeq, %parallel_loop3A_209, %parallel_loop3A_227 : vector<16xf32>
        %parallel_loop3A_229 = arith.constant 1.270000e+02 : f32
        %parallel_loop3A_230 = vector.broadcast %parallel_loop3A_229 : f32 to vector<16xf32>
        %parallel_loop3A_231 = arith.cmpf oeq, %parallel_loop3A_209, %parallel_loop3A_230 : vector<16xf32>
        %parallel_loop3A_232 = arith.ori %parallel_loop3A_228, %parallel_loop3A_231 : vector<16xi1>
        %parallel_loop3A_233 = arith.constant 3.200000e+01 : f32
        %parallel_loop3A_234 = arith.constant 0.000000e+00 : f32
        %parallel_loop3A_235 = vector.broadcast %parallel_loop3A_233 : f32 to vector<16xf32>
        %parallel_loop3A_236 = vector.broadcast %parallel_loop3A_234 : f32 to vector<16xf32>
        %parallel_loop3A_237 = arith.select %parallel_loop3A_232, %parallel_loop3A_235, %parallel_loop3A_236 : vector<16xi1>, vector<16xf32>
        %parallel_loop3A_238 = arith.constant 6.400000e+01 : f32
        %parallel_loop3A_239 = vector.broadcast %parallel_loop3A_238 : f32 to vector<16xf32>
        %parallel_loop3A_240 = arith.select %parallel_loop3A_225, %parallel_loop3A_239, %parallel_loop3A_237 : vector<16xi1>, vector<16xf32>
        %parallel_loop3A_241 = arith.index_cast %parallel_loop3A_200 : i32 to index
        %parallel_loop3A_242 = tpu.vector_load %arg14[%parallel_loop3A_241] {strides = array<i32>} : memref<2048xf32, #tpu.memory_space<vmem>>, vector<16xf32>,
        %parallel_loop3A_243 = vector.shape_cast %parallel_loop3A_242 : vector<16xf32> to vector<16xf32>
        %parallel_loop3A_244 = arith.constant 1.000000e+00 : f32
        %parallel_loop3A_245 = vector.broadcast %parallel_loop3A_244 : f32 to vector<16xf32>
        %parallel_loop3A_246 = arith.addf %parallel_loop3A_243, %parallel_loop3A_245 : vector<16xf32>
        %parallel_loop3A_247 = arith.constant 6.400000e+01 : f32
        %parallel_loop3A_248 = vector.broadcast %parallel_loop3A_247 : f32 to vector<16xf32>
        %parallel_loop3A_249 = arith.mulf %parallel_loop3A_246, %parallel_loop3A_248 : vector<16xf32>
        %parallel_loop3A_250 = arith.constant 0.000000e+00 : f32
        %parallel_loop3A_251 = vector.broadcast %parallel_loop3A_250 : f32 to vector<16xf32>
        %parallel_loop3A_252 = arith.maximumf %parallel_loop3A_249, %parallel_loop3A_251 : vector<16xf32>
        %parallel_loop3A_253 = arith.constant 1.270000e+02 : f32
        %parallel_loop3A_254 = vector.broadcast %parallel_loop3A_253 : f32 to vector<16xf32>
        %parallel_loop3A_255 = arith.minimumf %parallel_loop3A_252, %parallel_loop3A_254 : vector<16xf32>
        %parallel_loop3A_256 = arith.fptosi %parallel_loop3A_255 : vector<16xf32> to vector<16xi32>
        %parallel_loop3A_257 = arith.sitofp %parallel_loop3A_256 : vector<16xi32> to vector<16xf32>
        %parallel_loop3A_258 = arith.subf %parallel_loop3A_255, %parallel_loop3A_257 : vector<16xf32>
        %parallel_loop3A_259 = arith.constant 0.000000e+00 : f32
        %parallel_loop3A_260 = vector.broadcast %parallel_loop3A_259 : f32 to vector<16xf32>
        %parallel_loop3A_261 = arith.cmpf ogt, %parallel_loop3A_249, %parallel_loop3A_260 : vector<16xf32>
        %parallel_loop3A_262 = arith.constant 1.270000e+02 : f32
        %parallel_loop3A_263 = vector.broadcast %parallel_loop3A_262 : f32 to vector<16xf32>
        %parallel_loop3A_264 = arith.cmpf olt, %parallel_loop3A_249, %parallel_loop3A_263 : vector<16xf32>
        %parallel_loop3A_265 = arith.andi %parallel_loop3A_261, %parallel_loop3A_264 : vector<16xi1>
        %parallel_loop3A_266 = arith.constant 0.000000e+00 : f32
        %parallel_loop3A_267 = vector.broadcast %parallel_loop3A_266 : f32 to vector<16xf32>
        %parallel_loop3A_268 = arith.cmpf oeq, %parallel_loop3A_249, %parallel_loop3A_267 : vector<16xf32>
        %parallel_loop3A_269 = arith.constant 1.270000e+02 : f32
        %parallel_loop3A_270 = vector.broadcast %parallel_loop3A_269 : f32 to vector<16xf32>
        %parallel_loop3A_271 = arith.cmpf oeq, %parallel_loop3A_249, %parallel_loop3A_270 : vector<16xf32>
        %parallel_loop3A_272 = arith.ori %parallel_loop3A_268, %parallel_loop3A_271 : vector<16xi1>
        %parallel_loop3A_273 = arith.constant 3.200000e+01 : f32
        %parallel_loop3A_274 = arith.constant 0.000000e+00 : f32
        %parallel_loop3A_275 = vector.broadcast %parallel_loop3A_273 : f32 to vector<16xf32>
        %parallel_loop3A_276 = vector.broadcast %parallel_loop3A_274 : f32 to vector<16xf32>
        %parallel_loop3A_277 = arith.select %parallel_loop3A_272, %parallel_loop3A_275, %parallel_loop3A_276 : vector<16xi1>, vector<16xf32>
        %parallel_loop3A_278 = arith.constant 6.400000e+01 : f32
        %parallel_loop3A_279 = vector.broadcast %parallel_loop3A_278 : f32 to vector<16xf32>
        %parallel_loop3A_280 = arith.select %parallel_loop3A_265, %parallel_loop3A_279, %parallel_loop3A_277 : vector<16xi1>, vector<16xf32>
        %parallel_loop3A_281 = arith.index_cast %parallel_loop3A_200 : i32 to index
        %parallel_loop3A_282 = tpu.vector_load %arg15[%parallel_loop3A_281] {strides = array<i32>} : memref<2048xf32, #tpu.memory_space<vmem>>, vector<16xf32>,
        %parallel_loop3A_283 = vector.shape_cast %parallel_loop3A_282 : vector<16xf32> to vector<16xf32>
        %parallel_loop3A_284 = arith.constant 1.000000e+00 : f32
        %parallel_loop3A_285 = vector.broadcast %parallel_loop3A_284 : f32 to vector<16xf32>
        %parallel_loop3A_286 = arith.addf %parallel_loop3A_283, %parallel_loop3A_285 : vector<16xf32>
        %parallel_loop3A_287 = arith.constant 6.400000e+01 : f32
        %parallel_loop3A_288 = vector.broadcast %parallel_loop3A_287 : f32 to vector<16xf32>
        %parallel_loop3A_289 = arith.mulf %parallel_loop3A_286, %parallel_loop3A_288 : vector<16xf32>
        %parallel_loop3A_290 = arith.constant 0.000000e+00 : f32
        %parallel_loop3A_291 = vector.broadcast %parallel_loop3A_290 : f32 to vector<16xf32>
        %parallel_loop3A_292 = arith.maximumf %parallel_loop3A_289, %parallel_loop3A_291 : vector<16xf32>
        %parallel_loop3A_293 = arith.constant 1.270000e+02 : f32
        %parallel_loop3A_294 = vector.broadcast %parallel_loop3A_293 : f32 to vector<16xf32>
        %parallel_loop3A_295 = arith.minimumf %parallel_loop3A_292, %parallel_loop3A_294 : vector<16xf32>
        %parallel_loop3A_296 = arith.fptosi %parallel_loop3A_295 : vector<16xf32> to vector<16xi32>
        %parallel_loop3A_297 = arith.sitofp %parallel_loop3A_296 : vector<16xi32> to vector<16xf32>
        %parallel_loop3A_298 = arith.subf %parallel_loop3A_295, %parallel_loop3A_297 : vector<16xf32>
        %parallel_loop3A_299 = arith.constant 0.000000e+00 : f32
        %parallel_loop3A_300 = vector.broadcast %parallel_loop3A_299 : f32 to vector<16xf32>
        %parallel_loop3A_301 = arith.cmpf ogt, %parallel_loop3A_289, %parallel_loop3A_300 : vector<16xf32>
        %parallel_loop3A_302 = arith.constant 1.270000e+02 : f32
        %parallel_loop3A_303 = vector.broadcast %parallel_loop3A_302 : f32 to vector<16xf32>
        %parallel_loop3A_304 = arith.cmpf olt, %parallel_loop3A_289, %parallel_loop3A_303 : vector<16xf32>
        %parallel_loop3A_305 = arith.andi %parallel_loop3A_301, %parallel_loop3A_304 : vector<16xi1>
        %parallel_loop3A_306 = arith.constant 0.000000e+00 : f32
        %parallel_loop3A_307 = vector.broadcast %parallel_loop3A_306 : f32 to vector<16xf32>
        %parallel_loop3A_308 = arith.cmpf oeq, %parallel_loop3A_289, %parallel_loop3A_307 : vector<16xf32>
        %parallel_loop3A_309 = arith.constant 1.270000e+02 : f32
        %parallel_loop3A_310 = vector.broadcast %parallel_loop3A_309 : f32 to vector<16xf32>
        %parallel_loop3A_311 = arith.cmpf oeq, %parallel_loop3A_289, %parallel_loop3A_310 : vector<16xf32>
        %parallel_loop3A_312 = arith.ori %parallel_loop3A_308, %parallel_loop3A_311 : vector<16xi1>
        %parallel_loop3A_313 = arith.constant 3.200000e+01 : f32
        %parallel_loop3A_314 = arith.constant 0.000000e+00 : f32
        %parallel_loop3A_315 = vector.broadcast %parallel_loop3A_313 : f32 to vector<16xf32>
        %parallel_loop3A_316 = vector.broadcast %parallel_loop3A_314 : f32 to vector<16xf32>
        %parallel_loop3A_317 = arith.select %parallel_loop3A_312, %parallel_loop3A_315, %parallel_loop3A_316 : vector<16xi1>, vector<16xf32>
        %parallel_loop3A_318 = arith.constant 6.400000e+01 : f32
        %parallel_loop3A_319 = vector.broadcast %parallel_loop3A_318 : f32 to vector<16xf32>
        %parallel_loop3A_320 = arith.select %parallel_loop3A_305, %parallel_loop3A_319, %parallel_loop3A_317 : vector<16xi1>, vector<16xf32>
        %parallel_loop3A_321 = arith.constant 1 : i32
        %parallel_loop3A_322 = vector.broadcast %parallel_loop3A_321 : i32 to vector<16xi32>
        %parallel_loop3A_323 = arith.addi %parallel_loop3A_216, %parallel_loop3A_322 : vector<16xi32>
        %parallel_loop3A_324 = arith.constant 127 : i32
        %parallel_loop3A_325 = vector.broadcast %parallel_loop3A_324 : i32 to vector<16xi32>
        %parallel_loop3A_326 = arith.minsi %parallel_loop3A_323, %parallel_loop3A_325 : vector<16xi32>
        %parallel_loop3A_327 = arith.constant 1 : i32
        %parallel_loop3A_328 = vector.broadcast %parallel_loop3A_327 : i32 to vector<16xi32>
        %parallel_loop3A_329 = arith.addi %parallel_loop3A_256, %parallel_loop3A_328 : vector<16xi32>
        %parallel_loop3A_330 = arith.constant 127 : i32
        %parallel_loop3A_331 = vector.broadcast %parallel_loop3A_330 : i32 to vector<16xi32>
        %parallel_loop3A_332 = arith.minsi %parallel_loop3A_329, %parallel_loop3A_331 : vector<16xi32>
        %parallel_loop3A_333 = arith.constant 1 : i32
        %parallel_loop3A_334 = vector.broadcast %parallel_loop3A_333 : i32 to vector<16xi32>
        %parallel_loop3A_335 = arith.addi %parallel_loop3A_296, %parallel_loop3A_334 : vector<16xi32>
        %parallel_loop3A_336 = arith.constant 127 : i32
        %parallel_loop3A_337 = vector.broadcast %parallel_loop3A_336 : i32 to vector<16xi32>
        %parallel_loop3A_338 = arith.minsi %parallel_loop3A_335, %parallel_loop3A_337 : vector<16xi32>
        %parallel_loop3A_339 = arith.constant 3 : i32
        %parallel_loop3A_340 = vector.broadcast %parallel_loop3A_339 : i32 to vector<16xi32>
        %parallel_loop3A_341 = arith.shrsi %parallel_loop3A_216, %parallel_loop3A_340 : vector<16xi32>
        %parallel_loop3A_342 = arith.constant 17 : i32
        %parallel_loop3A_343 = vector.broadcast %parallel_loop3A_342 : i32 to vector<16xi32>
        %parallel_loop3A_344 = arith.shli %parallel_loop3A_341, %parallel_loop3A_343 : vector<16xi32>
        %parallel_loop3A_345 = arith.constant 7 : i32
        %parallel_loop3A_346 = vector.broadcast %parallel_loop3A_345 : i32 to vector<16xi32>
        %parallel_loop3A_347 = arith.andi %parallel_loop3A_216, %parallel_loop3A_346 : vector<16xi32>
        %parallel_loop3A_348 = arith.constant 6 : i32
        %parallel_loop3A_349 = vector.broadcast %parallel_loop3A_348 : i32 to vector<16xi32>
        %parallel_loop3A_350 = arith.shli %parallel_loop3A_347, %parallel_loop3A_349 : vector<16xi32>
        %parallel_loop3A_351 = arith.ori %parallel_loop3A_344, %parallel_loop3A_350 : vector<16xi32>
        %parallel_loop3A_352 = arith.constant 3 : i32
        %parallel_loop3A_353 = vector.broadcast %parallel_loop3A_352 : i32 to vector<16xi32>
        %parallel_loop3A_354 = arith.shrsi %parallel_loop3A_326, %parallel_loop3A_353 : vector<16xi32>
        %parallel_loop3A_355 = arith.constant 17 : i32
        %parallel_loop3A_356 = vector.broadcast %parallel_loop3A_355 : i32 to vector<16xi32>
        %parallel_loop3A_357 = arith.shli %parallel_loop3A_354, %parallel_loop3A_356 : vector<16xi32>
        %parallel_loop3A_358 = arith.constant 7 : i32
        %parallel_loop3A_359 = vector.broadcast %parallel_loop3A_358 : i32 to vector<16xi32>
        %parallel_loop3A_360 = arith.andi %parallel_loop3A_326, %parallel_loop3A_359 : vector<16xi32>
        %parallel_loop3A_361 = arith.constant 6 : i32
        %parallel_loop3A_362 = vector.broadcast %parallel_loop3A_361 : i32 to vector<16xi32>
        %parallel_loop3A_363 = arith.shli %parallel_loop3A_360, %parallel_loop3A_362 : vector<16xi32>
        %parallel_loop3A_364 = arith.ori %parallel_loop3A_357, %parallel_loop3A_363 : vector<16xi32>
        %parallel_loop3A_365 = arith.constant 3 : i32
        %parallel_loop3A_366 = vector.broadcast %parallel_loop3A_365 : i32 to vector<16xi32>
        %parallel_loop3A_367 = arith.shrsi %parallel_loop3A_256, %parallel_loop3A_366 : vector<16xi32>
        %parallel_loop3A_368 = arith.constant 13 : i32
        %parallel_loop3A_369 = vector.broadcast %parallel_loop3A_368 : i32 to vector<16xi32>
        %parallel_loop3A_370 = arith.shli %parallel_loop3A_367, %parallel_loop3A_369 : vector<16xi32>
        %parallel_loop3A_371 = arith.constant 7 : i32
        %parallel_loop3A_372 = vector.broadcast %parallel_loop3A_371 : i32 to vector<16xi32>
        %parallel_loop3A_373 = arith.andi %parallel_loop3A_256, %parallel_loop3A_372 : vector<16xi32>
        %parallel_loop3A_374 = arith.constant 3 : i32
        %parallel_loop3A_375 = vector.broadcast %parallel_loop3A_374 : i32 to vector<16xi32>
        %parallel_loop3A_376 = arith.shli %parallel_loop3A_373, %parallel_loop3A_375 : vector<16xi32>
        %parallel_loop3A_377 = arith.ori %parallel_loop3A_370, %parallel_loop3A_376 : vector<16xi32>
        %parallel_loop3A_378 = arith.constant 3 : i32
        %parallel_loop3A_379 = vector.broadcast %parallel_loop3A_378 : i32 to vector<16xi32>
        %parallel_loop3A_380 = arith.shrsi %parallel_loop3A_332, %parallel_loop3A_379 : vector<16xi32>
        %parallel_loop3A_381 = arith.constant 13 : i32
        %parallel_loop3A_382 = vector.broadcast %parallel_loop3A_381 : i32 to vector<16xi32>
        %parallel_loop3A_383 = arith.shli %parallel_loop3A_380, %parallel_loop3A_382 : vector<16xi32>
        %parallel_loop3A_384 = arith.constant 7 : i32
        %parallel_loop3A_385 = vector.broadcast %parallel_loop3A_384 : i32 to vector<16xi32>
        %parallel_loop3A_386 = arith.andi %parallel_loop3A_332, %parallel_loop3A_385 : vector<16xi32>
        %parallel_loop3A_387 = arith.constant 3 : i32
        %parallel_loop3A_388 = vector.broadcast %parallel_loop3A_387 : i32 to vector<16xi32>
        %parallel_loop3A_389 = arith.shli %parallel_loop3A_386, %parallel_loop3A_388 : vector<16xi32>
        %parallel_loop3A_390 = arith.ori %parallel_loop3A_383, %parallel_loop3A_389 : vector<16xi32>
        %parallel_loop3A_391 = arith.constant 3 : i32
        %parallel_loop3A_392 = vector.broadcast %parallel_loop3A_391 : i32 to vector<16xi32>
        %parallel_loop3A_393 = arith.shrsi %parallel_loop3A_296, %parallel_loop3A_392 : vector<16xi32>
        %parallel_loop3A_394 = arith.constant 9 : i32
        %parallel_loop3A_395 = vector.broadcast %parallel_loop3A_394 : i32 to vector<16xi32>
        %parallel_loop3A_396 = arith.shli %parallel_loop3A_393, %parallel_loop3A_395 : vector<16xi32>
        %parallel_loop3A_397 = arith.constant 7 : i32
        %parallel_loop3A_398 = vector.broadcast %parallel_loop3A_397 : i32 to vector<16xi32>
        %parallel_loop3A_399 = arith.andi %parallel_loop3A_296, %parallel_loop3A_398 : vector<16xi32>
        %parallel_loop3A_400 = arith.ori %parallel_loop3A_396, %parallel_loop3A_399 : vector<16xi32>
        %parallel_loop3A_401 = arith.constant 3 : i32
        %parallel_loop3A_402 = vector.broadcast %parallel_loop3A_401 : i32 to vector<16xi32>
        %parallel_loop3A_403 = arith.shrsi %parallel_loop3A_338, %parallel_loop3A_402 : vector<16xi32>
        %parallel_loop3A_404 = arith.constant 9 : i32
        %parallel_loop3A_405 = vector.broadcast %parallel_loop3A_404 : i32 to vector<16xi32>
        %parallel_loop3A_406 = arith.shli %parallel_loop3A_403, %parallel_loop3A_405 : vector<16xi32>
        %parallel_loop3A_407 = arith.constant 7 : i32
        %parallel_loop3A_408 = vector.broadcast %parallel_loop3A_407 : i32 to vector<16xi32>
        %parallel_loop3A_409 = arith.andi %parallel_loop3A_338, %parallel_loop3A_408 : vector<16xi32>
        %parallel_loop3A_410 = arith.ori %parallel_loop3A_406, %parallel_loop3A_409 : vector<16xi32>
        %parallel_loop3A_411 = arith.ori %parallel_loop3A_351, %parallel_loop3A_377 : vector<16xi32>
        %parallel_loop3A_412 = arith.ori %parallel_loop3A_411, %parallel_loop3A_400 : vector<16xi32>
        %parallel_loop3A_413 = arith.index_cast %parallel_loop3A_200 : i32 to index
        %parallel_loop3A_414 = tpu.vector_load %arg24[%parallel_loop3A_413] {strides = array<i32>} : memref<2048xi32, #tpu.memory_space<vmem>>, vector<16xi32>,
        %parallel_loop3A_415 = vector.shape_cast %parallel_loop3A_414 : vector<16xi32> to vector<16xi32>
        %parallel_loop3A_416 = vector.shape_cast %parallel_loop3A_412 : vector<16xi32> to vector<16xi32>
        tpu.vector_store %arg24[%parallel_loop3A_413], %parallel_loop3A_416 {strides = array<i32>} : memref<2048xi32, #tpu.memory_space<vmem>>, vector<16xi32>,
        %parallel_loop3A_417 = arith.ori %parallel_loop3A_351, %parallel_loop3A_377 : vector<16xi32>
        %parallel_loop3A_418 = arith.ori %parallel_loop3A_417, %parallel_loop3A_410 : vector<16xi32>
        %parallel_loop3A_419 = arith.index_cast %parallel_loop3A_200 : i32 to index
        %parallel_loop3A_420 = tpu.vector_load %arg25[%parallel_loop3A_419] {strides = array<i32>} : memref<2048xi32, #tpu.memory_space<vmem>>, vector<16xi32>,
        %parallel_loop3A_421 = vector.shape_cast %parallel_loop3A_420 : vector<16xi32> to vector<16xi32>
        %parallel_loop3A_422 = vector.shape_cast %parallel_loop3A_418 : vector<16xi32> to vector<16xi32>
        tpu.vector_store %arg25[%parallel_loop3A_419], %parallel_loop3A_422 {strides = array<i32>} : memref<2048xi32, #tpu.memory_space<vmem>>, vector<16xi32>,
        %parallel_loop3A_423 = arith.ori %parallel_loop3A_351, %parallel_loop3A_390 : vector<16xi32>
        %parallel_loop3A_424 = arith.ori %parallel_loop3A_423, %parallel_loop3A_400 : vector<16xi32>
        %parallel_loop3A_425 = arith.index_cast %parallel_loop3A_200 : i32 to index
        %parallel_loop3A_426 = tpu.vector_load %arg26[%parallel_loop3A_425] {strides = array<i32>} : memref<2048xi32, #tpu.memory_space<vmem>>, vector<16xi32>,
        %parallel_loop3A_427 = vector.shape_cast %parallel_loop3A_426 : vector<16xi32> to vector<16xi32>
        %parallel_loop3A_428 = vector.shape_cast %parallel_loop3A_424 : vector<16xi32> to vector<16xi32>
        tpu.vector_store %arg26[%parallel_loop3A_425], %parallel_loop3A_428 {strides = array<i32>} : memref<2048xi32, #tpu.memory_space<vmem>>, vector<16xi32>,
        %parallel_loop3A_429 = arith.ori %parallel_loop3A_351, %parallel_loop3A_390 : vector<16xi32>
        %parallel_loop3A_430 = arith.ori %parallel_loop3A_429, %parallel_loop3A_410 : vector<16xi32>
        %parallel_loop3A_431 = arith.index_cast %parallel_loop3A_200 : i32 to index
        %parallel_loop3A_432 = tpu.vector_load %arg27[%parallel_loop3A_431] {strides = array<i32>} : memref<2048xi32, #tpu.memory_space<vmem>>, vector<16xi32>,
        %parallel_loop3A_433 = vector.shape_cast %parallel_loop3A_432 : vector<16xi32> to vector<16xi32>
        %parallel_loop3A_434 = vector.shape_cast %parallel_loop3A_430 : vector<16xi32> to vector<16xi32>
        tpu.vector_store %arg27[%parallel_loop3A_431], %parallel_loop3A_434 {strides = array<i32>} : memref<2048xi32, #tpu.memory_space<vmem>>, vector<16xi32>,
        %parallel_loop3A_435 = arith.ori %parallel_loop3A_364, %parallel_loop3A_377 : vector<16xi32>
        %parallel_loop3A_436 = arith.ori %parallel_loop3A_435, %parallel_loop3A_400 : vector<16xi32>
        %parallel_loop3A_437 = arith.index_cast %parallel_loop3A_200 : i32 to index
        %parallel_loop3A_438 = tpu.vector_load %arg28[%parallel_loop3A_437] {strides = array<i32>} : memref<2048xi32, #tpu.memory_space<vmem>>, vector<16xi32>,
        %parallel_loop3A_439 = vector.shape_cast %parallel_loop3A_438 : vector<16xi32> to vector<16xi32>
        %parallel_loop3A_440 = vector.shape_cast %parallel_loop3A_436 : vector<16xi32> to vector<16xi32>
        tpu.vector_store %arg28[%parallel_loop3A_437], %parallel_loop3A_440 {strides = array<i32>} : memref<2048xi32, #tpu.memory_space<vmem>>, vector<16xi32>,
        %parallel_loop3A_441 = arith.ori %parallel_loop3A_364, %parallel_loop3A_377 : vector<16xi32>
        %parallel_loop3A_442 = arith.ori %parallel_loop3A_441, %parallel_loop3A_410 : vector<16xi32>
        %parallel_loop3A_443 = arith.index_cast %parallel_loop3A_200 : i32 to index
        %parallel_loop3A_444 = tpu.vector_load %arg29[%parallel_loop3A_443] {strides = array<i32>} : memref<2048xi32, #tpu.memory_space<vmem>>, vector<16xi32>,
        %parallel_loop3A_445 = vector.shape_cast %parallel_loop3A_444 : vector<16xi32> to vector<16xi32>
        %parallel_loop3A_446 = vector.shape_cast %parallel_loop3A_442 : vector<16xi32> to vector<16xi32>
        tpu.vector_store %arg29[%parallel_loop3A_443], %parallel_loop3A_446 {strides = array<i32>} : memref<2048xi32, #tpu.memory_space<vmem>>, vector<16xi32>,
        %parallel_loop3A_447 = arith.ori %parallel_loop3A_364, %parallel_loop3A_390 : vector<16xi32>
        %parallel_loop3A_448 = arith.ori %parallel_loop3A_447, %parallel_loop3A_400 : vector<16xi32>
        %parallel_loop3A_449 = arith.index_cast %parallel_loop3A_200 : i32 to index
        %parallel_loop3A_450 = tpu.vector_load %arg30[%parallel_loop3A_449] {strides = array<i32>} : memref<2048xi32, #tpu.memory_space<vmem>>, vector<16xi32>,
        %parallel_loop3A_451 = vector.shape_cast %parallel_loop3A_450 : vector<16xi32> to vector<16xi32>
        %parallel_loop3A_452 = vector.shape_cast %parallel_loop3A_448 : vector<16xi32> to vector<16xi32>
        tpu.vector_store %arg30[%parallel_loop3A_449], %parallel_loop3A_452 {strides = array<i32>} : memref<2048xi32, #tpu.memory_space<vmem>>, vector<16xi32>,
        %parallel_loop3A_453 = arith.ori %parallel_loop3A_364, %parallel_loop3A_390 : vector<16xi32>
        %parallel_loop3A_454 = arith.ori %parallel_loop3A_453, %parallel_loop3A_410 : vector<16xi32>
        %parallel_loop3A_455 = arith.index_cast %parallel_loop3A_200 : i32 to index
        %parallel_loop3A_456 = tpu.vector_load %arg31[%parallel_loop3A_455] {strides = array<i32>} : memref<2048xi32, #tpu.memory_space<vmem>>, vector<16xi32>,
        %parallel_loop3A_457 = vector.shape_cast %parallel_loop3A_456 : vector<16xi32> to vector<16xi32>
        %parallel_loop3A_458 = vector.shape_cast %parallel_loop3A_454 : vector<16xi32> to vector<16xi32>
        tpu.vector_store %arg31[%parallel_loop3A_455], %parallel_loop3A_458 {strides = array<i32>} : memref<2048xi32, #tpu.memory_space<vmem>>, vector<16xi32>,
        %parallel_loop3A_459 = arith.index_cast %parallel_loop3A_200 : i32 to index
        %parallel_loop3A_460 = tpu.vector_load %arg51[%parallel_loop3A_459] {strides = array<i32>} : memref<2048xf32, #tpu.memory_space<vmem>>, vector<16xf32>,
        %parallel_loop3A_461 = vector.shape_cast %parallel_loop3A_460 : vector<16xf32> to vector<16xf32>
        %parallel_loop3A_462 = vector.shape_cast %parallel_loop3A_218 : vector<16xf32> to vector<16xf32>
        tpu.vector_store %arg51[%parallel_loop3A_459], %parallel_loop3A_462 {strides = array<i32>} : memref<2048xf32, #tpu.memory_space<vmem>>, vector<16xf32>,
        %parallel_loop3A_463 = arith.index_cast %parallel_loop3A_200 : i32 to index
        %parallel_loop3A_464 = tpu.vector_load %arg52[%parallel_loop3A_463] {strides = array<i32>} : memref<2048xf32, #tpu.memory_space<vmem>>, vector<16xf32>,
        %parallel_loop3A_465 = vector.shape_cast %parallel_loop3A_464 : vector<16xf32> to vector<16xf32>
        %parallel_loop3A_466 = vector.shape_cast %parallel_loop3A_258 : vector<16xf32> to vector<16xf32>
        tpu.vector_store %arg52[%parallel_loop3A_463], %parallel_loop3A_466 {strides = array<i32>} : memref<2048xf32, #tpu.memory_space<vmem>>, vector<16xf32>,
        %parallel_loop3A_467 = arith.index_cast %parallel_loop3A_200 : i32 to index
        %parallel_loop3A_468 = tpu.vector_load %arg53[%parallel_loop3A_467] {strides = array<i32>} : memref<2048xf32, #tpu.memory_space<vmem>>, vector<16xf32>,
        %parallel_loop3A_469 = vector.shape_cast %parallel_loop3A_468 : vector<16xf32> to vector<16xf32>
        %parallel_loop3A_470 = vector.shape_cast %parallel_loop3A_298 : vector<16xf32> to vector<16xf32>
        tpu.vector_store %arg53[%parallel_loop3A_467], %parallel_loop3A_470 {strides = array<i32>} : memref<2048xf32, #tpu.memory_space<vmem>>, vector<16xf32>,
        %parallel_loop3A_471 = arith.index_cast %parallel_loop3A_200 : i32 to index
        %parallel_loop3A_472 = tpu.vector_load %arg57[%parallel_loop3A_471] {strides = array<i32>} : memref<2048xf32, #tpu.memory_space<vmem>>, vector<16xf32>,
        %parallel_loop3A_473 = vector.shape_cast %parallel_loop3A_472 : vector<16xf32> to vector<16xf32>
        %parallel_loop3A_474 = vector.shape_cast %parallel_loop3A_240 : vector<16xf32> to vector<16xf32>
        tpu.vector_store %arg57[%parallel_loop3A_471], %parallel_loop3A_474 {strides = array<i32>} : memref<2048xf32, #tpu.memory_space<vmem>>, vector<16xf32>,
        %parallel_loop3A_475 = arith.index_cast %parallel_loop3A_200 : i32 to index
        %parallel_loop3A_476 = tpu.vector_load %arg58[%parallel_loop3A_475] {strides = array<i32>} : memref<2048xf32, #tpu.memory_space<vmem>>, vector<16xf32>,
        %parallel_loop3A_477 = vector.shape_cast %parallel_loop3A_476 : vector<16xf32> to vector<16xf32>
        %parallel_loop3A_478 = vector.shape_cast %parallel_loop3A_280 : vector<16xf32> to vector<16xf32>
        tpu.vector_store %arg58[%parallel_loop3A_475], %parallel_loop3A_478 {strides = array<i32>} : memref<2048xf32, #tpu.memory_space<vmem>>, vector<16xf32>,
        %parallel_loop3A_479 = arith.index_cast %parallel_loop3A_200 : i32 to index
        %parallel_loop3A_480 = tpu.vector_load %arg59[%parallel_loop3A_479] {strides = array<i32>} : memref<2048xf32, #tpu.memory_space<vmem>>, vector<16xf32>,
        %parallel_loop3A_481 = vector.shape_cast %parallel_loop3A_480 : vector<16xf32> to vector<16xf32>
        %parallel_loop3A_482 = vector.shape_cast %parallel_loop3A_320 : vector<16xf32> to vector<16xf32>
        tpu.vector_store %arg59[%parallel_loop3A_479], %parallel_loop3A_482 {strides = array<i32>} : memref<2048xf32, #tpu.memory_space<vmem>>, vector<16xf32>,
      } {sc.loop_unroll_factor = 4 : i64, sc.parallel_access}
      %dma_start3A_96 = arith.constant 0 : i32
      %dma_start3A_97 = tpu.memref_slice %arg5[%dma_start3A_96] : memref<6144000xf32, #tpu.memory_space<hbm>> -> memref<6144000xf32, #tpu.memory_space<hbm>>
      tpu.enqueue_indirect_dma source(%dma_start3A_97 : memref<6144000xf32, #tpu.memory_space<hbm>>) target(%arg40 : memref<2048xf32, #tpu.memory_space<vmem>>) offsets(%arg24 : memref<2048xi32, #tpu.memory_space<vmem>>) semaphore(%arg69 : memref<!tpu.dma_semaphore, #tpu.memory_space<semaphore_mem>>)
      %dma_start3A_98 = arith.constant 0 : i32
      %dma_start3A_99 = tpu.memref_slice %arg5[%dma_start3A_98] : memref<6144000xf32, #tpu.memory_space<hbm>> -> memref<6144000xf32, #tpu.memory_space<hbm>>
      tpu.enqueue_indirect_dma source(%dma_start3A_99 : memref<6144000xf32, #tpu.memory_space<hbm>>) target(%arg41 : memref<2048xf32, #tpu.memory_space<vmem>>) offsets(%arg25 : memref<2048xi32, #tpu.memory_space<vmem>>) semaphore(%arg69 : memref<!tpu.dma_semaphore, #tpu.memory_space<semaphore_mem>>)
      %dma_start3A_100 = arith.constant 0 : i32
      %dma_start3A_101 = tpu.memref_slice %arg5[%dma_start3A_100] : memref<6144000xf32, #tpu.memory_space<hbm>> -> memref<6144000xf32, #tpu.memory_space<hbm>>
      tpu.enqueue_indirect_dma source(%dma_start3A_101 : memref<6144000xf32, #tpu.memory_space<hbm>>) target(%arg42 : memref<2048xf32, #tpu.memory_space<vmem>>) offsets(%arg26 : memref<2048xi32, #tpu.memory_space<vmem>>) semaphore(%arg69 : memref<!tpu.dma_semaphore, #tpu.memory_space<semaphore_mem>>)
      %dma_start3A_102 = arith.constant 0 : i32
      %dma_start3A_103 = tpu.memref_slice %arg5[%dma_start3A_102] : memref<6144000xf32, #tpu.memory_space<hbm>> -> memref<6144000xf32, #tpu.memory_space<hbm>>
      tpu.enqueue_indirect_dma source(%dma_start3A_103 : memref<6144000xf32, #tpu.memory_space<hbm>>) target(%arg43 : memref<2048xf32, #tpu.memory_space<vmem>>) offsets(%arg27 : memref<2048xi32, #tpu.memory_space<vmem>>) semaphore(%arg69 : memref<!tpu.dma_semaphore, #tpu.memory_space<semaphore_mem>>)
      %dma_start3A_104 = arith.constant 0 : i32
      %dma_start3A_105 = tpu.memref_slice %arg5[%dma_start3A_104] : memref<6144000xf32, #tpu.memory_space<hbm>> -> memref<6144000xf32, #tpu.memory_space<hbm>>
      tpu.enqueue_indirect_dma source(%dma_start3A_105 : memref<6144000xf32, #tpu.memory_space<hbm>>) target(%arg44 : memref<2048xf32, #tpu.memory_space<vmem>>) offsets(%arg28 : memref<2048xi32, #tpu.memory_space<vmem>>) semaphore(%arg69 : memref<!tpu.dma_semaphore, #tpu.memory_space<semaphore_mem>>)
      %dma_start3A_106 = arith.constant 0 : i32
      %dma_start3A_107 = tpu.memref_slice %arg5[%dma_start3A_106] : memref<6144000xf32, #tpu.memory_space<hbm>> -> memref<6144000xf32, #tpu.memory_space<hbm>>
      tpu.enqueue_indirect_dma source(%dma_start3A_107 : memref<6144000xf32, #tpu.memory_space<hbm>>) target(%arg45 : memref<2048xf32, #tpu.memory_space<vmem>>) offsets(%arg29 : memref<2048xi32, #tpu.memory_space<vmem>>) semaphore(%arg69 : memref<!tpu.dma_semaphore, #tpu.memory_space<semaphore_mem>>)
      %dma_start3A_108 = arith.constant 0 : i32
      %dma_start3A_109 = tpu.memref_slice %arg5[%dma_start3A_108] : memref<6144000xf32, #tpu.memory_space<hbm>> -> memref<6144000xf32, #tpu.memory_space<hbm>>
      tpu.enqueue_indirect_dma source(%dma_start3A_109 : memref<6144000xf32, #tpu.memory_space<hbm>>) target(%arg46 : memref<2048xf32, #tpu.memory_space<vmem>>) offsets(%arg30 : memref<2048xi32, #tpu.memory_space<vmem>>) semaphore(%arg69 : memref<!tpu.dma_semaphore, #tpu.memory_space<semaphore_mem>>)
      %dma_start3A_110 = arith.constant 0 : i32
      %dma_start3A_111 = tpu.memref_slice %arg5[%dma_start3A_110] : memref<6144000xf32, #tpu.memory_space<hbm>> -> memref<6144000xf32, #tpu.memory_space<hbm>>
      tpu.enqueue_indirect_dma source(%dma_start3A_111 : memref<6144000xf32, #tpu.memory_space<hbm>>) target(%arg47 : memref<2048xf32, #tpu.memory_space<vmem>>) offsets(%arg31 : memref<2048xi32, #tpu.memory_space<vmem>>) semaphore(%arg69 : memref<!tpu.dma_semaphore, #tpu.memory_space<semaphore_mem>>)
      %add3A_112 = arith.constant 2 : i32
      %add3A_113 = arith.addi %add3A_84, %add3A_112 : i32
      %lt3A = arith.constant 16 : i32
      %lt3A_114 = arith.cmpi slt, %add3A_113, %lt3A : i32
      %convert_element_type3A = arith.extui %lt3A_114 : i1 to i32
      %cond3A = arith.constant 0 : i32
      %cond3A_115 = arith.cmpi ne, %convert_element_type3A, %cond3A : i32
      scf.if %cond3A_115 {
        %add3A_198 = arith.constant 2 : i32
        %add3A_199 = arith.addi %add3A_84, %add3A_198 : i32
        %mul3A_200 = arith.constant 32768 : i32
        %mul3A_201 = arith.muli %add3A, %mul3A_200 : i32
        %mul3A_202 = arith.constant 2048 : i32
        %mul3A_203 = arith.muli %add3A_199, %mul3A_202 : i32
        %add3A_204 = arith.addi %mul3A_201, %mul3A_203 : i32
        %dma_start3A_205 = tpu.memref_slice %arg2[%add3A_204] : memref<1048576xf32, #tpu.memory_space<hbm>> -> memref<2048xf32, #tpu.memory_space<hbm>>
        %dma_start3A_206 = tpu.memref_slice %arg2[%add3A_204] : memref<1048576xf32, #tpu.memory_space<hbm>> -> memref<2048xf32, #tpu.memory_space<hbm>>
        tpu.enqueue_dma source(%dma_start3A_206 : memref<2048xf32, #tpu.memory_space<hbm>>) target(%arg13 : memref<2048xf32, #tpu.memory_space<vmem>>) target_semaphore(%arg71 : memref<!tpu.dma_semaphore, #tpu.memory_space<semaphore_mem>>)
        %dma_start3A_207 = tpu.memref_slice %arg3[%add3A_204] : memref<1048576xf32, #tpu.memory_space<hbm>> -> memref<2048xf32, #tpu.memory_space<hbm>>
        %dma_start3A_208 = tpu.memref_slice %arg3[%add3A_204] : memref<1048576xf32, #tpu.memory_space<hbm>> -> memref<2048xf32, #tpu.memory_space<hbm>>
        tpu.enqueue_dma source(%dma_start3A_208 : memref<2048xf32, #tpu.memory_space<hbm>>) target(%arg14 : memref<2048xf32, #tpu.memory_space<vmem>>) target_semaphore(%arg71 : memref<!tpu.dma_semaphore, #tpu.memory_space<semaphore_mem>>)
        %dma_start3A_209 = tpu.memref_slice %arg4[%add3A_204] : memref<1048576xf32, #tpu.memory_space<hbm>> -> memref<2048xf32, #tpu.memory_space<hbm>>
        %dma_start3A_210 = tpu.memref_slice %arg4[%add3A_204] : memref<1048576xf32, #tpu.memory_space<hbm>> -> memref<2048xf32, #tpu.memory_space<hbm>>
        tpu.enqueue_dma source(%dma_start3A_210 : memref<2048xf32, #tpu.memory_space<hbm>>) target(%arg15 : memref<2048xf32, #tpu.memory_space<vmem>>) target_semaphore(%arg71 : memref<!tpu.dma_semaphore, #tpu.memory_space<semaphore_mem>>)
      } else {
      }
      %dma_wait3A_116 = arith.constant 0 : i32
      %dma_wait3A_117 = tpu.memref_slice %arg5[%dma_wait3A_116] : memref<6144000xf32, #tpu.memory_space<hbm>> -> memref<6144000xf32, #tpu.memory_space<hbm>>
      tpu.wait_indirect_dma semaphore(%arg68 : memref<!tpu.dma_semaphore, #tpu.memory_space<semaphore_mem>>) src(%dma_wait3A_117 : memref<6144000xf32, #tpu.memory_space<hbm>>) dst(%arg32 : memref<2048xf32, #tpu.memory_space<vmem>>)
      %dma_wait3A_118 = arith.constant 0 : i32
      %dma_wait3A_119 = tpu.memref_slice %arg5[%dma_wait3A_118] : memref<6144000xf32, #tpu.memory_space<hbm>> -> memref<6144000xf32, #tpu.memory_space<hbm>>
      tpu.wait_indirect_dma semaphore(%arg68 : memref<!tpu.dma_semaphore, #tpu.memory_space<semaphore_mem>>) src(%dma_wait3A_119 : memref<6144000xf32, #tpu.memory_space<hbm>>) dst(%arg33 : memref<2048xf32, #tpu.memory_space<vmem>>)
      %dma_wait3A_120 = arith.constant 0 : i32
      %dma_wait3A_121 = tpu.memref_slice %arg5[%dma_wait3A_120] : memref<6144000xf32, #tpu.memory_space<hbm>> -> memref<6144000xf32, #tpu.memory_space<hbm>>
      tpu.wait_indirect_dma semaphore(%arg68 : memref<!tpu.dma_semaphore, #tpu.memory_space<semaphore_mem>>) src(%dma_wait3A_121 : memref<6144000xf32, #tpu.memory_space<hbm>>) dst(%arg34 : memref<2048xf32, #tpu.memory_space<vmem>>)
      %dma_wait3A_122 = arith.constant 0 : i32
      %dma_wait3A_123 = tpu.memref_slice %arg5[%dma_wait3A_122] : memref<6144000xf32, #tpu.memory_space<hbm>> -> memref<6144000xf32, #tpu.memory_space<hbm>>
      tpu.wait_indirect_dma semaphore(%arg68 : memref<!tpu.dma_semaphore, #tpu.memory_space<semaphore_mem>>) src(%dma_wait3A_123 : memref<6144000xf32, #tpu.memory_space<hbm>>) dst(%arg35 : memref<2048xf32, #tpu.memory_space<vmem>>)
      %dma_wait3A_124 = arith.constant 0 : i32
      %dma_wait3A_125 = tpu.memref_slice %arg5[%dma_wait3A_124] : memref<6144000xf32, #tpu.memory_space<hbm>> -> memref<6144000xf32, #tpu.memory_space<hbm>>
      tpu.wait_indirect_dma semaphore(%arg68 : memref<!tpu.dma_semaphore, #tpu.memory_space<semaphore_mem>>) src(%dma_wait3A_125 : memref<6144000xf32, #tpu.memory_space<hbm>>) dst(%arg36 : memref<2048xf32, #tpu.memory_space<vmem>>)
      %dma_wait3A_126 = arith.constant 0 : i32
      %dma_wait3A_127 = tpu.memref_slice %arg5[%dma_wait3A_126] : memref<6144000xf32, #tpu.memory_space<hbm>> -> memref<6144000xf32, #tpu.memory_space<hbm>>
      tpu.wait_indirect_dma semaphore(%arg68 : memref<!tpu.dma_semaphore, #tpu.memory_space<semaphore_mem>>) src(%dma_wait3A_127 : memref<6144000xf32, #tpu.memory_space<hbm>>) dst(%arg37 : memref<2048xf32, #tpu.memory_space<vmem>>)
      %dma_wait3A_128 = arith.constant 0 : i32
      %dma_wait3A_129 = tpu.memref_slice %arg5[%dma_wait3A_128] : memref<6144000xf32, #tpu.memory_space<hbm>> -> memref<6144000xf32, #tpu.memory_space<hbm>>
      tpu.wait_indirect_dma semaphore(%arg68 : memref<!tpu.dma_semaphore, #tpu.memory_space<semaphore_mem>>) src(%dma_wait3A_129 : memref<6144000xf32, #tpu.memory_space<hbm>>) dst(%arg38 : memref<2048xf32, #tpu.memory_space<vmem>>)
      %dma_wait3A_130 = arith.constant 0 : i32
      %dma_wait3A_131 = tpu.memref_slice %arg5[%dma_wait3A_130] : memref<6144000xf32, #tpu.memory_space<hbm>> -> memref<6144000xf32, #tpu.memory_space<hbm>>
      tpu.wait_indirect_dma semaphore(%arg68 : memref<!tpu.dma_semaphore, #tpu.memory_space<semaphore_mem>>) src(%dma_wait3A_131 : memref<6144000xf32, #tpu.memory_space<hbm>>) dst(%arg39 : memref<2048xf32, #tpu.memory_space<vmem>>)
      %ge3A = arith.constant 2 : i32
      %ge3A_132 = arith.cmpi sge, %mul3A_82, %ge3A : i32
      %convert_element_type3A_133 = arith.extui %ge3A_132 : i1 to i32
      %cond3A_134 = arith.constant 0 : i32
      %cond3A_135 = arith.cmpi ne, %convert_element_type3A_133, %cond3A_134 : i32
      scf.if %cond3A_135 {
        %mul3A_198 = arith.constant 32768 : i32
        %mul3A_199 = arith.muli %add3A, %mul3A_198 : i32
        %dma_wait3A_200 = tpu.memref_slice %arg6[%mul3A_199] : memref<1048576xf32, #tpu.memory_space<hbm>> -> memref<2048xf32, #tpu.memory_space<hbm>>
        %dma_wait3A_201 = tpu.memref_slice %arg6[%mul3A_199] : memref<1048576xf32, #tpu.memory_space<hbm>> -> memref<2048xf32, #tpu.memory_space<hbm>>
        tpu.wait_dma2 semaphore(%arg72 : memref<!tpu.dma_semaphore, #tpu.memory_space<semaphore_mem>>) src(%arg60 : memref<2048xf32, #tpu.memory_space<vmem>>) dst(%dma_wait3A_201 : memref<2048xf32, #tpu.memory_space<hbm>>)
        %dma_wait3A_202 = tpu.memref_slice %arg7[%mul3A_199] : memref<1048576xf32, #tpu.memory_space<hbm>> -> memref<2048xf32, #tpu.memory_space<hbm>>
        %dma_wait3A_203 = tpu.memref_slice %arg7[%mul3A_199] : memref<1048576xf32, #tpu.memory_space<hbm>> -> memref<2048xf32, #tpu.memory_space<hbm>>
        tpu.wait_dma2 semaphore(%arg72 : memref<!tpu.dma_semaphore, #tpu.memory_space<semaphore_mem>>) src(%arg61 : memref<2048xf32, #tpu.memory_space<vmem>>) dst(%dma_wait3A_203 : memref<2048xf32, #tpu.memory_space<hbm>>)
        %dma_wait3A_204 = tpu.memref_slice %arg8[%mul3A_199] : memref<1048576xf32, #tpu.memory_space<hbm>> -> memref<2048xf32, #tpu.memory_space<hbm>>
        %dma_wait3A_205 = tpu.memref_slice %arg8[%mul3A_199] : memref<1048576xf32, #tpu.memory_space<hbm>> -> memref<2048xf32, #tpu.memory_space<hbm>>
        tpu.wait_dma2 semaphore(%arg72 : memref<!tpu.dma_semaphore, #tpu.memory_space<semaphore_mem>>) src(%arg62 : memref<2048xf32, #tpu.memory_space<vmem>>) dst(%dma_wait3A_205 : memref<2048xf32, #tpu.memory_space<hbm>>)
        %dma_wait3A_206 = tpu.memref_slice %arg9[%mul3A_199] : memref<1048576xf32, #tpu.memory_space<hbm>> -> memref<2048xf32, #tpu.memory_space<hbm>>
        %dma_wait3A_207 = tpu.memref_slice %arg9[%mul3A_199] : memref<1048576xf32, #tpu.memory_space<hbm>> -> memref<2048xf32, #tpu.memory_space<hbm>>
        tpu.wait_dma2 semaphore(%arg72 : memref<!tpu.dma_semaphore, #tpu.memory_space<semaphore_mem>>) src(%arg63 : memref<2048xf32, #tpu.memory_space<vmem>>) dst(%dma_wait3A_207 : memref<2048xf32, #tpu.memory_space<hbm>>)
      } else {
      }
      %parallel_loop3A_136 = arith.constant 0 : i32
      %parallel_loop3A_137 = arith.constant 128 : i32
      %parallel_loop3A_138 = arith.constant 1 : i32
      scf.for %parallel_loop3A_198 = %parallel_loop3A_136 to %parallel_loop3A_137 step %parallel_loop3A_138  : i32 {
        %parallel_loop3A_199 = arith.constant 16 : i32
        %parallel_loop3A_200 = arith.muli %parallel_loop3A_198, %parallel_loop3A_199 : i32
        %parallel_loop3A_201 = arith.index_cast %parallel_loop3A_200 : i32 to index
        %parallel_loop3A_202 = tpu.vector_load %arg48[%parallel_loop3A_201] {strides = array<i32>} : memref<2048xf32, #tpu.memory_space<vmem>>, vector<16xf32>,
        %parallel_loop3A_203 = vector.shape_cast %parallel_loop3A_202 : vector<16xf32> to vector<16xf32>
        %parallel_loop3A_204 = arith.index_cast %parallel_loop3A_200 : i32 to index
        %parallel_loop3A_205 = tpu.vector_load %arg49[%parallel_loop3A_204] {strides = array<i32>} : memref<2048xf32, #tpu.memory_space<vmem>>, vector<16xf32>,
        %parallel_loop3A_206 = vector.shape_cast %parallel_loop3A_205 : vector<16xf32> to vector<16xf32>
        %parallel_loop3A_207 = arith.index_cast %parallel_loop3A_200 : i32 to index
        %parallel_loop3A_208 = tpu.vector_load %arg50[%parallel_loop3A_207] {strides = array<i32>} : memref<2048xf32, #tpu.memory_space<vmem>>, vector<16xf32>,
        %parallel_loop3A_209 = vector.shape_cast %parallel_loop3A_208 : vector<16xf32> to vector<16xf32>
        %parallel_loop3A_210 = arith.index_cast %parallel_loop3A_200 : i32 to index
        %parallel_loop3A_211 = tpu.vector_load %arg54[%parallel_loop3A_210] {strides = array<i32>} : memref<2048xf32, #tpu.memory_space<vmem>>, vector<16xf32>,
        %parallel_loop3A_212 = vector.shape_cast %parallel_loop3A_211 : vector<16xf32> to vector<16xf32>
        %parallel_loop3A_213 = arith.index_cast %parallel_loop3A_200 : i32 to index
        %parallel_loop3A_214 = tpu.vector_load %arg55[%parallel_loop3A_213] {strides = array<i32>} : memref<2048xf32, #tpu.memory_space<vmem>>, vector<16xf32>,
        %parallel_loop3A_215 = vector.shape_cast %parallel_loop3A_214 : vector<16xf32> to vector<16xf32>
        %parallel_loop3A_216 = arith.index_cast %parallel_loop3A_200 : i32 to index
        %parallel_loop3A_217 = tpu.vector_load %arg56[%parallel_loop3A_216] {strides = array<i32>} : memref<2048xf32, #tpu.memory_space<vmem>>, vector<16xf32>,
        %parallel_loop3A_218 = vector.shape_cast %parallel_loop3A_217 : vector<16xf32> to vector<16xf32>
        %parallel_loop3A_219 = arith.index_cast %parallel_loop3A_200 : i32 to index
        %parallel_loop3A_220 = tpu.vector_load %arg32[%parallel_loop3A_219] {strides = array<i32>} : memref<2048xf32, #tpu.memory_space<vmem>>, vector<16xf32>,
        %parallel_loop3A_221 = vector.shape_cast %parallel_loop3A_220 : vector<16xf32> to vector<16xf32>
        %parallel_loop3A_222 = arith.index_cast %parallel_loop3A_200 : i32 to index
        %parallel_loop3A_223 = tpu.vector_load %arg33[%parallel_loop3A_222] {strides = array<i32>} : memref<2048xf32, #tpu.memory_space<vmem>>, vector<16xf32>,
        %parallel_loop3A_224 = vector.shape_cast %parallel_loop3A_223 : vector<16xf32> to vector<16xf32>
        %parallel_loop3A_225 = arith.index_cast %parallel_loop3A_200 : i32 to index
        %parallel_loop3A_226 = tpu.vector_load %arg34[%parallel_loop3A_225] {strides = array<i32>} : memref<2048xf32, #tpu.memory_space<vmem>>, vector<16xf32>,
        %parallel_loop3A_227 = vector.shape_cast %parallel_loop3A_226 : vector<16xf32> to vector<16xf32>
        %parallel_loop3A_228 = arith.index_cast %parallel_loop3A_200 : i32 to index
        %parallel_loop3A_229 = tpu.vector_load %arg35[%parallel_loop3A_228] {strides = array<i32>} : memref<2048xf32, #tpu.memory_space<vmem>>, vector<16xf32>,
        %parallel_loop3A_230 = vector.shape_cast %parallel_loop3A_229 : vector<16xf32> to vector<16xf32>
        %parallel_loop3A_231 = arith.index_cast %parallel_loop3A_200 : i32 to index
        %parallel_loop3A_232 = tpu.vector_load %arg36[%parallel_loop3A_231] {strides = array<i32>} : memref<2048xf32, #tpu.memory_space<vmem>>, vector<16xf32>,
        %parallel_loop3A_233 = vector.shape_cast %parallel_loop3A_232 : vector<16xf32> to vector<16xf32>
        %parallel_loop3A_234 = arith.index_cast %parallel_loop3A_200 : i32 to index
        %parallel_loop3A_235 = tpu.vector_load %arg37[%parallel_loop3A_234] {strides = array<i32>} : memref<2048xf32, #tpu.memory_space<vmem>>, vector<16xf32>,
        %parallel_loop3A_236 = vector.shape_cast %parallel_loop3A_235 : vector<16xf32> to vector<16xf32>
        %parallel_loop3A_237 = arith.index_cast %parallel_loop3A_200 : i32 to index
        %parallel_loop3A_238 = tpu.vector_load %arg38[%parallel_loop3A_237] {strides = array<i32>} : memref<2048xf32, #tpu.memory_space<vmem>>, vector<16xf32>,
        %parallel_loop3A_239 = vector.shape_cast %parallel_loop3A_238 : vector<16xf32> to vector<16xf32>
        %parallel_loop3A_240 = arith.index_cast %parallel_loop3A_200 : i32 to index
        %parallel_loop3A_241 = tpu.vector_load %arg39[%parallel_loop3A_240] {strides = array<i32>} : memref<2048xf32, #tpu.memory_space<vmem>>, vector<16xf32>,
        %parallel_loop3A_242 = vector.shape_cast %parallel_loop3A_241 : vector<16xf32> to vector<16xf32>
        %parallel_loop3A_243 = arith.constant 1.000000e+00 : f32
        %parallel_loop3A_244 = vector.broadcast %parallel_loop3A_243 : f32 to vector<16xf32>
        %parallel_loop3A_245 = arith.subf %parallel_loop3A_244, %parallel_loop3A_209 : vector<16xf32>
        %parallel_loop3A_246 = arith.mulf %parallel_loop3A_245, %parallel_loop3A_221 : vector<16xf32>
        %parallel_loop3A_247 = arith.mulf %parallel_loop3A_209, %parallel_loop3A_224 : vector<16xf32>
        %parallel_loop3A_248 = arith.addf %parallel_loop3A_246, %parallel_loop3A_247 : vector<16xf32>
        %parallel_loop3A_249 = arith.mulf %parallel_loop3A_245, %parallel_loop3A_227 : vector<16xf32>
        %parallel_loop3A_250 = arith.mulf %parallel_loop3A_209, %parallel_loop3A_230 : vector<16xf32>
        %parallel_loop3A_251 = arith.addf %parallel_loop3A_249, %parallel_loop3A_250 : vector<16xf32>
        %parallel_loop3A_252 = arith.mulf %parallel_loop3A_245, %parallel_loop3A_233 : vector<16xf32>
        %parallel_loop3A_253 = arith.mulf %parallel_loop3A_209, %parallel_loop3A_236 : vector<16xf32>
        %parallel_loop3A_254 = arith.addf %parallel_loop3A_252, %parallel_loop3A_253 : vector<16xf32>
        %parallel_loop3A_255 = arith.mulf %parallel_loop3A_245, %parallel_loop3A_239 : vector<16xf32>
        %parallel_loop3A_256 = arith.mulf %parallel_loop3A_209, %parallel_loop3A_242 : vector<16xf32>
        %parallel_loop3A_257 = arith.addf %parallel_loop3A_255, %parallel_loop3A_256 : vector<16xf32>
        %parallel_loop3A_258 = arith.subf %parallel_loop3A_224, %parallel_loop3A_221 : vector<16xf32>
        %parallel_loop3A_259 = arith.subf %parallel_loop3A_230, %parallel_loop3A_227 : vector<16xf32>
        %parallel_loop3A_260 = arith.subf %parallel_loop3A_236, %parallel_loop3A_233 : vector<16xf32>
        %parallel_loop3A_261 = arith.subf %parallel_loop3A_242, %parallel_loop3A_239 : vector<16xf32>
        %parallel_loop3A_262 = arith.constant 1.000000e+00 : f32
        %parallel_loop3A_263 = vector.broadcast %parallel_loop3A_262 : f32 to vector<16xf32>
        %parallel_loop3A_264 = arith.subf %parallel_loop3A_263, %parallel_loop3A_206 : vector<16xf32>
        %parallel_loop3A_265 = arith.mulf %parallel_loop3A_264, %parallel_loop3A_248 : vector<16xf32>
        %parallel_loop3A_266 = arith.mulf %parallel_loop3A_206, %parallel_loop3A_251 : vector<16xf32>
        %parallel_loop3A_267 = arith.addf %parallel_loop3A_265, %parallel_loop3A_266 : vector<16xf32>
        %parallel_loop3A_268 = arith.mulf %parallel_loop3A_264, %parallel_loop3A_254 : vector<16xf32>
        %parallel_loop3A_269 = arith.mulf %parallel_loop3A_206, %parallel_loop3A_257 : vector<16xf32>
        %parallel_loop3A_270 = arith.addf %parallel_loop3A_268, %parallel_loop3A_269 : vector<16xf32>
        %parallel_loop3A_271 = arith.mulf %parallel_loop3A_264, %parallel_loop3A_258 : vector<16xf32>
        %parallel_loop3A_272 = arith.mulf %parallel_loop3A_206, %parallel_loop3A_259 : vector<16xf32>
        %parallel_loop3A_273 = arith.addf %parallel_loop3A_271, %parallel_loop3A_272 : vector<16xf32>
        %parallel_loop3A_274 = arith.mulf %parallel_loop3A_264, %parallel_loop3A_260 : vector<16xf32>
        %parallel_loop3A_275 = arith.mulf %parallel_loop3A_206, %parallel_loop3A_261 : vector<16xf32>
        %parallel_loop3A_276 = arith.addf %parallel_loop3A_274, %parallel_loop3A_275 : vector<16xf32>
        %parallel_loop3A_277 = arith.subf %parallel_loop3A_251, %parallel_loop3A_248 : vector<16xf32>
        %parallel_loop3A_278 = arith.subf %parallel_loop3A_257, %parallel_loop3A_254 : vector<16xf32>
        %parallel_loop3A_279 = arith.constant 1.000000e+00 : f32
        %parallel_loop3A_280 = vector.broadcast %parallel_loop3A_279 : f32 to vector<16xf32>
        %parallel_loop3A_281 = arith.subf %parallel_loop3A_280, %parallel_loop3A_203 : vector<16xf32>
        %parallel_loop3A_282 = arith.mulf %parallel_loop3A_281, %parallel_loop3A_267 : vector<16xf32>
        %parallel_loop3A_283 = arith.mulf %parallel_loop3A_203, %parallel_loop3A_270 : vector<16xf32>
        %parallel_loop3A_284 = arith.addf %parallel_loop3A_282, %parallel_loop3A_283 : vector<16xf32>
        %parallel_loop3A_285 = arith.index_cast %parallel_loop3A_200 : i32 to index
        %parallel_loop3A_286 = tpu.vector_load %arg60[%parallel_loop3A_285] {strides = array<i32>} : memref<2048xf32, #tpu.memory_space<vmem>>, vector<16xf32>,
        %parallel_loop3A_287 = vector.shape_cast %parallel_loop3A_286 : vector<16xf32> to vector<16xf32>
        %parallel_loop3A_288 = vector.shape_cast %parallel_loop3A_284 : vector<16xf32> to vector<16xf32>
        tpu.vector_store %arg60[%parallel_loop3A_285], %parallel_loop3A_288 {strides = array<i32>} : memref<2048xf32, #tpu.memory_space<vmem>>, vector<16xf32>,
        %parallel_loop3A_289 = arith.mulf %parallel_loop3A_281, %parallel_loop3A_273 : vector<16xf32>
        %parallel_loop3A_290 = arith.mulf %parallel_loop3A_203, %parallel_loop3A_276 : vector<16xf32>
        %parallel_loop3A_291 = arith.addf %parallel_loop3A_289, %parallel_loop3A_290 : vector<16xf32>
        %parallel_loop3A_292 = arith.mulf %parallel_loop3A_218, %parallel_loop3A_291 : vector<16xf32>
        %parallel_loop3A_293 = arith.index_cast %parallel_loop3A_200 : i32 to index
        %parallel_loop3A_294 = tpu.vector_load %arg63[%parallel_loop3A_293] {strides = array<i32>} : memref<2048xf32, #tpu.memory_space<vmem>>, vector<16xf32>,
        %parallel_loop3A_295 = vector.shape_cast %parallel_loop3A_294 : vector<16xf32> to vector<16xf32>
        %parallel_loop3A_296 = vector.shape_cast %parallel_loop3A_292 : vector<16xf32> to vector<16xf32>
        tpu.vector_store %arg63[%parallel_loop3A_293], %parallel_loop3A_296 {strides = array<i32>} : memref<2048xf32, #tpu.memory_space<vmem>>, vector<16xf32>,
        %parallel_loop3A_297 = arith.mulf %parallel_loop3A_281, %parallel_loop3A_277 : vector<16xf32>
        %parallel_loop3A_298 = arith.mulf %parallel_loop3A_203, %parallel_loop3A_278 : vector<16xf32>
        %parallel_loop3A_299 = arith.addf %parallel_loop3A_297, %parallel_loop3A_298 : vector<16xf32>
        %parallel_loop3A_300 = arith.mulf %parallel_loop3A_215, %parallel_loop3A_299 : vector<16xf32>
        %parallel_loop3A_301 = arith.index_cast %parallel_loop3A_200 : i32 to index
        %parallel_loop3A_302 = tpu.vector_load %arg62[%parallel_loop3A_301] {strides = array<i32>} : memref<2048xf32, #tpu.memory_space<vmem>>, vector<16xf32>,
        %parallel_loop3A_303 = vector.shape_cast %parallel_loop3A_302 : vector<16xf32> to vector<16xf32>
        %parallel_loop3A_304 = vector.shape_cast %parallel_loop3A_300 : vector<16xf32> to vector<16xf32>
        tpu.vector_store %arg62[%parallel_loop3A_301], %parallel_loop3A_304 {strides = array<i32>} : memref<2048xf32, #tpu.memory_space<vmem>>, vector<16xf32>,
        %parallel_loop3A_305 = arith.subf %parallel_loop3A_270, %parallel_loop3A_267 : vector<16xf32>
        %parallel_loop3A_306 = arith.mulf %parallel_loop3A_212, %parallel_loop3A_305 : vector<16xf32>
        %parallel_loop3A_307 = arith.index_cast %parallel_loop3A_200 : i32 to index
        %parallel_loop3A_308 = tpu.vector_load %arg61[%parallel_loop3A_307] {strides = array<i32>} : memref<2048xf32, #tpu.memory_space<vmem>>, vector<16xf32>,
        %parallel_loop3A_309 = vector.shape_cast %parallel_loop3A_308 : vector<16xf32> to vector<16xf32>
        %parallel_loop3A_310 = vector.shape_cast %parallel_loop3A_306 : vector<16xf32> to vector<16xf32>
        tpu.vector_store %arg61[%parallel_loop3A_307], %parallel_loop3A_310 {strides = array<i32>} : memref<2048xf32, #tpu.memory_space<vmem>>, vector<16xf32>,
      } {sc.loop_unroll_factor = 4 : i64, sc.parallel_access}
      %mul3A_139 = arith.constant 32768 : i32
      %mul3A_140 = arith.muli %add3A, %mul3A_139 : i32
      %mul3A_141 = arith.constant 2048 : i32
      %mul3A_142 = arith.muli %mul3A_82, %mul3A_141 : i32
      %add3A_143 = arith.addi %mul3A_140, %mul3A_142 : i32
      %dma_start3A_144 = tpu.memref_slice %arg6[%add3A_143] : memref<1048576xf32, #tpu.memory_space<hbm>> -> memref<2048xf32, #tpu.memory_space<hbm>>
      %dma_start3A_145 = tpu.memref_slice %arg6[%add3A_143] : memref<1048576xf32, #tpu.memory_space<hbm>> -> memref<2048xf32, #tpu.memory_space<hbm>>
      tpu.enqueue_dma source(%arg60 : memref<2048xf32, #tpu.memory_space<vmem>>) target(%dma_start3A_145 : memref<2048xf32, #tpu.memory_space<hbm>>) target_semaphore(%arg72 : memref<!tpu.dma_semaphore, #tpu.memory_space<semaphore_mem>>)
      %dma_start3A_146 = tpu.memref_slice %arg7[%add3A_143] : memref<1048576xf32, #tpu.memory_space<hbm>> -> memref<2048xf32, #tpu.memory_space<hbm>>
      %dma_start3A_147 = tpu.memref_slice %arg7[%add3A_143] : memref<1048576xf32, #tpu.memory_space<hbm>> -> memref<2048xf32, #tpu.memory_space<hbm>>
      tpu.enqueue_dma source(%arg61 : memref<2048xf32, #tpu.memory_space<vmem>>) target(%dma_start3A_147 : memref<2048xf32, #tpu.memory_space<hbm>>) target_semaphore(%arg72 : memref<!tpu.dma_semaphore, #tpu.memory_space<semaphore_mem>>)
      %dma_start3A_148 = tpu.memref_slice %arg8[%add3A_143] : memref<1048576xf32, #tpu.memory_space<hbm>> -> memref<2048xf32, #tpu.memory_space<hbm>>
      %dma_start3A_149 = tpu.memref_slice %arg8[%add3A_143] : memref<1048576xf32, #tpu.memory_space<hbm>> -> memref<2048xf32, #tpu.memory_space<hbm>>
      tpu.enqueue_dma source(%arg62 : memref<2048xf32, #tpu.memory_space<vmem>>) target(%dma_start3A_149 : memref<2048xf32, #tpu.memory_space<hbm>>) target_semaphore(%arg72 : memref<!tpu.dma_semaphore, #tpu.memory_space<semaphore_mem>>)
      %dma_start3A_150 = tpu.memref_slice %arg9[%add3A_143] : memref<1048576xf32, #tpu.memory_space<hbm>> -> memref<2048xf32, #tpu.memory_space<hbm>>
      %dma_start3A_151 = tpu.memref_slice %arg9[%add3A_143] : memref<1048576xf32, #tpu.memory_space<hbm>> -> memref<2048xf32, #tpu.memory_space<hbm>>
      tpu.enqueue_dma source(%arg63 : memref<2048xf32, #tpu.memory_space<vmem>>) target(%dma_start3A_151 : memref<2048xf32, #tpu.memory_space<hbm>>) target_semaphore(%arg72 : memref<!tpu.dma_semaphore, #tpu.memory_space<semaphore_mem>>)
      %add3A_152 = arith.constant 2 : i32
      %add3A_153 = arith.addi %mul3A_82, %add3A_152 : i32
      %lt3A_154 = arith.constant 16 : i32
      %lt3A_155 = arith.cmpi slt, %add3A_153, %lt3A_154 : i32
      %convert_element_type3A_156 = arith.extui %lt3A_155 : i1 to i32
      %cond3A_157 = arith.constant 0 : i32
      %cond3A_158 = arith.cmpi ne, %convert_element_type3A_156, %cond3A_157 : i32
      scf.if %cond3A_158 {
        %add3A_198 = arith.constant 2 : i32
        %add3A_199 = arith.addi %mul3A_82, %add3A_198 : i32
        %mul3A_200 = arith.constant 32768 : i32
        %mul3A_201 = arith.muli %add3A, %mul3A_200 : i32
        %dma_wait3A_202 = tpu.memref_slice %arg2[%mul3A_201] : memref<1048576xf32, #tpu.memory_space<hbm>> -> memref<2048xf32, #tpu.memory_space<hbm>>
        %dma_wait3A_203 = tpu.memref_slice %arg2[%mul3A_201] : memref<1048576xf32, #tpu.memory_space<hbm>> -> memref<2048xf32, #tpu.memory_space<hbm>>
        tpu.wait_dma2 semaphore(%arg70 : memref<!tpu.dma_semaphore, #tpu.memory_space<semaphore_mem>>) src(%dma_wait3A_203 : memref<2048xf32, #tpu.memory_space<hbm>>) dst(%arg10 : memref<2048xf32, #tpu.memory_space<vmem>>)
        %dma_wait3A_204 = tpu.memref_slice %arg3[%mul3A_201] : memref<1048576xf32, #tpu.memory_space<hbm>> -> memref<2048xf32, #tpu.memory_space<hbm>>
        %dma_wait3A_205 = tpu.memref_slice %arg3[%mul3A_201] : memref<1048576xf32, #tpu.memory_space<hbm>> -> memref<2048xf32, #tpu.memory_space<hbm>>
        tpu.wait_dma2 semaphore(%arg70 : memref<!tpu.dma_semaphore, #tpu.memory_space<semaphore_mem>>) src(%dma_wait3A_205 : memref<2048xf32, #tpu.memory_space<hbm>>) dst(%arg11 : memref<2048xf32, #tpu.memory_space<vmem>>)
        %dma_wait3A_206 = tpu.memref_slice %arg4[%mul3A_201] : memref<1048576xf32, #tpu.memory_space<hbm>> -> memref<2048xf32, #tpu.memory_space<hbm>>
        %dma_wait3A_207 = tpu.memref_slice %arg4[%mul3A_201] : memref<1048576xf32, #tpu.memory_space<hbm>> -> memref<2048xf32, #tpu.memory_space<hbm>>
        tpu.wait_dma2 semaphore(%arg70 : memref<!tpu.dma_semaphore, #tpu.memory_space<semaphore_mem>>) src(%dma_wait3A_207 : memref<2048xf32, #tpu.memory_space<hbm>>) dst(%arg12 : memref<2048xf32, #tpu.memory_space<vmem>>)
        %parallel_loop3A_208 = arith.constant 0 : i32
        %parallel_loop3A_209 = arith.constant 128 : i32
        %parallel_loop3A_210 = arith.constant 1 : i32
        scf.for %parallel_loop3A_234 = %parallel_loop3A_208 to %parallel_loop3A_209 step %parallel_loop3A_210  : i32 {
          %parallel_loop3A_235 = arith.constant 16 : i32
          %parallel_loop3A_236 = arith.muli %parallel_loop3A_234, %parallel_loop3A_235 : i32
          %parallel_loop3A_237 = arith.index_cast %parallel_loop3A_236 : i32 to index
          %parallel_loop3A_238 = tpu.vector_load %arg10[%parallel_loop3A_237] {strides = array<i32>} : memref<2048xf32, #tpu.memory_space<vmem>>, vector<16xf32>,
          %parallel_loop3A_239 = vector.shape_cast %parallel_loop3A_238 : vector<16xf32> to vector<16xf32>
          %parallel_loop3A_240 = arith.constant 1.000000e+00 : f32
          %parallel_loop3A_241 = vector.broadcast %parallel_loop3A_240 : f32 to vector<16xf32>
          %parallel_loop3A_242 = arith.addf %parallel_loop3A_239, %parallel_loop3A_241 : vector<16xf32>
          %parallel_loop3A_243 = arith.constant 6.400000e+01 : f32
          %parallel_loop3A_244 = vector.broadcast %parallel_loop3A_243 : f32 to vector<16xf32>
          %parallel_loop3A_245 = arith.mulf %parallel_loop3A_242, %parallel_loop3A_244 : vector<16xf32>
          %parallel_loop3A_246 = arith.constant 0.000000e+00 : f32
          %parallel_loop3A_247 = vector.broadcast %parallel_loop3A_246 : f32 to vector<16xf32>
          %parallel_loop3A_248 = arith.maximumf %parallel_loop3A_245, %parallel_loop3A_247 : vector<16xf32>
          %parallel_loop3A_249 = arith.constant 1.270000e+02 : f32
          %parallel_loop3A_250 = vector.broadcast %parallel_loop3A_249 : f32 to vector<16xf32>
          %parallel_loop3A_251 = arith.minimumf %parallel_loop3A_248, %parallel_loop3A_250 : vector<16xf32>
          %parallel_loop3A_252 = arith.fptosi %parallel_loop3A_251 : vector<16xf32> to vector<16xi32>
          %parallel_loop3A_253 = arith.sitofp %parallel_loop3A_252 : vector<16xi32> to vector<16xf32>
          %parallel_loop3A_254 = arith.subf %parallel_loop3A_251, %parallel_loop3A_253 : vector<16xf32>
          %parallel_loop3A_255 = arith.constant 0.000000e+00 : f32
          %parallel_loop3A_256 = vector.broadcast %parallel_loop3A_255 : f32 to vector<16xf32>
          %parallel_loop3A_257 = arith.cmpf ogt, %parallel_loop3A_245, %parallel_loop3A_256 : vector<16xf32>
          %parallel_loop3A_258 = arith.constant 1.270000e+02 : f32
          %parallel_loop3A_259 = vector.broadcast %parallel_loop3A_258 : f32 to vector<16xf32>
          %parallel_loop3A_260 = arith.cmpf olt, %parallel_loop3A_245, %parallel_loop3A_259 : vector<16xf32>
          %parallel_loop3A_261 = arith.andi %parallel_loop3A_257, %parallel_loop3A_260 : vector<16xi1>
          %parallel_loop3A_262 = arith.constant 0.000000e+00 : f32
          %parallel_loop3A_263 = vector.broadcast %parallel_loop3A_262 : f32 to vector<16xf32>
          %parallel_loop3A_264 = arith.cmpf oeq, %parallel_loop3A_245, %parallel_loop3A_263 : vector<16xf32>
          %parallel_loop3A_265 = arith.constant 1.270000e+02 : f32
          %parallel_loop3A_266 = vector.broadcast %parallel_loop3A_265 : f32 to vector<16xf32>
          %parallel_loop3A_267 = arith.cmpf oeq, %parallel_loop3A_245, %parallel_loop3A_266 : vector<16xf32>
          %parallel_loop3A_268 = arith.ori %parallel_loop3A_264, %parallel_loop3A_267 : vector<16xi1>
          %parallel_loop3A_269 = arith.constant 3.200000e+01 : f32
          %parallel_loop3A_270 = arith.constant 0.000000e+00 : f32
          %parallel_loop3A_271 = vector.broadcast %parallel_loop3A_269 : f32 to vector<16xf32>
          %parallel_loop3A_272 = vector.broadcast %parallel_loop3A_270 : f32 to vector<16xf32>
          %parallel_loop3A_273 = arith.select %parallel_loop3A_268, %parallel_loop3A_271, %parallel_loop3A_272 : vector<16xi1>, vector<16xf32>
          %parallel_loop3A_274 = arith.constant 6.400000e+01 : f32
          %parallel_loop3A_275 = vector.broadcast %parallel_loop3A_274 : f32 to vector<16xf32>
          %parallel_loop3A_276 = arith.select %parallel_loop3A_261, %parallel_loop3A_275, %parallel_loop3A_273 : vector<16xi1>, vector<16xf32>
          %parallel_loop3A_277 = arith.index_cast %parallel_loop3A_236 : i32 to index
          %parallel_loop3A_278 = tpu.vector_load %arg11[%parallel_loop3A_277] {strides = array<i32>} : memref<2048xf32, #tpu.memory_space<vmem>>, vector<16xf32>,
          %parallel_loop3A_279 = vector.shape_cast %parallel_loop3A_278 : vector<16xf32> to vector<16xf32>
          %parallel_loop3A_280 = arith.constant 1.000000e+00 : f32
          %parallel_loop3A_281 = vector.broadcast %parallel_loop3A_280 : f32 to vector<16xf32>
          %parallel_loop3A_282 = arith.addf %parallel_loop3A_279, %parallel_loop3A_281 : vector<16xf32>
          %parallel_loop3A_283 = arith.constant 6.400000e+01 : f32
          %parallel_loop3A_284 = vector.broadcast %parallel_loop3A_283 : f32 to vector<16xf32>
          %parallel_loop3A_285 = arith.mulf %parallel_loop3A_282, %parallel_loop3A_284 : vector<16xf32>
          %parallel_loop3A_286 = arith.constant 0.000000e+00 : f32
          %parallel_loop3A_287 = vector.broadcast %parallel_loop3A_286 : f32 to vector<16xf32>
          %parallel_loop3A_288 = arith.maximumf %parallel_loop3A_285, %parallel_loop3A_287 : vector<16xf32>
          %parallel_loop3A_289 = arith.constant 1.270000e+02 : f32
          %parallel_loop3A_290 = vector.broadcast %parallel_loop3A_289 : f32 to vector<16xf32>
          %parallel_loop3A_291 = arith.minimumf %parallel_loop3A_288, %parallel_loop3A_290 : vector<16xf32>
          %parallel_loop3A_292 = arith.fptosi %parallel_loop3A_291 : vector<16xf32> to vector<16xi32>
          %parallel_loop3A_293 = arith.sitofp %parallel_loop3A_292 : vector<16xi32> to vector<16xf32>
          %parallel_loop3A_294 = arith.subf %parallel_loop3A_291, %parallel_loop3A_293 : vector<16xf32>
          %parallel_loop3A_295 = arith.constant 0.000000e+00 : f32
          %parallel_loop3A_296 = vector.broadcast %parallel_loop3A_295 : f32 to vector<16xf32>
          %parallel_loop3A_297 = arith.cmpf ogt, %parallel_loop3A_285, %parallel_loop3A_296 : vector<16xf32>
          %parallel_loop3A_298 = arith.constant 1.270000e+02 : f32
          %parallel_loop3A_299 = vector.broadcast %parallel_loop3A_298 : f32 to vector<16xf32>
          %parallel_loop3A_300 = arith.cmpf olt, %parallel_loop3A_285, %parallel_loop3A_299 : vector<16xf32>
          %parallel_loop3A_301 = arith.andi %parallel_loop3A_297, %parallel_loop3A_300 : vector<16xi1>
          %parallel_loop3A_302 = arith.constant 0.000000e+00 : f32
          %parallel_loop3A_303 = vector.broadcast %parallel_loop3A_302 : f32 to vector<16xf32>
          %parallel_loop3A_304 = arith.cmpf oeq, %parallel_loop3A_285, %parallel_loop3A_303 : vector<16xf32>
          %parallel_loop3A_305 = arith.constant 1.270000e+02 : f32
          %parallel_loop3A_306 = vector.broadcast %parallel_loop3A_305 : f32 to vector<16xf32>
          %parallel_loop3A_307 = arith.cmpf oeq, %parallel_loop3A_285, %parallel_loop3A_306 : vector<16xf32>
          %parallel_loop3A_308 = arith.ori %parallel_loop3A_304, %parallel_loop3A_307 : vector<16xi1>
          %parallel_loop3A_309 = arith.constant 3.200000e+01 : f32
          %parallel_loop3A_310 = arith.constant 0.000000e+00 : f32
          %parallel_loop3A_311 = vector.broadcast %parallel_loop3A_309 : f32 to vector<16xf32>
          %parallel_loop3A_312 = vector.broadcast %parallel_loop3A_310 : f32 to vector<16xf32>
          %parallel_loop3A_313 = arith.select %parallel_loop3A_308, %parallel_loop3A_311, %parallel_loop3A_312 : vector<16xi1>, vector<16xf32>
          %parallel_loop3A_314 = arith.constant 6.400000e+01 : f32
          %parallel_loop3A_315 = vector.broadcast %parallel_loop3A_314 : f32 to vector<16xf32>
          %parallel_loop3A_316 = arith.select %parallel_loop3A_301, %parallel_loop3A_315, %parallel_loop3A_313 : vector<16xi1>, vector<16xf32>
          %parallel_loop3A_317 = arith.index_cast %parallel_loop3A_236 : i32 to index
          %parallel_loop3A_318 = tpu.vector_load %arg12[%parallel_loop3A_317] {strides = array<i32>} : memref<2048xf32, #tpu.memory_space<vmem>>, vector<16xf32>,
          %parallel_loop3A_319 = vector.shape_cast %parallel_loop3A_318 : vector<16xf32> to vector<16xf32>
          %parallel_loop3A_320 = arith.constant 1.000000e+00 : f32
          %parallel_loop3A_321 = vector.broadcast %parallel_loop3A_320 : f32 to vector<16xf32>
          %parallel_loop3A_322 = arith.addf %parallel_loop3A_319, %parallel_loop3A_321 : vector<16xf32>
          %parallel_loop3A_323 = arith.constant 6.400000e+01 : f32
          %parallel_loop3A_324 = vector.broadcast %parallel_loop3A_323 : f32 to vector<16xf32>
          %parallel_loop3A_325 = arith.mulf %parallel_loop3A_322, %parallel_loop3A_324 : vector<16xf32>
          %parallel_loop3A_326 = arith.constant 0.000000e+00 : f32
          %parallel_loop3A_327 = vector.broadcast %parallel_loop3A_326 : f32 to vector<16xf32>
          %parallel_loop3A_328 = arith.maximumf %parallel_loop3A_325, %parallel_loop3A_327 : vector<16xf32>
          %parallel_loop3A_329 = arith.constant 1.270000e+02 : f32
          %parallel_loop3A_330 = vector.broadcast %parallel_loop3A_329 : f32 to vector<16xf32>
          %parallel_loop3A_331 = arith.minimumf %parallel_loop3A_328, %parallel_loop3A_330 : vector<16xf32>
          %parallel_loop3A_332 = arith.fptosi %parallel_loop3A_331 : vector<16xf32> to vector<16xi32>
          %parallel_loop3A_333 = arith.sitofp %parallel_loop3A_332 : vector<16xi32> to vector<16xf32>
          %parallel_loop3A_334 = arith.subf %parallel_loop3A_331, %parallel_loop3A_333 : vector<16xf32>
          %parallel_loop3A_335 = arith.constant 0.000000e+00 : f32
          %parallel_loop3A_336 = vector.broadcast %parallel_loop3A_335 : f32 to vector<16xf32>
          %parallel_loop3A_337 = arith.cmpf ogt, %parallel_loop3A_325, %parallel_loop3A_336 : vector<16xf32>
          %parallel_loop3A_338 = arith.constant 1.270000e+02 : f32
          %parallel_loop3A_339 = vector.broadcast %parallel_loop3A_338 : f32 to vector<16xf32>
          %parallel_loop3A_340 = arith.cmpf olt, %parallel_loop3A_325, %parallel_loop3A_339 : vector<16xf32>
          %parallel_loop3A_341 = arith.andi %parallel_loop3A_337, %parallel_loop3A_340 : vector<16xi1>
          %parallel_loop3A_342 = arith.constant 0.000000e+00 : f32
          %parallel_loop3A_343 = vector.broadcast %parallel_loop3A_342 : f32 to vector<16xf32>
          %parallel_loop3A_344 = arith.cmpf oeq, %parallel_loop3A_325, %parallel_loop3A_343 : vector<16xf32>
          %parallel_loop3A_345 = arith.constant 1.270000e+02 : f32
          %parallel_loop3A_346 = vector.broadcast %parallel_loop3A_345 : f32 to vector<16xf32>
          %parallel_loop3A_347 = arith.cmpf oeq, %parallel_loop3A_325, %parallel_loop3A_346 : vector<16xf32>
          %parallel_loop3A_348 = arith.ori %parallel_loop3A_344, %parallel_loop3A_347 : vector<16xi1>
          %parallel_loop3A_349 = arith.constant 3.200000e+01 : f32
          %parallel_loop3A_350 = arith.constant 0.000000e+00 : f32
          %parallel_loop3A_351 = vector.broadcast %parallel_loop3A_349 : f32 to vector<16xf32>
          %parallel_loop3A_352 = vector.broadcast %parallel_loop3A_350 : f32 to vector<16xf32>
          %parallel_loop3A_353 = arith.select %parallel_loop3A_348, %parallel_loop3A_351, %parallel_loop3A_352 : vector<16xi1>, vector<16xf32>
          %parallel_loop3A_354 = arith.constant 6.400000e+01 : f32
          %parallel_loop3A_355 = vector.broadcast %parallel_loop3A_354 : f32 to vector<16xf32>
          %parallel_loop3A_356 = arith.select %parallel_loop3A_341, %parallel_loop3A_355, %parallel_loop3A_353 : vector<16xi1>, vector<16xf32>
          %parallel_loop3A_357 = arith.constant 1 : i32
          %parallel_loop3A_358 = vector.broadcast %parallel_loop3A_357 : i32 to vector<16xi32>
          %parallel_loop3A_359 = arith.addi %parallel_loop3A_252, %parallel_loop3A_358 : vector<16xi32>
          %parallel_loop3A_360 = arith.constant 127 : i32
          %parallel_loop3A_361 = vector.broadcast %parallel_loop3A_360 : i32 to vector<16xi32>
          %parallel_loop3A_362 = arith.minsi %parallel_loop3A_359, %parallel_loop3A_361 : vector<16xi32>
          %parallel_loop3A_363 = arith.constant 1 : i32
          %parallel_loop3A_364 = vector.broadcast %parallel_loop3A_363 : i32 to vector<16xi32>
          %parallel_loop3A_365 = arith.addi %parallel_loop3A_292, %parallel_loop3A_364 : vector<16xi32>
          %parallel_loop3A_366 = arith.constant 127 : i32
          %parallel_loop3A_367 = vector.broadcast %parallel_loop3A_366 : i32 to vector<16xi32>
          %parallel_loop3A_368 = arith.minsi %parallel_loop3A_365, %parallel_loop3A_367 : vector<16xi32>
          %parallel_loop3A_369 = arith.constant 1 : i32
          %parallel_loop3A_370 = vector.broadcast %parallel_loop3A_369 : i32 to vector<16xi32>
          %parallel_loop3A_371 = arith.addi %parallel_loop3A_332, %parallel_loop3A_370 : vector<16xi32>
          %parallel_loop3A_372 = arith.constant 127 : i32
          %parallel_loop3A_373 = vector.broadcast %parallel_loop3A_372 : i32 to vector<16xi32>
          %parallel_loop3A_374 = arith.minsi %parallel_loop3A_371, %parallel_loop3A_373 : vector<16xi32>
          %parallel_loop3A_375 = arith.constant 3 : i32
          %parallel_loop3A_376 = vector.broadcast %parallel_loop3A_375 : i32 to vector<16xi32>
          %parallel_loop3A_377 = arith.shrsi %parallel_loop3A_252, %parallel_loop3A_376 : vector<16xi32>
          %parallel_loop3A_378 = arith.constant 17 : i32
          %parallel_loop3A_379 = vector.broadcast %parallel_loop3A_378 : i32 to vector<16xi32>
          %parallel_loop3A_380 = arith.shli %parallel_loop3A_377, %parallel_loop3A_379 : vector<16xi32>
          %parallel_loop3A_381 = arith.constant 7 : i32
          %parallel_loop3A_382 = vector.broadcast %parallel_loop3A_381 : i32 to vector<16xi32>
          %parallel_loop3A_383 = arith.andi %parallel_loop3A_252, %parallel_loop3A_382 : vector<16xi32>
          %parallel_loop3A_384 = arith.constant 6 : i32
          %parallel_loop3A_385 = vector.broadcast %parallel_loop3A_384 : i32 to vector<16xi32>
          %parallel_loop3A_386 = arith.shli %parallel_loop3A_383, %parallel_loop3A_385 : vector<16xi32>
          %parallel_loop3A_387 = arith.ori %parallel_loop3A_380, %parallel_loop3A_386 : vector<16xi32>
          %parallel_loop3A_388 = arith.constant 3 : i32
          %parallel_loop3A_389 = vector.broadcast %parallel_loop3A_388 : i32 to vector<16xi32>
          %parallel_loop3A_390 = arith.shrsi %parallel_loop3A_362, %parallel_loop3A_389 : vector<16xi32>
          %parallel_loop3A_391 = arith.constant 17 : i32
          %parallel_loop3A_392 = vector.broadcast %parallel_loop3A_391 : i32 to vector<16xi32>
          %parallel_loop3A_393 = arith.shli %parallel_loop3A_390, %parallel_loop3A_392 : vector<16xi32>
          %parallel_loop3A_394 = arith.constant 7 : i32
          %parallel_loop3A_395 = vector.broadcast %parallel_loop3A_394 : i32 to vector<16xi32>
          %parallel_loop3A_396 = arith.andi %parallel_loop3A_362, %parallel_loop3A_395 : vector<16xi32>
          %parallel_loop3A_397 = arith.constant 6 : i32
          %parallel_loop3A_398 = vector.broadcast %parallel_loop3A_397 : i32 to vector<16xi32>
          %parallel_loop3A_399 = arith.shli %parallel_loop3A_396, %parallel_loop3A_398 : vector<16xi32>
          %parallel_loop3A_400 = arith.ori %parallel_loop3A_393, %parallel_loop3A_399 : vector<16xi32>
          %parallel_loop3A_401 = arith.constant 3 : i32
          %parallel_loop3A_402 = vector.broadcast %parallel_loop3A_401 : i32 to vector<16xi32>
          %parallel_loop3A_403 = arith.shrsi %parallel_loop3A_292, %parallel_loop3A_402 : vector<16xi32>
          %parallel_loop3A_404 = arith.constant 13 : i32
          %parallel_loop3A_405 = vector.broadcast %parallel_loop3A_404 : i32 to vector<16xi32>
          %parallel_loop3A_406 = arith.shli %parallel_loop3A_403, %parallel_loop3A_405 : vector<16xi32>
          %parallel_loop3A_407 = arith.constant 7 : i32
          %parallel_loop3A_408 = vector.broadcast %parallel_loop3A_407 : i32 to vector<16xi32>
          %parallel_loop3A_409 = arith.andi %parallel_loop3A_292, %parallel_loop3A_408 : vector<16xi32>
          %parallel_loop3A_410 = arith.constant 3 : i32
          %parallel_loop3A_411 = vector.broadcast %parallel_loop3A_410 : i32 to vector<16xi32>
          %parallel_loop3A_412 = arith.shli %parallel_loop3A_409, %parallel_loop3A_411 : vector<16xi32>
          %parallel_loop3A_413 = arith.ori %parallel_loop3A_406, %parallel_loop3A_412 : vector<16xi32>
          %parallel_loop3A_414 = arith.constant 3 : i32
          %parallel_loop3A_415 = vector.broadcast %parallel_loop3A_414 : i32 to vector<16xi32>
          %parallel_loop3A_416 = arith.shrsi %parallel_loop3A_368, %parallel_loop3A_415 : vector<16xi32>
          %parallel_loop3A_417 = arith.constant 13 : i32
          %parallel_loop3A_418 = vector.broadcast %parallel_loop3A_417 : i32 to vector<16xi32>
          %parallel_loop3A_419 = arith.shli %parallel_loop3A_416, %parallel_loop3A_418 : vector<16xi32>
          %parallel_loop3A_420 = arith.constant 7 : i32
          %parallel_loop3A_421 = vector.broadcast %parallel_loop3A_420 : i32 to vector<16xi32>
          %parallel_loop3A_422 = arith.andi %parallel_loop3A_368, %parallel_loop3A_421 : vector<16xi32>
          %parallel_loop3A_423 = arith.constant 3 : i32
          %parallel_loop3A_424 = vector.broadcast %parallel_loop3A_423 : i32 to vector<16xi32>
          %parallel_loop3A_425 = arith.shli %parallel_loop3A_422, %parallel_loop3A_424 : vector<16xi32>
          %parallel_loop3A_426 = arith.ori %parallel_loop3A_419, %parallel_loop3A_425 : vector<16xi32>
          %parallel_loop3A_427 = arith.constant 3 : i32
          %parallel_loop3A_428 = vector.broadcast %parallel_loop3A_427 : i32 to vector<16xi32>
          %parallel_loop3A_429 = arith.shrsi %parallel_loop3A_332, %parallel_loop3A_428 : vector<16xi32>
          %parallel_loop3A_430 = arith.constant 9 : i32
          %parallel_loop3A_431 = vector.broadcast %parallel_loop3A_430 : i32 to vector<16xi32>
          %parallel_loop3A_432 = arith.shli %parallel_loop3A_429, %parallel_loop3A_431 : vector<16xi32>
          %parallel_loop3A_433 = arith.constant 7 : i32
          %parallel_loop3A_434 = vector.broadcast %parallel_loop3A_433 : i32 to vector<16xi32>
          %parallel_loop3A_435 = arith.andi %parallel_loop3A_332, %parallel_loop3A_434 : vector<16xi32>
          %parallel_loop3A_436 = arith.ori %parallel_loop3A_432, %parallel_loop3A_435 : vector<16xi32>
          %parallel_loop3A_437 = arith.constant 3 : i32
          %parallel_loop3A_438 = vector.broadcast %parallel_loop3A_437 : i32 to vector<16xi32>
          %parallel_loop3A_439 = arith.shrsi %parallel_loop3A_374, %parallel_loop3A_438 : vector<16xi32>
          %parallel_loop3A_440 = arith.constant 9 : i32
          %parallel_loop3A_441 = vector.broadcast %parallel_loop3A_440 : i32 to vector<16xi32>
          %parallel_loop3A_442 = arith.shli %parallel_loop3A_439, %parallel_loop3A_441 : vector<16xi32>
          %parallel_loop3A_443 = arith.constant 7 : i32
          %parallel_loop3A_444 = vector.broadcast %parallel_loop3A_443 : i32 to vector<16xi32>
          %parallel_loop3A_445 = arith.andi %parallel_loop3A_374, %parallel_loop3A_444 : vector<16xi32>
          %parallel_loop3A_446 = arith.ori %parallel_loop3A_442, %parallel_loop3A_445 : vector<16xi32>
          %parallel_loop3A_447 = arith.ori %parallel_loop3A_387, %parallel_loop3A_413 : vector<16xi32>
          %parallel_loop3A_448 = arith.ori %parallel_loop3A_447, %parallel_loop3A_436 : vector<16xi32>
          %parallel_loop3A_449 = arith.index_cast %parallel_loop3A_236 : i32 to index
          %parallel_loop3A_450 = tpu.vector_load %arg16[%parallel_loop3A_449] {strides = array<i32>} : memref<2048xi32, #tpu.memory_space<vmem>>, vector<16xi32>,
          %parallel_loop3A_451 = vector.shape_cast %parallel_loop3A_450 : vector<16xi32> to vector<16xi32>
          %parallel_loop3A_452 = vector.shape_cast %parallel_loop3A_448 : vector<16xi32> to vector<16xi32>
          tpu.vector_store %arg16[%parallel_loop3A_449], %parallel_loop3A_452 {strides = array<i32>} : memref<2048xi32, #tpu.memory_space<vmem>>, vector<16xi32>,
          %parallel_loop3A_453 = arith.ori %parallel_loop3A_387, %parallel_loop3A_413 : vector<16xi32>
          %parallel_loop3A_454 = arith.ori %parallel_loop3A_453, %parallel_loop3A_446 : vector<16xi32>
          %parallel_loop3A_455 = arith.index_cast %parallel_loop3A_236 : i32 to index
          %parallel_loop3A_456 = tpu.vector_load %arg17[%parallel_loop3A_455] {strides = array<i32>} : memref<2048xi32, #tpu.memory_space<vmem>>, vector<16xi32>,
          %parallel_loop3A_457 = vector.shape_cast %parallel_loop3A_456 : vector<16xi32> to vector<16xi32>
          %parallel_loop3A_458 = vector.shape_cast %parallel_loop3A_454 : vector<16xi32> to vector<16xi32>
          tpu.vector_store %arg17[%parallel_loop3A_455], %parallel_loop3A_458 {strides = array<i32>} : memref<2048xi32, #tpu.memory_space<vmem>>, vector<16xi32>,
          %parallel_loop3A_459 = arith.ori %parallel_loop3A_387, %parallel_loop3A_426 : vector<16xi32>
          %parallel_loop3A_460 = arith.ori %parallel_loop3A_459, %parallel_loop3A_436 : vector<16xi32>
          %parallel_loop3A_461 = arith.index_cast %parallel_loop3A_236 : i32 to index
          %parallel_loop3A_462 = tpu.vector_load %arg18[%parallel_loop3A_461] {strides = array<i32>} : memref<2048xi32, #tpu.memory_space<vmem>>, vector<16xi32>,
          %parallel_loop3A_463 = vector.shape_cast %parallel_loop3A_462 : vector<16xi32> to vector<16xi32>
          %parallel_loop3A_464 = vector.shape_cast %parallel_loop3A_460 : vector<16xi32> to vector<16xi32>
          tpu.vector_store %arg18[%parallel_loop3A_461], %parallel_loop3A_464 {strides = array<i32>} : memref<2048xi32, #tpu.memory_space<vmem>>, vector<16xi32>,
          %parallel_loop3A_465 = arith.ori %parallel_loop3A_387, %parallel_loop3A_426 : vector<16xi32>
          %parallel_loop3A_466 = arith.ori %parallel_loop3A_465, %parallel_loop3A_446 : vector<16xi32>
          %parallel_loop3A_467 = arith.index_cast %parallel_loop3A_236 : i32 to index
          %parallel_loop3A_468 = tpu.vector_load %arg19[%parallel_loop3A_467] {strides = array<i32>} : memref<2048xi32, #tpu.memory_space<vmem>>, vector<16xi32>,
          %parallel_loop3A_469 = vector.shape_cast %parallel_loop3A_468 : vector<16xi32> to vector<16xi32>
          %parallel_loop3A_470 = vector.shape_cast %parallel_loop3A_466 : vector<16xi32> to vector<16xi32>
          tpu.vector_store %arg19[%parallel_loop3A_467], %parallel_loop3A_470 {strides = array<i32>} : memref<2048xi32, #tpu.memory_space<vmem>>, vector<16xi32>,
          %parallel_loop3A_471 = arith.ori %parallel_loop3A_400, %parallel_loop3A_413 : vector<16xi32>
          %parallel_loop3A_472 = arith.ori %parallel_loop3A_471, %parallel_loop3A_436 : vector<16xi32>
          %parallel_loop3A_473 = arith.index_cast %parallel_loop3A_236 : i32 to index
          %parallel_loop3A_474 = tpu.vector_load %arg20[%parallel_loop3A_473] {strides = array<i32>} : memref<2048xi32, #tpu.memory_space<vmem>>, vector<16xi32>,
          %parallel_loop3A_475 = vector.shape_cast %parallel_loop3A_474 : vector<16xi32> to vector<16xi32>
          %parallel_loop3A_476 = vector.shape_cast %parallel_loop3A_472 : vector<16xi32> to vector<16xi32>
          tpu.vector_store %arg20[%parallel_loop3A_473], %parallel_loop3A_476 {strides = array<i32>} : memref<2048xi32, #tpu.memory_space<vmem>>, vector<16xi32>,
          %parallel_loop3A_477 = arith.ori %parallel_loop3A_400, %parallel_loop3A_413 : vector<16xi32>
          %parallel_loop3A_478 = arith.ori %parallel_loop3A_477, %parallel_loop3A_446 : vector<16xi32>
          %parallel_loop3A_479 = arith.index_cast %parallel_loop3A_236 : i32 to index
          %parallel_loop3A_480 = tpu.vector_load %arg21[%parallel_loop3A_479] {strides = array<i32>} : memref<2048xi32, #tpu.memory_space<vmem>>, vector<16xi32>,
          %parallel_loop3A_481 = vector.shape_cast %parallel_loop3A_480 : vector<16xi32> to vector<16xi32>
          %parallel_loop3A_482 = vector.shape_cast %parallel_loop3A_478 : vector<16xi32> to vector<16xi32>
          tpu.vector_store %arg21[%parallel_loop3A_479], %parallel_loop3A_482 {strides = array<i32>} : memref<2048xi32, #tpu.memory_space<vmem>>, vector<16xi32>,
          %parallel_loop3A_483 = arith.ori %parallel_loop3A_400, %parallel_loop3A_426 : vector<16xi32>
          %parallel_loop3A_484 = arith.ori %parallel_loop3A_483, %parallel_loop3A_436 : vector<16xi32>
          %parallel_loop3A_485 = arith.index_cast %parallel_loop3A_236 : i32 to index
          %parallel_loop3A_486 = tpu.vector_load %arg22[%parallel_loop3A_485] {strides = array<i32>} : memref<2048xi32, #tpu.memory_space<vmem>>, vector<16xi32>,
          %parallel_loop3A_487 = vector.shape_cast %parallel_loop3A_486 : vector<16xi32> to vector<16xi32>
          %parallel_loop3A_488 = vector.shape_cast %parallel_loop3A_484 : vector<16xi32> to vector<16xi32>
          tpu.vector_store %arg22[%parallel_loop3A_485], %parallel_loop3A_488 {strides = array<i32>} : memref<2048xi32, #tpu.memory_space<vmem>>, vector<16xi32>,
          %parallel_loop3A_489 = arith.ori %parallel_loop3A_400, %parallel_loop3A_426 : vector<16xi32>
          %parallel_loop3A_490 = arith.ori %parallel_loop3A_489, %parallel_loop3A_446 : vector<16xi32>
          %parallel_loop3A_491 = arith.index_cast %parallel_loop3A_236 : i32 to index
          %parallel_loop3A_492 = tpu.vector_load %arg23[%parallel_loop3A_491] {strides = array<i32>} : memref<2048xi32, #tpu.memory_space<vmem>>, vector<16xi32>,
          %parallel_loop3A_493 = vector.shape_cast %parallel_loop3A_492 : vector<16xi32> to vector<16xi32>
          %parallel_loop3A_494 = vector.shape_cast %parallel_loop3A_490 : vector<16xi32> to vector<16xi32>
          tpu.vector_store %arg23[%parallel_loop3A_491], %parallel_loop3A_494 {strides = array<i32>} : memref<2048xi32, #tpu.memory_space<vmem>>, vector<16xi32>,
          %parallel_loop3A_495 = arith.index_cast %parallel_loop3A_236 : i32 to index
          %parallel_loop3A_496 = tpu.vector_load %arg48[%parallel_loop3A_495] {strides = array<i32>} : memref<2048xf32, #tpu.memory_space<vmem>>, vector<16xf32>,
          %parallel_loop3A_497 = vector.shape_cast %parallel_loop3A_496 : vector<16xf32> to vector<16xf32>
          %parallel_loop3A_498 = vector.shape_cast %parallel_loop3A_254 : vector<16xf32> to vector<16xf32>
          tpu.vector_store %arg48[%parallel_loop3A_495], %parallel_loop3A_498 {strides = array<i32>} : memref<2048xf32, #tpu.memory_space<vmem>>, vector<16xf32>,
          %parallel_loop3A_499 = arith.index_cast %parallel_loop3A_236 : i32 to index
          %parallel_loop3A_500 = tpu.vector_load %arg49[%parallel_loop3A_499] {strides = array<i32>} : memref<2048xf32, #tpu.memory_space<vmem>>, vector<16xf32>,
          %parallel_loop3A_501 = vector.shape_cast %parallel_loop3A_500 : vector<16xf32> to vector<16xf32>
          %parallel_loop3A_502 = vector.shape_cast %parallel_loop3A_294 : vector<16xf32> to vector<16xf32>
          tpu.vector_store %arg49[%parallel_loop3A_499], %parallel_loop3A_502 {strides = array<i32>} : memref<2048xf32, #tpu.memory_space<vmem>>, vector<16xf32>,
          %parallel_loop3A_503 = arith.index_cast %parallel_loop3A_236 : i32 to index
          %parallel_loop3A_504 = tpu.vector_load %arg50[%parallel_loop3A_503] {strides = array<i32>} : memref<2048xf32, #tpu.memory_space<vmem>>, vector<16xf32>,
          %parallel_loop3A_505 = vector.shape_cast %parallel_loop3A_504 : vector<16xf32> to vector<16xf32>
          %parallel_loop3A_506 = vector.shape_cast %parallel_loop3A_334 : vector<16xf32> to vector<16xf32>
          tpu.vector_store %arg50[%parallel_loop3A_503], %parallel_loop3A_506 {strides = array<i32>} : memref<2048xf32, #tpu.memory_space<vmem>>, vector<16xf32>,
          %parallel_loop3A_507 = arith.index_cast %parallel_loop3A_236 : i32 to index
          %parallel_loop3A_508 = tpu.vector_load %arg54[%parallel_loop3A_507] {strides = array<i32>} : memref<2048xf32, #tpu.memory_space<vmem>>, vector<16xf32>,
          %parallel_loop3A_509 = vector.shape_cast %parallel_loop3A_508 : vector<16xf32> to vector<16xf32>
          %parallel_loop3A_510 = vector.shape_cast %parallel_loop3A_276 : vector<16xf32> to vector<16xf32>
          tpu.vector_store %arg54[%parallel_loop3A_507], %parallel_loop3A_510 {strides = array<i32>} : memref<2048xf32, #tpu.memory_space<vmem>>, vector<16xf32>,
          %parallel_loop3A_511 = arith.index_cast %parallel_loop3A_236 : i32 to index
          %parallel_loop3A_512 = tpu.vector_load %arg55[%parallel_loop3A_511] {strides = array<i32>} : memref<2048xf32, #tpu.memory_space<vmem>>, vector<16xf32>,
          %parallel_loop3A_513 = vector.shape_cast %parallel_loop3A_512 : vector<16xf32> to vector<16xf32>
          %parallel_loop3A_514 = vector.shape_cast %parallel_loop3A_316 : vector<16xf32> to vector<16xf32>
          tpu.vector_store %arg55[%parallel_loop3A_511], %parallel_loop3A_514 {strides = array<i32>} : memref<2048xf32, #tpu.memory_space<vmem>>, vector<16xf32>,
          %parallel_loop3A_515 = arith.index_cast %parallel_loop3A_236 : i32 to index
          %parallel_loop3A_516 = tpu.vector_load %arg56[%parallel_loop3A_515] {strides = array<i32>} : memref<2048xf32, #tpu.memory_space<vmem>>, vector<16xf32>,
          %parallel_loop3A_517 = vector.shape_cast %parallel_loop3A_516 : vector<16xf32> to vector<16xf32>
          %parallel_loop3A_518 = vector.shape_cast %parallel_loop3A_356 : vector<16xf32> to vector<16xf32>
          tpu.vector_store %arg56[%parallel_loop3A_515], %parallel_loop3A_518 {strides = array<i32>} : memref<2048xf32, #tpu.memory_space<vmem>>, vector<16xf32>,
        } {sc.loop_unroll_factor = 4 : i64, sc.parallel_access}
        %dma_start3A_211 = arith.constant 0 : i32
        %dma_start3A_212 = tpu.memref_slice %arg5[%dma_start3A_211] : memref<6144000xf32, #tpu.memory_space<hbm>> -> memref<6144000xf32, #tpu.memory_space<hbm>>
        tpu.enqueue_indirect_dma source(%dma_start3A_212 : memref<6144000xf32, #tpu.memory_space<hbm>>) target(%arg32 : memref<2048xf32, #tpu.memory_space<vmem>>) offsets(%arg16 : memref<2048xi32, #tpu.memory_space<vmem>>) semaphore(%arg68 : memref<!tpu.dma_semaphore, #tpu.memory_space<semaphore_mem>>)
        %dma_start3A_213 = arith.constant 0 : i32
        %dma_start3A_214 = tpu.memref_slice %arg5[%dma_start3A_213] : memref<6144000xf32, #tpu.memory_space<hbm>> -> memref<6144000xf32, #tpu.memory_space<hbm>>
        tpu.enqueue_indirect_dma source(%dma_start3A_214 : memref<6144000xf32, #tpu.memory_space<hbm>>) target(%arg33 : memref<2048xf32, #tpu.memory_space<vmem>>) offsets(%arg17 : memref<2048xi32, #tpu.memory_space<vmem>>) semaphore(%arg68 : memref<!tpu.dma_semaphore, #tpu.memory_space<semaphore_mem>>)
        %dma_start3A_215 = arith.constant 0 : i32
        %dma_start3A_216 = tpu.memref_slice %arg5[%dma_start3A_215] : memref<6144000xf32, #tpu.memory_space<hbm>> -> memref<6144000xf32, #tpu.memory_space<hbm>>
        tpu.enqueue_indirect_dma source(%dma_start3A_216 : memref<6144000xf32, #tpu.memory_space<hbm>>) target(%arg34 : memref<2048xf32, #tpu.memory_space<vmem>>) offsets(%arg18 : memref<2048xi32, #tpu.memory_space<vmem>>) semaphore(%arg68 : memref<!tpu.dma_semaphore, #tpu.memory_space<semaphore_mem>>)
        %dma_start3A_217 = arith.constant 0 : i32
        %dma_start3A_218 = tpu.memref_slice %arg5[%dma_start3A_217] : memref<6144000xf32, #tpu.memory_space<hbm>> -> memref<6144000xf32, #tpu.memory_space<hbm>>
        tpu.enqueue_indirect_dma source(%dma_start3A_218 : memref<6144000xf32, #tpu.memory_space<hbm>>) target(%arg35 : memref<2048xf32, #tpu.memory_space<vmem>>) offsets(%arg19 : memref<2048xi32, #tpu.memory_space<vmem>>) semaphore(%arg68 : memref<!tpu.dma_semaphore, #tpu.memory_space<semaphore_mem>>)
        %dma_start3A_219 = arith.constant 0 : i32
        %dma_start3A_220 = tpu.memref_slice %arg5[%dma_start3A_219] : memref<6144000xf32, #tpu.memory_space<hbm>> -> memref<6144000xf32, #tpu.memory_space<hbm>>
        tpu.enqueue_indirect_dma source(%dma_start3A_220 : memref<6144000xf32, #tpu.memory_space<hbm>>) target(%arg36 : memref<2048xf32, #tpu.memory_space<vmem>>) offsets(%arg20 : memref<2048xi32, #tpu.memory_space<vmem>>) semaphore(%arg68 : memref<!tpu.dma_semaphore, #tpu.memory_space<semaphore_mem>>)
        %dma_start3A_221 = arith.constant 0 : i32
        %dma_start3A_222 = tpu.memref_slice %arg5[%dma_start3A_221] : memref<6144000xf32, #tpu.memory_space<hbm>> -> memref<6144000xf32, #tpu.memory_space<hbm>>
        tpu.enqueue_indirect_dma source(%dma_start3A_222 : memref<6144000xf32, #tpu.memory_space<hbm>>) target(%arg37 : memref<2048xf32, #tpu.memory_space<vmem>>) offsets(%arg21 : memref<2048xi32, #tpu.memory_space<vmem>>) semaphore(%arg68 : memref<!tpu.dma_semaphore, #tpu.memory_space<semaphore_mem>>)
        %dma_start3A_223 = arith.constant 0 : i32
        %dma_start3A_224 = tpu.memref_slice %arg5[%dma_start3A_223] : memref<6144000xf32, #tpu.memory_space<hbm>> -> memref<6144000xf32, #tpu.memory_space<hbm>>
        tpu.enqueue_indirect_dma source(%dma_start3A_224 : memref<6144000xf32, #tpu.memory_space<hbm>>) target(%arg38 : memref<2048xf32, #tpu.memory_space<vmem>>) offsets(%arg22 : memref<2048xi32, #tpu.memory_space<vmem>>) semaphore(%arg68 : memref<!tpu.dma_semaphore, #tpu.memory_space<semaphore_mem>>)
        %dma_start3A_225 = arith.constant 0 : i32
        %dma_start3A_226 = tpu.memref_slice %arg5[%dma_start3A_225] : memref<6144000xf32, #tpu.memory_space<hbm>> -> memref<6144000xf32, #tpu.memory_space<hbm>>
        tpu.enqueue_indirect_dma source(%dma_start3A_226 : memref<6144000xf32, #tpu.memory_space<hbm>>) target(%arg39 : memref<2048xf32, #tpu.memory_space<vmem>>) offsets(%arg23 : memref<2048xi32, #tpu.memory_space<vmem>>) semaphore(%arg68 : memref<!tpu.dma_semaphore, #tpu.memory_space<semaphore_mem>>)
        %add3A_227 = arith.constant 2 : i32
        %add3A_228 = arith.addi %add3A_199, %add3A_227 : i32
        %lt3A_229 = arith.constant 16 : i32
        %lt3A_230 = arith.cmpi slt, %add3A_228, %lt3A_229 : i32
        %convert_element_type3A_231 = arith.extui %lt3A_230 : i1 to i32
        %cond3A_232 = arith.constant 0 : i32
        %cond3A_233 = arith.cmpi ne, %convert_element_type3A_231, %cond3A_232 : i32
        scf.if %cond3A_233 {
          %add3A_234 = arith.constant 2 : i32
          %add3A_235 = arith.addi %add3A_199, %add3A_234 : i32
          %mul3A_236 = arith.constant 32768 : i32
          %mul3A_237 = arith.muli %add3A, %mul3A_236 : i32
          %mul3A_238 = arith.constant 2048 : i32
          %mul3A_239 = arith.muli %add3A_235, %mul3A_238 : i32
          %add3A_240 = arith.addi %mul3A_237, %mul3A_239 : i32
          %dma_start3A_241 = tpu.memref_slice %arg2[%add3A_240] : memref<1048576xf32, #tpu.memory_space<hbm>> -> memref<2048xf32, #tpu.memory_space<hbm>>
          %dma_start3A_242 = tpu.memref_slice %arg2[%add3A_240] : memref<1048576xf32, #tpu.memory_space<hbm>> -> memref<2048xf32, #tpu.memory_space<hbm>>
          tpu.enqueue_dma source(%dma_start3A_242 : memref<2048xf32, #tpu.memory_space<hbm>>) target(%arg10 : memref<2048xf32, #tpu.memory_space<vmem>>) target_semaphore(%arg70 : memref<!tpu.dma_semaphore, #tpu.memory_space<semaphore_mem>>)
          %dma_start3A_243 = tpu.memref_slice %arg3[%add3A_240] : memref<1048576xf32, #tpu.memory_space<hbm>> -> memref<2048xf32, #tpu.memory_space<hbm>>
          %dma_start3A_244 = tpu.memref_slice %arg3[%add3A_240] : memref<1048576xf32, #tpu.memory_space<hbm>> -> memref<2048xf32, #tpu.memory_space<hbm>>
          tpu.enqueue_dma source(%dma_start3A_244 : memref<2048xf32, #tpu.memory_space<hbm>>) target(%arg11 : memref<2048xf32, #tpu.memory_space<vmem>>) target_semaphore(%arg70 : memref<!tpu.dma_semaphore, #tpu.memory_space<semaphore_mem>>)
          %dma_start3A_245 = tpu.memref_slice %arg4[%add3A_240] : memref<1048576xf32, #tpu.memory_space<hbm>> -> memref<2048xf32, #tpu.memory_space<hbm>>
          %dma_start3A_246 = tpu.memref_slice %arg4[%add3A_240] : memref<1048576xf32, #tpu.memory_space<hbm>> -> memref<2048xf32, #tpu.memory_space<hbm>>
          tpu.enqueue_dma source(%dma_start3A_246 : memref<2048xf32, #tpu.memory_space<hbm>>) target(%arg12 : memref<2048xf32, #tpu.memory_space<vmem>>) target_semaphore(%arg70 : memref<!tpu.dma_semaphore, #tpu.memory_space<semaphore_mem>>)
        } else {
        }
      } else {
      }
      %add3A_159 = arith.constant 1 : i32
      %add3A_160 = arith.addi %mul3A_82, %add3A_159 : i32
      %dma_wait3A_161 = arith.constant 0 : i32
      %dma_wait3A_162 = tpu.memref_slice %arg5[%dma_wait3A_161] : memref<6144000xf32, #tpu.memory_space<hbm>> -> memref<6144000xf32, #tpu.memory_space<hbm>>
      tpu.wait_indirect_dma semaphore(%arg69 : memref<!tpu.dma_semaphore, #tpu.memory_space<semaphore_mem>>) src(%dma_wait3A_162 : memref<6144000xf32, #tpu.memory_space<hbm>>) dst(%arg40 : memref<2048xf32, #tpu.memory_space<vmem>>)
      %dma_wait3A_163 = arith.constant 0 : i32
      %dma_wait3A_164 = tpu.memref_slice %arg5[%dma_wait3A_163] : memref<6144000xf32, #tpu.memory_space<hbm>> -> memref<6144000xf32, #tpu.memory_space<hbm>>
      tpu.wait_indirect_dma semaphore(%arg69 : memref<!tpu.dma_semaphore, #tpu.memory_space<semaphore_mem>>) src(%dma_wait3A_164 : memref<6144000xf32, #tpu.memory_space<hbm>>) dst(%arg41 : memref<2048xf32, #tpu.memory_space<vmem>>)
      %dma_wait3A_165 = arith.constant 0 : i32
      %dma_wait3A_166 = tpu.memref_slice %arg5[%dma_wait3A_165] : memref<6144000xf32, #tpu.memory_space<hbm>> -> memref<6144000xf32, #tpu.memory_space<hbm>>
      tpu.wait_indirect_dma semaphore(%arg69 : memref<!tpu.dma_semaphore, #tpu.memory_space<semaphore_mem>>) src(%dma_wait3A_166 : memref<6144000xf32, #tpu.memory_space<hbm>>) dst(%arg42 : memref<2048xf32, #tpu.memory_space<vmem>>)
      %dma_wait3A_167 = arith.constant 0 : i32
      %dma_wait3A_168 = tpu.memref_slice %arg5[%dma_wait3A_167] : memref<6144000xf32, #tpu.memory_space<hbm>> -> memref<6144000xf32, #tpu.memory_space<hbm>>
      tpu.wait_indirect_dma semaphore(%arg69 : memref<!tpu.dma_semaphore, #tpu.memory_space<semaphore_mem>>) src(%dma_wait3A_168 : memref<6144000xf32, #tpu.memory_space<hbm>>) dst(%arg43 : memref<2048xf32, #tpu.memory_space<vmem>>)
      %dma_wait3A_169 = arith.constant 0 : i32
      %dma_wait3A_170 = tpu.memref_slice %arg5[%dma_wait3A_169] : memref<6144000xf32, #tpu.memory_space<hbm>> -> memref<6144000xf32, #tpu.memory_space<hbm>>
      tpu.wait_indirect_dma semaphore(%arg69 : memref<!tpu.dma_semaphore, #tpu.memory_space<semaphore_mem>>) src(%dma_wait3A_170 : memref<6144000xf32, #tpu.memory_space<hbm>>) dst(%arg44 : memref<2048xf32, #tpu.memory_space<vmem>>)
      %dma_wait3A_171 = arith.constant 0 : i32
      %dma_wait3A_172 = tpu.memref_slice %arg5[%dma_wait3A_171] : memref<6144000xf32, #tpu.memory_space<hbm>> -> memref<6144000xf32, #tpu.memory_space<hbm>>
      tpu.wait_indirect_dma semaphore(%arg69 : memref<!tpu.dma_semaphore, #tpu.memory_space<semaphore_mem>>) src(%dma_wait3A_172 : memref<6144000xf32, #tpu.memory_space<hbm>>) dst(%arg45 : memref<2048xf32, #tpu.memory_space<vmem>>)
      %dma_wait3A_173 = arith.constant 0 : i32
      %dma_wait3A_174 = tpu.memref_slice %arg5[%dma_wait3A_173] : memref<6144000xf32, #tpu.memory_space<hbm>> -> memref<6144000xf32, #tpu.memory_space<hbm>>
      tpu.wait_indirect_dma semaphore(%arg69 : memref<!tpu.dma_semaphore, #tpu.memory_space<semaphore_mem>>) src(%dma_wait3A_174 : memref<6144000xf32, #tpu.memory_space<hbm>>) dst(%arg46 : memref<2048xf32, #tpu.memory_space<vmem>>)
      %dma_wait3A_175 = arith.constant 0 : i32
      %dma_wait3A_176 = tpu.memref_slice %arg5[%dma_wait3A_175] : memref<6144000xf32, #tpu.memory_space<hbm>> -> memref<6144000xf32, #tpu.memory_space<hbm>>
      tpu.wait_indirect_dma semaphore(%arg69 : memref<!tpu.dma_semaphore, #tpu.memory_space<semaphore_mem>>) src(%dma_wait3A_176 : memref<6144000xf32, #tpu.memory_space<hbm>>) dst(%arg47 : memref<2048xf32, #tpu.memory_space<vmem>>)
      %ge3A_177 = arith.constant 2 : i32
      %ge3A_178 = arith.cmpi sge, %add3A_160, %ge3A_177 : i32
      %convert_element_type3A_179 = arith.extui %ge3A_178 : i1 to i32
      %cond3A_180 = arith.constant 0 : i32
      %cond3A_181 = arith.cmpi ne, %convert_element_type3A_179, %cond3A_180 : i32
      scf.if %cond3A_181 {
        %mul3A_198 = arith.constant 32768 : i32
        %mul3A_199 = arith.muli %add3A, %mul3A_198 : i32
        %dma_wait3A_200 = tpu.memref_slice %arg6[%mul3A_199] : memref<1048576xf32, #tpu.memory_space<hbm>> -> memref<2048xf32, #tpu.memory_space<hbm>>
        %dma_wait3A_201 = tpu.memref_slice %arg6[%mul3A_199] : memref<1048576xf32, #tpu.memory_space<hbm>> -> memref<2048xf32, #tpu.memory_space<hbm>>
        tpu.wait_dma2 semaphore(%arg73 : memref<!tpu.dma_semaphore, #tpu.memory_space<semaphore_mem>>) src(%arg64 : memref<2048xf32, #tpu.memory_space<vmem>>) dst(%dma_wait3A_201 : memref<2048xf32, #tpu.memory_space<hbm>>)
        %dma_wait3A_202 = tpu.memref_slice %arg7[%mul3A_199] : memref<1048576xf32, #tpu.memory_space<hbm>> -> memref<2048xf32, #tpu.memory_space<hbm>>
        %dma_wait3A_203 = tpu.memref_slice %arg7[%mul3A_199] : memref<1048576xf32, #tpu.memory_space<hbm>> -> memref<2048xf32, #tpu.memory_space<hbm>>
        tpu.wait_dma2 semaphore(%arg73 : memref<!tpu.dma_semaphore, #tpu.memory_space<semaphore_mem>>) src(%arg65 : memref<2048xf32, #tpu.memory_space<vmem>>) dst(%dma_wait3A_203 : memref<2048xf32, #tpu.memory_space<hbm>>)
        %dma_wait3A_204 = tpu.memref_slice %arg8[%mul3A_199] : memref<1048576xf32, #tpu.memory_space<hbm>> -> memref<2048xf32, #tpu.memory_space<hbm>>
        %dma_wait3A_205 = tpu.memref_slice %arg8[%mul3A_199] : memref<1048576xf32, #tpu.memory_space<hbm>> -> memref<2048xf32, #tpu.memory_space<hbm>>
        tpu.wait_dma2 semaphore(%arg73 : memref<!tpu.dma_semaphore, #tpu.memory_space<semaphore_mem>>) src(%arg66 : memref<2048xf32, #tpu.memory_space<vmem>>) dst(%dma_wait3A_205 : memref<2048xf32, #tpu.memory_space<hbm>>)
        %dma_wait3A_206 = tpu.memref_slice %arg9[%mul3A_199] : memref<1048576xf32, #tpu.memory_space<hbm>> -> memref<2048xf32, #tpu.memory_space<hbm>>
        %dma_wait3A_207 = tpu.memref_slice %arg9[%mul3A_199] : memref<1048576xf32, #tpu.memory_space<hbm>> -> memref<2048xf32, #tpu.memory_space<hbm>>
        tpu.wait_dma2 semaphore(%arg73 : memref<!tpu.dma_semaphore, #tpu.memory_space<semaphore_mem>>) src(%arg67 : memref<2048xf32, #tpu.memory_space<vmem>>) dst(%dma_wait3A_207 : memref<2048xf32, #tpu.memory_space<hbm>>)
      } else {
      }
      %parallel_loop3A_182 = arith.constant 0 : i32
      %parallel_loop3A_183 = arith.constant 128 : i32
      %parallel_loop3A_184 = arith.constant 1 : i32
      scf.for %parallel_loop3A_198 = %parallel_loop3A_182 to %parallel_loop3A_183 step %parallel_loop3A_184  : i32 {
        %parallel_loop3A_199 = arith.constant 16 : i32
        %parallel_loop3A_200 = arith.muli %parallel_loop3A_198, %parallel_loop3A_199 : i32
        %parallel_loop3A_201 = arith.index_cast %parallel_loop3A_200 : i32 to index
        %parallel_loop3A_202 = tpu.vector_load %arg51[%parallel_loop3A_201] {strides = array<i32>} : memref<2048xf32, #tpu.memory_space<vmem>>, vector<16xf32>,
        %parallel_loop3A_203 = vector.shape_cast %parallel_loop3A_202 : vector<16xf32> to vector<16xf32>
        %parallel_loop3A_204 = arith.index_cast %parallel_loop3A_200 : i32 to index
        %parallel_loop3A_205 = tpu.vector_load %arg52[%parallel_loop3A_204] {strides = array<i32>} : memref<2048xf32, #tpu.memory_space<vmem>>, vector<16xf32>,
        %parallel_loop3A_206 = vector.shape_cast %parallel_loop3A_205 : vector<16xf32> to vector<16xf32>
        %parallel_loop3A_207 = arith.index_cast %parallel_loop3A_200 : i32 to index
        %parallel_loop3A_208 = tpu.vector_load %arg53[%parallel_loop3A_207] {strides = array<i32>} : memref<2048xf32, #tpu.memory_space<vmem>>, vector<16xf32>,
        %parallel_loop3A_209 = vector.shape_cast %parallel_loop3A_208 : vector<16xf32> to vector<16xf32>
        %parallel_loop3A_210 = arith.index_cast %parallel_loop3A_200 : i32 to index
        %parallel_loop3A_211 = tpu.vector_load %arg57[%parallel_loop3A_210] {strides = array<i32>} : memref<2048xf32, #tpu.memory_space<vmem>>, vector<16xf32>,
        %parallel_loop3A_212 = vector.shape_cast %parallel_loop3A_211 : vector<16xf32> to vector<16xf32>
        %parallel_loop3A_213 = arith.index_cast %parallel_loop3A_200 : i32 to index
        %parallel_loop3A_214 = tpu.vector_load %arg58[%parallel_loop3A_213] {strides = array<i32>} : memref<2048xf32, #tpu.memory_space<vmem>>, vector<16xf32>,
        %parallel_loop3A_215 = vector.shape_cast %parallel_loop3A_214 : vector<16xf32> to vector<16xf32>
        %parallel_loop3A_216 = arith.index_cast %parallel_loop3A_200 : i32 to index
        %parallel_loop3A_217 = tpu.vector_load %arg59[%parallel_loop3A_216] {strides = array<i32>} : memref<2048xf32, #tpu.memory_space<vmem>>, vector<16xf32>,
        %parallel_loop3A_218 = vector.shape_cast %parallel_loop3A_217 : vector<16xf32> to vector<16xf32>
        %parallel_loop3A_219 = arith.index_cast %parallel_loop3A_200 : i32 to index
        %parallel_loop3A_220 = tpu.vector_load %arg40[%parallel_loop3A_219] {strides = array<i32>} : memref<2048xf32, #tpu.memory_space<vmem>>, vector<16xf32>,
        %parallel_loop3A_221 = vector.shape_cast %parallel_loop3A_220 : vector<16xf32> to vector<16xf32>
        %parallel_loop3A_222 = arith.index_cast %parallel_loop3A_200 : i32 to index
        %parallel_loop3A_223 = tpu.vector_load %arg41[%parallel_loop3A_222] {strides = array<i32>} : memref<2048xf32, #tpu.memory_space<vmem>>, vector<16xf32>,
        %parallel_loop3A_224 = vector.shape_cast %parallel_loop3A_223 : vector<16xf32> to vector<16xf32>
        %parallel_loop3A_225 = arith.index_cast %parallel_loop3A_200 : i32 to index
        %parallel_loop3A_226 = tpu.vector_load %arg42[%parallel_loop3A_225] {strides = array<i32>} : memref<2048xf32, #tpu.memory_space<vmem>>, vector<16xf32>,
        %parallel_loop3A_227 = vector.shape_cast %parallel_loop3A_226 : vector<16xf32> to vector<16xf32>
        %parallel_loop3A_228 = arith.index_cast %parallel_loop3A_200 : i32 to index
        %parallel_loop3A_229 = tpu.vector_load %arg43[%parallel_loop3A_228] {strides = array<i32>} : memref<2048xf32, #tpu.memory_space<vmem>>, vector<16xf32>,
        %parallel_loop3A_230 = vector.shape_cast %parallel_loop3A_229 : vector<16xf32> to vector<16xf32>
        %parallel_loop3A_231 = arith.index_cast %parallel_loop3A_200 : i32 to index
        %parallel_loop3A_232 = tpu.vector_load %arg44[%parallel_loop3A_231] {strides = array<i32>} : memref<2048xf32, #tpu.memory_space<vmem>>, vector<16xf32>,
        %parallel_loop3A_233 = vector.shape_cast %parallel_loop3A_232 : vector<16xf32> to vector<16xf32>
        %parallel_loop3A_234 = arith.index_cast %parallel_loop3A_200 : i32 to index
        %parallel_loop3A_235 = tpu.vector_load %arg45[%parallel_loop3A_234] {strides = array<i32>} : memref<2048xf32, #tpu.memory_space<vmem>>, vector<16xf32>,
        %parallel_loop3A_236 = vector.shape_cast %parallel_loop3A_235 : vector<16xf32> to vector<16xf32>
        %parallel_loop3A_237 = arith.index_cast %parallel_loop3A_200 : i32 to index
        %parallel_loop3A_238 = tpu.vector_load %arg46[%parallel_loop3A_237] {strides = array<i32>} : memref<2048xf32, #tpu.memory_space<vmem>>, vector<16xf32>,
        %parallel_loop3A_239 = vector.shape_cast %parallel_loop3A_238 : vector<16xf32> to vector<16xf32>
        %parallel_loop3A_240 = arith.index_cast %parallel_loop3A_200 : i32 to index
        %parallel_loop3A_241 = tpu.vector_load %arg47[%parallel_loop3A_240] {strides = array<i32>} : memref<2048xf32, #tpu.memory_space<vmem>>, vector<16xf32>,
        %parallel_loop3A_242 = vector.shape_cast %parallel_loop3A_241 : vector<16xf32> to vector<16xf32>
        %parallel_loop3A_243 = arith.constant 1.000000e+00 : f32
        %parallel_loop3A_244 = vector.broadcast %parallel_loop3A_243 : f32 to vector<16xf32>
        %parallel_loop3A_245 = arith.subf %parallel_loop3A_244, %parallel_loop3A_209 : vector<16xf32>
        %parallel_loop3A_246 = arith.mulf %parallel_loop3A_245, %parallel_loop3A_221 : vector<16xf32>
        %parallel_loop3A_247 = arith.mulf %parallel_loop3A_209, %parallel_loop3A_224 : vector<16xf32>
        %parallel_loop3A_248 = arith.addf %parallel_loop3A_246, %parallel_loop3A_247 : vector<16xf32>
        %parallel_loop3A_249 = arith.mulf %parallel_loop3A_245, %parallel_loop3A_227 : vector<16xf32>
        %parallel_loop3A_250 = arith.mulf %parallel_loop3A_209, %parallel_loop3A_230 : vector<16xf32>
        %parallel_loop3A_251 = arith.addf %parallel_loop3A_249, %parallel_loop3A_250 : vector<16xf32>
        %parallel_loop3A_252 = arith.mulf %parallel_loop3A_245, %parallel_loop3A_233 : vector<16xf32>
        %parallel_loop3A_253 = arith.mulf %parallel_loop3A_209, %parallel_loop3A_236 : vector<16xf32>
        %parallel_loop3A_254 = arith.addf %parallel_loop3A_252, %parallel_loop3A_253 : vector<16xf32>
        %parallel_loop3A_255 = arith.mulf %parallel_loop3A_245, %parallel_loop3A_239 : vector<16xf32>
        %parallel_loop3A_256 = arith.mulf %parallel_loop3A_209, %parallel_loop3A_242 : vector<16xf32>
        %parallel_loop3A_257 = arith.addf %parallel_loop3A_255, %parallel_loop3A_256 : vector<16xf32>
        %parallel_loop3A_258 = arith.subf %parallel_loop3A_224, %parallel_loop3A_221 : vector<16xf32>
        %parallel_loop3A_259 = arith.subf %parallel_loop3A_230, %parallel_loop3A_227 : vector<16xf32>
        %parallel_loop3A_260 = arith.subf %parallel_loop3A_236, %parallel_loop3A_233 : vector<16xf32>
        %parallel_loop3A_261 = arith.subf %parallel_loop3A_242, %parallel_loop3A_239 : vector<16xf32>
        %parallel_loop3A_262 = arith.constant 1.000000e+00 : f32
        %parallel_loop3A_263 = vector.broadcast %parallel_loop3A_262 : f32 to vector<16xf32>
        %parallel_loop3A_264 = arith.subf %parallel_loop3A_263, %parallel_loop3A_206 : vector<16xf32>
        %parallel_loop3A_265 = arith.mulf %parallel_loop3A_264, %parallel_loop3A_248 : vector<16xf32>
        %parallel_loop3A_266 = arith.mulf %parallel_loop3A_206, %parallel_loop3A_251 : vector<16xf32>
        %parallel_loop3A_267 = arith.addf %parallel_loop3A_265, %parallel_loop3A_266 : vector<16xf32>
        %parallel_loop3A_268 = arith.mulf %parallel_loop3A_264, %parallel_loop3A_254 : vector<16xf32>
        %parallel_loop3A_269 = arith.mulf %parallel_loop3A_206, %parallel_loop3A_257 : vector<16xf32>
        %parallel_loop3A_270 = arith.addf %parallel_loop3A_268, %parallel_loop3A_269 : vector<16xf32>
        %parallel_loop3A_271 = arith.mulf %parallel_loop3A_264, %parallel_loop3A_258 : vector<16xf32>
        %parallel_loop3A_272 = arith.mulf %parallel_loop3A_206, %parallel_loop3A_259 : vector<16xf32>
        %parallel_loop3A_273 = arith.addf %parallel_loop3A_271, %parallel_loop3A_272 : vector<16xf32>
        %parallel_loop3A_274 = arith.mulf %parallel_loop3A_264, %parallel_loop3A_260 : vector<16xf32>
        %parallel_loop3A_275 = arith.mulf %parallel_loop3A_206, %parallel_loop3A_261 : vector<16xf32>
        %parallel_loop3A_276 = arith.addf %parallel_loop3A_274, %parallel_loop3A_275 : vector<16xf32>
        %parallel_loop3A_277 = arith.subf %parallel_loop3A_251, %parallel_loop3A_248 : vector<16xf32>
        %parallel_loop3A_278 = arith.subf %parallel_loop3A_257, %parallel_loop3A_254 : vector<16xf32>
        %parallel_loop3A_279 = arith.constant 1.000000e+00 : f32
        %parallel_loop3A_280 = vector.broadcast %parallel_loop3A_279 : f32 to vector<16xf32>
        %parallel_loop3A_281 = arith.subf %parallel_loop3A_280, %parallel_loop3A_203 : vector<16xf32>
        %parallel_loop3A_282 = arith.mulf %parallel_loop3A_281, %parallel_loop3A_267 : vector<16xf32>
        %parallel_loop3A_283 = arith.mulf %parallel_loop3A_203, %parallel_loop3A_270 : vector<16xf32>
        %parallel_loop3A_284 = arith.addf %parallel_loop3A_282, %parallel_loop3A_283 : vector<16xf32>
        %parallel_loop3A_285 = arith.index_cast %parallel_loop3A_200 : i32 to index
        %parallel_loop3A_286 = tpu.vector_load %arg64[%parallel_loop3A_285] {strides = array<i32>} : memref<2048xf32, #tpu.memory_space<vmem>>, vector<16xf32>,
        %parallel_loop3A_287 = vector.shape_cast %parallel_loop3A_286 : vector<16xf32> to vector<16xf32>
        %parallel_loop3A_288 = vector.shape_cast %parallel_loop3A_284 : vector<16xf32> to vector<16xf32>
        tpu.vector_store %arg64[%parallel_loop3A_285], %parallel_loop3A_288 {strides = array<i32>} : memref<2048xf32, #tpu.memory_space<vmem>>, vector<16xf32>,
        %parallel_loop3A_289 = arith.mulf %parallel_loop3A_281, %parallel_loop3A_273 : vector<16xf32>
        %parallel_loop3A_290 = arith.mulf %parallel_loop3A_203, %parallel_loop3A_276 : vector<16xf32>
        %parallel_loop3A_291 = arith.addf %parallel_loop3A_289, %parallel_loop3A_290 : vector<16xf32>
        %parallel_loop3A_292 = arith.mulf %parallel_loop3A_218, %parallel_loop3A_291 : vector<16xf32>
        %parallel_loop3A_293 = arith.index_cast %parallel_loop3A_200 : i32 to index
        %parallel_loop3A_294 = tpu.vector_load %arg67[%parallel_loop3A_293] {strides = array<i32>} : memref<2048xf32, #tpu.memory_space<vmem>>, vector<16xf32>,
        %parallel_loop3A_295 = vector.shape_cast %parallel_loop3A_294 : vector<16xf32> to vector<16xf32>
        %parallel_loop3A_296 = vector.shape_cast %parallel_loop3A_292 : vector<16xf32> to vector<16xf32>
        tpu.vector_store %arg67[%parallel_loop3A_293], %parallel_loop3A_296 {strides = array<i32>} : memref<2048xf32, #tpu.memory_space<vmem>>, vector<16xf32>,
        %parallel_loop3A_297 = arith.mulf %parallel_loop3A_281, %parallel_loop3A_277 : vector<16xf32>
        %parallel_loop3A_298 = arith.mulf %parallel_loop3A_203, %parallel_loop3A_278 : vector<16xf32>
        %parallel_loop3A_299 = arith.addf %parallel_loop3A_297, %parallel_loop3A_298 : vector<16xf32>
        %parallel_loop3A_300 = arith.mulf %parallel_loop3A_215, %parallel_loop3A_299 : vector<16xf32>
        %parallel_loop3A_301 = arith.index_cast %parallel_loop3A_200 : i32 to index
        %parallel_loop3A_302 = tpu.vector_load %arg66[%parallel_loop3A_301] {strides = array<i32>} : memref<2048xf32, #tpu.memory_space<vmem>>, vector<16xf32>,
        %parallel_loop3A_303 = vector.shape_cast %parallel_loop3A_302 : vector<16xf32> to vector<16xf32>
        %parallel_loop3A_304 = vector.shape_cast %parallel_loop3A_300 : vector<16xf32> to vector<16xf32>
        tpu.vector_store %arg66[%parallel_loop3A_301], %parallel_loop3A_304 {strides = array<i32>} : memref<2048xf32, #tpu.memory_space<vmem>>, vector<16xf32>,
        %parallel_loop3A_305 = arith.subf %parallel_loop3A_270, %parallel_loop3A_267 : vector<16xf32>
        %parallel_loop3A_306 = arith.mulf %parallel_loop3A_212, %parallel_loop3A_305 : vector<16xf32>
        %parallel_loop3A_307 = arith.index_cast %parallel_loop3A_200 : i32 to index
        %parallel_loop3A_308 = tpu.vector_load %arg65[%parallel_loop3A_307] {strides = array<i32>} : memref<2048xf32, #tpu.memory_space<vmem>>, vector<16xf32>,
        %parallel_loop3A_309 = vector.shape_cast %parallel_loop3A_308 : vector<16xf32> to vector<16xf32>
        %parallel_loop3A_310 = vector.shape_cast %parallel_loop3A_306 : vector<16xf32> to vector<16xf32>
        tpu.vector_store %arg65[%parallel_loop3A_307], %parallel_loop3A_310 {strides = array<i32>} : memref<2048xf32, #tpu.memory_space<vmem>>, vector<16xf32>,
      } {sc.loop_unroll_factor = 4 : i64, sc.parallel_access}
      %mul3A_185 = arith.constant 32768 : i32
      %mul3A_186 = arith.muli %add3A, %mul3A_185 : i32
      %mul3A_187 = arith.constant 2048 : i32
      %mul3A_188 = arith.muli %add3A_160, %mul3A_187 : i32
      %add3A_189 = arith.addi %mul3A_186, %mul3A_188 : i32
      %dma_start3A_190 = tpu.memref_slice %arg6[%add3A_189] : memref<1048576xf32, #tpu.memory_space<hbm>> -> memref<2048xf32, #tpu.memory_space<hbm>>
      %dma_start3A_191 = tpu.memref_slice %arg6[%add3A_189] : memref<1048576xf32, #tpu.memory_space<hbm>> -> memref<2048xf32, #tpu.memory_space<hbm>>
      tpu.enqueue_dma source(%arg64 : memref<2048xf32, #tpu.memory_space<vmem>>) target(%dma_start3A_191 : memref<2048xf32, #tpu.memory_space<hbm>>) target_semaphore(%arg73 : memref<!tpu.dma_semaphore, #tpu.memory_space<semaphore_mem>>)
      %dma_start3A_192 = tpu.memref_slice %arg7[%add3A_189] : memref<1048576xf32, #tpu.memory_space<hbm>> -> memref<2048xf32, #tpu.memory_space<hbm>>
      %dma_start3A_193 = tpu.memref_slice %arg7[%add3A_189] : memref<1048576xf32, #tpu.memory_space<hbm>> -> memref<2048xf32, #tpu.memory_space<hbm>>
      tpu.enqueue_dma source(%arg65 : memref<2048xf32, #tpu.memory_space<vmem>>) target(%dma_start3A_193 : memref<2048xf32, #tpu.memory_space<hbm>>) target_semaphore(%arg73 : memref<!tpu.dma_semaphore, #tpu.memory_space<semaphore_mem>>)
      %dma_start3A_194 = tpu.memref_slice %arg8[%add3A_189] : memref<1048576xf32, #tpu.memory_space<hbm>> -> memref<2048xf32, #tpu.memory_space<hbm>>
      %dma_start3A_195 = tpu.memref_slice %arg8[%add3A_189] : memref<1048576xf32, #tpu.memory_space<hbm>> -> memref<2048xf32, #tpu.memory_space<hbm>>
      tpu.enqueue_dma source(%arg66 : memref<2048xf32, #tpu.memory_space<vmem>>) target(%dma_start3A_195 : memref<2048xf32, #tpu.memory_space<hbm>>) target_semaphore(%arg73 : memref<!tpu.dma_semaphore, #tpu.memory_space<semaphore_mem>>)
      %dma_start3A_196 = tpu.memref_slice %arg9[%add3A_189] : memref<1048576xf32, #tpu.memory_space<hbm>> -> memref<2048xf32, #tpu.memory_space<hbm>>
      %dma_start3A_197 = tpu.memref_slice %arg9[%add3A_189] : memref<1048576xf32, #tpu.memory_space<hbm>> -> memref<2048xf32, #tpu.memory_space<hbm>>
      tpu.enqueue_dma source(%arg67 : memref<2048xf32, #tpu.memory_space<vmem>>) target(%dma_start3A_197 : memref<2048xf32, #tpu.memory_space<hbm>>) target_semaphore(%arg73 : memref<!tpu.dma_semaphore, #tpu.memory_space<semaphore_mem>>)
    }
    %scan3A_59 = arith.constant 8 : i32
    %mul3A_60 = arith.constant 32768 : i32
    %mul3A_61 = arith.muli %add3A, %mul3A_60 : i32
    %dma_wait3A_62 = tpu.memref_slice %arg6[%mul3A_61] : memref<1048576xf32, #tpu.memory_space<hbm>> -> memref<2048xf32, #tpu.memory_space<hbm>>
    %dma_wait3A_63 = tpu.memref_slice %arg6[%mul3A_61] : memref<1048576xf32, #tpu.memory_space<hbm>> -> memref<2048xf32, #tpu.memory_space<hbm>>
    tpu.wait_dma2 semaphore(%arg72 : memref<!tpu.dma_semaphore, #tpu.memory_space<semaphore_mem>>) src(%arg60 : memref<2048xf32, #tpu.memory_space<vmem>>) dst(%dma_wait3A_63 : memref<2048xf32, #tpu.memory_space<hbm>>)
    %dma_wait3A_64 = tpu.memref_slice %arg7[%mul3A_61] : memref<1048576xf32, #tpu.memory_space<hbm>> -> memref<2048xf32, #tpu.memory_space<hbm>>
    %dma_wait3A_65 = tpu.memref_slice %arg7[%mul3A_61] : memref<1048576xf32, #tpu.memory_space<hbm>> -> memref<2048xf32, #tpu.memory_space<hbm>>
    tpu.wait_dma2 semaphore(%arg72 : memref<!tpu.dma_semaphore, #tpu.memory_space<semaphore_mem>>) src(%arg61 : memref<2048xf32, #tpu.memory_space<vmem>>) dst(%dma_wait3A_65 : memref<2048xf32, #tpu.memory_space<hbm>>)
    %dma_wait3A_66 = tpu.memref_slice %arg8[%mul3A_61] : memref<1048576xf32, #tpu.memory_space<hbm>> -> memref<2048xf32, #tpu.memory_space<hbm>>
    %dma_wait3A_67 = tpu.memref_slice %arg8[%mul3A_61] : memref<1048576xf32, #tpu.memory_space<hbm>> -> memref<2048xf32, #tpu.memory_space<hbm>>
    tpu.wait_dma2 semaphore(%arg72 : memref<!tpu.dma_semaphore, #tpu.memory_space<semaphore_mem>>) src(%arg62 : memref<2048xf32, #tpu.memory_space<vmem>>) dst(%dma_wait3A_67 : memref<2048xf32, #tpu.memory_space<hbm>>)
    %dma_wait3A_68 = tpu.memref_slice %arg9[%mul3A_61] : memref<1048576xf32, #tpu.memory_space<hbm>> -> memref<2048xf32, #tpu.memory_space<hbm>>
    %dma_wait3A_69 = tpu.memref_slice %arg9[%mul3A_61] : memref<1048576xf32, #tpu.memory_space<hbm>> -> memref<2048xf32, #tpu.memory_space<hbm>>
    tpu.wait_dma2 semaphore(%arg72 : memref<!tpu.dma_semaphore, #tpu.memory_space<semaphore_mem>>) src(%arg63 : memref<2048xf32, #tpu.memory_space<vmem>>) dst(%dma_wait3A_69 : memref<2048xf32, #tpu.memory_space<hbm>>)
    %mul3A_70 = arith.constant 32768 : i32
    %mul3A_71 = arith.muli %add3A, %mul3A_70 : i32
    %dma_wait3A_72 = tpu.memref_slice %arg6[%mul3A_71] : memref<1048576xf32, #tpu.memory_space<hbm>> -> memref<2048xf32, #tpu.memory_space<hbm>>
    %dma_wait3A_73 = tpu.memref_slice %arg6[%mul3A_71] : memref<1048576xf32, #tpu.memory_space<hbm>> -> memref<2048xf32, #tpu.memory_space<hbm>>
    tpu.wait_dma2 semaphore(%arg73 : memref<!tpu.dma_semaphore, #tpu.memory_space<semaphore_mem>>) src(%arg64 : memref<2048xf32, #tpu.memory_space<vmem>>) dst(%dma_wait3A_73 : memref<2048xf32, #tpu.memory_space<hbm>>)
    %dma_wait3A_74 = tpu.memref_slice %arg7[%mul3A_71] : memref<1048576xf32, #tpu.memory_space<hbm>> -> memref<2048xf32, #tpu.memory_space<hbm>>
    %dma_wait3A_75 = tpu.memref_slice %arg7[%mul3A_71] : memref<1048576xf32, #tpu.memory_space<hbm>> -> memref<2048xf32, #tpu.memory_space<hbm>>
    tpu.wait_dma2 semaphore(%arg73 : memref<!tpu.dma_semaphore, #tpu.memory_space<semaphore_mem>>) src(%arg65 : memref<2048xf32, #tpu.memory_space<vmem>>) dst(%dma_wait3A_75 : memref<2048xf32, #tpu.memory_space<hbm>>)
    %dma_wait3A_76 = tpu.memref_slice %arg8[%mul3A_71] : memref<1048576xf32, #tpu.memory_space<hbm>> -> memref<2048xf32, #tpu.memory_space<hbm>>
    %dma_wait3A_77 = tpu.memref_slice %arg8[%mul3A_71] : memref<1048576xf32, #tpu.memory_space<hbm>> -> memref<2048xf32, #tpu.memory_space<hbm>>
    tpu.wait_dma2 semaphore(%arg73 : memref<!tpu.dma_semaphore, #tpu.memory_space<semaphore_mem>>) src(%arg66 : memref<2048xf32, #tpu.memory_space<vmem>>) dst(%dma_wait3A_77 : memref<2048xf32, #tpu.memory_space<hbm>>)
    %dma_wait3A_78 = tpu.memref_slice %arg9[%mul3A_71] : memref<1048576xf32, #tpu.memory_space<hbm>> -> memref<2048xf32, #tpu.memory_space<hbm>>
    %dma_wait3A_79 = tpu.memref_slice %arg9[%mul3A_71] : memref<1048576xf32, #tpu.memory_space<hbm>> -> memref<2048xf32, #tpu.memory_space<hbm>>
    tpu.wait_dma2 semaphore(%arg73 : memref<!tpu.dma_semaphore, #tpu.memory_space<semaphore_mem>>) src(%arg67 : memref<2048xf32, #tpu.memory_space<vmem>>) dst(%dma_wait3A_79 : memref<2048xf32, #tpu.memory_space<hbm>>)
    return
  }
}

</mosaic_0001>

<sc_bundles>
// kernel: kernel.3.cloned.1.call-start
scs
__scs_entry_jumppad:
0x0: {  	(pc) =	sbr.rel $0x88, $3  }
0x1: {  	(tag) =	ssettag $0x0;
	lr =	simm.s32 $0x1  }
0x2: {  	[smem:$0x3F9F] =	sst lr;
	_ =	strace $0xD0000000  }
0x3: {  	_ = 	snop  }
0x4: {  	_ = 	snop  }
0x5: {  	_ = 	snop  }
0x6: {  	_ = 	snop  }
0x7: {  	_ = 	snop  }
__scs_overlays_trampoline_lowered:
0x8: {  	[smem:$0x3FAE] =	sst s0  }
0x9: {  	[smem:$0x3FAF] =	sst s1  }
0xa: {  	[smem:$0x3FB0] =	sst s2  }
0xb: {  	[smem:$0x3FB1] =	sst s3  }
0xc: {  	[smem:$0x3FB2] =	sst s4  }
0xd: {  	[smem:$0x3FB3] =	sst s5  }
0xe: {  	[smem:$0x3FB4] =	sst s6  }
0xf: {  	[smem:$0x3FB5] =	sst s7  }
0x10: {  	[smem:$0x3FB6] =	sst s8  }
0x11: {  	[smem:$0x3FB7] =	sst s9;
	s0 =	simm.s32 @!p0 $0x0  }
0x12: {  	s1 =	sld [smem:$0x3F9D];
	s0 =	simm.s32 @p0 $0x1  }
0x13: {  	[smem:$0x3FB8] =	sst s0;
	s0 =	simm.s32 @!p1 $0x0  }
0x14: {  	s2 =	sld [smem:$0x3F9C];
	s0 =	simm.s32 @p1 $0x1  }
0x15: {  	[smem:$0x3FB9] =	sst s0;
	s0 =	simm.s32 @!p2 $0x0  }
0x16: {  	s3 =	sld [smem:$0x3FDB];
	s0 =	simm.s32 @p2 $0x1  }
0x17: {  	s4 =	simm.s32 $0x1BF5;
	[smem:$0x3FBB] =	sst s0  }
0x18: {  	s0 =	sld [smem:$0x3F9E];
	_ =	swait.ge [sflag:s4], $0x0  }
0x19: {  	s7 =	sld [smem:$0x3F9F]  }
0x1a: {  	s8 =	sadd.s32 $0xFFFFE003, lr  }
0x1b: {  	s9 =	sadd.s32 $0xFFFFFEF7, lr;
	s5 =	simm.s32 $0xFFFFFFFF;
	p2 =	slt.u32 s8, $0xFFFFF086  }
0x1c: {  	p1 =	slt.u32 s9, $0xF7A;
	s5 =	simm.s32 @!p2 $0x0  }
0x1d: {  	s5 =	simm.s32 @p1 $0x1;
	p0 =	seq.s32 s7, s2  }
0x1e: {  	s7 =	smul.u32 @!p0 $0xF7A, s2;
	p2 =	seq.s32 @!p0 s5, $0x0  }
0x1f: {  	s9 =	smul.u32 $0xF7A, s1;
	s8 =	simm.s32 @!p0 $0x1BF5;
	p2 =	por !p2, p0  }
0x20: {  	[sflag:s8] =	ssyncset.s32 @!p0 $0xFFFFF086;
	s6 =	sadd.s32 @!p0 s3, s7;
	s7 =	simm.s32 @!p0 $0x108  }
0x21: {  	s3 =	sadd.s32 s3, s9;
	s6 =	sadd.s32 @!p0 $0x88, s6;
	s7 =	simm.s32 @p2 $0x1082  }
0x22: {  	[simem:s7], [sflag:s8] =	dma.local @!p0 [hbm:s6], $0xF7A  }
0x23: {  	s9 =	sor.u32 $0xD0000000, s2;
	s6 =	simm.s32 $0x108;
	_ =	swait.ge @!p0 [sflag:s8], $0x0  }
0x24: {  	s3 =	sadd.s32 $0x88, s3;
	s6 =	simm.s32 @!p1 $0x1082;
	[sflag:s4] =	ssyncset.s32 $0xFFFFF086  }
0x25: {  	[simem:s6], [sflag:s4] =	dma.local [hbm:s3], $0xF7A  }
0x26: {  	[smem:$0x3F9F] =	sst s1;
	(tag) =	ssettag s2;
	_ =	strace s9  }
0x27: {  	s1 =	sld [smem:$0x3FAF]  }
0x28: {  	s2 =	sld [smem:$0x3FB0]  }
0x29: {  	s4 =	sld [smem:$0x3FB2]  }
0x2a: {  	p0 =	seq.s32 s5, $0x0;
	s5 =	sld [smem:$0x3FB3]  }
0x2b: {  	s6 =	sld [smem:$0x3FB4]  }
0x2c: {  	s7 =	sld [smem:$0x3FB5]  }
0x2d: {  	s3 =	simm.s32 $0x108;
	s8 =	sld [smem:$0x3FB6]  }
0x2e: {  	s3 =	simm.s32 @!p0 $0x1082;
	s9 =	sld [smem:$0x3FB7]  }
0x2f: {  	lr =	sadd.s32 s0, s3;
	s0 =	sld [smem:$0x3FAE]  }
0x30: {  	s3 =	sld [smem:$0x3FB1]  }
0x31: {  	[smem:$0x3FBA] =	sst s10  }
0x32: {  	s10 =	sld [smem:$0x3FB8];
	_ =	sdelay $0x3  }
0x33: {  	p0 =	seq.s32 s10, $0x1;
	s10 =	sld [smem:$0x3FBA];
	_ =	sdelay $0x3  }
0x34: {  	[smem:$0x3FBA] =	sst s10  }
0x35: {  	s10 =	sld [smem:$0x3FB9];
	_ =	sdelay $0x3  }
0x36: {  	p1 =	seq.s32 s10, $0x1;
	s10 =	sld [smem:$0x3FBA];
	_ =	sdelay $0x3  }
0x37: {  	[smem:$0x3FBA] =	sst s10  }
0x38: {  	s10 =	sld [smem:$0x3FBB]  }
0x39: {  	_ = 	snop;
	(pc) =	sbr.ind lr, $3  }
0x3a: {  	_ = 	snop  }
0x3b: {  	_ = 	snop  }
0x3c: {  	p2 =	seq.s32 s10, $0x1;
	s10 =	sld [smem:$0x3FBA]  }
0x3d: {  	_ =	shalt  }
0x3e: {  	_ =	shalt  }
0x3f: {  	_ =	shalt  }
0x40: {  	_ =	shalt  }
0x41: {  	_ =	shalt  }
0x42: {  	_ =	shalt  }
0x43: {  	_ =	shalt  }
0x44: {  	_ =	shalt  }
0x45: {  	_ =	shalt  }
0x46: {  	_ =	shalt  }
0x47: {  	_ =	shalt  }
0x48: {  	_ =	shalt  }
0x49: {  	_ =	shalt  }
0x4a: {  	_ =	shalt  }
0x4b: {  	_ =	shalt  }
0x4c: {  	_ =	shalt  }
0x4d: {  	_ =	shalt  }
0x4e: {  	_ =	shalt  }
0x4f: {  	_ =	shalt  }
0x50: {  	_ =	shalt  }
0x51: {  	_ =	shalt  }
0x52: {  	_ =	shalt  }
0x53: {  	_ =	shalt  }
0x54: {  	_ =	shalt  }
0x55: {  	_ =	shalt  }
0x56: {  	_ =	shalt  }
0x57: {  	_ =	shalt  }
0x58: {  	_ =	shalt  }
0x59: {  	_ =	shalt  }
0x5a: {  	_ =	shalt  }
0x5b: {  	_ =	shalt  }
0x5c: {  	_ =	shalt  }
0x5d: {  	_ =	shalt  }
0x5e: {  	_ =	shalt  }
0x5f: {  	_ =	shalt  }
0x60: {  	_ =	shalt  }
0x61: {  	_ =	shalt  }
0x62: {  	_ =	shalt  }
0x63: {  	_ =	shalt  }
0x64: {  	_ =	shalt  }
0x65: {  	_ =	shalt  }
0x66: {  	_ =	shalt  }
0x67: {  	_ =	shalt  }
0x68: {  	_ =	shalt  }
0x69: {  	_ =	shalt  }
0x6a: {  	_ =	shalt  }
0x6b: {  	_ =	shalt  }
0x6c: {  	_ =	shalt  }
0x6d: {  	_ =	shalt  }
0x6e: {  	_ =	shalt  }
0x6f: {  	_ =	shalt  }
0x70: {  	_ =	shalt  }
0x71: {  	_ =	shalt  }
0x72: {  	_ =	shalt  }
0x73: {  	_ =	shalt  }
0x74: {  	_ =	shalt  }
0x75: {  	_ =	shalt  }
0x76: {  	_ =	shalt  }
0x77: {  	_ =	shalt  }
0x78: {  	_ =	shalt  }
0x79: {  	_ =	shalt  }
0x7a: {  	_ =	shalt  }
0x7b: {  	_ =	shalt  }
0x7c: {  	_ =	shalt  }
0x7d: {  	_ =	shalt  }
0x7e: {  	_ =	shalt  }
0x7f: {  	_ =	shalt  }
0x80: {  	_ =	shalt  }
0x81: {  	_ =	shalt  }
0x82: {  	_ =	shalt  }
0x83: {  	_ =	shalt  }
0x84: {  	_ =	shalt  }
0x85: {  	_ =	shalt  }
0x86: {  	_ =	shalt  }
0x87: {  	_ =	shalt  }
.Lfunc_end0:
.L_simem_size_0:
called_computation_lowered:
.L_overlay_start_0:
0x88: {  	s2 =	sld [smem:$0x3FD9]  }
0x89: {  	s3 =	sld [smem:$0x3FFE];
	_ =	sdelay $0x1  }
0x8a: {  	s1 =	srdreg.scid  }
0x8b: {  	s0 =	sand.u32 $0x1, s1  }
0x8c: {  	s14 =	sshll.u32 s0, $0xA;
	s2 =	sadd.s32 s3, s2  }
0x8d: {  	s2 =	sadd.s32 s2, s14  }
0x8e: {  	[smem:$0x3FC6] =	sst s2  }
0x8f: {  	_ = 	snop  }
0x90: {  	s2 =	sld [smem:$0x3FD0];
	_ =	sdelay $0x2  }
0x91: {  	s4 =	simm.s32 $0xA;
	s5 =	simm.s32 $0x10;
	s15 =	sld [smem:$0x3FC8]  }
0x92: {  	[smem:s5], [sflag:s4] =	dma.local [hbm:s2], $0x1  }
0x93: {  	_ =	swait.eq [sflag:s4], $0x1  }
0x94: {  	[sflag:s4] =	ssyncset.done $0x0  }
0x95: {  	s16 =	sld [smem:$0x10];
	[sflag:s4] =	ssyncadd.s32 $0xFFFFFFFF  }
0x96: {  	s17 =	sld [smem:$0x11];
	(tm) =	ssettm $0x1  }
0x97: {  	s18 =	sld [smem:$0x3FFB];
	_ =	sdelay $0x3  }
0x98: {  	_ =	strace s18  }
0x99: {  	s5 =	sld [smem:$0x3FFC];
	_ =	sdelay $0x3  }
0x9a: {  	_ =	strace s5  }
0x9b: {  	s5 =	sld [smem:$0x3FFD];
	_ =	sdelay $0x3  }
0x9c: {  	_ =	strace s5  }
0x9d: {  	_ =	strace $0x8FFFFFFF  }
0x9e: {  	s19 =	sld [smem:$0x3FDB];
	_ =	sdelay $0x1  }
0x9f: {  	s6 =	simm.s32 $_scs_section_size  }
0xa0: {  	s7 =	simm.s32 $_size__tile_overlayer_lowered;
	s8 =	simm.s32 $_tile_overlayer_lowered  }
0xa1: {  	s22 =	simm.s32 $0x1BFF;
	s21 =	sshll.u32 s8, $0x1;
	s5 =	sadd.s32 s6, s19  }
0xa2: {  	s9 =	simm.s32 $0x0;
	s20 =	sshll.u32 s7, $0x1;
	s7 =	sadd.s32 s21, s5  }
0xa3: {  	[timem:s9], [sflag:s22] =	dma.local [hbm:s7], s20  }
0xa4: {  	_ =	swait.ge [sflag:s22], s20  }
0xa5: {  	s6 =	ssub.s32 $0x0, s20;
	[sflag:s22] =	ssyncset.done $0x0  }
0xa6: {  	[sflag:s22] =	ssyncadd.s32 s6;
	_ =	sdelay $0x1  }
0xa7: {  	s23 =	simm.s32 $0x1B8B  }
0xa8: {  	_ =	swait.ge [sflag:s23], $0x1  }
0xa9: {  	[sflag:s23] =	ssyncset.done $0x0  }
0xaa: {  	s25 =	simm.s32 $0x1B8E;
	s24 =	sld [smem:$0x3FFE];
	[sflag:s23] =	ssyncadd.s32 $0xFFFFFFFF  }
0xab: {  	s26 =	simm.s32 $execute0_lowered;
	[smem:$0x3FD2] =	sst s25  }
0xac: {  	s7 =	sshll.u32 s26, $0x1;
	_ =	strace $0x80000046;
	[dreg:$0x1] =	wrdreg $0xFFFFFFFF  }
0xad: {  	s28 =	simm.s32 $_size_execute0_lowered;
	s5 =	sadd.s32 s5, s7;
	[dreg:$0x0] =	wrdreg $0x0  }
0xae: {  	s7 =	sshll.u32 s28, $0x1;
	[dreg:$0x2] =	wrdreg s5  }
0xaf: {  	[dreg:$0x3] =	wrdreg s7  }
0xb0: {  	[dreg:$0x4] =	wrdreg $0xC0  }
0xb1: {  	_ =	task [dreg:s9], $0x5FFFF  }
0xb2: {  	[dreg:$0x1] =	wrdreg $0xFFFFFFFF  }
0xb3: {  	[dreg:$0x0] =	wrdreg $0x60  }
0xb4: {  	[dreg:$0x2] =	wrdreg s24  }
0xb5: {  	[dreg:$0x3] =	wrdreg s17  }
0xb6: {  	[dreg:$0x4] =	wrdreg s15  }
0xb7: {  	[dreg:$0x5] =	wrdreg s16  }
0xb8: {  	[dreg:$0x6] =	wrdreg $0x9  }
0xb9: {  	_ =	task.clear_ibuf [dreg:s9], $0x7FFFF;
	_ =	strace $0x90000046  }
0xba: {  	s29 =	simm.s32 $0x9;
	_ =	strace $0x80000048  }
0xbb: {  	_ =	swait.ge [sflag:s29], $0x1  }
0xbc: {  	[sflag:s29] =	ssyncadd.s32 $0xFFFFFFFF  }
0xbd: {  	_ =	strace $0x90000048  }
0xbe: {  	_ =	sfence  }
0xbf: {  	s30 =	sld [smem:$0x0];
	_ =	sdelay $0x2  }
0xc0: {  	s31 =	sshll.u32 s1, $0xD;
	s1 =	sshrl.u32 s1, $0x2  }
0xc1: {  	s3 =	sand.u32 $0x4000, s31;
	s1 =	sadd.s32 s1, s30  }
0xc2: {  	s0 =	sor.u32 s3, s0;
	s1 =	sshll.u32 s1, $0x11  }
0xc3: {  	s0 =	sor.u32 s1, s0  }
0xc4: {  	s0 =	sadd.s32 $0x8F2B, s0  }
0xc5: {  	[sflag:s0] =	ssyncadd.remote.s32 $0x1  }
0xc6: {  	_ =	sfence.sel $0xFFFF  }
0xc7: {  	[dreg:$0x0] =	wrdreg $0xFFFFFFFF;
	(pc) =	sbr.abs _section_cstart, $3  }
0xc8: {  	[dreg:$0x1] =	wrdreg $0xFFFFFFFF  }
0xc9: {  	_ =	task.clear_ibuf [dreg:s9], $0x2FFFF;
	_ =	strace $0x9FFFFFFF  }
0xca: {  	(tm) =	ssettm $0x7FFFFFFF  }
0xcb: {  	_ =	shalt  }
tec
execute0_lowered:
.L_overlay_start_1:
0x0: {  	(tag) =	ssettag $0x1  }
0x1: {  	s0 =	rddreg [dreg:$0x0]  }
0x2: {  	s1 =	rddreg [dreg:$0x1]  }
0x3: {  	s2 =	rddreg [dreg:$0x2]  }
0x4: {  	s3 =	rddreg [dreg:$0x3];
	s4 =	simm.s32 $0x0;
	s5 =	srdreg.scid  }
0x5: {  	s9 =	stileid.u32;
	s30 =	simm.s32 $0x3;
	s31 =	simm.s32 $0x19000  }
0x6: {  	s28 =	simm.s32 $0x2;
	s29 =	simm.s32 $0x1B000;
	[smem:$0x7FF] =	sst s4  }
0x7: {  	s6 =	sadd.s32 $0x21600, s0;
	s7 =	sadd.s32 $0x1600, s0;
	s5 =	sand.u32 $0x1, s5  }
0x8: {  	s10 =	sshll.u32 s9, $0x10;
	s12 =	ssub.s32 $0x2, s5;
	s5 =	sshll.u32 s5, $0xF  }
0x9: {  	s8 =	sadd.s32 $0x41600, s0;
	s9 =	sadd.s32 $0x61600, s0;
	s10 =	sor.u32 s5, s10  }
0xa: {  	s11 =	sadd.s32 $0x81600, s0;
	s5 =	sshrl.u32 s10, $0x3;
	s26 =	sor.u32 $0x2000, s10  }
0xb: {  	_ =	strace $0x80000047;
	s18 =	sadd.s32 s6, s5;
	[dreg:$0xe] =	wrdreg s26  }
0xc: {  	s13 =	sshrl.u32 s12, $0x1;
	s19 =	sadd.s32 s7, s5;
	[dreg:$0x5] =	wrdreg s18  }
0xd: {  	s17 =	ssub.s32 s12, s13;
	s21 =	sadd.s32 s1, s5;
	[dreg:$0x6] =	wrdreg s19  }
0xe: {  	s20 =	sor.u32 $0x100, s5;
	s0 =	smax.u32 s17, $0x1;
	[dreg:$0x7] =	wrdreg s21  }
0xf: {  	s16 =	simm.s32 $0x0;
	s22 =	sadd.s32 s6, s20;
	[dreg:$0xf] =	wrdreg s0  }
0x10: {  	s13 =	simm.s32 $0x1C800;
	s23 =	sadd.s32 s7, s20;
	[dreg:$0x8] =	wrdreg s22  }
0x11: {  	s5 =	sor.u32 $0x200, s5;
	s12 =	sadd.s32 s1, s20;
	[dreg:$0x9] =	wrdreg s23  }
0x12: {  	s26 =	simm.s32 $0x1A800;
	s24 =	sadd.s32 s6, s5;
	[dreg:$0xa] =	wrdreg s12  }
0x13: {  	s25 =	sadd.s32 s7, s5;
	s5 =	sadd.s32 s1, s5;
	[dreg:$0xb] =	wrdreg s24  }
0x14: {  	s21 =	sor.u32 $0x1800, s10;
	s18 =	simm.s32 $0x1000;
	[dreg:$0xc] =	wrdreg s25  }
0x15: {  	s20 =	simm.s32 $0x7000;
	s0 =	simm.s32 $0x19800;
	[dreg:$0xd] =	wrdreg s5  }
0x16: {  	s24 =	simm.s32 $0x800;
	s23 =	simm.s32 $0x4;
	s22 =	simm.s32 $0x1  }
0x17: {  	v0 =	vimm.f32 $0.0e+00;
	s5 =	simm.s32 $0x1A000;
	s25 =	simm.s32 $0x1B800;
	s12 =	simm.s32 $0x1C000  }
.LBB2_1:
0x18: {  	[dreg:$0x10] =	wrdreg s16  }
0x19: {  	s14 =	rddreg [dreg:$0x5]  }
0x1a: {  	[tilespmem:s4], [sflag:$0x3] =	stream.linear.gather [hbm4b:s14+s4], $0x800, $0x38;
	[tilespmem:$0x1D000] =	vst v63  }
0x1b: {  	s16 =	rddreg [dreg:$0x6]  }
0x1c: {  	[tilespmem:s24], [sflag:$0x3] =	stream.linear.gather [hbm4b:s16+s4], $0x800, $0x38;
	[tilespmem:$0x1D000] =	vst v63  }
0x1d: {  	s17 =	rddreg [dreg:$0x7]  }
0x1e: {  	[tilespmem:s18], [sflag:$0x3] =	stream.linear.gather [hbm4b:s17+s4], $0x800, $0x38;
	[tilespmem:$0x1D000] =	vst v63  }
0x1f: {  	s19 =	rddreg [dreg:$0x8];
	s15 =	simm.s32 $0x1800  }
0x20: {  	[tilespmem:s15], [sflag:$0x4] =	stream.linear.gather [hbm4b:s19+s4], $0x800, $0x38;
	[tilespmem:$0x1D000] =	vst v63  }
0x21: {  	s16 =	simm.s32 $0x2000;
	s15 =	rddreg [dreg:$0x9]  }
0x22: {  	[tilespmem:s16], [sflag:$0x4] =	stream.linear.gather [hbm4b:s15+s4], $0x800, $0x38;
	[tilespmem:$0x1D000] =	vst v63  }
0x23: {  	s17 =	rddreg [dreg:$0xa];
	s19 =	simm.s32 $0x2800  }
0x24: {  	[tilespmem:s19], [sflag:$0x4] =	stream.linear.gather [hbm4b:s17+s4], $0x800, $0x38;
	[tilespmem:$0x1D000] =	vst v63  }
0x25: {  	_ =	swait.ge [sflag:s30], $0x800  }
0x26: {  	[sflag:s30] =	ssyncset.done $0x0  }
0x27: {  	[sflag:s30] =	ssyncadd.s32 $0xFFFFF800  }
0x28: {  	_ =	swait.ge [sflag:s30], $0x800  }
0x29: {  	[sflag:s30] =	ssyncset.done $0x0  }
0x2a: {  	[sflag:s30] =	ssyncadd.s32 $0xFFFFF800  }
0x2b: {  	_ =	swait.ge [sflag:s30], $0x800  }
0x2c: {  	[sflag:s30] =	ssyncset.done $0x0  }
0x2d: {  	s14 =	simm.s32 $0x0;
	[sflag:s30] =	ssyncadd.s32 $0xFFFFF800  }
0x2e: {  	v1 =	vld [tilespmem:s14+$0x1030]  }
0x2f: {  	v2 =	vld [tilespmem:s14+$0x30]  }
0x30: {  	v3 =	vld [tilespmem:s14+$0x830]  }
0x31: {  	v4 =	vld [tilespmem:s14+$0x0]  }
0x32: {  	v5 =	vld [tilespmem:s14+$0x800]  }
0x33: {  	v6 =	vld [tilespmem:s14+$0x10]  }
0x34: {  	v7 =	vld [tilespmem:s14+$0x810]  }
0x35: {  	v8 =	vld [tilespmem:s14+$0x20]  }
0x36: {  	v9 =	vld [tilespmem:s14+$0x820];
	v2 =	vadd.f32 $1.000000000e+00, v2;
	v1 =	vadd.f32 $1.000000000e+00, v1  }
0x37: {  	v3 =	vadd.f32 $1.000000000e+00, v3;
	v4 =	vadd.f32 $1.000000000e+00, v4  }
0x38: {  	v5 =	vadd.f32 $1.000000000e+00, v5;
	v6 =	vadd.f32 $1.000000000e+00, v6  }
0x39: {  	v7 =	vadd.f32 $1.000000000e+00, v7;
	v2 =	vmul.f32 $6.400000000e+01, v2;
	v1 =	vmul.f32 $6.400000000e+01, v1  }
0x3a: {  	v8 =	vadd.f32 $1.000000000e+00, v8;
	v31 =	vmul.f32 $6.400000000e+01, v3;
	v4 =	vmul.f32 $6.400000000e+01, v4  }
0x3b: {  	v9 =	vadd.f32 $1.000000000e+00, v9;
	v5 =	vmul.f32 $6.400000000e+01, v5;
	v6 =	vmul.f32 $6.400000000e+01, v6  }
0x3c: {  	v48 =	vmul.f32 $6.400000000e+01, v7;
	v7 =	vmul.f32 $6.400000000e+01, v8  }
0x3d: {  	v47 =	vmul.f32 $6.400000000e+01, v9;
	v10 =	vmax.f32 v2, $0.0e+00;
	v11 =	vmax.f32 v1, $0.0e+00  }
0x3e: {  	v8 =	vmax.f32 v5, $0.0e+00;
	v9 =	vmax.f32 v6, $0.0e+00;
	vm6 =	veq.f32 v6, $0.0e+00  }
0x3f: {  	v3 =	vld [tilespmem:s14+$0x1000];
	vm7 =	veq.f32 v6, $1.270000000e+02;
	vm8 =	veq.f32 v48, $0.0e+00;
	vm9 =	veq.f32 v48, $1.270000000e+02  }
0x40: {  	vm12 =	veq.f32 v7, $0.0e+00;
	vm14 =	vgt.f32 v48, $0.0e+00;
	v17 =	vmin.f32 v10, $1.270000000e+02  }
0x41: {  	v10 =	vmax.f32 v31, $0.0e+00;
	v16 =	vmin.f32 v11, $1.270000000e+02;
	v27 =	vmin.f32 v8, $1.270000000e+02  }
0x42: {  	v25 =	vmin.f32 v9, $1.270000000e+02;
	v11 =	vtrunc.f32 v17;
	v18 =	vmin.f32 v10, $1.270000000e+02  }
0x43: {  	vm8 =	vmor vm8, vm9;
	v10 =	vtrunc.f32 v16;
	v13 =	vtrunc.f32 v18  }
0x44: {  	v12 =	vld [tilespmem:s14+$0x1010];
	v15 =	vcvt.f32.s32 v10;
	v19 =	vcvt.f32.s32 v11;
	v3 =	vadd.f32 $1.000000000e+00, v3  }
0x45: {  	vm6 =	vmor vm6, vm7;
	v61 =	vsel vm8, $0x42000000, v0;
	v20 =	vcvt.f32.s32 v13  }
0x46: {  	v10 =	vld [tilespmem:s14+$0x1020];
	v11 =	vadd.s32 $0x1, v15;
	v13 =	vadd.s32 $0x1, v19;
	v3 =	vmul.f32 $6.400000000e+01, v3  }
0x47: {  	v14 =	vadd.s32 $0x1, v20;
	vm0 =	vlt.s32 v11, $0x7F;
	vm1 =	vlt.s32 v13, $0x7F  }
0x48: {  	vm2 =	vlt.s32 v14, $0x7F;
	v44 =	vnsel vm0, $0x7F, v11;
	v45 =	vnsel vm1, $0x7F, v13  }
0x49: {  	v11 =	vadd.f32 $1.000000000e+00, v12;
	v12 =	vmax.f32 v4, $0.0e+00;
	v13 =	vmax.f32 v47, $0.0e+00  }
0x4a: {  	v8 =	vmax.f32 v3, $0.0e+00;
	vm8 =	vlt.f32 v3, $1.270000000e+02;
	v43 =	vnsel vm2, $0x7F, v14  }
0x4b: {  	v10 =	vadd.f32 $1.000000000e+00, v10;
	v30 =	vmin.f32 v12, $1.270000000e+02;
	v21 =	vmin.f32 v13, $1.270000000e+02  }
0x4c: {  	v12 =	vtrunc.f32 v25;
	v33 =	vmin.f32 v8, $1.270000000e+02;
	v49 =	vmul.f32 $6.400000000e+01, v11  }
0x4d: {  	v11 =	vmax.f32 v7, $0.0e+00;
	v9 =	vtrunc.f32 v30;
	v8 =	vtrunc.f32 v21  }
0x4e: {  	v40 =	vcvt.f32.s32 v12;
	v59 =	vshll.u32 v43, $0xA;
	v43 =	vshll.u32 v43, $0x3  }
0x4f: {  	v46 =	vmul.f32 $6.400000000e+01, v10;
	v23 =	vmin.f32 v11, $1.270000000e+02;
	v11 =	vtrunc.f32 v27  }
0x50: {  	v10 =	vmax.f32 v48, $0.0e+00;
	v38 =	vcvt.f32.s32 v9;
	v37 =	vcvt.f32.s32 v8  }
0x51: {  	v8 =	vtrunc.f32 v33;
	v43 =	vand.u32 $0x38, v43;
	v24 =	vmin.f32 v10, $1.270000000e+02  }
0x52: {  	v10 =	vmax.f32 v49, $0.0e+00;
	v22 =	vtrunc.f32 v23;
	v35 =	vcvt.f32.s32 v11  }
0x53: {  	v26 =	vcvt.f32.s32 v8;
	v8 =	vadd.s32 $0x1, v40;
	vm10 =	veq.f32 v49, $0.0e+00  }
0x54: {  	vm11 =	veq.f32 v49, $1.270000000e+02;
	v13 =	vmax.f32 v46, $0.0e+00;
	v14 =	vtrunc.f32 v24  }
0x55: {  	v32 =	vmin.f32 v10, $1.270000000e+02;
	v36 =	vcvt.f32.s32 v22;
	v9 =	vadd.s32 $0x1, v38  }
0x56: {  	vm2 =	vlt.s32 v8, $0x7F;
	vm7 =	veq.f32 v46, $0.0e+00;
	vm9 =	veq.f32 v46, $1.270000000e+02  }
0x57: {  	vm10 =	vmor vm10, vm11;
	vm11 =	veq.f32 v2, $0.0e+00;
	v57 =	vshll.u32 v38, $0xE  }
0x58: {  	v58 =	vshll.u32 v38, $0x6;
	v29 =	vmin.f32 v13, $1.270000000e+02;
	v41 =	vcvt.f32.s32 v14  }
0x59: {  	v10 =	vadd.s32 $0x1, v35;
	v11 =	vtrunc.f32 v32;
	vm0 =	vlt.s32 v9, $0x7F  }
0x5a: {  	v13 =	vadd.s32 $0x1, v37;
	v14 =	vadd.s32 $0x1, v26;
	v52 =	vnsel vm2, $0x7F, v8  }
0x5b: {  	vm7 =	vmor vm7, vm9;
	vm9 =	veq.f32 v31, $1.270000000e+02;
	v57 =	vand.u32 $0xFFFE0000, v57  }
0x5c: {  	v58 =	vand.u32 $0x1C0, v58;
	v12 =	vtrunc.f32 v29;
	v28 =	vcvt.f32.s32 v11  }
0x5d: {  	vm1 =	vlt.s32 v10, $0x7F;
	vm5 =	vlt.s32 v13, $0x7F;
	v50 =	vnsel vm0, $0x7F, v9  }
0x5e: {  	vm0 =	vlt.s32 v14, $0x7F;
	v57 =	vor.u32 v58, v57;
	v58 =	vshll.u32 v36, $0xE  }
0x5f: {  	v11 =	vadd.s32 $0x1, v41;
	v22 =	vcvt.f32.s32 v12;
	v12 =	vadd.s32 $0x1, v36  }
0x60: {  	v51 =	vnsel vm1, $0x7F, v10;
	v55 =	vnsel vm5, $0x7F, v13;
	v39 =	vnsel vm0, $0x7F, v14  }
0x61: {  	vm0 =	veq.f32 v4, $0.0e+00;
	vm5 =	veq.f32 v3, $1.270000000e+02;
	v14 =	vsel vm6, $0x42000000, v0  }
0x62: {  	vm6 =	vgt.f32 v3, $0.0e+00;
	v58 =	vand.u32 $0xFFFE0000, v58;
	vm3 =	vlt.s32 v11, $0x7F  }
0x63: {  	vm4 =	vlt.s32 v12, $0x7F;
	v9 =	vadd.s32 $0x1, v28;
	vm8 =	vmand vm6, vm8  }
0x64: {  	vm6 =	vlt.f32 v47, $1.270000000e+02;
	v56 =	vshll.u32 v55, $0xA;
	v55 =	vshll.u32 v55, $0x3  }
0x65: {  	v42 =	vadd.s32 $0x1, v22;
	v53 =	vnsel vm3, $0x7F, v11;
	v54 =	vnsel vm4, $0x7F, v12  }
0x66: {  	vm1 =	vlt.s32 v9, $0x7F;
	vm3 =	veq.f32 v5, $1.270000000e+02;
	vm4 =	veq.f32 v3, $0.0e+00  }
0x67: {  	v11 =	vsel vm10, $0x42000000, v0;
	vm10 =	vgt.f32 v6, $0.0e+00;
	v3 =	vsel vm7, $0x42000000, v0  }
0x68: {  	vm7 =	vlt.f32 v48, $1.270000000e+02;
	v48 =	vshll.u32 v51, $0x3;
	v56 =	vand.u32 $0xFFFFE000, v56  }
0x69: {  	v55 =	vand.u32 $0x38, v55;
	vm2 =	vlt.s32 v42, $0x7F;
	v34 =	vnsel vm1, $0x7F, v9  }
0x6a: {  	vm1 =	veq.f32 v4, $1.270000000e+02;
	vm4 =	vmor vm4, vm5;
	vm5 =	veq.f32 v47, $1.270000000e+02  }
0x6b: {  	vm7 =	vmand vm14, vm7;
	vm14 =	vlt.f32 v46, $1.270000000e+02;
	v60 =	vshll.u32 v54, $0xE  }
0x6c: {  	v54 =	vshll.u32 v54, $0x6;
	v48 =	vand.u32 $0x38, v48;
	v55 =	vor.u32 v55, v56  }
0x6d: {  	v42 =	vnsel vm2, $0x7F, v42;
	vm2 =	veq.f32 v5, $0.0e+00;
	vm0 =	vmor vm0, vm1  }
0x6e: {  	vm1 =	veq.f32 v7, $1.270000000e+02;
	v13 =	vsel vm4, $0x42000000, v0;
	vm4 =	vlt.f32 v5, $1.270000000e+02  }
0x6f: {  	v54 =	vand.u32 $0x1C0, v54;
	vm2 =	vmor vm2, vm3;
	vm3 =	veq.f32 v47, $0.0e+00  }
0x70: {  	vm1 =	vmor vm12, vm1;
	vm12 =	veq.f32 v2, $1.270000000e+02;
	v8 =	vsel vm0, $0x42000000, v0  }
0x71: {  	vm0 =	vlt.f32 v4, $1.270000000e+02;
	vm3 =	vmor vm3, vm5;
	vm5 =	veq.f32 v31, $0.0e+00  }
0x72: {  	vm11 =	vmor vm11, vm12;
	vm12 =	veq.f32 v1, $0.0e+00;
	v63 =	vsel vm2, $0x42000000, v0  }
0x73: {  	vm2 =	vgt.f32 v5, $0.0e+00;
	v12 =	vsel vm1, $0x42000000, v0;
	vm1 =	vlt.f32 v6, $1.270000000e+02  }
0x74: {  	vm5 =	vmor vm5, vm9;
	vm9 =	veq.f32 v1, $1.270000000e+02;
	v6 =	vsel vm3, $0x42000000, v0  }
0x75: {  	v9 =	vsel vm11, $0x42000000, v0;
	vm11 =	vgt.f32 v49, $0.0e+00;
	vm3 =	vmand vm2, vm4  }
0x76: {  	vm2 =	vlt.f32 v7, $1.270000000e+02;
	vm4 =	vgt.f32 v47, $0.0e+00;
	v47 =	vshll.u32 v51, $0xA  }
0x77: {  	v51 =	vshll.u32 v53, $0xA;
	vm9 =	vmor vm12, vm9;
	vm12 =	vgt.f32 v4, $0.0e+00  }
0x78: {  	v62 =	vsel vm5, $0x42000000, v0;
	vm5 =	vlt.f32 v49, $1.270000000e+02;
	vm15 =	vmand vm4, vm6  }
0x79: {  	v49 =	vshll.u32 v52, $0xE;
	v47 =	vand.u32 $0xFFFFE000, v47;
	v51 =	vand.u32 $0xFFFFE000, v51  }
0x7a: {  	vm13 =	vmand vm12, vm0;
	vm0 =	vgt.f32 v7, $0.0e+00;
	v7 =	vsel vm9, $0x42000000, v0  }
0x7b: {  	vm12 =	vmand vm10, vm1;
	vm1 =	vgt.f32 v46, $0.0e+00;
	vm9 =	vmand vm11, vm5  }
0x7c: {  	vm5 =	vgt.f32 v2, $0.0e+00;
	v49 =	vand.u32 $0xFFFE0000, v49;
	v47 =	vor.u32 v48, v47  }
0x7d: {  	v48 =	vshll.u32 v35, $0x3;
	vm10 =	vmand vm0, vm2;
	vm0 =	vlt.f32 v2, $1.270000000e+02  }
0x7e: {  	vm2 =	vgt.f32 v31, $0.0e+00;
	vm6 =	vmand vm1, vm14;
	vm1 =	vlt.f32 v31, $1.270000000e+02  }
0x7f: {  	v2 =	vshll.u32 v45, $0xE;
	v31 =	vshll.u32 v45, $0x6;
	v45 =	vand.u32 $0xFFFFE000, v59  }
0x80: {  	v48 =	vand.u32 $0x38, v48;
	vm14 =	vmand vm5, vm0;
	vm0 =	vgt.f32 v1, $0.0e+00  }
0x81: {  	vm4 =	vmand vm2, vm1;
	vm1 =	vlt.f32 v1, $1.270000000e+02;
	v1 =	vand.u32 $0x7, v44  }
0x82: {  	v44 =	vshll.u32 v44, $0x6;
	v2 =	vand.u32 $0xFFFE0000, v2;
	v31 =	vand.u32 $0x1C0, v31  }
0x83: {  	v43 =	vor.u32 v43, v45;
	v45 =	vshll.u32 v50, $0x6;
	vm1 =	vmand vm0, vm1  }
0x84: {  	v44 =	vand.u32 $0xFFFFFE00, v44;
	v46 =	vor.u32 v31, v2;
	v2 =	vshll.u32 v19, $0xE  }
0x85: {  	v31 =	vshll.u32 v19, $0x6;
	v45 =	vand.u32 $0x1C0, v45;
	v19 =	vcvt.s32.f32 v19  }
0x86: {  	v4 =	vor.u32 v1, v44;
	v44 =	vshll.u32 v50, $0xE;
	v50 =	vshll.u32 v52, $0x6  }
0x87: {  	v52 =	vshll.u32 v53, $0x3;
	v53 =	vand.u32 $0xFFFE0000, v60;
	v60 =	vshll.u32 v41, $0x3  }
0x88: {  	v2 =	vand.u32 $0xFFFE0000, v2;
	v31 =	vand.u32 $0x1C0, v31;
	v1 =	vor.u32 v57, v47  }
0x89: {  	v5 =	vor.u32 v46, v43;
	v44 =	vand.u32 $0xFFFE0000, v44;
	v50 =	vand.u32 $0x1C0, v50  }
0x8a: {  	v52 =	vand.u32 $0x38, v52;
	v53 =	vor.u32 v54, v53;
	v54 =	vshll.u32 v41, $0xA  }
0x8b: {  	v56 =	vand.u32 $0x38, v60;
	v60 =	vshll.u32 v37, $0x3;
	v59 =	vor.u32 v31, v2  }
0x8c: {  	v2 =	vshll.u32 v39, $0x6;
	v31 =	vshll.u32 v34, $0x6;
	v39 =	vand.u32 $0x7, v39  }
0x8d: {  	v41 =	vcvt.s32.f32 v41;
	v17 =	vsub.f32 v17, v19;
	v44 =	vor.u32 v45, v44  }
0x8e: {  	v45 =	vshll.u32 v35, $0xA;
	v49 =	vor.u32 v50, v49;
	v50 =	vshll.u32 v40, $0xE  }
0x8f: {  	v51 =	vor.u32 v52, v51;
	v52 =	vshll.u32 v40, $0x6;
	v54 =	vand.u32 $0xFFFFE000, v54  }
0x90: {  	v2 =	vand.u32 $0xFFFFFE00, v2;
	v40 =	vcvt.s32.f32 v40;
	v45 =	vand.u32 $0xFFFFE000, v45  }
0x91: {  	v50 =	vand.u32 $0xFFFE0000, v50;
	v52 =	vand.u32 $0x1C0, v52;
	v54 =	vor.u32 v56, v54  }
0x92: {  	v56 =	vand.u32 $0x38, v60;
	v60 =	vshll.u32 v20, $0x3;
	v47 =	vor.u32 v44, v47  }
0x93: {  	[tilespmem:s14+$0x13030] =	vst v17;
	v17 =	vshll.u32 v15, $0x6;
	v45 =	vor.u32 v48, v45;
	v48 =	vshll.u32 v36, $0x6  }
0x94: {  	v50 =	vor.u32 v52, v50;
	v52 =	vshll.u32 v37, $0xA;
	v25 =	vsub.f32 v25, v40  }
0x95: {  	v17 =	vand.u32 $0xFFFFFE00, v17;
	v48 =	vand.u32 $0x1C0, v48;
	v52 =	vand.u32 $0xFFFFE000, v52  }
0x96: {  	v44 =	vor.u32 v45, v44;
	v48 =	vor.u32 v48, v58;
	v58 =	vshll.u32 v20, $0xA  }
0x97: {  	v52 =	vor.u32 v56, v52;
	v56 =	vand.u32 $0x38, v60;
	v60 =	vand.u32 $0x7, v34  }
0x98: {  	v34 =	vor.u32 v39, v2;
	[tilespmem:s14+$0x13010] =	vst v25;
	v25 =	vshll.u32 v28, $0x6;
	v58 =	vand.u32 $0xFFFFE000, v58  }
0x99: {  	v25 =	vand.u32 $0xFFFFFE00, v25;
	v56 =	vor.u32 v56, v58;
	v58 =	vand.u32 $0xFFFFFE00, v31  }
0x9a: {  	v31 =	vor.u32 v57, v45;
	v45 =	vshll.u32 v42, $0x6;
	v42 =	vand.u32 $0x7, v42  }
0x9b: {  	v39 =	vor.u32 v60, v58;
	v60 =	vcvt.s32.f32 v38;
	v58 =	vand.u32 $0xFFFFFE00, v45  }
0x9c: {  	v45 =	vcvt.s32.f32 v35;
	v38 =	vor.u32 v50, v54;
	v35 =	vor.u32 v48, v52  }
0x9d: {  	v42 =	vor.u32 v42, v58;
	v58 =	vor.u32 v50, v51;
	v51 =	vor.u32 v49, v51  }
0x9e: {  	v49 =	vor.u32 v54, v49;
	v50 =	vor.u32 v48, v55;
	v54 =	vor.u32 v53, v55  }
0x9f: {  	v48 =	vcvt.s32.f32 v26;
	v30 =	vsub.f32 v30, v60;
	v60 =	vor.u32 v4, v5  }
0xa0: {  	v53 =	vor.u32 v52, v53;
	v52 =	vcvt.s32.f32 v37;
	v27 =	vsub.f32 v27, v45;
	[tilespmem:s14+$0x6830] =	vst v60  }
0xa1: {  	v57 =	vor.u32 v59, v43;
	v33 =	vsub.f32 v33, v48;
	v48 =	vcvt.s32.f32 v28;
	[tilespmem:s14+$0x13000] =	vst v30  }
0xa2: {  	v60 =	vsub.f32 v21, v52;
	v30 =	vsub.f32 v24, v41;
	v24 =	vcvt.s32.f32 v36;
	[tilespmem:s14+$0x13800] =	vst v27  }
0xa3: {  	v21 =	vshll.u32 v26, $0x6;
	v27 =	vcvt.s32.f32 v22;
	v36 =	vor.u32 v39, v58;
	[tilespmem:s14+$0x14000] =	vst v33  }
0xa4: {  	v32 =	vsub.f32 v32, v48;
	[tilespmem:s14+$0x13820] =	vst v60;
	v55 =	vsub.f32 v23, v24;
	v24 =	vor.u32 v56, v46  }
0xa5: {  	v23 =	vor.u32 v59, v56;
	v27 =	vsub.f32 v29, v27;
	[tilespmem:s14+$0x13810] =	vst v30;
	v29 =	vcvt.s32.f32 v20  }
0xa6: {  	v30 =	vcvt.s32.f32 v15;
	v20 =	vand.u32 $0xFFFFFE00, v21;
	v21 =	vand.u32 $0x7, v26;
	[tilespmem:s14+$0x14010] =	vst v32  }
0xa7: {  	v26 =	vand.u32 $0x7, v28;
	v21 =	vor.u32 v21, v20;
	[tilespmem:s14+$0x13020] =	vst v55;
	v18 =	vsub.f32 v18, v29  }
0xa8: {  	v20 =	vor.u32 v26, v25;
	v19 =	vsub.f32 v16, v30;
	[tilespmem:s14+$0x14020] =	vst v27;
	v16 =	vshll.u32 v22, $0x6  }
0xa9: {  	v25 =	vand.u32 $0x7, v15;
	v22 =	vand.u32 $0x7, v22;
	v16 =	vand.u32 $0xFFFFFE00, v16;
	[tilespmem:s14+$0x13830] =	vst v18  }
0xaa: {  	v15 =	vor.u32 v22, v16;
	v16 =	vor.u32 v25, v17;
	v17 =	vor.u32 v21, v1;
	[tilespmem:s14+$0x14030] =	vst v19  }
0xab: {  	v32 =	vor.u32 v49, v39;
	v37 =	vor.u32 v20, v58;
	v18 =	vor.u32 v34, v1;
	[tilespmem:s14+$0x4000] =	vst v17  }
0xac: {  	v33 =	vor.u32 v20, v49;
	v30 =	vor.u32 v20, v51;
	v19 =	vor.u32 v44, v34;
	[tilespmem:s14+$0x4800] =	vst v18  }
0xad: {  	v29 =	vor.u32 v42, v50;
	v27 =	vor.u32 v53, v42;
	v22 =	vor.u32 v21, v47;
	[tilespmem:s14+$0x5800] =	vst v19  }
0xae: {  	v25 =	vor.u32 v34, v47;
	v17 =	vor.u32 v21, v44;
	v19 =	vor.u32 v39, v51;
	[tilespmem:s14+$0x6000] =	vst v22  }
0xaf: {  	v18 =	vor.u32 v15, v50;
	v28 =	vor.u32 v15, v53;
	v26 =	vor.u32 v15, v54;
	[tilespmem:s14+$0x6800] =	vst v25  }
0xb0: {  	s15 =	simm.s32 $0x0;
	s16 =	simm.s32 $0x100;
	v25 =	vor.u32 v42, v54;
	v22 =	vor.u32 v16, v57;
	[tilespmem:s14+$0x5000] =	vst v17;
	v17 =	vor.u32 v4, v57  }
.LBB2_2:
0xb1: {  	[tilespmem:s14+$0x4010] =	vst v37  }
0xb2: {  	s17 =	sshra.s32 s16, $0x2;
	[tilespmem:s14+$0x4810] =	vst v36  }
0xb3: {  	[tilespmem:s14+$0x5010] =	vst v33;
	v40 =	vld [tilespmem:s17+$0x1030]  }
0xb4: {  	v53 =	vor.u32 v16, v24;
	[tilespmem:s14+$0x5810] =	vst v32;
	v55 =	vld [tilespmem:s17+$0x30]  }
0xb5: {  	v24 =	vor.u32 v24, v4;
	v41 =	vor.u32 v31, v34;
	v21 =	vor.u32 v21, v31;
	[tilespmem:s14+$0x6010] =	vst v30;
	v31 =	vld [tilespmem:s17+$0x830]  }
0xb6: {  	v39 =	vor.u32 v38, v39;
	v56 =	vor.u32 v20, v38;
	v43 =	vsel vm13, $0x42800000, v8;
	[tilespmem:s14+$0x6810] =	vst v19;
	v8 =	vld [tilespmem:s17+$0x0]  }
0xb7: {  	v1 =	vor.u32 v23, v4;
	v57 =	vor.u32 v15, v35;
	v44 =	vsel vm8, $0x42800000, v13;
	[tilespmem:s14+$0x4020] =	vst v18;
	v4 =	vld [tilespmem:s17+$0x800]  }
0xb8: {  	v47 =	vsel vm12, $0x42800000, v14;
	v46 =	vsel vm7, $0x42800000, v61;
	v48 =	vsel vm14, $0x42800000, v9;
	[tilespmem:s14+$0x4820] =	vst v29;
	v9 =	vld [tilespmem:s17+$0x810]  }
0xb9: {  	v15 =	vsel vm9, $0x42800000, v11;
	v58 =	vsel vm10, $0x42800000, v12;
	v14 =	vsel vm15, $0x42800000, v6;
	v12 =	vld [tilespmem:s17+$0x20]  }
0xba: {  	v13 =	vsel vm6, $0x42800000, v3;
	v32 =	vsel vm4, $0x42800000, v62;
	[tilespmem:s14+$0x5020] =	vst v28;
	v2 =	vor.u32 v16, v5;
	v5 =	vld [tilespmem:s17+$0x10]  }
0xbb: {  	v33 =	vsel vm1, $0x42800000, v7;
	v29 =	vld [tilespmem:s17+$0x820];
	[tilespmem:s14+$0x5820] =	vst v27;
	v6 =	vadd.f32 $1.000000000e+00, v55;
	v10 =	vadd.f32 $1.000000000e+00, v40  }
0xbc: {  	[tilespmem:s14+$0x6020] =	vst v26;
	v16 =	vor.u32 v16, v23;
	v3 =	vadd.f32 $1.000000000e+00, v31;
	v28 =	vadd.f32 $1.000000000e+00, v8  }
0xbd: {  	v59 =	vld [tilespmem:s17+$0x1010];
	[tilespmem:s14+$0x6820] =	vst v25;
	v27 =	vadd.f32 $1.000000000e+00, v4;
	v19 =	vmul.f32 $6.400000000e+01, v6;
	v45 =	vmul.f32 $6.400000000e+01, v10  }
0xbe: {  	[tilespmem:s14+$0x4830] =	vst v17;
	v25 =	vld [tilespmem:s17+$0x1020];
	v17 =	vadd.f32 $1.000000000e+00, v9;
	v12 =	vadd.f32 $1.000000000e+00, v12;
	v18 =	vmul.f32 $6.400000000e+01, v3  }
0xbf: {  	v10 =	vld [tilespmem:s17+$0x1000];
	v26 =	vadd.f32 $1.000000000e+00, v5;
	v3 =	vmax.f32 v19, $0.0e+00;
	v5 =	vmax.f32 v45, $0.0e+00  }
0xc0: {  	[tilespmem:s14+$0x4030] =	vst v22;
	v11 =	vmax.f32 v18, $0.0e+00;
	v4 =	vmin.f32 v3, $1.270000000e+02;
	v3 =	vmin.f32 v5, $1.270000000e+02  }
0xc1: {  	[tilespmem:$0x1FE30] =	vst v4;
	v22 =	vtrunc.f32 v4;
	v4 =	vmin.f32 v11, $1.270000000e+02;
	v11 =	vtrunc.f32 v3  }
0xc2: {  	v62 =	vadd.f32 $1.000000000e+00, v59;
	v9 =	vtrunc.f32 v4;
	v20 =	vcvt.f32.s32 v11  }
0xc3: {  	v61 =	vadd.f32 $1.000000000e+00, v29;
	v31 =	vcvt.f32.s32 v22;
	v30 =	vcvt.f32.s32 v9  }
0xc4: {  	[tilespmem:s14+$0x3030] =	vst v16;
	v16 =	vadd.f32 $1.000000000e+00, v25;
	v60 =	vadd.f32 $1.000000000e+00, v10;
	v9 =	vadd.s32 $0x1, v20  }
0xc5: {  	[tilespmem:s14+$0x6030] =	vst v2;
	v2 =	vadd.s32 $0x1, v31;
	v10 =	vadd.s32 $0x1, v30;
	vm0 =	vlt.s32 v9, $0x7F  }
0xc6: {  	vm1 =	vlt.s32 v2, $0x7F;
	vm2 =	vlt.s32 v10, $0x7F;
	v9 =	vnsel vm0, $0x7F, v9  }
0xc7: {  	[tilespmem:s14+$0x5830] =	vst v24;
	v2 =	vnsel vm1, $0x7F, v2;
	v10 =	vnsel vm2, $0x7F, v10;
	v22 =	vand.u32 $0x7, v9  }
0xc8: {  	[tilespmem:s14+$0x3830] =	vst v1;
	v24 =	vshll.u32 v2, $0xE;
	v2 =	vshll.u32 v2, $0x6;
	v29 =	vshll.u32 v9, $0x6  }
0xc9: {  	[tilespmem:s14+$0x3000] =	vst v21;
	v1 =	vand.u32 $0xFFFE0000, v24;
	v9 =	vshll.u32 v10, $0xA;
	v10 =	vshll.u32 v10, $0x3  }
0xca: {  	[tilespmem:$0x1FE70] =	vst v3;
	v2 =	vand.u32 $0x1C0, v2;
	v21 =	vand.u32 $0xFFFFE000, v9;
	v10 =	vand.u32 $0x38, v10  }
0xcb: {  	[tilespmem:$0x1FE60] =	vst v4;
	v3 =	vor.u32 v2, v1;
	v1 =	vand.u32 $0xFFFFFE00, v29;
	v4 =	vor.u32 v10, v21  }
0xcc: {  	[tilespmem:s14+$0x5030] =	vst v53;
	v25 =	vmul.f32 $6.400000000e+01, v17;
	v2 =	vor.u32 v22, v1;
	v1 =	vor.u32 v3, v4  }
0xcd: {  	[tilespmem:s14+$0x3020] =	vst v57;
	v24 =	vmul.f32 $6.400000000e+01, v28;
	v28 =	vmul.f32 $6.400000000e+01, v62;
	v21 =	vor.u32 v2, v1  }
0xce: {  	v23 =	vsel vm3, $0x42800000, v63;
	v22 =	vmul.f32 $6.400000000e+01, v26;
	[tilespmem:s17+$0x6830] =	vst v21;
	v21 =	vmul.f32 $6.400000000e+01, v12  }
0xcf: {  	[tilespmem:s14+$0x3810] =	vst v39;
	v29 =	vmul.f32 $6.400000000e+01, v60;
	v63 =	vmax.f32 v24, $0.0e+00;
	v26 =	vmul.f32 $6.400000000e+01, v16  }
0xd0: {  	[tilespmem:$0x1FD60] =	vst v4;
	v5 =	vmin.f32 v63, $1.270000000e+02;
	v49 =	vmax.f32 v22, $0.0e+00;
	v51 =	vmax.f32 v21, $0.0e+00  }
0xd1: {  	[tilespmem:$0x1FFF0] =	vst v1;
	v55 =	vmax.f32 v26, $0.0e+00;
	v4 =	vmin.f32 v49, $1.270000000e+02;
	v1 =	vmin.f32 v51, $1.270000000e+02  }
0xd2: {  	v57 =	vtrunc.f32 v4;
	[tilespmem:$0x1FDE0] =	vst v1;
	v59 =	vtrunc.f32 v1;
	v1 =	vmin.f32 v55, $1.270000000e+02  }
0xd3: {  	[tilespmem:s14+$0x3800] =	vst v41;
	v53 =	vmax.f32 v29, $0.0e+00;
	v41 =	vcvt.f32.s32 v57;
	v57 =	vtrunc.f32 v1  }
0xd4: {  	[tilespmem:$0x1FD80] =	vst v5;
	v38 =	vtrunc.f32 v5;
	v5 =	vmin.f32 v53, $1.270000000e+02;
	v34 =	vcvt.f32.s32 v57  }
0xd5: {  	[tilespmem:s14+$0x16800] =	vst v23;
	v39 =	vcvt.f32.s32 v38;
	v62 =	vtrunc.f32 v5  }
0xd6: {  	v50 =	vmax.f32 v25, $0.0e+00;
	[tilespmem:s14+$0x16830] =	vst v32;
	v32 =	vcvt.f32.s32 v62;
	v0 =	vcvt.s32.f32 v34  }
0xd7: {  	v23 =	vmul.f32 $6.400000000e+01, v61;
	[tilespmem:$0x1FD70] =	vst v3;
	v3 =	vmin.f32 v50, $1.270000000e+02;
	v61 =	vadd.s32 $0x1, v39  }
0xd8: {  	vm0 =	vlt.s32 v61, $0x7F;
	v50 =	vadd.s32 $0x1, v32;
	[tilespmem:$0x1FE20] =	vst v0;
	v0 =	vcvt.s32.f32 v31  }
0xd9: {  	[tilespmem:s14+$0x16810] =	vst v46;
	v46 =	vnsel vm0, $0x7F, v61;
	vm0 =	vlt.s32 v50, $0x7F  }
0xda: {  	v50 =	vnsel vm0, $0x7F, v50;
	vm0 =	veq.f32 v24, $0.0e+00;
	[tilespmem:$0x1FE40] =	vst v0;
	v0 =	vimm.s32 $0x0  }
0xdb: {  	v0 =	vsel vm0, $0xFFFFFFFF, v0  }
0xdc: {  	[tilespmem:$0x1FCD0] =	vst v0;
	v0 =	vcvt.s32.f32 v20;
	_ =	sdelay $0x1  }
0xdd: {  	v27 =	vmul.f32 $6.400000000e+01, v27;
	vm0 =	veq.f32 v24, $1.270000000e+02;
	[tilespmem:$0x1FE80] =	vst v0;
	v0 =	vimm.s32 $0x0  }
0xde: {  	v0 =	vsel vm0, $0xFFFFFFFF, v0  }
0xdf: {  	vm0 =	veq.f32 v27, $0.0e+00;
	[tilespmem:$0x1FCC0] =	vst v0;
	v0 =	vimm.s32 $0x0  }
0xe0: {  	v0 =	vsel vm0, $0xFFFFFFFF, v0  }
0xe1: {  	vm0 =	veq.f32 v27, $1.270000000e+02;
	[tilespmem:$0x1FCE0] =	vst v0;
	v0 =	vimm.s32 $0x0  }
0xe2: {  	v0 =	vsel vm0, $0xFFFFFFFF, v0  }
0xe3: {  	vm0 =	veq.f32 v29, $0.0e+00;
	[tilespmem:$0x1FCF0] =	vst v0;
	v0 =	vimm.s32 $0x0  }
0xe4: {  	v0 =	vsel vm0, $0xFFFFFFFF, v0  }
0xe5: {  	vm0 =	veq.f32 v29, $1.270000000e+02;
	[tilespmem:$0x1FD00] =	vst v0;
	v0 =	vimm.s32 $0x0  }
0xe6: {  	v0 =	vsel vm0, $0xFFFFFFFF, v0  }
0xe7: {  	vm0 =	veq.f32 v22, $0.0e+00;
	[tilespmem:$0x1FD10] =	vst v0;
	v0 =	vimm.s32 $0x0  }
0xe8: {  	v0 =	vsel vm0, $0xFFFFFFFF, v0  }
0xe9: {  	vm0 =	veq.f32 v22, $1.270000000e+02;
	[tilespmem:$0x1FD20] =	vst v0;
	v0 =	vimm.s32 $0x0  }
0xea: {  	v0 =	vsel vm0, $0xFFFFFFFF, v0  }
0xeb: {  	vm0 =	veq.f32 v25, $0.0e+00;
	[tilespmem:$0x1FD30] =	vst v0;
	v0 =	vimm.s32 $0x0  }
0xec: {  	v0 =	vsel vm0, $0xFFFFFFFF, v0  }
0xed: {  	vm0 =	veq.f32 v25, $1.270000000e+02;
	[tilespmem:$0x1FD40] =	vst v0;
	v0 =	vimm.s32 $0x0  }
0xee: {  	v0 =	vsel vm0, $0xFFFFFFFF, v0  }
0xef: {  	[tilespmem:$0x1FD50] =	vst v0;
	v0 =	vld [tilespmem:$0x1FCC0];
	_ =	sdelay $0x4  }
0xf0: {  	vm12 =	vnez.u8 v0;
	v0 =	vld [tilespmem:$0x1FCD0];
	_ =	sdelay $0x4  }
0xf1: {  	vm10 =	vnez.u8 v0  }
0xf2: {  	v0 =	vimm.s32 $0x0;
	vm12 =	vmor vm10, vm12  }
0xf3: {  	v0 =	vsel vm12, $0xFFFFFFFF, v0  }
0xf4: {  	[tilespmem:$0x1FE00] =	vst v0;
	v0 =	vld [tilespmem:$0x1FCE0];
	_ =	sdelay $0x4  }
0xf5: {  	vm10 =	vnez.u8 v0;
	v0 =	vld [tilespmem:$0x1FCF0];
	_ =	sdelay $0x4  }
0xf6: {  	vm12 =	vnez.u8 v0  }
0xf7: {  	v0 =	vimm.s32 $0x0;
	vm12 =	vmor vm10, vm12  }
0xf8: {  	v0 =	vsel vm12, $0xFFFFFFFF, v0  }
0xf9: {  	[tilespmem:$0x1FE50] =	vst v0;
	v0 =	vld [tilespmem:$0x1FD00];
	_ =	sdelay $0x4  }
0xfa: {  	vm10 =	vnez.u8 v0;
	v0 =	vld [tilespmem:$0x1FD10];
	_ =	sdelay $0x4  }
0xfb: {  	vm12 =	vnez.u8 v0  }
0xfc: {  	v0 =	vimm.s32 $0x0;
	vm12 =	vmor vm10, vm12  }
0xfd: {  	v0 =	vsel vm12, $0xFFFFFFFF, v0  }
0xfe: {  	[tilespmem:$0x1FE90] =	vst v0;
	v0 =	vld [tilespmem:$0x1FD20];
	_ =	sdelay $0x4  }
0xff: {  	vm10 =	vnez.u8 v0;
	v0 =	vld [tilespmem:$0x1FD30];
	_ =	sdelay $0x1  }
0x100: {  	vm9 =	veq.f32 v23, $0.0e+00;
	vm8 =	veq.f32 v23, $1.270000000e+02  }
0x101: {  	v54 =	vor.u32 v35, v42;
	v52 =	vmax.f32 v23, $0.0e+00;
	vm8 =	vmor vm9, vm8  }
0x102: {  	[tilespmem:s14+$0x3820] =	vst v54;
	v35 =	vshll.u32 v31, $0xE;
	v17 =	vshll.u32 v31, $0x6;
	v8 =	vshll.u32 v30, $0xA  }
0x103: {  	[tilespmem:s14+$0x16020] =	vst v58;
	v35 =	vand.u32 $0xFFFE0000, v35;
	v8 =	vand.u32 $0xFFFFE000, v8;
	vm12 =	vnez.u8 v0  }
0x104: {  	v54 =	vmax.f32 v28, $0.0e+00;
	[tilespmem:$0x1FFE0] =	vst v2;
	v0 =	vimm.s32 $0x0;
	vm12 =	vmor vm10, vm12  }
0x105: {  	vm11 =	veq.f32 v28, $0.0e+00;
	vm14 =	veq.f32 v28, $1.270000000e+02;
	[tilespmem:$0x1FDC0] =	vst v3;
	v0 =	vsel vm12, $0xFFFFFFFF, v0  }
0x106: {  	v2 =	vmin.f32 v52, $1.270000000e+02;
	v58 =	vtrunc.f32 v3;
	v3 =	vmin.f32 v54, $1.270000000e+02;
	[tilespmem:$0x1FEA0] =	vst v0;
	v0 =	vld [tilespmem:$0x1FD40]  }
0x107: {  	vm6 =	veq.f32 v26, $0.0e+00;
	v12 =	vmax.f32 v27, $0.0e+00;
	v60 =	vtrunc.f32 v2  }
0x108: {  	[tilespmem:s14+$0x3010] =	vst v56;
	v36 =	vcvt.f32.s32 v58;
	v6 =	vmin.f32 v12, $1.270000000e+02;
	v38 =	vcvt.f32.s32 v60  }
0x109: {  	[tilespmem:$0x1FD90] =	vst v6;
	v56 =	vtrunc.f32 v6;
	v60 =	vshll.u32 v39, $0x6;
	v6 =	vshll.u32 v30, $0x3  }
0x10a: {  	vm13 =	veq.f32 v21, $0.0e+00;
	vm15 =	veq.f32 v21, $1.270000000e+02;
	v40 =	vcvt.f32.s32 v56  }
0x10b: {  	v49 =	vadd.s32 $0x1, v38;
	v9 =	vshll.u32 v38, $0xA;
	vm10 =	vnez.u8 v0;
	v0 =	vld [tilespmem:$0x1FD50]  }
0x10c: {  	v10 =	vshll.u32 v38, $0x3;
	v60 =	vand.u32 $0x1C0, v60;
	v55 =	vtrunc.f32 v3  }
0x10d: {  	[tilespmem:$0x1FDF0] =	vst v2;
	v56 =	vadd.s32 $0x1, v41;
	vm5 =	vlt.s32 v49, $0x7F;
	v2 =	vshll.u32 v41, $0x6  }
0x10e: {  	[tilespmem:$0x1FDD0] =	vst v3;
	v3 =	vshll.u32 v36, $0x3;
	v37 =	vcvt.f32.s32 v59;
	v63 =	vadd.s32 $0x1, v40  }
0x10f: {  	[tilespmem:s14+$0x17030] =	vst v33;
	v33 =	vcvt.f32.s32 v55;
	v49 =	vnsel vm5, $0x7F, v49;
	v53 =	vshll.u32 v46, $0xE  }
0x110: {  	v46 =	vshll.u32 v46, $0x6;
	v61 =	vshll.u32 v40, $0xA;
	vm12 =	vnez.u8 v0  }
0x111: {  	v62 =	vshll.u32 v40, $0x3;
	v0 =	vimm.s32 $0x0;
	vm10 =	vmor vm10, vm12  }
0x112: {  	[tilespmem:s14+$0x16820] =	vst v14;
	v14 =	vand.u32 $0x1C0, v2;
	v11 =	vand.u32 $0x38, v3;
	v0 =	vsel vm10, $0xFFFFFFFF, v0  }
0x113: {  	v3 =	vand.u32 $0x1C0, v17;
	vm10 =	vmor vm11, vm14;
	[tilespmem:$0x1FEB0] =	vst v0;
	v0 =	vimm.s32 $0x0  }
0x114: {  	vm1 =	vlt.s32 v63, $0x7F;
	v53 =	vand.u32 $0xFFFE0000, v53;
	v0 =	vsel vm10, $0xFFFFFFFF, v0  }
0x115: {  	v51 =	vadd.s32 $0x1, v33;
	vm10 =	vmor vm13, vm15;
	[tilespmem:$0x1FEC0] =	vst v0;
	v0 =	vimm.s32 $0x0  }
0x116: {  	[tilespmem:s14+$0x16000] =	vst v43;
	v43 =	vnsel vm1, $0x7F, v63;
	vm1 =	vlt.s32 v51, $0x7F;
	v0 =	vsel vm10, $0xFFFFFFFF, v0  }
0x117: {  	v46 =	vand.u32 $0x1C0, v46;
	v51 =	vnsel vm1, $0x7F, v51;
	[tilespmem:$0x1FED0] =	vst v0;
	v0 =	vimm.s32 $0x0  }
0x118: {  	vm1 =	veq.f32 v45, $0.0e+00;
	vm0 =	veq.f32 v45, $1.270000000e+02;
	v0 =	vsel vm8, $0xFFFFFFFF, v0  }
0x119: {  	v7 =	vshll.u32 v50, $0x6;
	vm0 =	vmor vm1, vm0;
	[tilespmem:$0x1FEE0] =	vst v0;
	v0 =	vimm.s32 $0x0  }
0x11a: {  	v61 =	vand.u32 $0xFFFFE000, v61;
	v62 =	vand.u32 $0x38, v62;
	v0 =	vsel vm0, $0xFFFFFFFF, v0  }
0x11b: {  	v50 =	vand.u32 $0x7, v50;
	vm0 =	vlt.f32 v24, $1.270000000e+02;
	[tilespmem:$0x1FF20] =	vst v0;
	v0 =	vimm.s32 $0x0  }
0x11c: {  	[tilespmem:$0x1FDB0] =	vst v4;
	v59 =	vadd.s32 $0x1, v37;
	v63 =	vshll.u32 v41, $0xE;
	v0 =	vsel vm0, $0xFFFFFFFF, v0  }
0x11d: {  	v4 =	vshll.u32 v37, $0xE;
	vm0 =	vgt.f32 v27, $0.0e+00;
	[tilespmem:$0x1FEF0] =	vst v0;
	v0 =	vimm.s32 $0x0  }
0x11e: {  	[tilespmem:$0x1FDA0] =	vst v5;
	v5 =	vshll.u32 v37, $0x6;
	v46 =	vor.u32 v46, v53;
	v0 =	vsel vm0, $0xFFFFFFFF, v0  }
0x11f: {  	v7 =	vand.u32 $0xFFFFFE00, v7;
	vm0 =	vlt.f32 v27, $1.270000000e+02;
	[tilespmem:$0x1FF00] =	vst v0;
	v0 =	vimm.s32 $0x0  }
0x120: {  	vm4 =	vlt.s32 v59, $0x7F;
	v52 =	vadd.s32 $0x1, v34;
	v0 =	vsel vm0, $0xFFFFFFFF, v0  }
0x121: {  	v12 =	vand.u32 $0xFFFE0000, v4;
	vm0 =	vgt.f32 v29, $0.0e+00;
	[tilespmem:$0x1FF10] =	vst v0;
	v0 =	vimm.s32 $0x0  }
0x122: {  	[tilespmem:s14+$0x16030] =	vst v48;
	v4 =	vand.u32 $0x38, v10;
	v10 =	vcvt.s32.f32 v39;
	v0 =	vsel vm0, $0xFFFFFFFF, v0  }
0x123: {  	v48 =	vnsel vm4, $0x7F, v59;
	vm0 =	vlt.f32 v29, $1.270000000e+02;
	[tilespmem:$0x1FF30] =	vst v0;
	v0 =	vimm.s32 $0x0  }
0x124: {  	v59 =	vshll.u32 v39, $0xE;
	v39 =	vand.u32 $0x38, v6;
	v0 =	vsel vm0, $0xFFFFFFFF, v0  }
0x125: {  	v6 =	vcvt.s32.f32 v41;
	vm0 =	vgt.f32 v22, $0.0e+00;
	[tilespmem:$0x1FF40] =	vst v0;
	v0 =	vimm.s32 $0x0  }
0x126: {  	v41 =	vcvt.s32.f32 v37;
	v37 =	vcvt.s32.f32 v38;
	v0 =	vsel vm0, $0xFFFFFFFF, v0  }
0x127: {  	v59 =	vand.u32 $0xFFFE0000, v59;
	vm0 =	vlt.f32 v22, $1.270000000e+02;
	[tilespmem:$0x1FF50] =	vst v0;
	v0 =	vimm.s32 $0x0  }
0x128: {  	v38 =	vshll.u32 v34, $0x6;
	v53 =	vor.u32 v60, v59;
	v0 =	vsel vm0, $0xFFFFFFFF, v0  }
0x129: {  	v60 =	vor.u32 v62, v61;
	vm0 =	vgt.f32 v25, $0.0e+00;
	[tilespmem:$0x1FF60] =	vst v0;
	v0 =	vimm.s32 $0x0  }
0x12a: {  	v62 =	vand.u32 $0x7, v34;
	v34 =	vor.u32 v50, v7;
	v7 =	vld [tilespmem:$0x1FD60];
	v0 =	vsel vm0, $0xFFFFFFFF, v0  }
0x12b: {  	v2 =	vshll.u32 v32, $0x6;
	vm0 =	vgt.f32 v28, $0.0e+00;
	[tilespmem:$0x1FF70] =	vst v0;
	v0 =	vimm.s32 $0x0  }
0x12c: {  	vm5 =	veq.f32 v26, $1.270000000e+02;
	v3 =	vor.u32 v3, v35;
	v0 =	vsel vm0, $0xFFFFFFFF, v0  }
0x12d: {  	v2 =	vand.u32 $0xFFFFFE00, v2;
	vm0 =	vlt.f32 v28, $1.270000000e+02;
	[tilespmem:$0x1FF80] =	vst v0;
	v0 =	vimm.s32 $0x0  }
0x12e: {  	vm9 =	vmor vm6, vm5;
	vm6 =	vlt.f32 v23, $1.270000000e+02;
	v0 =	vsel vm0, $0xFFFFFFFF, v0  }
0x12f: {  	v59 =	vor.u32 v3, v7;
	v7 =	vld [tilespmem:$0x1FD70];
	vm0 =	vgt.f32 v21, $0.0e+00;
	[tilespmem:$0x1FF90] =	vst v0;
	v0 =	vimm.s32 $0x0  }
0x130: {  	v42 =	vand.u32 $0x1C0, v5;
	v5 =	vand.u32 $0xFFFFE000, v9;
	v0 =	vsel vm0, $0xFFFFFFFF, v0  }
0x131: {  	v4 =	vor.u32 v4, v5;
	vm0 =	vlt.f32 v21, $1.270000000e+02;
	[tilespmem:$0x1FFA0] =	vst v0;
	v0 =	vimm.s32 $0x0  }
0x132: {  	v5 =	vor.u32 v39, v8;
	v8 =	vand.u32 $0x7, v32;
	v0 =	vsel vm0, $0xFFFFFFFF, v0  }
0x133: {  	vm13 =	vgt.f32 v24, $0.0e+00;
	vm0 =	vgt.f32 v23, $0.0e+00;
	[tilespmem:$0x1FFB0] =	vst v0;
	v0 =	vimm.s32 $0x0  }
0x134: {  	[tilespmem:s14+$0x17020] =	vst v13;
	v24 =	vor.u32 v5, v7;
	v21 =	vor.u32 v8, v2;
	v2 =	vld [tilespmem:$0x1FDA0];
	v0 =	vsel vm0, $0xFFFFFFFF, v0  }
0x135: {  	v23 =	vor.u32 v3, v5;
	v5 =	vld [tilespmem:$0x1FDB0];
	vm0 =	vgt.f32 v26, $0.0e+00;
	[tilespmem:$0x1FFC0] =	vst v0;
	v0 =	vimm.s32 $0x0  }
0x136: {  	[tilespmem:s14+$0x16010] =	vst v47;
	v0 =	vsel vm0, $0xFFFFFFFF, v0  }
0x137: {  	v17 =	vcvt.s32.f32 v32;
	[tilespmem:$0x1FFD0] =	vst v0;
	v0 =	vld [tilespmem:$0x1FE00]  }
0x138: {  	[tilespmem:s14+$0x17010] =	vst v15  }
0x139: {  	[tilespmem:s14+$0x17000] =	vst v44;
	v2 =	vsub.f32 v2, v17  }
0x13a: {  	s14 =	smov.u32 s17;
	[tilespmem:$0x1FE10] =	vst v1;
	v5 =	vsub.f32 v5, v6;
	v6 =	vld [tilespmem:$0x1FDF0]  }
0x13b: {  	[tilespmem:s14+$0x14000] =	vst v2;
	v2 =	vld [tilespmem:$0x1FE10]  }
0x13c: {  	vm8 =	vnez.u8 v0;
	v0 =	vld [tilespmem:$0x1FE20];
	_ =	sdelay $0x2  }
0x13d: {  	v3 =	vld [tilespmem:$0x1FD80]  }
0x13e: {  	v7 =	vsub.f32 v6, v37;
	v6 =	vld [tilespmem:$0x1FE30]  }
0x13f: {  	v2 =	vsub.f32 v2, v0;
	v0 =	vld [tilespmem:$0x1FE40];
	_ =	sdelay $0x4  }
0x140: {  	v3 =	vsub.f32 v3, v10;
	v10 =	vsub.f32 v6, v0;
	v0 =	vld [tilespmem:$0x1FE50];
	_ =	sdelay $0x3  }
0x141: {  	v29 =	vimm.f32 $0.0e+00;
	v6 =	vld [tilespmem:$0x1FE70]  }
0x142: {  	v8 =	vsel vm8, $0x42000000, v29;
	vm8 =	vnez.u8 v0;
	v0 =	vld [tilespmem:$0x1FE80];
	_ =	sdelay $0x4  }
0x143: {  	vm2 =	vlt.s32 v56, $0x7F;
	v17 =	vsub.f32 v6, v0;
	v0 =	vld [tilespmem:$0x1FE90]  }
0x144: {  	v58 =	vadd.s32 $0x1, v36;
	v44 =	vnsel vm2, $0x7F, v56;
	v63 =	vand.u32 $0xFFFE0000, v63  }
0x145: {  	vm2 =	vlt.s32 v52, $0x7F;
	v14 =	vor.u32 v14, v63;
	v16 =	vshll.u32 v51, $0x6  }
0x146: {  	v31 =	vshll.u32 v20, $0x6;
	v51 =	vand.u32 $0x7, v51;
	v16 =	vand.u32 $0xFFFFFE00, v16  }
0x147: {  	v63 =	vand.u32 $0x7, v20;
	v61 =	vand.u32 $0xFFFFFE00, v31;
	v39 =	vor.u32 v51, v16  }
0x148: {  	v16 =	vor.u32 v63, v61;
	v63 =	vsel vm8, $0x42000000, v29;
	vm8 =	vnez.u8 v0;
	v0 =	vld [tilespmem:$0x1FEA0]  }
0x149: {  	vm3 =	vlt.s32 v58, $0x7F;
	v1 =	vshll.u32 v36, $0xA;
	v52 =	vnsel vm2, $0x7F, v52  }
0x14a: {  	v47 =	vnsel vm3, $0x7F, v58;
	v13 =	vand.u32 $0xFFFFE000, v1;
	v15 =	vshll.u32 v52, $0x6  }
0x14b: {  	v11 =	vor.u32 v11, v13;
	v52 =	vand.u32 $0x7, v52;
	v15 =	vand.u32 $0xFFFFFE00, v15  }
0x14c: {  	v12 =	vor.u32 v42, v12;
	v13 =	vand.u32 $0xFFFFFE00, v38;
	v42 =	vor.u32 v52, v15  }
0x14d: {  	v15 =	vor.u32 v62, v13;
	v13 =	vsel vm8, $0x42000000, v29;
	vm8 =	vnez.u8 v0;
	v0 =	vld [tilespmem:$0x1FEB0]  }
0x14e: {  	v56 =	vshll.u32 v47, $0xA;
	v47 =	vshll.u32 v47, $0x3  }
0x14f: {  	v56 =	vand.u32 $0xFFFFE000, v56;
	v47 =	vand.u32 $0x38, v47  }
0x150: {  	vm7 =	veq.f32 v19, $0.0e+00;
	v47 =	vor.u32 v47, v56;
	vm4 =	veq.f32 v19, $1.270000000e+02  }
0x151: {  	v38 =	vor.u32 v14, v11;
	vm12 =	vmor vm7, vm4;
	vm7 =	vlt.f32 v25, $1.270000000e+02  }
0x152: {  	v25 =	vor.u32 v14, v47;
	v14 =	vsel vm8, $0x42000000, v29;
	vm8 =	vnez.u8 v0;
	v0 =	vld [tilespmem:$0x1FEC0];
	_ =	sdelay $0x4  }
0x153: {  	v61 =	vsel vm8, $0x42000000, v29;
	vm8 =	vnez.u8 v0;
	v0 =	vld [tilespmem:$0x1FED0];
	_ =	sdelay $0x1  }
0x154: {  	v55 =	vshll.u32 v44, $0xE;
	v44 =	vshll.u32 v44, $0x6  }
0x155: {  	v55 =	vand.u32 $0xFFFE0000, v55;
	v44 =	vand.u32 $0x1C0, v44  }
0x156: {  	v44 =	vor.u32 v44, v55;
	vm14 =	vlt.f32 v26, $1.270000000e+02  }
0x157: {  	v26 =	vor.u32 v11, v44;
	v11 =	vsel vm8, $0x42000000, v29;
	vm8 =	vnez.u8 v0;
	v0 =	vld [tilespmem:$0x1FEE0];
	_ =	sdelay $0x1  }
0x158: {  	v58 =	vshll.u32 v49, $0xA;
	v49 =	vshll.u32 v49, $0x3  }
0x159: {  	v58 =	vand.u32 $0xFFFFE000, v58;
	v49 =	vand.u32 $0x38, v49  }
0x15a: {  	v49 =	vor.u32 v49, v58;
	v35 =	vor.u32 v12, v4  }
0x15b: {  	v28 =	vor.u32 v12, v49;
	v12 =	vsel vm8, $0x42000000, v29;
	vm8 =	vnez.u8 v0;
	v0 =	vld [tilespmem:$0x1FEF0];
	_ =	sdelay $0x2  }
0x15c: {  	vm3 =	veq.f32 v18, $0.0e+00;
	vm2 =	veq.f32 v18, $1.270000000e+02  }
0x15d: {  	vm3 =	vmor vm3, vm2  }
0x15e: {  	v62 =	vsel vm3, $0x42000000, v29;
	vm3 =	vnez.u8 v0;
	v0 =	vld [tilespmem:$0x1FF00];
	_ =	sdelay $0x4  }
0x15f: {  	vm13 =	vmand vm13, vm3;
	vm3 =	vnez.u8 v0;
	v0 =	vld [tilespmem:$0x1FF10];
	_ =	sdelay $0x4  }
0x160: {  	v6 =	vsel vm8, $0x42000000, v29;
	vm8 =	vnez.u8 v0;
	v0 =	vld [tilespmem:$0x1FF20];
	_ =	sdelay $0x4  }
0x161: {  	vm3 =	vmand vm3, vm8;
	vm8 =	vnez.u8 v0;
	v0 =	vld [tilespmem:$0x1FF30];
	_ =	sdelay $0x2  }
0x162: {  	[tilespmem:s14+$0x13000] =	vst v3;
	v3 =	vld [tilespmem:$0x1FDD0];
	_ =	sdelay $0x1  }
0x163: {  	[tilespmem:s14+$0x13820] =	vst v7;
	v7 =	vsel vm8, $0x42000000, v29;
	vm8 =	vnez.u8 v0;
	v0 =	vld [tilespmem:$0x1FF40]  }
0x164: {  	v9 =	vcvt.s32.f32 v40;
	v40 =	vcvt.s32.f32 v33;
	_ =	sdelay $0x1  }
0x165: {  	v3 =	vsub.f32 v3, v40;
	_ =	sdelay $0x1  }
0x166: {  	[tilespmem:s14+$0x14010] =	vst v3;
	v3 =	vsel vm9, $0x42000000, v29;
	vm9 =	vnez.u8 v0;
	v0 =	vld [tilespmem:$0x1FF50]  }
0x167: {  	v57 =	vshll.u32 v48, $0xE;
	v48 =	vshll.u32 v48, $0x6  }
0x168: {  	v57 =	vand.u32 $0xFFFE0000, v57;
	v48 =	vand.u32 $0x1C0, v48  }
0x169: {  	v48 =	vor.u32 v48, v57  }
0x16a: {  	v57 =	vor.u32 v4, v48;
	v4 =	vld [tilespmem:$0x1FD90]  }
0x16b: {  	vm8 =	vmand vm8, vm9;
	vm9 =	vnez.u8 v0;
	v0 =	vld [tilespmem:$0x1FF60];
	_ =	sdelay $0x4  }
0x16c: {  	v4 =	vsub.f32 v4, v9;
	v9 =	vsel vm12, $0x42000000, v29;
	vm12 =	vnez.u8 v0;
	v0 =	vld [tilespmem:$0x1FF70];
	_ =	sdelay $0x4  }
0x16d: {  	vm12 =	vmand vm9, vm12;
	vm9 =	vnez.u8 v0;
	v0 =	vld [tilespmem:$0x1FF80];
	_ =	sdelay $0x4  }
0x16e: {  	vm7 =	vmand vm9, vm7;
	vm9 =	vnez.u8 v0;
	v0 =	vld [tilespmem:$0x1FF90];
	_ =	sdelay $0x4  }
0x16f: {  	vm10 =	vnez.u8 v0;
	v0 =	vld [tilespmem:$0x1FFA0]  }
0x170: {  	v1 =	vshll.u32 v33, $0x6  }
0x171: {  	v1 =	vand.u32 $0xFFFFFE00, v1;
	v33 =	vand.u32 $0x7, v33  }
0x172: {  	v20 =	vor.u32 v33, v1;
	v1 =	vld [tilespmem:$0x1FDC0]  }
0x173: {  	[tilespmem:s14+$0x13800] =	vst v4;
	v4 =	vld [tilespmem:$0x1FDE0]  }
0x174: {  	vm9 =	vmand vm9, vm10;
	vm10 =	vnez.u8 v0;
	v0 =	vld [tilespmem:$0x1FFB0]  }
0x175: {  	v30 =	vcvt.s32.f32 v30;
	v54 =	vshll.u32 v43, $0xA;
	v43 =	vshll.u32 v43, $0x3  }
0x176: {  	v36 =	vcvt.s32.f32 v36;
	v54 =	vand.u32 $0xFFFFE000, v54;
	v43 =	vand.u32 $0x38, v43  }
0x177: {  	vm5 =	vlt.f32 v45, $1.270000000e+02;
	v43 =	vor.u32 v43, v54;
	vm2 =	vgt.f32 v18, $0.0e+00  }
0x178: {  	v31 =	vor.u32 v53, v60;
	v58 =	vor.u32 v48, v49;
	v1 =	vsub.f32 v1, v36;
	[tilespmem:s14+$0x13010] =	vst v5;
	v5 =	vld [tilespmem:$0x1FE60]  }
0x179: {  	v4 =	vsub.f32 v4, v41;
	vm1 =	vlt.f32 v19, $1.270000000e+02;
	vm15 =	vnez.u8 v0;
	v0 =	vld [tilespmem:$0x1FFC0]  }
0x17a: {  	[tilespmem:s14+$0x13810] =	vst v1;
	vm4 =	vgt.f32 v19, $0.0e+00;
	v19 =	vor.u32 v60, v46;
	vm11 =	vgt.f32 v45, $0.0e+00  }
0x17b: {  	[tilespmem:s14+$0x13020] =	vst v4;
	v4 =	vor.u32 v19, v34;
	vm0 =	vlt.f32 v18, $1.270000000e+02;
	v18 =	vor.u32 v53, v43  }
0x17c: {  	[tilespmem:s14+$0x5800] =	vst v4;
	v27 =	vor.u32 v44, v47;
	v22 =	vor.u32 v46, v43;
	v1 =	vor.u32 v21, v18  }
0x17d: {  	v4 =	vld [tilespmem:$0x1FFE0];
	v36 =	vor.u32 v39, v25;
	[tilespmem:s14+$0x4000] =	vst v1;
	v1 =	vor.u32 v21, v19;
	v5 =	vsub.f32 v5, v30  }
0x17e: {  	v33 =	vor.u32 v20, v26;
	[tilespmem:s14+$0x5000] =	vst v1;
	vm10 =	vmand vm10, vm15;
	vm15 =	vnez.u8 v0;
	v0 =	vld [tilespmem:$0x1FFD0]  }
0x17f: {  	s15 =	sadd.s32 $0x4, s15;
	v32 =	vor.u32 v26, v39;
	v26 =	vor.u32 v15, v58;
	[tilespmem:s14+$0x13830] =	vst v5;
	v5 =	vor.u32 v21, v22  }
0x180: {  	p0 =	slt.u32 s15, $0x7C;
	v19 =	vor.u32 v39, v27;
	v37 =	vor.u32 v20, v25;
	v25 =	vor.u32 v42, v58;
	[tilespmem:s14+$0x6000] =	vst v5  }
.Ltmp0:
0x181: {  	v30 =	vor.u32 v20, v27;
	v27 =	vor.u32 v57, v42;
	[tilespmem:s14+$0x14020] =	vst v2;
	v2 =	vor.u32 v34, v18;
	(pc) =	sbr.rel @p0 .LBB2_2-.Ltmp0, $4  }
0x182: {  	v18 =	vor.u32 v15, v28;
	[tilespmem:s14+$0x4800] =	vst v2;
	v2 =	vor.u32 v34, v22;
	v22 =	vor.u32 v16, v59  }
0x183: {  	[tilespmem:s14+$0x14030] =	vst v17;
	v17 =	vor.u32 v4, v59;
	vm15 =	vmand vm15, vm6;
	vm6 =	vnez.u8 v0  }
0x184: {  	[tilespmem:s14+$0x6800] =	vst v2;
	v29 =	vor.u32 v42, v28;
	v28 =	vor.u32 v15, v57;
	vm6 =	vmand vm6, vm14  }
0x185: {  	s16 =	sadd.s32 $0x100, s16;
	v5 =	vld [tilespmem:$0x1FFF0];
	[tilespmem:s14+$0x13030] =	vst v10;
	vm14 =	vmand vm4, vm1;
	vm4 =	vmand vm2, vm0;
	vm1 =	vmand vm11, vm5  }
0x186: {  	[tilespmem:s14+$0x4010] =	vst v37  }
0x187: {  	[tilespmem:s14+$0x4810] =	vst v36  }
0x188: {  	[tilespmem:s14+$0x5010] =	vst v33  }
0x189: {  	[tilespmem:s14+$0x5810] =	vst v32  }
0x18a: {  	[tilespmem:s14+$0x6010] =	vst v30  }
0x18b: {  	[tilespmem:s14+$0x6810] =	vst v19  }
0x18c: {  	[tilespmem:s14+$0x4020] =	vst v18  }
0x18d: {  	[tilespmem:s14+$0x4820] =	vst v29  }
0x18e: {  	[tilespmem:s14+$0x5020] =	vst v28  }
0x18f: {  	[tilespmem:s14+$0x5820] =	vst v27  }
0x190: {  	[tilespmem:s14+$0x6020] =	vst v26  }
0x191: {  	[tilespmem:s14+$0x6820] =	vst v25  }
0x192: {  	[tilespmem:s14+$0x4030] =	vst v22  }
0x193: {  	v1 =	vor.u32 v16, v24;
	[tilespmem:s14+$0x4830] =	vst v17  }
0x194: {  	v2 =	vor.u32 v24, v4;
	[tilespmem:s14+$0x5030] =	vst v1  }
0x195: {  	[tilespmem:s14+$0x5830] =	vst v2;
	v2 =	vor.u32 v31, v34  }
0x196: {  	[tilespmem:s14+$0x3800] =	vst v2;
	v2 =	vor.u32 v35, v42  }
0x197: {  	[tilespmem:s14+$0x3820] =	vst v2;
	v2 =	vor.u32 v21, v31  }
0x198: {  	v1 =	vor.u32 v16, v5;
	[tilespmem:s14+$0x3000] =	vst v2  }
0x199: {  	v2 =	vor.u32 v15, v35;
	[tilespmem:s14+$0x6030] =	vst v1  }
0x19a: {  	v1 =	vor.u32 v38, v39;
	[tilespmem:s14+$0x3020] =	vst v2  }
0x19b: {  	v2 =	vsel vm13, $0x42800000, v8;
	[tilespmem:s14+$0x3810] =	vst v1  }
0x19c: {  	v1 =	vor.u32 v23, v4;
	[tilespmem:s14+$0x16000] =	vst v2  }
0x19d: {  	v2 =	vsel vm8, $0x42800000, v13;
	[tilespmem:s14+$0x3830] =	vst v1  }
0x19e: {  	v1 =	vor.u32 v20, v38;
	[tilespmem:s14+$0x17000] =	vst v2  }
0x19f: {  	v2 =	vsel vm7, $0x42800000, v61;
	[tilespmem:s14+$0x3010] =	vst v1  }
0x1a0: {  	v1 =	vor.u32 v16, v23;
	[tilespmem:s14+$0x16810] =	vst v2  }
0x1a1: {  	v2 =	vsel vm10, $0x42800000, v12;
	[tilespmem:s14+$0x3030] =	vst v1  }
0x1a2: {  	v1 =	vsel vm3, $0x42800000, v63;
	[tilespmem:s14+$0x16020] =	vst v2  }
0x1a3: {  	v2 =	vsel vm6, $0x42800000, v3;
	[tilespmem:s14+$0x16800] =	vst v1  }
0x1a4: {  	v1 =	vsel vm12, $0x42800000, v14;
	[tilespmem:s14+$0x17020] =	vst v2  }
0x1a5: {  	v2 =	vsel vm4, $0x42800000, v62;
	[tilespmem:s14+$0x16010] =	vst v1  }
0x1a6: {  	v1 =	vsel vm9, $0x42800000, v11;
	[tilespmem:s14+$0x16830] =	vst v2  }
0x1a7: {  	[tilespmem:s14+$0x17010] =	vst v1;
	v1 =	vsel vm15, $0x42800000, v6  }
0x1a8: {  	[tilespmem:s14+$0x16820] =	vst v1;
	v1 =	vsel vm14, $0x42800000, v9  }
0x1a9: {  	[tilespmem:s14+$0x16030] =	vst v1;
	v1 =	vsel vm1, $0x42800000, v7  }
0x1aa: {  	s16 =	simm.s32 $0x3000;
	s15 =	simm.s32 $0xB000;
	[tilespmem:s14+$0x17030] =	vst v1  }
0x1ab: {  	[tilespmem:s15], [sflag:$0x1] =	stream.indirect.gather [hbm4b:s2+s24], $0x1, s16, s24, $0xb8;
	[tilespmem:$0x1D000] =	vst v63  }
0x1ac: {  	s17 =	simm.s32 $0x3800;
	s19 =	simm.s32 $0xB800  }
0x1ad: {  	[tilespmem:s19], [sflag:$0x1] =	stream.indirect.gather [hbm4b:s2+s24], $0x1, s17, s24, $0xb8;
	[tilespmem:$0x1D000] =	vst v63  }
0x1ae: {  	s15 =	simm.s32 $0x4000;
	s16 =	simm.s32 $0xC000  }
0x1af: {  	[tilespmem:s16], [sflag:$0x1] =	stream.indirect.gather [hbm4b:s2+s24], $0x1, s15, s24, $0xb8;
	[tilespmem:$0x1D000] =	vst v63  }
0x1b0: {  	s17 =	simm.s32 $0x4800;
	s19 =	simm.s32 $0xC800  }
0x1b1: {  	[tilespmem:s19], [sflag:$0x1] =	stream.indirect.gather [hbm4b:s2+s24], $0x1, s17, s24, $0xb8;
	[tilespmem:$0x1D000] =	vst v63  }
0x1b2: {  	s15 =	simm.s32 $0x5000;
	s16 =	simm.s32 $0xD000  }
0x1b3: {  	[tilespmem:s16], [sflag:$0x1] =	stream.indirect.gather [hbm4b:s2+s24], $0x1, s15, s24, $0xb8;
	[tilespmem:$0x1D000] =	vst v63  }
0x1b4: {  	s17 =	simm.s32 $0x5800;
	s19 =	simm.s32 $0xD800  }
0x1b5: {  	[tilespmem:s19], [sflag:$0x1] =	stream.indirect.gather [hbm4b:s2+s24], $0x1, s17, s24, $0xb8;
	[tilespmem:$0x1D000] =	vst v63  }
0x1b6: {  	s15 =	simm.s32 $0x6000;
	s16 =	simm.s32 $0xE000  }
0x1b7: {  	[tilespmem:s16], [sflag:$0x1] =	stream.indirect.gather [hbm4b:s2+s24], $0x1, s15, s24, $0xb8;
	[tilespmem:$0x1D000] =	vst v63  }
0x1b8: {  	s17 =	simm.s32 $0x6800;
	s19 =	simm.s32 $0xE800  }
0x1b9: {  	[tilespmem:s19], [sflag:$0x1] =	stream.indirect.gather [hbm4b:s2+s24], $0x1, s17, s24, $0xb8;
	[tilespmem:$0x1D000] =	vst v63  }
0x1ba: {  	s14 =	simm.s32 $0x0;
	s16 =	rddreg [dreg:$0xb]  }
0x1bb: {  	[tilespmem:s14], [sflag:$0x3] =	stream.linear.gather [hbm4b:s16+s14], $0x800, $0x38;
	[tilespmem:$0x1D000] =	vst v63  }
0x1bc: {  	s17 =	rddreg [dreg:$0xc]  }
0x1bd: {  	[tilespmem:s24], [sflag:$0x3] =	stream.linear.gather [hbm4b:s17+s14], $0x800, $0x38;
	[tilespmem:$0x1D000] =	vst v63  }
0x1be: {  	s19 =	rddreg [dreg:$0xd]  }
0x1bf: {  	v0 =	vimm.f32 $0.0e+00;
	[tilespmem:s18], [sflag:$0x3] =	stream.linear.gather [hbm4b:s19+s14], $0x800, $0x38;
	[tilespmem:$0x1D000] =	vst v63  }
.LBB2_4:
0x1c0: {  	_ =	swait.ge [sflag:s23], $0x800  }
0x1c1: {  	[sflag:s23] =	ssyncset.done $0x0  }
0x1c2: {  	[sflag:s23] =	ssyncadd.s32 $0xFFFFF800  }
0x1c3: {  	_ =	swait.ge [sflag:s23], $0x800  }
0x1c4: {  	[sflag:s23] =	ssyncset.done $0x0  }
0x1c5: {  	[sflag:s23] =	ssyncadd.s32 $0xFFFFF800  }
0x1c6: {  	_ =	swait.ge [sflag:s23], $0x800  }
0x1c7: {  	[sflag:s23] =	ssyncset.done $0x0  }
0x1c8: {  	s15 =	simm.s32 $0x0;
	[sflag:s23] =	ssyncadd.s32 $0xFFFFF800  }
0x1c9: {  	v1 =	vld [tilespmem:s15+$0x2830]  }
0x1ca: {  	v2 =	vld [tilespmem:s15+$0x1830]  }
0x1cb: {  	v3 =	vld [tilespmem:s15+$0x2030]  }
0x1cc: {  	v4 =	vld [tilespmem:s15+$0x1800]  }
0x1cd: {  	v5 =	vld [tilespmem:s15+$0x2000]  }
0x1ce: {  	v6 =	vld [tilespmem:s15+$0x1810]  }
0x1cf: {  	v7 =	vld [tilespmem:s15+$0x2010]  }
0x1d0: {  	v8 =	vld [tilespmem:s15+$0x1820]  }
0x1d1: {  	v9 =	vld [tilespmem:s15+$0x2020];
	v2 =	vadd.f32 $1.000000000e+00, v2  }
0x1d2: {  	v1 =	vadd.f32 $1.000000000e+00, v1;
	v3 =	vadd.f32 $1.000000000e+00, v3  }
0x1d3: {  	v4 =	vadd.f32 $1.000000000e+00, v4;
	v5 =	vadd.f32 $1.000000000e+00, v5  }
0x1d4: {  	v6 =	vadd.f32 $1.000000000e+00, v6;
	v7 =	vadd.f32 $1.000000000e+00, v7;
	v2 =	vmul.f32 $6.400000000e+01, v2  }
0x1d5: {  	v8 =	vadd.f32 $1.000000000e+00, v8;
	v1 =	vmul.f32 $6.400000000e+01, v1;
	v31 =	vmul.f32 $6.400000000e+01, v3  }
0x1d6: {  	v9 =	vadd.f32 $1.000000000e+00, v9;
	v4 =	vmul.f32 $6.400000000e+01, v4;
	v5 =	vmul.f32 $6.400000000e+01, v5  }
0x1d7: {  	v6 =	vmul.f32 $6.400000000e+01, v6;
	v48 =	vmul.f32 $6.400000000e+01, v7  }
0x1d8: {  	v7 =	vmul.f32 $6.400000000e+01, v8;
	v47 =	vmul.f32 $6.400000000e+01, v9  }
0x1d9: {  	v10 =	vmax.f32 v2, $0.0e+00;
	v11 =	vmax.f32 v1, $0.0e+00;
	v8 =	vmax.f32 v5, $0.0e+00  }
0x1da: {  	v9 =	vmax.f32 v6, $0.0e+00;
	vm6 =	veq.f32 v6, $0.0e+00;
	vm7 =	veq.f32 v6, $1.270000000e+02  }
0x1db: {  	v3 =	vld [tilespmem:s15+$0x2800];
	vm8 =	veq.f32 v48, $0.0e+00;
	vm9 =	veq.f32 v48, $1.270000000e+02;
	vm12 =	veq.f32 v7, $0.0e+00  }
0x1dc: {  	vm14 =	vgt.f32 v48, $0.0e+00;
	v17 =	vmin.f32 v10, $1.270000000e+02;
	v10 =	vmax.f32 v31, $0.0e+00  }
0x1dd: {  	v16 =	vmin.f32 v11, $1.270000000e+02;
	v27 =	vmin.f32 v8, $1.270000000e+02;
	v25 =	vmin.f32 v9, $1.270000000e+02  }
0x1de: {  	v11 =	vtrunc.f32 v17;
	v18 =	vmin.f32 v10, $1.270000000e+02;
	v10 =	vtrunc.f32 v16  }
0x1df: {  	v12 =	vld [tilespmem:s15+$0x2810];
	vm8 =	vmor vm8, vm9;
	v13 =	vtrunc.f32 v18;
	v15 =	vcvt.f32.s32 v10  }
0x1e0: {  	v19 =	vcvt.f32.s32 v11;
	v3 =	vadd.f32 $1.000000000e+00, v3;
	v20 =	vcvt.f32.s32 v13  }
0x1e1: {  	vm6 =	vmor vm6, vm7;
	v63 =	vsel vm8, $0x42000000, v0;
	v10 =	vld [tilespmem:s15+$0x2820];
	v11 =	vadd.s32 $0x1, v15  }
0x1e2: {  	v13 =	vadd.s32 $0x1, v19;
	v3 =	vmul.f32 $6.400000000e+01, v3;
	v14 =	vadd.s32 $0x1, v20  }
0x1e3: {  	vm0 =	vlt.s32 v11, $0x7F;
	vm1 =	vlt.s32 v13, $0x7F;
	vm2 =	vlt.s32 v14, $0x7F  }
0x1e4: {  	v44 =	vnsel vm0, $0x7F, v11;
	v45 =	vnsel vm1, $0x7F, v13;
	v11 =	vadd.f32 $1.000000000e+00, v12  }
0x1e5: {  	v12 =	vmax.f32 v4, $0.0e+00;
	v13 =	vmax.f32 v47, $0.0e+00;
	v8 =	vmax.f32 v3, $0.0e+00  }
0x1e6: {  	vm8 =	vlt.f32 v3, $1.270000000e+02;
	v43 =	vnsel vm2, $0x7F, v14;
	v10 =	vadd.f32 $1.000000000e+00, v10  }
0x1e7: {  	v30 =	vmin.f32 v12, $1.270000000e+02;
	v21 =	vmin.f32 v13, $1.270000000e+02;
	v12 =	vtrunc.f32 v25  }
0x1e8: {  	v33 =	vmin.f32 v8, $1.270000000e+02;
	v49 =	vmul.f32 $6.400000000e+01, v11;
	v9 =	vtrunc.f32 v30  }
0x1e9: {  	v11 =	vmax.f32 v7, $0.0e+00;
	v8 =	vtrunc.f32 v21;
	v40 =	vcvt.f32.s32 v12  }
0x1ea: {  	v59 =	vshll.u32 v43, $0xA;
	v43 =	vshll.u32 v43, $0x3;
	v46 =	vmul.f32 $6.400000000e+01, v10  }
0x1eb: {  	v23 =	vmin.f32 v11, $1.270000000e+02;
	v11 =	vtrunc.f32 v27;
	v38 =	vcvt.f32.s32 v9  }
0x1ec: {  	v10 =	vmax.f32 v48, $0.0e+00;
	v37 =	vcvt.f32.s32 v8;
	v8 =	vtrunc.f32 v33  }
0x1ed: {  	v43 =	vand.u32 $0x38, v43;
	v24 =	vmin.f32 v10, $1.270000000e+02;
	v22 =	vtrunc.f32 v23  }
0x1ee: {  	v10 =	vmax.f32 v49, $0.0e+00;
	v35 =	vcvt.f32.s32 v11;
	v26 =	vcvt.f32.s32 v8  }
0x1ef: {  	v8 =	vadd.s32 $0x1, v40;
	vm10 =	veq.f32 v49, $0.0e+00;
	vm11 =	veq.f32 v49, $1.270000000e+02  }
0x1f0: {  	v13 =	vmax.f32 v46, $0.0e+00;
	v14 =	vtrunc.f32 v24;
	v32 =	vmin.f32 v10, $1.270000000e+02  }
0x1f1: {  	v36 =	vcvt.f32.s32 v22;
	v9 =	vadd.s32 $0x1, v38;
	vm2 =	vlt.s32 v8, $0x7F  }
0x1f2: {  	vm7 =	veq.f32 v46, $0.0e+00;
	vm9 =	veq.f32 v46, $1.270000000e+02;
	vm10 =	vmor vm10, vm11  }
0x1f3: {  	vm11 =	veq.f32 v2, $0.0e+00;
	v57 =	vshll.u32 v38, $0xE;
	v58 =	vshll.u32 v38, $0x6  }
0x1f4: {  	v29 =	vmin.f32 v13, $1.270000000e+02;
	v41 =	vcvt.f32.s32 v14;
	v10 =	vadd.s32 $0x1, v35  }
0x1f5: {  	v11 =	vtrunc.f32 v32;
	vm0 =	vlt.s32 v9, $0x7F;
	v13 =	vadd.s32 $0x1, v37  }
0x1f6: {  	v14 =	vadd.s32 $0x1, v26;
	v52 =	vnsel vm2, $0x7F, v8;
	vm7 =	vmor vm7, vm9  }
0x1f7: {  	vm9 =	veq.f32 v31, $1.270000000e+02;
	v57 =	vand.u32 $0xFFFE0000, v57;
	v58 =	vand.u32 $0x1C0, v58  }
0x1f8: {  	v12 =	vtrunc.f32 v29;
	v28 =	vcvt.f32.s32 v11;
	vm1 =	vlt.s32 v10, $0x7F  }
0x1f9: {  	vm5 =	vlt.s32 v13, $0x7F;
	v50 =	vnsel vm0, $0x7F, v9;
	vm0 =	vlt.s32 v14, $0x7F  }
0x1fa: {  	v57 =	vor.u32 v58, v57;
	v58 =	vshll.u32 v36, $0xE;
	v11 =	vadd.s32 $0x1, v41  }
0x1fb: {  	v22 =	vcvt.f32.s32 v12;
	v12 =	vadd.s32 $0x1, v36;
	v51 =	vnsel vm1, $0x7F, v10  }
0x1fc: {  	v55 =	vnsel vm5, $0x7F, v13;
	v39 =	vnsel vm0, $0x7F, v14;
	vm0 =	veq.f32 v4, $0.0e+00  }
0x1fd: {  	vm5 =	veq.f32 v3, $1.270000000e+02;
	v14 =	vsel vm6, $0x42000000, v0;
	vm6 =	vgt.f32 v3, $0.0e+00  }
0x1fe: {  	v58 =	vand.u32 $0xFFFE0000, v58;
	vm3 =	vlt.s32 v11, $0x7F;
	vm4 =	vlt.s32 v12, $0x7F  }
0x1ff: {  	v9 =	vadd.s32 $0x1, v28;
	vm8 =	vmand vm6, vm8;
	vm6 =	vlt.f32 v47, $1.270000000e+02  }
0x200: {  	v56 =	vshll.u32 v55, $0xA;
	v55 =	vshll.u32 v55, $0x3;
	v42 =	vadd.s32 $0x1, v22  }
0x201: {  	v53 =	vnsel vm3, $0x7F, v11;
	v54 =	vnsel vm4, $0x7F, v12;
	vm1 =	vlt.s32 v9, $0x7F  }
0x202: {  	vm3 =	veq.f32 v5, $1.270000000e+02;
	vm4 =	veq.f32 v3, $0.0e+00;
	v11 =	vsel vm10, $0x42000000, v0  }
0x203: {  	vm10 =	vgt.f32 v6, $0.0e+00;
	v3 =	vsel vm7, $0x42000000, v0;
	vm7 =	vlt.f32 v48, $1.270000000e+02  }
0x204: {  	v48 =	vshll.u32 v51, $0x3;
	v56 =	vand.u32 $0xFFFFE000, v56;
	v55 =	vand.u32 $0x38, v55  }
0x205: {  	vm2 =	vlt.s32 v42, $0x7F;
	v34 =	vnsel vm1, $0x7F, v9;
	vm1 =	veq.f32 v4, $1.270000000e+02  }
0x206: {  	vm4 =	vmor vm4, vm5;
	vm5 =	veq.f32 v47, $1.270000000e+02;
	vm7 =	vmand vm14, vm7  }
0x207: {  	vm14 =	vlt.f32 v46, $1.270000000e+02;
	v60 =	vshll.u32 v53, $0x3;
	v61 =	vshll.u32 v54, $0xE  }
0x208: {  	v54 =	vshll.u32 v54, $0x6;
	v48 =	vand.u32 $0x38, v48;
	v55 =	vor.u32 v55, v56  }
0x209: {  	v42 =	vnsel vm2, $0x7F, v42;
	vm2 =	veq.f32 v5, $0.0e+00;
	vm0 =	vmor vm0, vm1  }
0x20a: {  	vm1 =	veq.f32 v7, $1.270000000e+02;
	v13 =	vsel vm4, $0x42000000, v0;
	vm4 =	vlt.f32 v5, $1.270000000e+02  }
0x20b: {  	v54 =	vand.u32 $0x1C0, v54;
	vm2 =	vmor vm2, vm3;
	vm3 =	veq.f32 v47, $0.0e+00  }
0x20c: {  	vm1 =	vmor vm12, vm1;
	vm12 =	veq.f32 v2, $1.270000000e+02;
	v8 =	vsel vm0, $0x42000000, v0  }
0x20d: {  	vm0 =	vlt.f32 v4, $1.270000000e+02;
	vm3 =	vmor vm3, vm5;
	vm5 =	veq.f32 v31, $0.0e+00  }
0x20e: {  	vm11 =	vmor vm11, vm12;
	vm12 =	veq.f32 v1, $0.0e+00;
	v62 =	vsel vm2, $0x42000000, v0  }
0x20f: {  	vm2 =	vgt.f32 v5, $0.0e+00;
	v12 =	vsel vm1, $0x42000000, v0;
	vm1 =	vlt.f32 v6, $1.270000000e+02  }
0x210: {  	vm5 =	vmor vm5, vm9;
	vm9 =	veq.f32 v1, $1.270000000e+02;
	v6 =	vsel vm3, $0x42000000, v0  }
0x211: {  	v9 =	vsel vm11, $0x42000000, v0;
	vm11 =	vgt.f32 v49, $0.0e+00;
	vm3 =	vmand vm2, vm4  }
0x212: {  	vm2 =	vlt.f32 v7, $1.270000000e+02;
	vm4 =	vgt.f32 v47, $0.0e+00;
	v47 =	vshll.u32 v51, $0xA  }
0x213: {  	v51 =	vshll.u32 v53, $0xA;
	v53 =	vand.u32 $0xFFFE0000, v61;
	v61 =	vshll.u32 v41, $0x3  }
0x214: {  	vm9 =	vmor vm12, vm9;
	vm12 =	vgt.f32 v4, $0.0e+00;
	v4 =	vimm.f32 $0.0e+00  }
0x215: {  	vm15 =	vmand vm4, vm6;
	v47 =	vand.u32 $0xFFFFE000, v47;
	v51 =	vand.u32 $0xFFFFE000, v51  }
0x216: {  	v53 =	vor.u32 v54, v53;
	v54 =	vshll.u32 v41, $0xA;
	v56 =	vand.u32 $0x38, v61  }
0x217: {  	v61 =	vshll.u32 v37, $0x3;
	v41 =	vcvt.s32.f32 v41;
	v0 =	vsel vm5, $0x42000000, v4  }
0x218: {  	vm5 =	vlt.f32 v49, $1.270000000e+02;
	vm13 =	vmand vm12, vm0;
	vm0 =	vgt.f32 v7, $0.0e+00  }
0x219: {  	v7 =	vsel vm9, $0x42000000, v4;
	vm12 =	vmand vm10, vm1;
	vm1 =	vgt.f32 v46, $0.0e+00  }
0x21a: {  	v49 =	vshll.u32 v52, $0xE;
	v47 =	vor.u32 v48, v47;
	v48 =	vshll.u32 v35, $0x3  }
0x21b: {  	v54 =	vand.u32 $0xFFFFE000, v54;
	vm9 =	vmand vm11, vm5;
	vm5 =	vgt.f32 v2, $0.0e+00  }
0x21c: {  	vm10 =	vmand vm0, vm2;
	vm0 =	vlt.f32 v2, $1.270000000e+02;
	vm2 =	vgt.f32 v31, $0.0e+00  }
0x21d: {  	vm6 =	vmand vm1, vm14;
	vm1 =	vlt.f32 v31, $1.270000000e+02;
	v2 =	vshll.u32 v45, $0xE  }
0x21e: {  	v31 =	vshll.u32 v45, $0x6;
	v45 =	vand.u32 $0xFFFFE000, v59;
	v49 =	vand.u32 $0xFFFE0000, v49  }
0x21f: {  	v48 =	vand.u32 $0x38, v48;
	v54 =	vor.u32 v56, v54;
	v56 =	vand.u32 $0x38, v61  }
0x220: {  	v61 =	vshll.u32 v20, $0x3;
	vm14 =	vmand vm5, vm0;
	vm0 =	vgt.f32 v1, $0.0e+00  }
0x221: {  	vm4 =	vmand vm2, vm1;
	vm1 =	vlt.f32 v1, $1.270000000e+02;
	v1 =	vand.u32 $0x7, v44  }
0x222: {  	v44 =	vshll.u32 v44, $0x6;
	v2 =	vand.u32 $0xFFFE0000, v2;
	v31 =	vand.u32 $0x1C0, v31  }
0x223: {  	v43 =	vor.u32 v43, v45;
	v45 =	vshll.u32 v50, $0x6;
	vm1 =	vmand vm0, vm1  }
0x224: {  	v44 =	vand.u32 $0xFFFFFE00, v44;
	v46 =	vor.u32 v31, v2;
	v2 =	vshll.u32 v19, $0xE  }
0x225: {  	v31 =	vshll.u32 v19, $0x6;
	v45 =	vand.u32 $0x1C0, v45;
	v19 =	vcvt.s32.f32 v19  }
0x226: {  	v4 =	vor.u32 v1, v44;
	v44 =	vshll.u32 v50, $0xE;
	v50 =	vshll.u32 v52, $0x6  }
0x227: {  	v52 =	vand.u32 $0x38, v60;
	v60 =	vshll.u32 v40, $0x6;
	v2 =	vand.u32 $0xFFFE0000, v2  }
0x228: {  	v31 =	vand.u32 $0x1C0, v31;
	v5 =	vor.u32 v46, v43;
	v44 =	vand.u32 $0xFFFE0000, v44  }
0x229: {  	v50 =	vand.u32 $0x1C0, v50;
	v51 =	vor.u32 v52, v51;
	v52 =	vand.u32 $0x1C0, v60  }
0x22a: {  	v60 =	vshll.u32 v37, $0xA;
	v59 =	vor.u32 v31, v2;
	v2 =	vshll.u32 v39, $0x6  }
0x22b: {  	v31 =	vshll.u32 v34, $0x6;
	v39 =	vand.u32 $0x7, v39;
	v17 =	vsub.f32 v17, v19  }
0x22c: {  	v44 =	vor.u32 v45, v44;
	v45 =	vshll.u32 v35, $0xA;
	v49 =	vor.u32 v50, v49  }
0x22d: {  	v50 =	vshll.u32 v40, $0xE;
	v2 =	vand.u32 $0xFFFFFE00, v2;
	v40 =	vcvt.s32.f32 v40  }
0x22e: {  	v45 =	vand.u32 $0xFFFFE000, v45;
	v50 =	vand.u32 $0xFFFE0000, v50;
	[tilespmem:s15+$0x14830] =	vst v17;
	v17 =	vshll.u32 v15, $0x6  }
0x22f: {  	v45 =	vor.u32 v48, v45;
	v48 =	vshll.u32 v36, $0x6;
	v50 =	vor.u32 v52, v50  }
0x230: {  	v52 =	vand.u32 $0xFFFFE000, v60;
	v60 =	vshll.u32 v20, $0xA;
	v25 =	vsub.f32 v25, v40  }
0x231: {  	v17 =	vand.u32 $0xFFFFFE00, v17;
	v48 =	vand.u32 $0x1C0, v48;
	v52 =	vor.u32 v56, v52  }
0x232: {  	v56 =	vand.u32 $0x38, v61;
	v61 =	vor.u32 v57, v47;
	v47 =	vor.u32 v44, v47  }
0x233: {  	v44 =	vor.u32 v45, v44;
	v48 =	vor.u32 v48, v58;
	v58 =	vand.u32 $0xFFFFE000, v60  }
0x234: {  	v60 =	vand.u32 $0x7, v34;
	v34 =	vor.u32 v39, v2;
	[tilespmem:s15+$0x14810] =	vst v25;
	v25 =	vshll.u32 v28, $0x6  }
0x235: {  	v56 =	vor.u32 v56, v58;
	v58 =	vand.u32 $0xFFFFFE00, v31;
	v31 =	vor.u32 v57, v45  }
0x236: {  	v45 =	vshll.u32 v42, $0x6;
	v42 =	vand.u32 $0x7, v42;
	v57 =	vor.u32 v59, v43  }
0x237: {  	v39 =	vor.u32 v60, v58;
	v60 =	vcvt.s32.f32 v38;
	v58 =	vand.u32 $0xFFFFFE00, v45  }
0x238: {  	v45 =	vcvt.s32.f32 v35;
	v38 =	vor.u32 v50, v54;
	v35 =	vor.u32 v48, v52  }
0x239: {  	v42 =	vor.u32 v42, v58;
	v58 =	vor.u32 v50, v51;
	v51 =	vor.u32 v49, v51  }
0x23a: {  	v49 =	vor.u32 v54, v49;
	v50 =	vor.u32 v48, v55;
	v54 =	vor.u32 v53, v55  }
0x23b: {  	v48 =	vcvt.s32.f32 v26;
	v30 =	vsub.f32 v30, v60;
	v60 =	vor.u32 v4, v5  }
0x23c: {  	v53 =	vor.u32 v52, v53;
	v52 =	vcvt.s32.f32 v37;
	v27 =	vsub.f32 v27, v45;
	[tilespmem:s15+$0xA830] =	vst v60  }
0x23d: {  	v25 =	vand.u32 $0xFFFFFE00, v25;
	v33 =	vsub.f32 v33, v48;
	v48 =	vcvt.s32.f32 v28;
	[tilespmem:s15+$0x14800] =	vst v30  }
0x23e: {  	v60 =	vsub.f32 v21, v52;
	v30 =	vsub.f32 v24, v41;
	v24 =	vcvt.s32.f32 v36;
	[tilespmem:s15+$0x15000] =	vst v27  }
0x23f: {  	v21 =	vshll.u32 v26, $0x6;
	v27 =	vcvt.s32.f32 v22;
	v36 =	vor.u32 v39, v58;
	[tilespmem:s15+$0x15800] =	vst v33  }
0x240: {  	v32 =	vsub.f32 v32, v48;
	[tilespmem:s15+$0x15020] =	vst v60;
	v55 =	vsub.f32 v23, v24;
	v24 =	vor.u32 v56, v46  }
0x241: {  	v23 =	vor.u32 v59, v56;
	v27 =	vsub.f32 v29, v27;
	[tilespmem:s15+$0x15010] =	vst v30;
	v29 =	vcvt.s32.f32 v20  }
0x242: {  	v30 =	vcvt.s32.f32 v15;
	v20 =	vand.u32 $0xFFFFFE00, v21;
	v21 =	vand.u32 $0x7, v26;
	[tilespmem:s15+$0x15810] =	vst v32  }
0x243: {  	v26 =	vand.u32 $0x7, v28;
	v21 =	vor.u32 v21, v20;
	[tilespmem:s15+$0x14820] =	vst v55;
	v18 =	vsub.f32 v18, v29  }
0x244: {  	v20 =	vor.u32 v26, v25;
	v19 =	vsub.f32 v16, v30;
	[tilespmem:s15+$0x15820] =	vst v27;
	v16 =	vshll.u32 v22, $0x6  }
0x245: {  	v25 =	vand.u32 $0x7, v15;
	v22 =	vand.u32 $0x7, v22;
	v16 =	vand.u32 $0xFFFFFE00, v16;
	[tilespmem:s15+$0x15030] =	vst v18  }
0x246: {  	v15 =	vor.u32 v22, v16;
	v16 =	vor.u32 v25, v17;
	v17 =	vor.u32 v21, v61;
	[tilespmem:s15+$0x15830] =	vst v19  }
0x247: {  	v32 =	vor.u32 v49, v39;
	v37 =	vor.u32 v20, v58;
	v18 =	vor.u32 v34, v61;
	[tilespmem:s15+$0x8000] =	vst v17  }
0x248: {  	v33 =	vor.u32 v20, v49;
	v30 =	vor.u32 v20, v51;
	v19 =	vor.u32 v44, v34;
	[tilespmem:s15+$0x8800] =	vst v18  }
0x249: {  	v29 =	vor.u32 v42, v50;
	v27 =	vor.u32 v53, v42;
	v22 =	vor.u32 v21, v47;
	[tilespmem:s15+$0x9800] =	vst v19  }
0x24a: {  	v25 =	vor.u32 v34, v47;
	v17 =	vor.u32 v21, v44;
	v19 =	vor.u32 v39, v51;
	[tilespmem:s15+$0xA000] =	vst v22  }
0x24b: {  	v18 =	vor.u32 v15, v50;
	v28 =	vor.u32 v15, v53;
	v26 =	vor.u32 v15, v54;
	[tilespmem:s15+$0xA800] =	vst v25  }
0x24c: {  	s16 =	simm.s32 $0x0;
	s17 =	simm.s32 $0x100;
	v25 =	vor.u32 v42, v54;
	v22 =	vor.u32 v16, v57;
	[tilespmem:s15+$0x9000] =	vst v17;
	v17 =	vor.u32 v4, v57  }
.LBB2_5:
0x24d: {  	[tilespmem:s15+$0x8010] =	vst v37  }
0x24e: {  	[tilespmem:s15+$0x8810] =	vst v36  }
0x24f: {  	[tilespmem:s15+$0x9010] =	vst v33  }
0x250: {  	[tilespmem:s15+$0x9810] =	vst v32  }
0x251: {  	s18 =	sshra.s32 s17, $0x2;
	[tilespmem:s15+$0xA010] =	vst v30  }
0x252: {  	[tilespmem:s15+$0xA810] =	vst v19;
	v40 =	vld [tilespmem:s18+$0x2830]  }
0x253: {  	[tilespmem:s15+$0x8020] =	vst v18;
	v55 =	vld [tilespmem:s18+$0x1830]  }
0x254: {  	v41 =	vor.u32 v31, v34;
	v21 =	vor.u32 v21, v31;
	[tilespmem:s15+$0x8820] =	vst v29;
	v31 =	vld [tilespmem:s18+$0x2030]  }
0x255: {  	v58 =	vsel vm10, $0x42800000, v12;
	v12 =	vld [tilespmem:s18+$0x1820];
	[tilespmem:s15+$0x9020] =	vst v28  }
0x256: {  	v53 =	vor.u32 v16, v24;
	v24 =	vor.u32 v24, v4;
	v43 =	vsel vm13, $0x42800000, v8;
	v8 =	vld [tilespmem:s18+$0x1800];
	[tilespmem:s15+$0x8030] =	vst v22  }
0x257: {  	v39 =	vor.u32 v38, v39;
	v54 =	vor.u32 v35, v42;
	v1 =	vor.u32 v23, v4;
	v4 =	vld [tilespmem:s18+$0x2000];
	[tilespmem:s15+$0x8830] =	vst v17  }
0x258: {  	v56 =	vor.u32 v20, v38;
	v57 =	vor.u32 v15, v35;
	v44 =	vsel vm8, $0x42800000, v13;
	v29 =	vld [tilespmem:s18+$0x2020];
	[tilespmem:s15+$0x9820] =	vst v27  }
0x259: {  	v47 =	vsel vm12, $0x42800000, v14;
	v46 =	vsel vm7, $0x42800000, v63;
	v48 =	vsel vm14, $0x42800000, v9;
	v9 =	vld [tilespmem:s18+$0x2010];
	[tilespmem:s15+$0xA020] =	vst v26  }
0x25a: {  	v45 =	vsel vm9, $0x42800000, v11;
	v14 =	vsel vm15, $0x42800000, v6;
	v13 =	vsel vm6, $0x42800000, v3;
	v59 =	vld [tilespmem:s18+$0x2810];
	[tilespmem:s15+$0xA820] =	vst v25  }
0x25b: {  	v32 =	vsel vm4, $0x42800000, v0;
	v33 =	vsel vm1, $0x42800000, v7;
	[tilespmem:s15+$0x9030] =	vst v53;
	v25 =	vld [tilespmem:s18+$0x2820];
	v6 =	vadd.f32 $1.000000000e+00, v55  }
0x25c: {  	[tilespmem:s15+$0x9830] =	vst v24;
	v2 =	vor.u32 v16, v5;
	v5 =	vld [tilespmem:s18+$0x1810];
	v10 =	vadd.f32 $1.000000000e+00, v40;
	v3 =	vadd.f32 $1.000000000e+00, v31  }
0x25d: {  	[tilespmem:s15+$0x7830] =	vst v1;
	v16 =	vor.u32 v16, v23;
	v28 =	vadd.f32 $1.000000000e+00, v8;
	v27 =	vadd.f32 $1.000000000e+00, v4  }
0x25e: {  	[tilespmem:s15+$0x7820] =	vst v54;
	v23 =	vsel vm3, $0x42800000, v62;
	v17 =	vadd.f32 $1.000000000e+00, v9;
	v12 =	vadd.f32 $1.000000000e+00, v12  }
0x25f: {  	[tilespmem:s15+$0x7020] =	vst v57;
	v62 =	vadd.f32 $1.000000000e+00, v59;
	v61 =	vadd.f32 $1.000000000e+00, v29;
	v18 =	vmul.f32 $6.400000000e+01, v6  }
0x260: {  	[tilespmem:s15+$0x7030] =	vst v16;
	v20 =	vmul.f32 $6.400000000e+01, v10;
	v15 =	vmul.f32 $6.400000000e+01, v3;
	v16 =	vadd.f32 $1.000000000e+00, v25  }
0x261: {  	[tilespmem:s15+$0x17820] =	vst v58;
	v10 =	vld [tilespmem:s18+$0x2800];
	v27 =	vmul.f32 $6.400000000e+01, v27;
	v25 =	vmul.f32 $6.400000000e+01, v17;
	v26 =	vadd.f32 $1.000000000e+00, v5  }
0x262: {  	[tilespmem:s15+$0x18000] =	vst v23;
	v23 =	vmul.f32 $6.400000000e+01, v61;
	v3 =	vmax.f32 v18, $0.0e+00;
	v5 =	vmax.f32 v20, $0.0e+00  }
0x263: {  	[tilespmem:s15+$0x18020] =	vst v14;
	v11 =	vmax.f32 v15, $0.0e+00;
	v3 =	vmin.f32 v3, $1.270000000e+02;
	v0 =	vmin.f32 v5, $1.270000000e+02  }
0x264: {  	[tilespmem:$0x1FB00] =	vst v3;
	v22 =	vtrunc.f32 v3;
	v3 =	vmin.f32 v11, $1.270000000e+02;
	v11 =	vtrunc.f32 v0  }
0x265: {  	[tilespmem:s15+$0x18820] =	vst v13;
	v50 =	vmax.f32 v25, $0.0e+00;
	v19 =	vcvt.f32.s32 v11;
	v31 =	vcvt.f32.s32 v22  }
0x266: {  	[tilespmem:s15+$0x7810] =	vst v39;
	v52 =	vmax.f32 v23, $0.0e+00;
	v9 =	vtrunc.f32 v3;
	v60 =	vadd.f32 $1.000000000e+00, v10  }
0x267: {  	[tilespmem:s15+$0xA030] =	vst v2;
	v30 =	vcvt.f32.s32 v9;
	v9 =	vadd.s32 $0x1, v19;
	v2 =	vadd.s32 $0x1, v31  }
0x268: {  	[tilespmem:s15+$0x18810] =	vst v45;
	v35 =	vshll.u32 v31, $0xE;
	v45 =	vshll.u32 v31, $0x6;
	v31 =	vcvt.s32.f32 v31  }
0x269: {  	[tilespmem:s15+$0x7010] =	vst v56;
	v10 =	vadd.s32 $0x1, v30;
	vm0 =	vlt.s32 v9, $0x7F;
	vm1 =	vlt.s32 v2, $0x7F  }
0x26a: {  	[tilespmem:s15+$0x17810] =	vst v47;
	vm2 =	vlt.s32 v10, $0x7F;
	v9 =	vnsel vm0, $0x7F, v9;
	v2 =	vnsel vm1, $0x7F, v2  }
0x26b: {  	[tilespmem:s15+$0x18010] =	vst v46;
	v10 =	vnsel vm2, $0x7F, v10;
	v22 =	vand.u32 $0x7, v9;
	v24 =	vshll.u32 v2, $0xE  }
0x26c: {  	[tilespmem:s15+$0x7800] =	vst v41;
	v2 =	vshll.u32 v2, $0x6;
	v29 =	vshll.u32 v9, $0x6;
	v1 =	vand.u32 $0xFFFE0000, v24  }
0x26d: {  	[tilespmem:s15+$0x7000] =	vst v21;
	v9 =	vshll.u32 v10, $0xA;
	v10 =	vshll.u32 v10, $0x3;
	v2 =	vand.u32 $0x1C0, v2  }
0x26e: {  	[tilespmem:s15+$0x17800] =	vst v43;
	v24 =	vmul.f32 $6.400000000e+01, v28;
	v28 =	vmul.f32 $6.400000000e+01, v62;
	v21 =	vand.u32 $0xFFFFE000, v9  }
0x26f: {  	[tilespmem:$0x1FB40] =	vst v0;
	v10 =	vand.u32 $0x38, v10;
	v0 =	vor.u32 v2, v1;
	v1 =	vand.u32 $0xFFFFFE00, v29  }
0x270: {  	[tilespmem:s15+$0x18800] =	vst v44;
	v29 =	vmul.f32 $6.400000000e+01, v60;
	v2 =	vor.u32 v10, v21;
	v1 =	vor.u32 v22, v1  }
0x271: {  	[tilespmem:$0x1FA40] =	vst v0;
	v22 =	vmul.f32 $6.400000000e+01, v26;
	v63 =	vmax.f32 v24, $0.0e+00;
	v26 =	vmul.f32 $6.400000000e+01, v16  }
0x272: {  	v54 =	vmax.f32 v28, $0.0e+00;
	v16 =	vshll.u32 v30, $0xA;
	[tilespmem:$0x1FA30] =	vst v2;
	v0 =	vor.u32 v0, v2  }
0x273: {  	[tilespmem:$0x1FCA0] =	vst v1;
	v4 =	vmin.f32 v63, $1.270000000e+02;
	v2 =	vmin.f32 v50, $1.270000000e+02;
	v53 =	vmax.f32 v29, $0.0e+00  }
0x274: {  	v21 =	vor.u32 v1, v0;
	v49 =	vmax.f32 v22, $0.0e+00;
	[tilespmem:$0x1FA50] =	vst v4;
	v1 =	vmin.f32 v52, $1.270000000e+02  }
0x275: {  	[tilespmem:$0x1FA90] =	vst v2;
	v55 =	vmax.f32 v26, $0.0e+00;
	v38 =	vtrunc.f32 v4;
	v4 =	vmin.f32 v53, $1.270000000e+02  }
0x276: {  	v58 =	vtrunc.f32 v2;
	v2 =	vmin.f32 v54, $1.270000000e+02;
	[tilespmem:s18+$0xA830] =	vst v21;
	v21 =	vmul.f32 $6.400000000e+01, v12  }
0x277: {  	[tilespmem:$0x1FB30] =	vst v3;
	v3 =	vmin.f32 v49, $1.270000000e+02;
	v60 =	vtrunc.f32 v1;
	v39 =	vcvt.f32.s32 v38  }
0x278: {  	[tilespmem:$0x1FB10] =	vst v31;
	v12 =	vmax.f32 v27, $0.0e+00;
	v62 =	vtrunc.f32 v4;
	v57 =	vtrunc.f32 v3  }
0x279: {  	v5 =	vmin.f32 v12, $1.270000000e+02;
	[tilespmem:s15+$0x18030] =	vst v32;
	v38 =	vcvt.f32.s32 v60;
	v32 =	vcvt.f32.s32 v62  }
0x27a: {  	[tilespmem:$0x1FCB0] =	vst v0;
	v51 =	vmax.f32 v21, $0.0e+00;
	v56 =	vtrunc.f32 v5;
	v41 =	vcvt.f32.s32 v57  }
0x27b: {  	[tilespmem:$0x1FAC0] =	vst v1;
	v61 =	vadd.s32 $0x1, v39;
	v0 =	vmin.f32 v51, $1.270000000e+02;
	v40 =	vcvt.f32.s32 v56  }
0x27c: {  	[tilespmem:$0x1FA60] =	vst v5;
	vm0 =	vlt.s32 v61, $0x7F;
	v50 =	vadd.s32 $0x1, v32;
	v59 =	vtrunc.f32 v0  }
0x27d: {  	v5 =	vshll.u32 v38, $0xA;
	[tilespmem:$0x1FAB0] =	vst v0;
	v0 =	vmin.f32 v55, $1.270000000e+02;
	v37 =	vcvt.f32.s32 v59  }
0x27e: {  	[tilespmem:$0x1FA70] =	vst v4;
	v46 =	vnsel vm0, $0x7F, v61;
	v63 =	vadd.s32 $0x1, v40;
	v57 =	vtrunc.f32 v0  }
0x27f: {  	[tilespmem:$0x1FAA0] =	vst v2;
	v61 =	vshll.u32 v40, $0xA;
	v34 =	vcvt.f32.s32 v57;
	v4 =	vshll.u32 v37, $0x6  }
0x280: {  	[tilespmem:$0x1FA80] =	vst v3;
	v62 =	vshll.u32 v40, $0x3;
	v42 =	vand.u32 $0x1C0, v4;
	v4 =	vand.u32 $0xFFFFE000, v5  }
0x281: {  	[tilespmem:s15+$0x17830] =	vst v48;
	v5 =	vand.u32 $0xFFFFE000, v16;
	v16 =	vcvt.s32.f32 v40;
	v40 =	vcvt.s32.f32 v34  }
0x282: {  	v36 =	vcvt.f32.s32 v58;
	[tilespmem:s15+$0x18830] =	vst v33;
	vm0 =	vlt.s32 v50, $0x7F  }
0x283: {  	v50 =	vnsel vm0, $0x7F, v50;
	vm0 =	veq.f32 v24, $0.0e+00;
	[tilespmem:$0x1FAF0] =	vst v40;
	v40 =	vimm.s32 $0x0  }
0x284: {  	v55 =	vtrunc.f32 v2;
	v2 =	vshll.u32 v36, $0xA;
	[tilespmem:$0x1FAE0] =	vst v0;
	v40 =	vsel vm0, $0xFFFFFFFF, v40  }
0x285: {  	v8 =	vand.u32 $0xFFFFE000, v2;
	v2 =	vand.u32 $0x1C0, v45;
	[tilespmem:$0x1F9A0] =	vst v40  }
0x286: {  	vm0 =	veq.f32 v24, $1.270000000e+02;
	[tilespmem:$0x1F980] =	vst v2;
	v2 =	vimm.s32 $0x0  }
0x287: {  	v1 =	vshll.u32 v36, $0x3;
	v2 =	vsel vm0, $0xFFFFFFFF, v2  }
0x288: {  	v7 =	vand.u32 $0x38, v1;
	v1 =	vshll.u32 v32, $0x6;
	[tilespmem:$0x1F990] =	vst v2  }
0x289: {  	vm0 =	veq.f32 v27, $0.0e+00;
	v2 =	vld [tilespmem:$0x1F980];
	[tilespmem:$0x1F980] =	vst v1;
	v1 =	vimm.s32 $0x0  }
0x28a: {  	v1 =	vsel vm0, $0xFFFFFFFF, v1  }
0x28b: {  	[tilespmem:$0x1F9B0] =	vst v1  }
0x28c: {  	v1 =	vld [tilespmem:$0x1F980];
	_ =	sdelay $0x4  }
0x28d: {  	v33 =	vcvt.f32.s32 v55;
	vm0 =	veq.f32 v27, $1.270000000e+02;
	[tilespmem:$0x1F980] =	vst v1;
	v1 =	vimm.s32 $0x0  }
0x28e: {  	v0 =	vshll.u32 v41, $0x6;
	v1 =	vsel vm0, $0xFFFFFFFF, v1  }
0x28f: {  	v12 =	vand.u32 $0x1C0, v0;
	v0 =	vshll.u32 v33, $0x6;
	[tilespmem:$0x1F9C0] =	vst v1  }
0x290: {  	vm0 =	veq.f32 v29, $0.0e+00;
	v1 =	vld [tilespmem:$0x1F980];
	[tilespmem:$0x1F980] =	vst v0;
	v0 =	vimm.s32 $0x0  }
0x291: {  	v0 =	vsel vm0, $0xFFFFFFFF, v0  }
0x292: {  	[tilespmem:$0x1F9D0] =	vst v0  }
0x293: {  	v0 =	vld [tilespmem:$0x1F980];
	_ =	sdelay $0x4  }
0x294: {  	vm0 =	veq.f32 v29, $1.270000000e+02;
	[tilespmem:$0x1F980] =	vst v0;
	v0 =	vimm.s32 $0x0  }
0x295: {  	v0 =	vsel vm0, $0xFFFFFFFF, v0  }
0x296: {  	[tilespmem:$0x1F9E0] =	vst v0  }
0x297: {  	v0 =	vld [tilespmem:$0x1F980];
	_ =	sdelay $0x4  }
0x298: {  	vm0 =	veq.f32 v22, $0.0e+00;
	[tilespmem:$0x1F980] =	vst v0;
	v0 =	vimm.s32 $0x0  }
0x299: {  	v0 =	vsel vm0, $0xFFFFFFFF, v0  }
0x29a: {  	[tilespmem:$0x1F9F0] =	vst v0  }
0x29b: {  	v0 =	vld [tilespmem:$0x1F980];
	_ =	sdelay $0x4  }
0x29c: {  	vm0 =	veq.f32 v22, $1.270000000e+02;
	[tilespmem:$0x1F980] =	vst v0;
	v0 =	vimm.s32 $0x0  }
0x29d: {  	v0 =	vsel vm0, $0xFFFFFFFF, v0  }
0x29e: {  	[tilespmem:$0x1FA00] =	vst v0  }
0x29f: {  	v0 =	vld [tilespmem:$0x1F980];
	_ =	sdelay $0x4  }
0x2a0: {  	vm0 =	veq.f32 v25, $0.0e+00;
	[tilespmem:$0x1F980] =	vst v0;
	v0 =	vimm.s32 $0x0  }
0x2a1: {  	v0 =	vsel vm0, $0xFFFFFFFF, v0  }
0x2a2: {  	[tilespmem:$0x1FA10] =	vst v0  }
0x2a3: {  	v0 =	vld [tilespmem:$0x1F980];
	_ =	sdelay $0x4  }
0x2a4: {  	vm0 =	veq.f32 v25, $1.270000000e+02;
	[tilespmem:$0x1F980] =	vst v0;
	v0 =	vimm.s32 $0x0  }
0x2a5: {  	v0 =	vsel vm0, $0xFFFFFFFF, v0  }
0x2a6: {  	[tilespmem:$0x1FA20] =	vst v0  }
0x2a7: {  	v31 =	vshll.u32 v19, $0x6;
	v61 =	vand.u32 $0xFFFFE000, v61;
	v62 =	vand.u32 $0x38, v62;
	v0 =	vld [tilespmem:$0x1F980]  }
0x2a8: {  	v61 =	vor.u32 v62, v61;
	v62 =	vand.u32 $0xFFFFFE00, v31;
	v31 =	vld [tilespmem:$0x1F990];
	_ =	sdelay $0x4  }
0x2a9: {  	vm12 =	vnez.u8 v31;
	v31 =	vld [tilespmem:$0x1F9A0];
	_ =	sdelay $0x4  }
0x2aa: {  	vm10 =	vnez.u8 v31  }
0x2ab: {  	v31 =	vimm.s32 $0x0;
	vm12 =	vmor vm10, vm12  }
0x2ac: {  	v31 =	vsel vm12, $0xFFFFFFFF, v31  }
0x2ad: {  	[tilespmem:$0x1FAD0] =	vst v31;
	v31 =	vld [tilespmem:$0x1F9B0];
	_ =	sdelay $0x4  }
0x2ae: {  	vm10 =	vnez.u8 v31;
	v31 =	vld [tilespmem:$0x1F9C0];
	_ =	sdelay $0x4  }
0x2af: {  	vm12 =	vnez.u8 v31  }
0x2b0: {  	v31 =	vimm.s32 $0x0;
	vm12 =	vmor vm10, vm12  }
0x2b1: {  	v31 =	vsel vm12, $0xFFFFFFFF, v31  }
0x2b2: {  	[tilespmem:$0x1FB20] =	vst v31;
	v31 =	vld [tilespmem:$0x1F9D0];
	_ =	sdelay $0x4  }
0x2b3: {  	vm10 =	vnez.u8 v31;
	v31 =	vld [tilespmem:$0x1F9E0];
	_ =	sdelay $0x4  }
0x2b4: {  	vm12 =	vnez.u8 v31  }
0x2b5: {  	v31 =	vimm.s32 $0x0;
	vm12 =	vmor vm10, vm12  }
0x2b6: {  	v31 =	vsel vm12, $0xFFFFFFFF, v31  }
0x2b7: {  	[tilespmem:$0x1FB50] =	vst v31;
	v31 =	vld [tilespmem:$0x1F9F0];
	_ =	sdelay $0x4  }
0x2b8: {  	vm10 =	vnez.u8 v31;
	v31 =	vld [tilespmem:$0x1FA00];
	_ =	sdelay $0x4  }
0x2b9: {  	vm12 =	vnez.u8 v31  }
0x2ba: {  	v31 =	vimm.s32 $0x0;
	vm12 =	vmor vm10, vm12  }
0x2bb: {  	v31 =	vsel vm12, $0xFFFFFFFF, v31  }
0x2bc: {  	[tilespmem:$0x1FB60] =	vst v31;
	v31 =	vld [tilespmem:$0x1FA10];
	_ =	sdelay $0x4  }
0x2bd: {  	vm10 =	vnez.u8 v31;
	v31 =	vld [tilespmem:$0x1FA20];
	_ =	sdelay $0x2  }
0x2be: {  	vm9 =	veq.f32 v23, $0.0e+00;
	vm8 =	veq.f32 v23, $1.270000000e+02  }
0x2bf: {  	vm8 =	vmor vm9, vm8  }
0x2c0: {  	v35 =	vand.u32 $0xFFFE0000, v35;
	v10 =	vshll.u32 v30, $0x3;
	vm12 =	vnez.u8 v31  }
0x2c1: {  	vm11 =	veq.f32 v28, $0.0e+00;
	v31 =	vimm.s32 $0x0;
	vm10 =	vmor vm10, vm12  }
0x2c2: {  	vm14 =	veq.f32 v28, $1.270000000e+02;
	v60 =	vshll.u32 v39, $0x6;
	v31 =	vsel vm10, $0xFFFFFFFF, v31  }
0x2c3: {  	vm13 =	veq.f32 v21, $0.0e+00;
	vm10 =	vmor vm11, vm14;
	[tilespmem:$0x1FB70] =	vst v31;
	v31 =	vimm.s32 $0x0  }
0x2c4: {  	vm15 =	veq.f32 v21, $1.270000000e+02;
	vm1 =	vlt.s32 v63, $0x7F;
	v31 =	vsel vm10, $0xFFFFFFFF, v31  }
0x2c5: {  	v51 =	vadd.s32 $0x1, v33;
	vm10 =	vmor vm13, vm15;
	[tilespmem:$0x1FB80] =	vst v31;
	v31 =	vimm.s32 $0x0  }
0x2c6: {  	v43 =	vnsel vm1, $0x7F, v63;
	vm1 =	vlt.s32 v51, $0x7F;
	v31 =	vsel vm10, $0xFFFFFFFF, v31  }
0x2c7: {  	v17 =	vcvt.s32.f32 v39;
	v51 =	vnsel vm1, $0x7F, v51;
	[tilespmem:$0x1FB90] =	vst v31;
	v31 =	vimm.s32 $0x0  }
0x2c8: {  	vm1 =	veq.f32 v20, $0.0e+00;
	vm0 =	veq.f32 v20, $1.270000000e+02;
	v31 =	vsel vm8, $0xFFFFFFFF, v31  }
0x2c9: {  	vm0 =	vmor vm1, vm0;
	vm13 =	vgt.f32 v24, $0.0e+00;
	[tilespmem:$0x1FBA0] =	vst v31;
	v31 =	vimm.s32 $0x0  }
0x2ca: {  	v31 =	vsel vm0, $0xFFFFFFFF, v31;
	vm0 =	vlt.f32 v24, $1.270000000e+02;
	v24 =	vimm.s32 $0x0  }
0x2cb: {  	v49 =	vadd.s32 $0x1, v38;
	v9 =	vshll.u32 v38, $0x3;
	v24 =	vsel vm0, $0xFFFFFFFF, v24  }
0x2cc: {  	v56 =	vadd.s32 $0x1, v41;
	vm0 =	vgt.f32 v27, $0.0e+00;
	[tilespmem:$0x1FBB0] =	vst v24;
	v24 =	vimm.s32 $0x0  }
0x2cd: {  	v7 =	vor.u32 v7, v8;
	v59 =	vadd.s32 $0x1, v37;
	v24 =	vsel vm0, $0xFFFFFFFF, v24  }
0x2ce: {  	v3 =	vshll.u32 v37, $0xE;
	vm0 =	vlt.f32 v27, $1.270000000e+02;
	[tilespmem:$0x1FBC0] =	vst v24;
	v24 =	vimm.s32 $0x0  }
0x2cf: {  	vm4 =	vlt.s32 v59, $0x7F;
	v11 =	vand.u32 $0xFFFE0000, v3;
	v24 =	vsel vm0, $0xFFFFFFFF, v24  }
0x2d0: {  	v3 =	vand.u32 $0x38, v9;
	vm0 =	vgt.f32 v29, $0.0e+00;
	[tilespmem:$0x1FBD0] =	vst v24;
	v24 =	vimm.s32 $0x0  }
0x2d1: {  	v48 =	vnsel vm4, $0x7F, v59;
	v8 =	vor.u32 v42, v11;
	v24 =	vsel vm0, $0xFFFFFFFF, v24  }
0x2d2: {  	v57 =	vshll.u32 v48, $0xE;
	vm0 =	vlt.f32 v29, $1.270000000e+02;
	[tilespmem:$0x1FBF0] =	vst v24;
	v24 =	vimm.s32 $0x0  }
0x2d3: {  	v48 =	vshll.u32 v48, $0x6;
	v57 =	vand.u32 $0xFFFE0000, v57;
	v24 =	vsel vm0, $0xFFFFFFFF, v24  }
0x2d4: {  	v48 =	vand.u32 $0x1C0, v48;
	vm0 =	vgt.f32 v22, $0.0e+00;
	[tilespmem:$0x1FC00] =	vst v24;
	v24 =	vimm.s32 $0x0  }
0x2d5: {  	v24 =	vsel vm0, $0xFFFFFFFF, v24;
	vm0 =	vlt.f32 v22, $1.270000000e+02;
	v22 =	vimm.s32 $0x0  }
0x2d6: {  	v3 =	vor.u32 v3, v4;
	v48 =	vor.u32 v48, v57;
	v22 =	vsel vm0, $0xFFFFFFFF, v22  }
0x2d7: {  	v57 =	vor.u32 v3, v48;
	vm0 =	vgt.f32 v25, $0.0e+00;
	[tilespmem:$0x1FC20] =	vst v22;
	v22 =	vimm.s32 $0x0  }
0x2d8: {  	v2 =	vor.u32 v2, v35;
	v35 =	vor.u32 v8, v3;
	v3 =	vld [tilespmem:$0x1FA60];
	v22 =	vsel vm0, $0xFFFFFFFF, v22  }
0x2d9: {  	vm2 =	vlt.s32 v56, $0x7F;
	vm0 =	vgt.f32 v28, $0.0e+00;
	[tilespmem:$0x1FC30] =	vst v22;
	v22 =	vimm.s32 $0x0  }
0x2da: {  	v44 =	vnsel vm2, $0x7F, v56;
	v6 =	vshll.u32 v50, $0x6;
	v22 =	vsel vm0, $0xFFFFFFFF, v22  }
0x2db: {  	v50 =	vand.u32 $0x7, v50;
	vm0 =	vlt.f32 v28, $1.270000000e+02;
	[tilespmem:$0x1FC40] =	vst v22;
	v22 =	vimm.s32 $0x0  }
0x2dc: {  	v55 =	vshll.u32 v44, $0xE;
	v44 =	vshll.u32 v44, $0x6;
	v22 =	vsel vm0, $0xFFFFFFFF, v22  }
0x2dd: {  	v3 =	vsub.f32 v3, v16;
	vm0 =	vgt.f32 v21, $0.0e+00;
	[tilespmem:$0x1FC50] =	vst v22;
	v22 =	vimm.s32 $0x0  }
0x2de: {  	s15 =	smov.u32 s18;
	v22 =	vsel vm0, $0xFFFFFFFF, v22;
	vm0 =	vlt.f32 v21, $1.270000000e+02;
	v21 =	vimm.s32 $0x0  }
0x2df: {  	v63 =	vshll.u32 v41, $0xE;
	v9 =	vcvt.s32.f32 v41;
	[tilespmem:s15+$0x15000] =	vst v3;
	v3 =	vld [tilespmem:$0x1FAB0];
	v21 =	vsel vm0, $0xFFFFFFFF, v21  }
0x2e0: {  	v41 =	vcvt.s32.f32 v37;
	vm0 =	vgt.f32 v23, $0.0e+00;
	[tilespmem:$0x1FC70] =	vst v21;
	v21 =	vimm.s32 $0x0  }
0x2e1: {  	v59 =	vshll.u32 v39, $0xE;
	v39 =	vand.u32 $0x38, v10;
	v21 =	vsel vm0, $0xFFFFFFFF, v21  }
0x2e2: {  	v4 =	vor.u32 v39, v5;
	vm0 =	vgt.f32 v26, $0.0e+00;
	[tilespmem:$0x1FC80] =	vst v21;
	v21 =	vimm.s32 $0x0  }
0x2e3: {  	v5 =	vand.u32 $0x7, v32;
	v1 =	vand.u32 $0xFFFFFE00, v1;
	v21 =	vsel vm0, $0xFFFFFFFF, v21  }
0x2e4: {  	v6 =	vand.u32 $0xFFFFFE00, v6;
	[tilespmem:$0x1FC90] =	vst v21;
	v21 =	vor.u32 v5, v1;
	v5 =	vsub.f32 v3, v41;
	v3 =	vld [tilespmem:$0x1FAC0]  }
0x2e5: {  	v52 =	vadd.s32 $0x1, v34;
	v55 =	vand.u32 $0xFFFE0000, v55;
	v44 =	vand.u32 $0x1C0, v44  }
0x2e6: {  	v63 =	vand.u32 $0xFFFE0000, v63;
	v37 =	vcvt.s32.f32 v38;
	v38 =	vshll.u32 v34, $0x6;
	v1 =	vld [tilespmem:$0x1FA70]  }
0x2e7: {  	v12 =	vor.u32 v12, v63;
	v63 =	vand.u32 $0x7, v34;
	v34 =	vor.u32 v50, v6;
	v6 =	vld [tilespmem:$0x1FA30]  }
0x2e8: {  	v10 =	vcvt.s32.f32 v32;
	v44 =	vor.u32 v44, v55;
	v11 =	vand.u32 $0xFFFFFE00, v38  }
0x2e9: {  	v38 =	vor.u32 v12, v7;
	v27 =	vor.u32 v7, v44;
	v7 =	vsub.f32 v3, v37;
	v3 =	vld [tilespmem:$0x1FAD0];
	_ =	sdelay $0x1  }
0x2ea: {  	v60 =	vand.u32 $0x1C0, v60;
	v59 =	vand.u32 $0xFFFE0000, v59;
	v1 =	vsub.f32 v1, v10  }
0x2eb: {  	v60 =	vor.u32 v60, v59;
	v59 =	vor.u32 v2, v6;
	v6 =	vld [tilespmem:$0x1FA40]  }
0x2ec: {  	[tilespmem:s15+$0x15800] =	vst v1;
	v1 =	vld [tilespmem:$0x1FAE0]  }
0x2ed: {  	vm8 =	vnez.u8 v3;
	v3 =	vld [tilespmem:$0x1FAF0];
	_ =	sdelay $0x3  }
0x2ee: {  	[tilespmem:$0x1FC10] =	vst v24;
	v24 =	vor.u32 v4, v6;
	v6 =	vld [tilespmem:$0x1FB10]  }
0x2ef: {  	v1 =	vsub.f32 v1, v3;
	v3 =	vld [tilespmem:$0x1FB00];
	_ =	sdelay $0x1  }
0x2f0: {  	v58 =	vadd.s32 $0x1, v36  }
0x2f1: {  	vm3 =	vlt.s32 v58, $0x7F  }
0x2f2: {  	vm6 =	veq.f32 v26, $0.0e+00;
	vm5 =	vlt.s32 v49, $0x7F;
	v47 =	vnsel vm3, $0x7F, v58  }
0x2f3: {  	v49 =	vnsel vm5, $0x7F, v49;
	vm5 =	veq.f32 v26, $1.270000000e+02;
	v10 =	vsub.f32 v3, v6;
	v3 =	vld [tilespmem:$0x1FB20]  }
0x2f4: {  	v58 =	vshll.u32 v49, $0xA;
	v49 =	vshll.u32 v49, $0x3;
	vm9 =	vmor vm6, vm5  }
0x2f5: {  	vm6 =	vlt.f32 v23, $1.270000000e+02;
	v58 =	vand.u32 $0xFFFFE000, v58;
	v49 =	vand.u32 $0x38, v49  }
0x2f6: {  	v40 =	vcvt.s32.f32 v19;
	v19 =	vand.u32 $0x7, v19;
	v23 =	vor.u32 v2, v4;
	v4 =	vld [tilespmem:$0x1FA80]  }
0x2f7: {  	v49 =	vor.u32 v49, v58;
	v16 =	vor.u32 v19, v62;
	v19 =	vimm.f32 $0.0e+00  }
0x2f8: {  	v29 =	vor.u32 v8, v49;
	v8 =	vsel vm8, $0x42000000, v19;
	vm8 =	vnez.u8 v3;
	v3 =	vld [tilespmem:$0x1FB30];
	_ =	sdelay $0x2  }
0x2f9: {  	v30 =	vcvt.s32.f32 v30;
	v4 =	vsub.f32 v4, v9  }
0x2fa: {  	v2 =	vld [tilespmem:$0x1FA50]  }
0x2fb: {  	[tilespmem:s15+$0x14810] =	vst v4;
	v4 =	vsub.f32 v3, v30;
	v3 =	vld [tilespmem:$0x1FB40];
	_ =	sdelay $0x4  }
0x2fc: {  	v2 =	vsub.f32 v2, v17;
	v17 =	vsub.f32 v3, v40;
	v3 =	vld [tilespmem:$0x1FB50];
	_ =	sdelay $0x2  }
0x2fd: {  	v45 =	vcvt.s32.f32 v33;
	v33 =	vand.u32 $0x7, v33;
	v0 =	vand.u32 $0xFFFFFE00, v0  }
0x2fe: {  	vm5 =	vlt.f32 v20, $1.270000000e+02;
	vm11 =	vgt.f32 v20, $0.0e+00;
	v20 =	vor.u32 v33, v0;
	v0 =	vld [tilespmem:$0x1FA90]  }
0x2ff: {  	v62 =	vsel vm8, $0x42000000, v19;
	vm8 =	vnez.u8 v3;
	v3 =	vld [tilespmem:$0x1FB60];
	_ =	sdelay $0x1  }
0x300: {  	v36 =	vcvt.s32.f32 v36  }
0x301: {  	vm2 =	vlt.s32 v52, $0x7F;
	v13 =	vshll.u32 v51, $0x6  }
0x302: {  	v51 =	vand.u32 $0x7, v51;
	v13 =	vand.u32 $0xFFFFFE00, v13;
	v0 =	vsub.f32 v0, v36  }
0x303: {  	v39 =	vor.u32 v51, v13;
	v13 =	vsel vm8, $0x42000000, v19;
	vm8 =	vnez.u8 v3;
	v3 =	vld [tilespmem:$0x1FB70]  }
0x304: {  	v52 =	vnsel vm2, $0x7F, v52;
	[tilespmem:s15+$0x15010] =	vst v0;
	v0 =	vld [tilespmem:$0x1FB80]  }
0x305: {  	vm3 =	veq.f32 v15, $0.0e+00;
	v14 =	vshll.u32 v52, $0x6  }
0x306: {  	vm2 =	veq.f32 v15, $1.270000000e+02;
	v52 =	vand.u32 $0x7, v52;
	v14 =	vand.u32 $0xFFFFFE00, v14;
	[tilespmem:s15+$0x14800] =	vst v2;
	v2 =	vld [tilespmem:$0x1FAA0]  }
0x307: {  	vm3 =	vmor vm3, vm2;
	vm2 =	vgt.f32 v15, $0.0e+00;
	v42 =	vor.u32 v52, v14  }
0x308: {  	vm0 =	vlt.f32 v15, $1.270000000e+02;
	v14 =	vsel vm8, $0x42000000, v19;
	vm8 =	vnez.u8 v3  }
0x309: {  	v15 =	vor.u32 v63, v11;
	v63 =	vsel vm8, $0x42000000, v19;
	vm8 =	vnez.u8 v0;
	v0 =	vld [tilespmem:$0x1FB90];
	_ =	sdelay $0x1  }
0x30a: {  	v2 =	vsub.f32 v2, v45;
	_ =	sdelay $0x1  }
0x30b: {  	[tilespmem:s15+$0x15810] =	vst v2;
	v2 =	vld [tilespmem:$0x1FBB0]  }
0x30c: {  	v11 =	vsel vm8, $0x42000000, v19;
	vm8 =	vnez.u8 v0;
	v0 =	vld [tilespmem:$0x1FBA0]  }
0x30d: {  	v56 =	vshll.u32 v47, $0xA;
	v47 =	vshll.u32 v47, $0x3  }
0x30e: {  	v56 =	vand.u32 $0xFFFFE000, v56;
	v47 =	vand.u32 $0x38, v47  }
0x30f: {  	v47 =	vor.u32 v47, v56  }
0x310: {  	vm14 =	vlt.f32 v26, $1.270000000e+02;
	v26 =	vor.u32 v12, v47;
	v12 =	vsel vm8, $0x42000000, v19  }
0x311: {  	vm8 =	vnez.u8 v0;
	v0 =	vsel vm3, $0x42000000, v19;
	vm3 =	vnez.u8 v2;
	v2 =	vld [tilespmem:$0x1FBC0];
	_ =	sdelay $0x4  }
0x312: {  	vm13 =	vmand vm13, vm3;
	vm3 =	vnez.u8 v2;
	v2 =	vld [tilespmem:$0x1FBD0];
	_ =	sdelay $0x3  }
0x313: {  	[tilespmem:$0x1FBE0] =	vst v31  }
0x314: {  	v6 =	vsel vm8, $0x42000000, v19;
	vm8 =	vnez.u8 v2;
	v2 =	vld [tilespmem:$0x1FBE0];
	_ =	sdelay $0x4  }
0x315: {  	vm3 =	vmand vm3, vm8;
	vm8 =	vnez.u8 v2;
	v2 =	vld [tilespmem:$0x1FBF0];
	_ =	sdelay $0x4  }
0x316: {  	[tilespmem:s15+$0x15020] =	vst v7;
	v7 =	vsel vm8, $0x42000000, v19;
	vm8 =	vnez.u8 v2;
	v2 =	vld [tilespmem:$0x1FC00];
	_ =	sdelay $0x4  }
0x317: {  	v3 =	vsel vm9, $0x42000000, v19;
	vm9 =	vnez.u8 v2;
	v2 =	vld [tilespmem:$0x1FC10];
	_ =	sdelay $0x4  }
0x318: {  	vm8 =	vmand vm8, vm9;
	vm9 =	vnez.u8 v2;
	v2 =	vld [tilespmem:$0x1FC20];
	_ =	sdelay $0x2  }
0x319: {  	vm7 =	veq.f32 v18, $0.0e+00;
	vm4 =	veq.f32 v18, $1.270000000e+02  }
0x31a: {  	vm12 =	vmor vm7, vm4  }
0x31b: {  	v9 =	vsel vm12, $0x42000000, v19;
	vm12 =	vnez.u8 v2;
	v2 =	vld [tilespmem:$0x1FC30]  }
0x31c: {  	[tilespmem:s15+$0x15820] =	vst v1;
	v1 =	vld [tilespmem:$0x1FC40];
	_ =	sdelay $0x3  }
0x31d: {  	vm7 =	vlt.f32 v25, $1.270000000e+02;
	vm12 =	vmand vm9, vm12;
	vm9 =	vnez.u8 v2  }
0x31e: {  	vm7 =	vmand vm9, vm7;
	vm9 =	vnez.u8 v1;
	v1 =	vld [tilespmem:$0x1FC50];
	_ =	sdelay $0x3  }
0x31f: {  	[tilespmem:$0x1FC60] =	vst v22  }
0x320: {  	vm10 =	vnez.u8 v1;
	v1 =	vld [tilespmem:$0x1FC60];
	_ =	sdelay $0x4  }
0x321: {  	vm9 =	vmand vm9, vm10;
	vm10 =	vnez.u8 v1;
	v1 =	vld [tilespmem:$0x1FC70];
	_ =	sdelay $0x1  }
0x322: {  	v53 =	vshll.u32 v46, $0xE;
	v46 =	vshll.u32 v46, $0x6  }
0x323: {  	v53 =	vand.u32 $0xFFFE0000, v53;
	v46 =	vand.u32 $0x1C0, v46  }
0x324: {  	v46 =	vor.u32 v46, v53  }
0x325: {  	v54 =	vshll.u32 v43, $0xA;
	v43 =	vshll.u32 v43, $0x3;
	vm15 =	vnez.u8 v1;
	v1 =	vld [tilespmem:$0x1FC80]  }
0x326: {  	v54 =	vand.u32 $0xFFFFE000, v54;
	v43 =	vand.u32 $0x38, v43;
	v22 =	vor.u32 v61, v46  }
0x327: {  	v43 =	vor.u32 v43, v54;
	v58 =	vor.u32 v48, v49;
	[tilespmem:s15+$0x15030] =	vst v4;
	v4 =	vor.u32 v22, v34  }
0x328: {  	vm1 =	vlt.f32 v18, $1.270000000e+02;
	vm4 =	vgt.f32 v18, $0.0e+00;
	v18 =	vor.u32 v60, v43;
	[tilespmem:s15+$0x9800] =	vst v4;
	v4 =	vld [tilespmem:$0x1FCA0]  }
0x329: {  	v31 =	vor.u32 v60, v61;
	v33 =	vor.u32 v20, v27;
	v32 =	vor.u32 v27, v39  }
0x32a: {  	v25 =	vor.u32 v46, v43;
	vm10 =	vmand vm10, vm15;
	vm15 =	vnez.u8 v1;
	v1 =	vld [tilespmem:$0x1FC90]  }
0x32b: {  	v27 =	vor.u32 v57, v42;
	v28 =	vor.u32 v44, v47;
	[tilespmem:s15+$0x14820] =	vst v5;
	v5 =	vor.u32 v21, v25  }
0x32c: {  	s16 =	sadd.s32 $0x4, s16;
	v36 =	vor.u32 v39, v26;
	[tilespmem:s15+$0xA000] =	vst v5;
	v37 =	vor.u32 v20, v26;
	v26 =	vor.u32 v15, v58  }
0x32d: {  	p0 =	slt.u32 s16, $0x7C;
	v30 =	vor.u32 v20, v28;
	[tilespmem:s15+$0x15830] =	vst v17;
	v17 =	vor.u32 v4, v59;
	v2 =	vor.u32 v34, v18  }
.Ltmp1:
0x32e: {  	v19 =	vor.u32 v39, v28;
	v28 =	vor.u32 v15, v57;
	[tilespmem:s15+$0x8800] =	vst v2;
	v2 =	vor.u32 v34, v25;
	(pc) =	sbr.rel @p0 .LBB2_5-.Ltmp1, $4  }
0x32f: {  	[tilespmem:s15+$0x14830] =	vst v10;
	v25 =	vor.u32 v42, v58;
	vm15 =	vmand vm15, vm6;
	vm6 =	vnez.u8 v1  }
0x330: {  	[tilespmem:s15+$0xA800] =	vst v2;
	v1 =	vor.u32 v21, v18;
	v18 =	vor.u32 v15, v29;
	v29 =	vor.u32 v42, v29  }
0x331: {  	vm6 =	vmand vm6, vm14;
	vm14 =	vmand vm4, vm1;
	[tilespmem:s15+$0x8000] =	vst v1;
	v1 =	vor.u32 v21, v22  }
0x332: {  	s17 =	sadd.s32 $0x100, s17;
	v5 =	vld [tilespmem:$0x1FCB0];
	vm4 =	vmand vm2, vm0;
	vm1 =	vmand vm11, vm5;
	v22 =	vor.u32 v16, v59;
	[tilespmem:s15+$0x9000] =	vst v1  }
0x333: {  	[tilespmem:s15+$0x8010] =	vst v37  }
0x334: {  	[tilespmem:s15+$0x8810] =	vst v36  }
0x335: {  	[tilespmem:s15+$0x9010] =	vst v33  }
0x336: {  	[tilespmem:s15+$0x9810] =	vst v32  }
0x337: {  	[tilespmem:s15+$0xA010] =	vst v30  }
0x338: {  	[tilespmem:s15+$0xA810] =	vst v19  }
0x339: {  	[tilespmem:s15+$0x8020] =	vst v18  }
0x33a: {  	[tilespmem:s15+$0x8820] =	vst v29  }
0x33b: {  	[tilespmem:s15+$0x9020] =	vst v28  }
0x33c: {  	[tilespmem:s15+$0x9820] =	vst v27  }
0x33d: {  	[tilespmem:s15+$0xA020] =	vst v26  }
0x33e: {  	[tilespmem:s15+$0xA820] =	vst v25  }
0x33f: {  	[tilespmem:s15+$0x8030] =	vst v22  }
0x340: {  	v1 =	vor.u32 v16, v24;
	[tilespmem:s15+$0x8830] =	vst v17  }
0x341: {  	v2 =	vor.u32 v24, v4;
	[tilespmem:s15+$0x9030] =	vst v1  }
0x342: {  	v0 =	vsel vm4, $0x42800000, v0;
	[tilespmem:s15+$0x9830] =	vst v2  }
0x343: {  	v2 =	vor.u32 v31, v34;
	[tilespmem:s15+$0x18030] =	vst v0  }
0x344: {  	[tilespmem:s15+$0x7800] =	vst v2;
	v2 =	vor.u32 v35, v42  }
0x345: {  	[tilespmem:s15+$0x7820] =	vst v2;
	v2 =	vor.u32 v21, v31  }
0x346: {  	v1 =	vor.u32 v16, v5;
	[tilespmem:s15+$0x7000] =	vst v2  }
0x347: {  	v2 =	vor.u32 v15, v35;
	[tilespmem:s15+$0xA030] =	vst v1  }
0x348: {  	v1 =	vor.u32 v38, v39;
	[tilespmem:s15+$0x7020] =	vst v2  }
0x349: {  	v2 =	vsel vm13, $0x42800000, v8;
	[tilespmem:s15+$0x7810] =	vst v1  }
0x34a: {  	v1 =	vor.u32 v23, v4;
	[tilespmem:s15+$0x17800] =	vst v2  }
0x34b: {  	v2 =	vsel vm8, $0x42800000, v13;
	[tilespmem:s15+$0x7830] =	vst v1  }
0x34c: {  	v1 =	vor.u32 v20, v38;
	[tilespmem:s15+$0x18800] =	vst v2  }
0x34d: {  	v2 =	vsel vm7, $0x42800000, v63;
	[tilespmem:s15+$0x7010] =	vst v1  }
0x34e: {  	v1 =	vor.u32 v16, v23;
	[tilespmem:s15+$0x18010] =	vst v2  }
0x34f: {  	v2 =	vsel vm10, $0x42800000, v12;
	[tilespmem:s15+$0x7030] =	vst v1  }
0x350: {  	v1 =	vsel vm3, $0x42800000, v62;
	[tilespmem:s15+$0x17820] =	vst v2  }
0x351: {  	v2 =	vsel vm6, $0x42800000, v3;
	[tilespmem:s15+$0x18000] =	vst v1  }
0x352: {  	v1 =	vsel vm12, $0x42800000, v14;
	[tilespmem:s15+$0x18820] =	vst v2  }
0x353: {  	[tilespmem:s15+$0x17810] =	vst v1;
	v1 =	vsel vm9, $0x42800000, v11  }
0x354: {  	[tilespmem:s15+$0x18810] =	vst v1;
	v1 =	vsel vm15, $0x42800000, v6  }
0x355: {  	[tilespmem:s15+$0x18020] =	vst v1;
	v1 =	vsel vm14, $0x42800000, v9  }
0x356: {  	[tilespmem:s15+$0x17830] =	vst v1;
	v1 =	vsel vm1, $0x42800000, v7  }
0x357: {  	s18 =	simm.s32 $0xF000;
	[tilespmem:s15+$0x18830] =	vst v1  }
0x358: {  	[tilespmem:s18], [sflag:$0x2] =	stream.indirect.gather [hbm4b:s2+s24], $0x1, s20, s24, $0xb8;
	[tilespmem:$0x1D000] =	vst v63  }
0x359: {  	s19 =	simm.s32 $0x7800;
	s16 =	simm.s32 $0xF800  }
0x35a: {  	[tilespmem:s16], [sflag:$0x2] =	stream.indirect.gather [hbm4b:s2+s24], $0x1, s19, s24, $0xb8;
	[tilespmem:$0x1D000] =	vst v63  }
0x35b: {  	s17 =	simm.s32 $0x10000;
	s16 =	simm.s32 $0x8000  }
0x35c: {  	[tilespmem:s17], [sflag:$0x2] =	stream.indirect.gather [hbm4b:s2+s24], $0x1, s16, s24, $0xb8;
	[tilespmem:$0x1D000] =	vst v63  }
0x35d: {  	s18 =	simm.s32 $0x8800;
	s19 =	simm.s32 $0x10800  }
0x35e: {  	[tilespmem:s19], [sflag:$0x2] =	stream.indirect.gather [hbm4b:s2+s24], $0x1, s18, s24, $0xb8;
	[tilespmem:$0x1D000] =	vst v63  }
0x35f: {  	p1 =	seq.s32 s14, $0x7;
	s16 =	simm.s32 $0x9000;
	s17 =	simm.s32 $0x11000  }
0x360: {  	[tilespmem:s17], [sflag:$0x2] =	stream.indirect.gather [hbm4b:s2+s24], $0x1, s16, s24, $0xb8;
	[tilespmem:$0x1D000] =	vst v63  }
0x361: {  	s15 =	sshll.u32 @!p1 s14, $0xC;
	s18 =	simm.s32 $0x9800;
	s19 =	simm.s32 $0x11800  }
0x362: {  	[tilespmem:s19], [sflag:$0x2] =	stream.indirect.gather [hbm4b:s2+s24], $0x1, s18, s24, $0xb8;
	[tilespmem:$0x1D000] =	vst v63  }
0x363: {  	s15 =	sadd.s32 @!p1 s15, s21;
	s16 =	simm.s32 $0xA000;
	s17 =	simm.s32 $0x12000  }
0x364: {  	[tilespmem:s17], [sflag:$0x2] =	stream.indirect.gather [hbm4b:s2+s24], $0x1, s16, s24, $0xb8;
	[tilespmem:$0x1D000] =	vst v63  }
0x365: {  	s15 =	sshrl.u32 @!p1 s15, $0x3;
	s18 =	simm.s32 $0xA800;
	s19 =	simm.s32 $0x12800  }
0x366: {  	[tilespmem:s19], [sflag:$0x2] =	stream.indirect.gather [hbm4b:s2+s24], $0x1, s18, s24, $0xb8;
	[tilespmem:$0x1D000] =	vst v63  }
0x367: {  	s16 =	sadd.s32 @!p1 s6, s15;
	s17 =	simm.s32 @!p1 $0x0;
	s18 =	simm.s32 @!p1 $0x1800  }
0x368: {  	[tilespmem:s18], [sflag:$0x4] =	stream.linear.gather @!p1 [hbm4b:s16+s17], $0x800, $0x38;
	[tilespmem:$0x1D000] =	vst v63  }
0x369: {  	s16 =	sadd.s32 @!p1 s7, s15;
	s18 =	simm.s32 @!p1 $0x2000  }
0x36a: {  	[tilespmem:s18], [sflag:$0x4] =	stream.linear.gather @!p1 [hbm4b:s16+s17], $0x800, $0x38;
	[tilespmem:$0x1D000] =	vst v63  }
0x36b: {  	s15 =	sadd.s32 @!p1 s1, s15;
	s16 =	simm.s32 @!p1 $0x2800  }
0x36c: {  	[tilespmem:s16], [sflag:$0x4] =	stream.linear.gather @!p1 [hbm4b:s15+s17], $0x800, $0x38;
	[tilespmem:$0x1D000] =	vst v63  }
0x36d: {  	_ =	swait.ge [sflag:s22], $0x800  }
0x36e: {  	[sflag:s22] =	ssyncset.done $0x0  }
0x36f: {  	[sflag:s22] =	ssyncadd.s32 $0xFFFFF800  }
0x370: {  	_ =	swait.ge [sflag:s22], $0x800  }
0x371: {  	[sflag:s22] =	ssyncset.done $0x0  }
0x372: {  	[sflag:s22] =	ssyncadd.s32 $0xFFFFF800  }
0x373: {  	_ =	swait.ge [sflag:s22], $0x800  }
0x374: {  	[sflag:s22] =	ssyncset.done $0x0  }
0x375: {  	[sflag:s22] =	ssyncadd.s32 $0xFFFFF800  }
0x376: {  	_ =	swait.ge [sflag:s22], $0x800  }
0x377: {  	[sflag:s22] =	ssyncset.done $0x0  }
0x378: {  	[sflag:s22] =	ssyncadd.s32 $0xFFFFF800  }
0x379: {  	_ =	swait.ge [sflag:s22], $0x800  }
0x37a: {  	[sflag:s22] =	ssyncset.done $0x0  }
0x37b: {  	[sflag:s22] =	ssyncadd.s32 $0xFFFFF800  }
0x37c: {  	_ =	swait.ge [sflag:s22], $0x800  }
0x37d: {  	[sflag:s22] =	ssyncset.done $0x0  }
0x37e: {  	[sflag:s22] =	ssyncadd.s32 $0xFFFFF800  }
0x37f: {  	_ =	swait.ge [sflag:s22], $0x800  }
0x380: {  	[sflag:s22] =	ssyncset.done $0x0  }
0x381: {  	[sflag:s22] =	ssyncadd.s32 $0xFFFFF800  }
0x382: {  	_ =	swait.ge [sflag:s22], $0x800  }
0x383: {  	p0 =	seq.s32 s14, $0x0;
	[sflag:s22] =	ssyncset.done $0x0  }
0x384: {  	s15 =	simm.s32 @!p0 $0x5;
	[sflag:s22] =	ssyncadd.s32 $0xFFFFF800  }
0x385: {  	_ =	swait.ge @!p0 [sflag:s15], $0x800  }
0x386: {  	[sflag:s15] =	ssyncset.done @!p0 $0x0  }
0x387: {  	[sflag:s15] =	ssyncadd.s32 @!p0 $0xFFFFF800  }
0x388: {  	_ =	swait.ge @!p0 [sflag:s15], $0x800  }
0x389: {  	[sflag:s15] =	ssyncset.done @!p0 $0x0  }
0x38a: {  	[sflag:s15] =	ssyncadd.s32 @!p0 $0xFFFFF800  }
0x38b: {  	_ =	swait.ge @!p0 [sflag:s15], $0x800  }
0x38c: {  	[sflag:s15] =	ssyncset.done @!p0 $0x0  }
0x38d: {  	[sflag:s15] =	ssyncadd.s32 @!p0 $0xFFFFF800  }
0x38e: {  	_ =	swait.ge @!p0 [sflag:s15], $0x800  }
0x38f: {  	[sflag:s15] =	ssyncset.done @!p0 $0x0  }
0x390: {  	s17 =	simm.s32 $0x0;
	[sflag:s15] =	ssyncadd.s32 @!p0 $0xFFFFF800  }
0x391: {  	v0 =	vld [tilespmem:s17+$0x13830]  }
0x392: {  	v1 =	vld [tilespmem:s17+$0xB030]  }
0x393: {  	v2 =	vld [tilespmem:s17+$0xB830]  }
0x394: {  	v4 =	vld [tilespmem:s17+$0xC030]  }
0x395: {  	v3 =	vld [tilespmem:s17+$0xC830]  }
0x396: {  	v5 =	vld [tilespmem:s17+$0xD830]  }
0x397: {  	v6 =	vld [tilespmem:s17+$0x14030]  }
0x398: {  	v7 =	vld [tilespmem:s17+$0xE830]  }
0x399: {  	v8 =	vld [tilespmem:s17+$0xD030]  }
0x39a: {  	v9 =	vld [tilespmem:s17+$0xE030]  }
0x39b: {  	v11 =	vld [tilespmem:s17+$0x14000]  }
0x39c: {  	v20 =	vld [tilespmem:s17+$0xB800]  }
0x39d: {  	v12 =	vld [tilespmem:s17+$0x14010]  }
0x39e: {  	v17 =	vld [tilespmem:s17+$0x13800];
	v10 =	vsub.f32 v2, v1  }
0x39f: {  	v13 =	vsub.f32 $1.000000000e+00, v6;
	v2 =	vmul.f32 v2, v6;
	v14 =	vmul.f32 v3, v6  }
0x3a0: {  	v15 =	vsub.f32 v3, v4;
	v16 =	vmul.f32 v5, v6;
	v6 =	vmul.f32 v7, v6  }
0x3a1: {  	v18 =	vld [tilespmem:s17+$0xB000];
	v5 =	vsub.f32 v5, v8;
	v19 =	vsub.f32 $1.000000000e+00, v0;
	v31 =	vmul.f32 v20, v11  }
0x3a2: {  	v22 =	vld [tilespmem:s17+$0xD000];
	v23 =	vsub.f32 $1.000000000e+00, v12;
	v1 =	vmul.f32 v1, v13;
	v4 =	vmul.f32 v4, v13  }
0x3a3: {  	v3 =	vld [tilespmem:s17+$0x14020];
	v27 =	vsub.f32 $1.000000000e+00, v17;
	v8 =	vmul.f32 v8, v13;
	v13 =	vmul.f32 v9, v13  }
0x3a4: {  	v21 =	vadd.f32 v2, v1;
	v14 =	vadd.f32 v14, v4;
	v4 =	vmul.f32 v15, v0;
	v15 =	vld [tilespmem:s17+$0xC000]  }
0x3a5: {  	v8 =	vadd.f32 v16, v8;
	v13 =	vadd.f32 v6, v13;
	v6 =	vmul.f32 v10, v19;
	v10 =	vld [tilespmem:s17+$0xC800]  }
0x3a6: {  	v29 =	vld [tilespmem:s17+$0x16030];
	v16 =	vsub.f32 $1.000000000e+00, v11;
	v1 =	vmul.f32 v21, v19;
	v2 =	vmul.f32 v14, v0  }
0x3a7: {  	v30 =	vld [tilespmem:s17+$0xD800];
	v7 =	vsub.f32 v7, v9;
	v24 =	vmul.f32 v8, v19;
	v25 =	vmul.f32 v13, v0  }
0x3a8: {  	v55 =	vld [tilespmem:s17+$0xC020];
	v28 =	vsub.f32 $1.000000000e+00, v3;
	v26 =	vmul.f32 v18, v16;
	v18 =	vsub.f32 v20, v18  }
0x3a9: {  	v19 =	vmul.f32 v5, v19;
	v2 =	vadd.f32 v2, v1;
	v1 =	vadd.f32 v25, v24;
	v24 =	vld [tilespmem:s17+$0xE000]  }
0x3aa: {  	v9 =	vld [tilespmem:s17+$0xE800];
	v41 =	vsub.f32 v14, v21;
	v25 =	vmul.f32 v15, v16;
	v20 =	vmul.f32 v10, v11  }
0x3ab: {  	v48 =	vld [tilespmem:s17+$0x13810];
	v0 =	vmul.f32 v7, v0;
	v10 =	vsub.f32 v10, v15;
	v15 =	vsub.f32 v1, v2  }
0x3ac: {  	v26 =	vadd.f32 v31, v26;
	v31 =	vmul.f32 v22, v16;
	v20 =	vadd.f32 v20, v25;
	v25 =	vld [tilespmem:s17+$0xB010]  }
0x3ad: {  	v22 =	vsub.f32 v30, v22;
	v15 =	vmul.f32 v15, v29;
	v29 =	vmul.f32 v30, v11;
	v30 =	vld [tilespmem:s17+$0xB810]  }
0x3ae: {  	v13 =	vsub.f32 v13, v8;
	v58 =	vmul.f32 v55, v28;
	v5 =	vmul.f32 v24, v16;
	v16 =	vld [tilespmem:s17+$0xC010]  }
0x3af: {  	v18 =	vmul.f32 v18, v27;
	v11 =	vmul.f32 v9, v11;
	v9 =	vsub.f32 v9, v24;
	v24 =	vld [tilespmem:s17+$0xC810]  }
0x3b0: {  	v10 =	vmul.f32 v10, v17;
	v33 =	vsub.f32 v20, v26;
	v35 =	vmul.f32 v20, v17;
	v20 =	vld [tilespmem:s17+$0xE010]  }
0x3b1: {  	v22 =	vmul.f32 v22, v27;
	v7 =	vadd.f32 v29, v31;
	v31 =	vmul.f32 v26, v27;
	v26 =	vld [tilespmem:s17+$0xD010]  }
0x3b2: {  	v18 =	vadd.f32 v10, v18;
	v5 =	vadd.f32 v11, v5;
	v11 =	vmul.f32 v9, v17;
	v9 =	vld [tilespmem:s17+$0xD810]  }
0x3b3: {  	v29 =	vsub.f32 $1.000000000e+00, v48;
	v49 =	vmul.f32 v25, v23;
	v50 =	vmul.f32 v30, v12  }
0x3b4: {  	v25 =	vsub.f32 v30, v25;
	v30 =	vmul.f32 v7, v27;
	v27 =	vld [tilespmem:s17+$0xE810];
	v37 =	vmul.f32 v5, v17  }
0x3b5: {  	v54 =	vld [tilespmem:s17+$0xB020];
	v7 =	vsub.f32 v5, v7;
	v51 =	vmul.f32 v16, v23;
	v52 =	vmul.f32 v24, v12  }
0x3b6: {  	v5 =	vld [tilespmem:s17+$0xD020];
	v16 =	vsub.f32 v24, v16;
	v53 =	vmul.f32 v26, v23;
	v25 =	vmul.f32 v25, v29  }
0x3b7: {  	v40 =	vld [tilespmem:s17+$0xE020];
	v34 =	vadd.f32 v50, v49;
	v23 =	vmul.f32 v20, v23;
	v21 =	vmul.f32 v9, v12  }
0x3b8: {  	v24 =	vld [tilespmem:s17+$0x13820];
	v14 =	vadd.f32 v52, v51;
	v9 =	vsub.f32 v9, v26;
	v16 =	vmul.f32 v16, v48  }
0x3b9: {  	v26 =	vld [tilespmem:s17+$0xB820];
	v56 =	vmul.f32 v34, v29;
	v8 =	vadd.f32 v21, v53;
	v12 =	vmul.f32 v27, v12  }
0x3ba: {  	v20 =	vsub.f32 v27, v20;
	v17 =	vmul.f32 v9, v29;
	v43 =	vmul.f32 v14, v48  }
0x3bb: {  	v21 =	vld [tilespmem:s17+$0xC820];
	v34 =	vsub.f32 v14, v34;
	v44 =	vmul.f32 v5, v28;
	v49 =	vadd.f32 v16, v25  }
0x3bc: {  	v9 =	vld [tilespmem:s17+$0xD820];
	v12 =	vadd.f32 v12, v23;
	v20 =	vmul.f32 v20, v48;
	v23 =	vmul.f32 v54, v28  }
0x3bd: {  	v14 =	vld [tilespmem:s17+$0xE820];
	v27 =	vsub.f32 $1.000000000e+00, v24;
	v28 =	vmul.f32 v40, v28;
	v62 =	vmul.f32 v8, v29  }
0x3be: {  	v10 =	vld [tilespmem:s17+$0x13010];
	v36 =	vadd.f32 v43, v56;
	v57 =	vmul.f32 v26, v3;
	v26 =	vsub.f32 v26, v54  }
0x3bf: {  	[tilespmem:s17+$0x19830] =	vst v15;
	v60 =	vsub.f32 v12, v8;
	v15 =	vmul.f32 v12, v48;
	v50 =	vadd.f32 v20, v17  }
0x3c0: {  	v23 =	vadd.f32 v57, v23;
	v59 =	vmul.f32 v21, v3;
	v21 =	vsub.f32 v21, v55  }
0x3c1: {  	v26 =	vmul.f32 v26, v27;
	v61 =	vmul.f32 v9, v3;
	v5 =	vsub.f32 v9, v5  }
0x3c2: {  	v3 =	vmul.f32 v14, v3;
	v14 =	vsub.f32 v14, v40;
	v40 =	vadd.f32 v37, v30  }
0x3c3: {  	v16 =	vld [tilespmem:s17+$0x16800];
	v51 =	vmul.f32 v60, v10;
	v38 =	vadd.f32 v15, v62;
	v30 =	vmul.f32 v50, v10  }
0x3c4: {  	v8 =	vld [tilespmem:s17+$0x13020];
	v39 =	vadd.f32 v59, v58;
	v21 =	vmul.f32 v21, v24;
	v42 =	vadd.f32 v61, v44  }
0x3c5: {  	v9 =	vld [tilespmem:s17+$0x13000];
	v29 =	vmul.f32 v5, v27;
	v3 =	vadd.f32 v3, v28;
	v12 =	vmul.f32 v14, v24  }
0x3c6: {  	v17 =	vld [tilespmem:s17+$0x16810];
	v14 =	vadd.f32 v11, v22;
	v28 =	vmul.f32 v23, v27;
	v45 =	vsub.f32 v39, v23  }
0x3c7: {  	v5 =	vld [tilespmem:s17+$0x13030];
	v63 =	vmul.f32 v39, v24;
	v22 =	vsub.f32 v3, v42;
	v52 =	vadd.f32 v21, v26  }
0x3c8: {  	v11 =	vld [tilespmem:s17+$0x16000];
	v47 =	vmul.f32 v3, v24;
	v53 =	vadd.f32 v12, v29;
	v24 =	vadd.f32 v4, v6  }
0x3c9: {  	v46 =	vmul.f32 v42, v27;
	v3 =	vld [tilespmem:s17+$0x17000];
	v21 =	vadd.f32 v0, v19;
	v26 =	vsub.f32 $1.000000000e+00, v8  }
0x3ca: {  	v12 =	vld [tilespmem:s17+$0x16010];
	v27 =	vsub.f32 $1.000000000e+00, v10;
	v48 =	vmul.f32 v7, v9;
	v20 =	vmul.f32 v14, v9  }
0x3cb: {  	v19 =	vld [tilespmem:s17+$0x16820];
	v29 =	vsub.f32 $1.000000000e+00, v9;
	v25 =	vmul.f32 v22, v8;
	v42 =	vmul.f32 v45, v26  }
0x3cc: {  	v39 =	vadd.f32 v35, v31;
	v4 =	vld [tilespmem:s17+$0x17020];
	v31 =	vmul.f32 v52, v26;
	v32 =	vmul.f32 v53, v8  }
0x3cd: {  	v6 =	vld [tilespmem:s17+$0x17030];
	v22 =	vmul.f32 v13, v5;
	v23 =	vsub.f32 $1.000000000e+00, v5;
	v0 =	vmul.f32 v33, v29  }
0x3ce: {  	v7 =	vld [tilespmem:s17+$0x17010];
	v13 =	vmul.f32 v34, v27;
	v33 =	vadd.f32 v63, v28;
	v34 =	vadd.f32 v47, v46  }
0x3cf: {  	v14 =	vld [tilespmem:s17+$0x16020];
	v15 =	vmul.f32 v18, v29;
	v28 =	vmul.f32 v49, v27;
	v43 =	vadd.f32 v48, v0  }
0x3d0: {  	s16 =	simm.s32 $0x100;
	s15 =	simm.s32 $0x0;
	v18 =	vld [tilespmem:s17+$0x16830];
	v35 =	vmul.f32 v41, v23;
	v41 =	vsub.f32 v40, v39;
	v37 =	vadd.f32 v51, v13  }
.LBB2_7:
0x3d1: {  	s18 =	sshra.s32 s16, $0x2;
	v0 =	vsub.f32 v38, v36;
	v24 =	vmul.f32 v24, v23;
	v21 =	vmul.f32 v21, v5  }
0x3d2: {  	v29 =	vmul.f32 v39, v29;
	v9 =	vmul.f32 v40, v9;
	v25 =	vadd.f32 v25, v42;
	v13 =	vld [tilespmem:s18+$0x13830]  }
0x3d3: {  	v27 =	vmul.f32 v36, v27;
	v10 =	vmul.f32 v38, v10;
	v36 =	vsub.f32 v34, v33;
	v39 =	vld [tilespmem:s18+$0xB030]  }
0x3d4: {  	v26 =	vmul.f32 v33, v26;
	v8 =	vmul.f32 v34, v8;
	v22 =	vadd.f32 v22, v35;
	v38 =	vld [tilespmem:s18+$0xB830]  }
0x3d5: {  	v15 =	vadd.f32 v20, v15;
	v2 =	vmul.f32 v2, v23;
	v1 =	vmul.f32 v1, v5;
	v33 =	vld [tilespmem:s18+$0xC030]  }
0x3d6: {  	v5 =	vmul.f32 v43, v16;
	v16 =	vadd.f32 v30, v28;
	v23 =	vadd.f32 v32, v31;
	v20 =	vld [tilespmem:s18+$0xC830]  }
0x3d7: {  	v11 =	vmul.f32 v41, v11;
	v9 =	vadd.f32 v9, v29;
	v21 =	vadd.f32 v21, v24;
	v28 =	vld [tilespmem:s18+$0xD830]  }
0x3d8: {  	s15 =	sadd.s32 $0x4, s15;
	v0 =	vmul.f32 v0, v12;
	v24 =	vld [tilespmem:s18+$0x14030];
	[tilespmem:s17+$0x1A000] =	vst v5;
	v5 =	vadd.f32 v10, v27;
	v10 =	vmul.f32 v37, v17  }
0x3d9: {  	p2 =	slt.u32 s15, $0x7C;
	v8 =	vadd.f32 v8, v26;
	v12 =	vld [tilespmem:s18+$0xE830];
	v17 =	vsub.f32 v38, v39;
	[tilespmem:s17+$0x19000] =	vst v9;
	v9 =	vmul.f32 v25, v19  }
0x3da: {  	v1 =	vadd.f32 v1, v2;
	v2 =	vmul.f32 v22, v18;
	v19 =	vld [tilespmem:s18+$0xD030];
	[tilespmem:s17+$0x19800] =	vst v11;
	v11 =	vmul.f32 v36, v14  }
0x3db: {  	v15 =	vmul.f32 v15, v3;
	v16 =	vmul.f32 v16, v7;
	v14 =	vld [tilespmem:s18+$0xE030];
	v18 =	vsub.f32 v20, v33;
	[tilespmem:s17+$0x19010] =	vst v5  }
0x3dc: {  	v21 =	vmul.f32 v21, v6;
	v22 =	vld [tilespmem:s18+$0x14000];
	[tilespmem:s17+$0x1A010] =	vst v10;
	v10 =	vmul.f32 v23, v4  }
0x3dd: {  	v5 =	vld [tilespmem:s18+$0x14010];
	v4 =	vsub.f32 $1.000000000e+00, v24;
	v6 =	vmul.f32 v38, v24;
	v20 =	vmul.f32 v20, v24;
	[tilespmem:s17+$0x19810] =	vst v0  }
0x3de: {  	v0 =	vmul.f32 v28, v24;
	v3 =	vld [tilespmem:s18+$0x14020];
	v23 =	vmul.f32 v12, v24;
	[tilespmem:s17+$0x19020] =	vst v8  }
0x3df: {  	v7 =	vld [tilespmem:s18+$0x13800];
	v8 =	vmul.f32 v39, v4;
	v24 =	vmul.f32 v33, v4;
	v25 =	vsub.f32 v28, v19;
	[tilespmem:s17+$0x1A020] =	vst v9  }
0x3e0: {  	v27 =	vsub.f32 $1.000000000e+00, v13;
	v19 =	vmul.f32 v19, v4;
	v9 =	vld [tilespmem:s18+$0xB000];
	v26 =	vmul.f32 v14, v4;
	[tilespmem:s17+$0x19820] =	vst v11  }
0x3e1: {  	v4 =	vmul.f32 v18, v13;
	v11 =	vld [tilespmem:s18+$0xB800];
	v8 =	vadd.f32 v6, v8;
	v24 =	vadd.f32 v20, v24;
	[tilespmem:s17+$0x19030] =	vst v1  }
0x3e2: {  	v0 =	vadd.f32 v0, v19;
	v6 =	vmul.f32 v17, v27;
	v18 =	vld [tilespmem:s18+$0xC000];
	v19 =	vadd.f32 v23, v26;
	[tilespmem:s17+$0x1A030] =	vst v2  }
0x3e3: {  	v20 =	vsub.f32 $1.000000000e+00, v22;
	v17 =	vld [tilespmem:s18+$0xC800];
	v1 =	vmul.f32 v8, v27;
	v2 =	vmul.f32 v24, v13;
	[tilespmem:s17+$0x1A800] =	vst v15  }
0x3e4: {  	v23 =	vsub.f32 $1.000000000e+00, v5;
	v26 =	vmul.f32 v0, v27;
	v15 =	vld [tilespmem:s18+$0xD000];
	v28 =	vmul.f32 v19, v13;
	[tilespmem:s17+$0x1A810] =	vst v16  }
0x3e5: {  	v30 =	vsub.f32 $1.000000000e+00, v3;
	v29 =	vsub.f32 $1.000000000e+00, v7;
	v16 =	vmul.f32 v9, v20;
	v31 =	vld [tilespmem:s18+$0x16030];
	[tilespmem:s17+$0x1A820] =	vst v10  }
0x3e6: {  	v2 =	vadd.f32 v2, v1;
	v10 =	vld [tilespmem:s18+$0xD800];
	v32 =	vmul.f32 v11, v22;
	v1 =	vadd.f32 v28, v26;
	[tilespmem:s17+$0x1A830] =	vst v21;
	s17 =	smov.u32 s18  }
0x3e7: {  	v9 =	vsub.f32 v11, v9;
	v11 =	vsub.f32 v12, v14;
	v21 =	vld [tilespmem:s17+$0xE000];
	v26 =	vmul.f32 v18, v20  }
0x3e8: {  	v12 =	vld [tilespmem:s17+$0xE800];
	v14 =	vmul.f32 v17, v22;
	v17 =	vsub.f32 v17, v18;
	v18 =	vsub.f32 v1, v2  }
0x3e9: {  	v16 =	vadd.f32 v32, v16;
	v32 =	vmul.f32 v9, v29;
	v28 =	vmul.f32 v15, v20;
	v33 =	vld [tilespmem:s17+$0x13810]  }
0x3ea: {  	v9 =	vadd.f32 v14, v26;
	v14 =	vmul.f32 v17, v7;
	v17 =	vld [tilespmem:s17+$0xB010];
	v26 =	vmul.f32 v18, v31  }
0x3eb: {  	v18 =	vmul.f32 v25, v27;
	v31 =	vmul.f32 v10, v22;
	v10 =	vsub.f32 v10, v15;
	v34 =	vld [tilespmem:s17+$0xB810]  }
0x3ec: {  	v25 =	vmul.f32 v21, v20;
	v15 =	vsub.f32 v9, v16;
	v27 =	vld [tilespmem:s17+$0xC010];
	v20 =	vmul.f32 v11, v13;
	[tilespmem:s17+$0x19830] =	vst v26  }
0x3ed: {  	v11 =	vadd.f32 v31, v28;
	v22 =	vmul.f32 v12, v22;
	v12 =	vsub.f32 v12, v21;
	v21 =	vld [tilespmem:s17+$0xC810]  }
0x3ee: {  	v13 =	vmul.f32 v16, v29;
	v26 =	vmul.f32 v10, v29;
	v10 =	vld [tilespmem:s17+$0xD010];
	v28 =	vsub.f32 $1.000000000e+00, v33  }
0x3ef: {  	v16 =	vadd.f32 v22, v25;
	v12 =	vmul.f32 v12, v7;
	v22 =	vld [tilespmem:s17+$0xD810];
	v25 =	vmul.f32 v17, v23  }
0x3f0: {  	v31 =	vmul.f32 v9, v7;
	v9 =	vld [tilespmem:s17+$0xE010];
	v35 =	vmul.f32 v34, v5;
	v17 =	vsub.f32 v34, v17  }
0x3f1: {  	v34 =	vmul.f32 v11, v29;
	v29 =	vsub.f32 v16, v11;
	v11 =	vld [tilespmem:s17+$0xE810];
	v36 =	vmul.f32 v27, v23  }
0x3f2: {  	v25 =	vadd.f32 v35, v25;
	v35 =	vmul.f32 v21, v5;
	v21 =	vsub.f32 v21, v27;
	v27 =	vld [tilespmem:s17+$0x13820]  }
0x3f3: {  	v41 =	vsub.f32 v24, v8;
	v38 =	vmul.f32 v17, v28;
	v37 =	vmul.f32 v10, v23;
	v17 =	vld [tilespmem:s17+$0xB020]  }
0x3f4: {  	v8 =	vadd.f32 v35, v36;
	v24 =	vmul.f32 v22, v5;
	v10 =	vsub.f32 v22, v10;
	v22 =	vld [tilespmem:s17+$0xB820]  }
0x3f5: {  	v0 =	vsub.f32 v19, v0;
	v21 =	vmul.f32 v21, v33;
	v23 =	vmul.f32 v9, v23;
	v35 =	vld [tilespmem:s17+$0xC020]  }
0x3f6: {  	v19 =	vadd.f32 v24, v37;
	v5 =	vmul.f32 v11, v5;
	v9 =	vsub.f32 v11, v9;
	v11 =	vld [tilespmem:s17+$0xC820]  }
0x3f7: {  	v36 =	vmul.f32 v16, v7;
	v24 =	vmul.f32 v10, v28;
	v7 =	vld [tilespmem:s17+$0xD020];
	v37 =	vsub.f32 $1.000000000e+00, v27  }
0x3f8: {  	v23 =	vadd.f32 v5, v23;
	v39 =	vmul.f32 v9, v33;
	v5 =	vld [tilespmem:s17+$0xD820];
	v10 =	vmul.f32 v17, v30  }
0x3f9: {  	v42 =	vmul.f32 v25, v28;
	v16 =	vld [tilespmem:s17+$0xE020];
	v40 =	vmul.f32 v22, v3;
	v17 =	vsub.f32 v22, v17  }
0x3fa: {  	v43 =	vmul.f32 v8, v33;
	v44 =	vsub.f32 v8, v25;
	v22 =	vld [tilespmem:s17+$0xE820];
	v25 =	vmul.f32 v35, v30  }
0x3fb: {  	v9 =	vld [tilespmem:s17+$0x13000];
	v40 =	vadd.f32 v40, v10;
	v45 =	vmul.f32 v11, v3;
	v11 =	vsub.f32 v11, v35  }
0x3fc: {  	v35 =	vsub.f32 v23, v19;
	v47 =	vmul.f32 v17, v37;
	v10 =	vld [tilespmem:s17+$0x13010];
	v46 =	vmul.f32 v7, v30  }
0x3fd: {  	v8 =	vld [tilespmem:s17+$0x13020];
	v17 =	vadd.f32 v45, v25;
	v25 =	vmul.f32 v5, v3;
	v7 =	vsub.f32 v5, v7  }
0x3fe: {  	v32 =	vadd.f32 v14, v32;
	v14 =	vmul.f32 v16, v30;
	v30 =	vmul.f32 v11, v27;
	v5 =	vld [tilespmem:s17+$0x13030]  }
0x3ff: {  	v11 =	vld [tilespmem:s17+$0x16000];
	v25 =	vadd.f32 v25, v46;
	v45 =	vmul.f32 v22, v3;
	v22 =	vsub.f32 v22, v16  }
0x400: {  	v28 =	vmul.f32 v19, v28;
	v19 =	vmul.f32 v7, v37;
	v46 =	vsub.f32 v17, v40;
	v16 =	vld [tilespmem:s17+$0x16800]  }
0x401: {  	v33 =	vmul.f32 v23, v33;
	v3 =	vld [tilespmem:s17+$0x17000];
	v7 =	vadd.f32 v45, v14;
	v22 =	vmul.f32 v22, v27  }
0x402: {  	v23 =	vadd.f32 v12, v26;
	v48 =	vmul.f32 v17, v27;
	v45 =	vmul.f32 v40, v37;
	v12 =	vld [tilespmem:s17+$0x16010]  }
0x403: {  	v37 =	vmul.f32 v25, v37;
	v17 =	vld [tilespmem:s17+$0x16810];
	v49 =	vmul.f32 v7, v27;
	v25 =	vsub.f32 v7, v25  }
0x404: {  	v51 =	vadd.f32 v21, v38;
	v52 =	vadd.f32 v39, v24;
	v50 =	vmul.f32 v29, v9;
	v7 =	vld [tilespmem:s17+$0x17010]  }
0x405: {  	v47 =	vadd.f32 v30, v47;
	v53 =	vmul.f32 v35, v10;
	v54 =	vadd.f32 v22, v19;
	v14 =	vld [tilespmem:s17+$0x16020]  }
0x406: {  	v21 =	vadd.f32 v20, v18;
	v24 =	vadd.f32 v4, v6;
	v25 =	vmul.f32 v25, v8;
	v19 =	vld [tilespmem:s17+$0x16820]  }
0x407: {  	v29 =	vsub.f32 $1.000000000e+00, v9;
	v27 =	vsub.f32 $1.000000000e+00, v10;
	v22 =	vmul.f32 v0, v5;
	v4 =	vld [tilespmem:s17+$0x17020]  }
0x408: {  	v20 =	vmul.f32 v23, v9;
	v26 =	vsub.f32 $1.000000000e+00, v8;
	v23 =	vsub.f32 $1.000000000e+00, v5;
	v18 =	vld [tilespmem:s17+$0x16830]  }
0x409: {  	v39 =	vadd.f32 v31, v13;
	v40 =	vadd.f32 v36, v34;
	v0 =	vmul.f32 v15, v29;
	v6 =	vld [tilespmem:s17+$0x17030]  }
.Ltmp2:
0x40a: {  	v38 =	vadd.f32 v33, v28;
	v36 =	vadd.f32 v43, v42;
	v13 =	vmul.f32 v44, v27;
	(pc) =	sbr.rel @p2 .LBB2_7-.Ltmp2, $4  }
0x40b: {  	v33 =	vadd.f32 v48, v45;
	v42 =	vmul.f32 v46, v26;
	v34 =	vadd.f32 v49, v37  }
0x40c: {  	v15 =	vmul.f32 v32, v29;
	v43 =	vadd.f32 v50, v0;
	v35 =	vmul.f32 v41, v23  }
0x40d: {  	v30 =	vmul.f32 v52, v10;
	v41 =	vsub.f32 v40, v39;
	v28 =	vmul.f32 v51, v27  }
0x40e: {  	s16 =	sadd.s32 $0x100, s16;
	v31 =	vmul.f32 v47, v26;
	v32 =	vmul.f32 v54, v8;
	v37 =	vadd.f32 v53, v13  }
0x40f: {  	v0 =	vmul.f32 v39, v29  }
0x410: {  	v9 =	vmul.f32 v40, v9;
	v13 =	vmul.f32 v43, v16  }
0x411: {  	v46 =	vmul.f32 v36, v27;
	v47 =	vmul.f32 v41, v11  }
0x412: {  	v10 =	vmul.f32 v38, v10;
	v51 =	vmul.f32 v37, v17;
	[tilespmem:s17+$0x1A000] =	vst v13  }
0x413: {  	v48 =	vsub.f32 v38, v36;
	v0 =	vadd.f32 v9, v0;
	[tilespmem:s17+$0x19800] =	vst v47  }
0x414: {  	v52 =	vadd.f32 v25, v42;
	v2 =	vmul.f32 v2, v23;
	v10 =	vadd.f32 v10, v46;
	[tilespmem:s17+$0x1A010] =	vst v51  }
0x415: {  	v1 =	vmul.f32 v1, v5;
	v11 =	vmul.f32 v48, v12;
	[tilespmem:s17+$0x19000] =	vst v0  }
0x416: {  	v55 =	vadd.f32 v22, v35;
	v54 =	vmul.f32 v52, v19;
	[tilespmem:s17+$0x19010] =	vst v10  }
0x417: {  	v49 =	vmul.f32 v33, v26;
	v57 =	vadd.f32 v20, v15;
	v1 =	vadd.f32 v1, v2;
	[tilespmem:s17+$0x19810] =	vst v11  }
0x418: {  	v50 =	vmul.f32 v34, v8;
	v60 =	vmul.f32 v55, v18;
	[tilespmem:s17+$0x1A020] =	vst v54  }
0x419: {  	v56 =	vmul.f32 v24, v23;
	v59 =	vadd.f32 v30, v28;
	v3 =	vmul.f32 v57, v3;
	[tilespmem:s17+$0x19030] =	vst v1  }
0x41a: {  	v58 =	vmul.f32 v21, v5;
	v61 =	vadd.f32 v32, v31;
	v0 =	vadd.f32 v50, v49;
	[tilespmem:s17+$0x1A030] =	vst v60  }
0x41b: {  	v53 =	vsub.f32 v34, v33;
	v62 =	vmul.f32 v59, v7;
	[tilespmem:s17+$0x1A800] =	vst v3  }
0x41c: {  	v63 =	vmul.f32 v61, v4;
	[tilespmem:s17+$0x19020] =	vst v0;
	v0 =	vadd.f32 v58, v56  }
0x41d: {  	s16 =	sshll.u32 s14, $0xC;
	v10 =	vmul.f32 v53, v14;
	[tilespmem:s17+$0x1A810] =	vst v62  }
0x41e: {  	s15 =	sor.u32 s10, s16;
	[tilespmem:s17+$0x1A820] =	vst v63;
	v0 =	vmul.f32 v0, v6  }
0x41f: {  	s15 =	sshrl.u32 s15, $0x3;
	[tilespmem:s17+$0x19820] =	vst v10  }
0x420: {  	s18 =	sadd.s32 s3, s15;
	[tilespmem:s17+$0x1A830] =	vst v0  }
0x421: {  	[hbm4b:s18+s4] =	stream.linear.scatter [tilespmem:s31], [sflag:$0x5], $0x800, $0x38;
	[tilespmem:$0x1D000] =	vst v63  }
0x422: {  	s19 =	sadd.s32 s8, s15  }
0x423: {  	[hbm4b:s19+s4] =	stream.linear.scatter [tilespmem:s0], [sflag:$0x5], $0x800, $0x38;
	[tilespmem:$0x1D000] =	vst v63  }
.Ltmp3:
0x424: {  	_ = 	snop;
	(pc) =	sbr.rel @p1 .LBB2_12-.Ltmp3, $4  }
0x425: {  	s18 =	sadd.s32 s9, s15  }
0x426: {  	[hbm4b:s18+s4] =	stream.linear.scatter [tilespmem:s5], [sflag:$0x5], $0x800, $0x38;
	[tilespmem:$0x1D000] =	vst v63  }
0x427: {  	s19 =	sadd.s32 s11, s15  }
0x428: {  	[hbm4b:s19+s4] =	stream.linear.scatter [tilespmem:s26], [sflag:$0x5], $0x800, $0x38;
	[tilespmem:$0x1D000] =	vst v63  }
0x429: {  	_ =	swait.ge [sflag:s30], $0x800  }
0x42a: {  	[sflag:s30] =	ssyncset.done $0x0  }
0x42b: {  	[sflag:s30] =	ssyncadd.s32 $0xFFFFF800  }
0x42c: {  	_ =	swait.ge [sflag:s30], $0x800  }
0x42d: {  	[sflag:s30] =	ssyncset.done $0x0  }
0x42e: {  	[sflag:s30] =	ssyncadd.s32 $0xFFFFF800  }
0x42f: {  	_ =	swait.ge [sflag:s30], $0x800  }
0x430: {  	[sflag:s30] =	ssyncset.done $0x0  }
0x431: {  	s17 =	simm.s32 $0x0;
	[sflag:s30] =	ssyncadd.s32 $0xFFFFF800  }
0x432: {  	v0 =	vld [tilespmem:s17+$0x1030]  }
0x433: {  	v1 =	vld [tilespmem:s17+$0x30]  }
0x434: {  	v2 =	vld [tilespmem:s17+$0x830]  }
0x435: {  	v4 =	vld [tilespmem:s17+$0x800]  }
0x436: {  	v5 =	vld [tilespmem:s17+$0x10]  }
0x437: {  	v6 =	vld [tilespmem:s17+$0x810]  }
0x438: {  	v11 =	vld [tilespmem:s17+$0x1010]  }
0x439: {  	v3 =	vld [tilespmem:s17+$0x0]  }
0x43a: {  	v8 =	vld [tilespmem:s17+$0x20];
	v1 =	vadd.f32 $1.000000000e+00, v1;
	v0 =	vadd.f32 $1.000000000e+00, v0  }
0x43b: {  	v7 =	vadd.f32 $1.000000000e+00, v2;
	v4 =	vadd.f32 $1.000000000e+00, v4  }
0x43c: {  	v5 =	vadd.f32 $1.000000000e+00, v5;
	v6 =	vadd.f32 $1.000000000e+00, v6  }
0x43d: {  	v11 =	vadd.f32 $1.000000000e+00, v11;
	v2 =	vmul.f32 $6.400000000e+01, v1;
	v1 =	vmul.f32 $6.400000000e+01, v0  }
0x43e: {  	v0 =	vadd.f32 $1.000000000e+00, v3;
	v31 =	vmul.f32 $6.400000000e+01, v7;
	v48 =	vmul.f32 $6.400000000e+01, v5  }
0x43f: {  	v8 =	vadd.f32 $1.000000000e+00, v8;
	v49 =	vmul.f32 $6.400000000e+01, v6;
	v50 =	vmul.f32 $6.400000000e+01, v11  }
0x440: {  	v9 =	vmax.f32 v2, $0.0e+00;
	v10 =	vmax.f32 v1, $0.0e+00;
	v0 =	vmul.f32 $6.400000000e+01, v0  }
0x441: {  	v3 =	vld [tilespmem:s17+$0x820];
	vm6 =	veq.f32 v48, $0.0e+00;
	vm7 =	veq.f32 v48, $1.270000000e+02;
	vm8 =	veq.f32 v49, $0.0e+00  }
0x442: {  	v7 =	vld [tilespmem:s17+$0x1000];
	vm9 =	veq.f32 v49, $1.270000000e+02;
	vm10 =	veq.f32 v50, $0.0e+00;
	vm11 =	veq.f32 v50, $1.270000000e+02  }
0x443: {  	vm14 =	vgt.f32 v49, $0.0e+00;
	v17 =	vmin.f32 v9, $1.270000000e+02;
	v9 =	vmax.f32 v31, $0.0e+00  }
0x444: {  	v16 =	vmin.f32 v10, $1.270000000e+02;
	vm6 =	vmor vm6, vm7;
	vm8 =	vmor vm8, vm9  }
0x445: {  	v10 =	vtrunc.f32 v17;
	v18 =	vmin.f32 v9, $1.270000000e+02;
	v9 =	vtrunc.f32 v16  }
0x446: {  	vm10 =	vmor vm10, vm11;
	v12 =	vtrunc.f32 v18;
	v15 =	vcvt.f32.s32 v9  }
0x447: {  	v19 =	vcvt.f32.s32 v10;
	v10 =	vadd.f32 $1.000000000e+00, v7;
	v3 =	vadd.f32 $1.000000000e+00, v3  }
0x448: {  	vm11 =	veq.f32 v2, $0.0e+00;
	v20 =	vcvt.f32.s32 v12;
	v7 =	vadd.s32 $0x1, v15  }
0x449: {  	v12 =	vadd.s32 $0x1, v19;
	v6 =	vmul.f32 $6.400000000e+01, v10;
	v47 =	vmul.f32 $6.400000000e+01, v3  }
0x44a: {  	v9 =	vld [tilespmem:s17+$0x1020];
	v3 =	vmax.f32 v48, $0.0e+00;
	v13 =	vadd.s32 $0x1, v20;
	vm0 =	vlt.s32 v7, $0x7F  }
0x44b: {  	vm1 =	vlt.s32 v12, $0x7F;
	v25 =	vmin.f32 v3, $1.270000000e+02;
	vm2 =	vlt.s32 v13, $0x7F  }
0x44c: {  	v44 =	vnsel vm0, $0x7F, v7;
	v45 =	vnsel vm1, $0x7F, v12;
	v12 =	vmul.f32 $6.400000000e+01, v4  }
0x44d: {  	v4 =	vmax.f32 v0, $0.0e+00;
	v7 =	vmul.f32 $6.400000000e+01, v8;
	v8 =	vmax.f32 v49, $0.0e+00  }
0x44e: {  	v10 =	vmax.f32 v47, $0.0e+00;
	v3 =	vmax.f32 v6, $0.0e+00;
	v43 =	vnsel vm2, $0x7F, v13  }
0x44f: {  	v9 =	vadd.f32 $1.000000000e+00, v9;
	v30 =	vmin.f32 v4, $1.270000000e+02;
	v24 =	vmin.f32 v8, $1.270000000e+02  }
0x450: {  	v21 =	vmin.f32 v10, $1.270000000e+02;
	v33 =	vmin.f32 v3, $1.270000000e+02;
	v4 =	vtrunc.f32 v30  }
0x451: {  	v5 =	vmax.f32 v12, $0.0e+00;
	v11 =	vtrunc.f32 v24;
	v3 =	vtrunc.f32 v21  }
0x452: {  	vm12 =	veq.f32 v7, $0.0e+00;
	v59 =	vshll.u32 v43, $0xA;
	v43 =	vshll.u32 v43, $0x3  }
0x453: {  	v46 =	vmul.f32 $6.400000000e+01, v9;
	v9 =	vmax.f32 v7, $0.0e+00;
	v27 =	vmin.f32 v5, $1.270000000e+02  }
0x454: {  	v5 =	vmax.f32 v50, $0.0e+00;
	v38 =	vcvt.f32.s32 v4;
	v41 =	vcvt.f32.s32 v11  }
0x455: {  	v37 =	vcvt.f32.s32 v3;
	v3 =	vtrunc.f32 v33;
	v43 =	vand.u32 $0x38, v43  }
0x456: {  	v23 =	vmin.f32 v9, $1.270000000e+02;
	v8 =	vtrunc.f32 v27;
	v9 =	vtrunc.f32 v25  }
0x457: {  	v32 =	vmin.f32 v5, $1.270000000e+02;
	v26 =	vcvt.f32.s32 v3;
	v13 =	vtrunc.f32 v23  }
0x458: {  	v10 =	vmax.f32 v46, $0.0e+00;
	v35 =	vcvt.f32.s32 v8;
	v40 =	vcvt.f32.s32 v9  }
0x459: {  	v4 =	vadd.s32 $0x1, v38;
	v8 =	vtrunc.f32 v32;
	vm7 =	veq.f32 v46, $0.0e+00  }
0x45a: {  	vm9 =	veq.f32 v46, $1.270000000e+02;
	v57 =	vshll.u32 v38, $0x6;
	v29 =	vmin.f32 v10, $1.270000000e+02  }
0x45b: {  	v36 =	vcvt.f32.s32 v13;
	v28 =	vcvt.f32.s32 v8;
	v8 =	vadd.s32 $0x1, v41  }
0x45c: {  	vm0 =	vlt.s32 v4, $0x7F;
	v10 =	vadd.s32 $0x1, v37;
	v11 =	vadd.s32 $0x1, v26  }
0x45d: {  	vm7 =	vmor vm7, vm9;
	vm9 =	veq.f32 v31, $1.270000000e+02;
	v57 =	vand.u32 $0x1C0, v57  }
0x45e: {  	v5 =	vadd.s32 $0x1, v35;
	v3 =	vadd.s32 $0x1, v40;
	v9 =	vtrunc.f32 v29  }
0x45f: {  	vm3 =	vlt.s32 v8, $0x7F;
	vm5 =	vlt.s32 v10, $0x7F;
	v51 =	vnsel vm0, $0x7F, v4  }
0x460: {  	vm0 =	vlt.s32 v11, $0x7F;
	v22 =	vcvt.f32.s32 v9;
	v9 =	vadd.s32 $0x1, v36  }
0x461: {  	vm1 =	vlt.s32 v5, $0x7F;
	vm2 =	vlt.s32 v3, $0x7F;
	v4 =	vadd.s32 $0x1, v28  }
0x462: {  	v54 =	vnsel vm3, $0x7F, v8;
	v56 =	vnsel vm5, $0x7F, v10;
	v39 =	vnsel vm0, $0x7F, v11  }
0x463: {  	vm0 =	veq.f32 v0, $0.0e+00;
	vm3 =	veq.f32 v12, $1.270000000e+02;
	vm5 =	veq.f32 v6, $1.270000000e+02  }
0x464: {  	vm4 =	vlt.s32 v9, $0x7F;
	v52 =	vnsel vm1, $0x7F, v5;
	v53 =	vnsel vm2, $0x7F, v3  }
0x465: {  	vm1 =	vlt.s32 v4, $0x7F;
	v60 =	vshll.u32 v56, $0x3;
	v13 =	vadd.s32 $0x1, v22  }
0x466: {  	v55 =	vnsel vm4, $0x7F, v9;
	v34 =	vnsel vm1, $0x7F, v4;
	vm1 =	veq.f32 v0, $1.270000000e+02  }
0x467: {  	vm4 =	veq.f32 v6, $0.0e+00;
	v4 =	vimm.f32 $0.0e+00;
	vm2 =	vlt.s32 v13, $0x7F  }
0x468: {  	vm0 =	vmor vm0, vm1;
	vm1 =	veq.f32 v7, $1.270000000e+02;
	vm4 =	vmor vm4, vm5  }
0x469: {  	vm5 =	veq.f32 v47, $1.270000000e+02;
	v14 =	vsel vm6, $0x42000000, v4;
	vm6 =	vgt.f32 v6, $0.0e+00  }
0x46a: {  	v62 =	vsel vm8, $0x42000000, v4;
	vm8 =	vlt.f32 v6, $1.270000000e+02;
	v11 =	vsel vm10, $0x42000000, v4  }
0x46b: {  	vm10 =	vgt.f32 v48, $0.0e+00;
	v63 =	vsel vm7, $0x42000000, v4;
	vm7 =	vlt.f32 v49, $1.270000000e+02  }
0x46c: {  	v49 =	vshll.u32 v53, $0x6;
	v58 =	vand.u32 $0x7, v34;
	v42 =	vnsel vm2, $0x7F, v13  }
0x46d: {  	vm2 =	veq.f32 v12, $0.0e+00;
	vm1 =	vmor vm12, vm1;
	vm12 =	veq.f32 v2, $1.270000000e+02  }
0x46e: {  	v8 =	vsel vm0, $0x42000000, v4;
	vm0 =	vlt.f32 v0, $1.270000000e+02;
	v13 =	vsel vm4, $0x42000000, v4  }
0x46f: {  	vm4 =	vlt.f32 v12, $1.270000000e+02;
	vm8 =	vmand vm6, vm8;
	vm6 =	vlt.f32 v47, $1.270000000e+02  }
0x470: {  	vm7 =	vmand vm14, vm7;
	vm14 =	vlt.f32 v46, $1.270000000e+02;
	v49 =	vand.u32 $0x1C0, v49  }
0x471: {  	vm2 =	vmor vm2, vm3;
	vm3 =	veq.f32 v47, $0.0e+00;
	vm11 =	vmor vm11, vm12  }
0x472: {  	vm12 =	veq.f32 v1, $0.0e+00;
	vm3 =	vmor vm3, vm5;
	vm5 =	veq.f32 v31, $0.0e+00  }
0x473: {  	v3 =	vsel vm2, $0x42000000, v4;
	vm2 =	vgt.f32 v12, $0.0e+00;
	v12 =	vsel vm1, $0x42000000, v4  }
0x474: {  	vm1 =	vlt.f32 v48, $1.270000000e+02;
	v9 =	vsel vm11, $0x42000000, v4;
	vm11 =	vgt.f32 v50, $0.0e+00  }
0x475: {  	v48 =	vshll.u32 v53, $0xE;
	v53 =	vshll.u32 v55, $0x6;
	vm5 =	vmor vm5, vm9  }
0x476: {  	vm9 =	veq.f32 v1, $1.270000000e+02;
	v6 =	vsel vm3, $0x42000000, v4;
	vm3 =	vmand vm2, vm4  }
0x477: {  	vm2 =	vlt.f32 v7, $1.270000000e+02;
	vm4 =	vgt.f32 v47, $0.0e+00;
	v47 =	vshll.u32 v52, $0x3  }
0x478: {  	v48 =	vand.u32 $0xFFFE0000, v48;
	v53 =	vand.u32 $0x1C0, v53;
	vm9 =	vmor vm12, vm9  }
0x479: {  	vm12 =	vgt.f32 v0, $0.0e+00;
	v61 =	vsel vm5, $0x42000000, v4;
	vm5 =	vlt.f32 v50, $1.270000000e+02  }
0x47a: {  	vm15 =	vmand vm4, vm6;
	v0 =	vand.u32 $0x7, v44;
	v50 =	vshll.u32 v54, $0xA  }
0x47b: {  	v47 =	vand.u32 $0x38, v47;
	v48 =	vor.u32 v49, v48;
	v49 =	vshll.u32 v40, $0xE  }
0x47c: {  	vm13 =	vmand vm12, vm0;
	vm0 =	vgt.f32 v7, $0.0e+00;
	v7 =	vsel vm9, $0x42000000, v4  }
0x47d: {  	vm12 =	vmand vm10, vm1;
	vm1 =	vgt.f32 v46, $0.0e+00;
	vm9 =	vmand vm11, vm5  }
0x47e: {  	vm5 =	vgt.f32 v2, $0.0e+00;
	v46 =	vshll.u32 v52, $0xA;
	v52 =	vshll.u32 v55, $0xE  }
0x47f: {  	v50 =	vand.u32 $0xFFFFE000, v50;
	v55 =	vand.u32 $0x38, v60;
	v60 =	vshll.u32 v41, $0x3  }
0x480: {  	v49 =	vand.u32 $0xFFFE0000, v49;
	vm10 =	vmand vm0, vm2;
	vm0 =	vlt.f32 v2, $1.270000000e+02  }
0x481: {  	vm2 =	vgt.f32 v31, $0.0e+00;
	vm6 =	vmand vm1, vm14;
	vm1 =	vlt.f32 v31, $1.270000000e+02  }
0x482: {  	v2 =	vshll.u32 v45, $0x6;
	v31 =	vshll.u32 v44, $0x6;
	v44 =	vand.u32 $0xFFFFE000, v59  }
0x483: {  	v46 =	vand.u32 $0xFFFFE000, v46;
	v52 =	vand.u32 $0xFFFE0000, v52;
	vm14 =	vmand vm5, vm0  }
0x484: {  	vm0 =	vgt.f32 v1, $0.0e+00;
	vm4 =	vmand vm2, vm1;
	vm1 =	vlt.f32 v1, $1.270000000e+02  }
0x485: {  	v1 =	vshll.u32 v45, $0xE;
	v2 =	vand.u32 $0x1C0, v2;
	v31 =	vand.u32 $0xFFFFFE00, v31  }
0x486: {  	v43 =	vor.u32 v43, v44;
	v44 =	vshll.u32 v51, $0x6;
	v46 =	vor.u32 v47, v46  }
0x487: {  	v47 =	vshll.u32 v35, $0x3;
	v52 =	vor.u32 v53, v52;
	v53 =	vshll.u32 v41, $0xA  }
0x488: {  	v41 =	vcvt.s32.f32 v41;
	vm1 =	vmand vm0, vm1;
	v1 =	vand.u32 $0xFFFE0000, v1  }
0x489: {  	v4 =	vor.u32 v0, v31;
	v0 =	vshll.u32 v19, $0xE;
	v31 =	vshll.u32 v51, $0xE  }
0x48a: {  	v51 =	vshll.u32 v54, $0x3;
	v54 =	vshll.u32 v56, $0xA;
	v56 =	vshll.u32 v38, $0xE  }
0x48b: {  	v44 =	vand.u32 $0x1C0, v44;
	v47 =	vand.u32 $0x38, v47;
	v53 =	vand.u32 $0xFFFFE000, v53  }
0x48c: {  	v45 =	vor.u32 v2, v1;
	v2 =	vshll.u32 v19, $0x6;
	v31 =	vand.u32 $0xFFFE0000, v31  }
0x48d: {  	v51 =	vand.u32 $0x38, v51;
	v54 =	vand.u32 $0xFFFFE000, v54;
	v56 =	vand.u32 $0xFFFE0000, v56  }
0x48e: {  	v0 =	vand.u32 $0xFFFE0000, v0;
	v19 =	vcvt.s32.f32 v19;
	v31 =	vor.u32 v44, v31  }
0x48f: {  	v44 =	vshll.u32 v35, $0xA;
	v50 =	vor.u32 v51, v50;
	v51 =	vshll.u32 v40, $0x6  }
0x490: {  	v54 =	vor.u32 v55, v54;
	v56 =	vor.u32 v57, v56;
	v57 =	vshll.u32 v36, $0xE  }
0x491: {  	v55 =	vand.u32 $0x38, v60;
	v60 =	vshll.u32 v37, $0x3;
	v2 =	vand.u32 $0x1C0, v2  }
0x492: {  	v40 =	vcvt.s32.f32 v40;
	v44 =	vand.u32 $0xFFFFE000, v44;
	v51 =	vand.u32 $0x1C0, v51  }
0x493: {  	v53 =	vor.u32 v55, v53;
	v57 =	vand.u32 $0xFFFE0000, v57;
	v55 =	vand.u32 $0x38, v60  }
0x494: {  	v60 =	vshll.u32 v20, $0x3;
	v0 =	vor.u32 v2, v0;
	v2 =	vshll.u32 v39, $0x6  }
0x495: {  	v39 =	vand.u32 $0x7, v39;
	v59 =	vor.u32 v56, v46;
	v46 =	vor.u32 v31, v46  }
0x496: {  	v17 =	vsub.f32 v17, v19;
	v19 =	vand.u32 $0x7, v22;
	v44 =	vor.u32 v47, v44  }
0x497: {  	v47 =	vshll.u32 v36, $0x6;
	v49 =	vor.u32 v51, v49;
	v51 =	vshll.u32 v37, $0xA  }
0x498: {  	v2 =	vand.u32 $0xFFFFFE00, v2;
	v25 =	vsub.f32 v25, v40;
	v47 =	vand.u32 $0x1C0, v47  }
0x499: {  	v51 =	vand.u32 $0xFFFFE000, v51;
	[tilespmem:s17+$0x13030] =	vst v17;
	v17 =	vshll.u32 v15, $0x6;
	v47 =	vor.u32 v47, v57  }
0x49a: {  	v57 =	vshll.u32 v20, $0xA;
	v51 =	vor.u32 v55, v51;
	v55 =	vand.u32 $0x38, v60  }
0x49b: {  	v60 =	vshll.u32 v34, $0x6;
	v34 =	vor.u32 v39, v2;
	v57 =	vand.u32 $0xFFFFE000, v57  }
0x49c: {  	v2 =	vor.u32 v45, v43;
	v55 =	vor.u32 v55, v57;
	v57 =	vand.u32 $0xFFFFFE00, v60  }
0x49d: {  	v60 =	vor.u32 v44, v31;
	v31 =	vor.u32 v56, v44;
	v44 =	vshll.u32 v42, $0x6  }
0x49e: {  	v56 =	vcvt.s32.f32 v38;
	v42 =	vand.u32 $0x7, v42;
	v38 =	vor.u32 v49, v53  }
0x49f: {  	v39 =	vor.u32 v58, v57;
	v58 =	vand.u32 $0xFFFFFE00, v44;
	v44 =	vcvt.s32.f32 v35  }
0x4a0: {  	v57 =	vor.u32 v49, v50;
	v50 =	vor.u32 v48, v50;
	v48 =	vor.u32 v53, v48  }
0x4a1: {  	v49 =	vor.u32 v47, v54;
	v53 =	vor.u32 v52, v54;
	v52 =	vor.u32 v51, v52  }
0x4a2: {  	v35 =	vor.u32 v47, v51;
	v54 =	vcvt.s32.f32 v26;
	v51 =	vcvt.s32.f32 v28  }
0x4a3: {  	[tilespmem:s17+$0x13010] =	vst v25;
	v42 =	vor.u32 v42, v58;
	v30 =	vsub.f32 v30, v56;
	v58 =	vor.u32 v4, v2  }
0x4a4: {  	v25 =	vshll.u32 v28, $0x6;
	v17 =	vand.u32 $0xFFFFFE00, v17;
	[tilespmem:s17+$0x6830] =	vst v58;
	v27 =	vsub.f32 v27, v44  }
0x4a5: {  	v25 =	vand.u32 $0xFFFFFE00, v25;
	v33 =	vsub.f32 v33, v54;
	v32 =	vsub.f32 v32, v51;
	[tilespmem:s17+$0x13000] =	vst v30  }
0x4a6: {  	v54 =	vcvt.s32.f32 v37;
	v30 =	vsub.f32 v24, v41;
	v24 =	vcvt.s32.f32 v36;
	[tilespmem:s17+$0x13800] =	vst v27  }
0x4a7: {  	v58 =	vor.u32 v0, v43;
	v36 =	vor.u32 v39, v57;
	v27 =	vcvt.s32.f32 v22;
	[tilespmem:s17+$0x14000] =	vst v33  }
0x4a8: {  	[tilespmem:s17+$0x14010] =	vst v32;
	v32 =	vor.u32 v48, v39;
	v56 =	vsub.f32 v23, v24;
	v23 =	vor.u32 v0, v55  }
0x4a9: {  	v0 =	vsub.f32 v21, v54;
	[tilespmem:s17+$0x13810] =	vst v30;
	v27 =	vsub.f32 v29, v27;
	v29 =	vcvt.s32.f32 v20  }
0x4aa: {  	v24 =	vor.u32 v55, v45;
	v21 =	vshll.u32 v26, $0x6;
	v30 =	vcvt.s32.f32 v15;
	[tilespmem:s17+$0x13020] =	vst v56  }
0x4ab: {  	v20 =	vand.u32 $0xFFFFFE00, v21;
	v21 =	vand.u32 $0x7, v26;
	[tilespmem:s17+$0x13820] =	vst v0;
	v0 =	vsub.f32 v18, v29  }
0x4ac: {  	v26 =	vand.u32 $0x7, v28;
	v21 =	vor.u32 v21, v20;
	v18 =	vsub.f32 v16, v30;
	[tilespmem:s17+$0x14020] =	vst v27  }
0x4ad: {  	v20 =	vor.u32 v26, v25;
	v25 =	vor.u32 v42, v53;
	v16 =	vshll.u32 v22, $0x6;
	[tilespmem:s17+$0x13830] =	vst v0  }
0x4ae: {  	v22 =	vand.u32 $0x7, v15;
	v16 =	vand.u32 $0xFFFFFE00, v16;
	v0 =	vor.u32 v21, v59;
	[tilespmem:s17+$0x14030] =	vst v18  }
0x4af: {  	v15 =	vor.u32 v19, v16;
	v16 =	vor.u32 v22, v17;
	v17 =	vor.u32 v34, v59;
	[tilespmem:s17+$0x4000] =	vst v0  }
0x4b0: {  	v37 =	vor.u32 v20, v57;
	v33 =	vor.u32 v20, v48;
	v18 =	vor.u32 v60, v34;
	[tilespmem:s17+$0x4800] =	vst v17  }
0x4b1: {  	v30 =	vor.u32 v20, v50;
	v29 =	vor.u32 v42, v49;
	v22 =	vor.u32 v21, v46;
	[tilespmem:s17+$0x5800] =	vst v18  }
0x4b2: {  	v27 =	vor.u32 v52, v42;
	v19 =	vor.u32 v39, v50;
	v0 =	vor.u32 v21, v60;
	[tilespmem:s17+$0x6000] =	vst v22  }
0x4b3: {  	v17 =	vor.u32 v34, v46;
	v18 =	vor.u32 v15, v49;
	v28 =	vor.u32 v15, v52;
	[tilespmem:s17+$0x5000] =	vst v0  }
0x4b4: {  	s18 =	simm.s32 $0x0;
	s19 =	simm.s32 $0x100;
	v26 =	vor.u32 v15, v53;
	v22 =	vor.u32 v16, v58;
	[tilespmem:s17+$0x6800] =	vst v17;
	v17 =	vor.u32 v4, v58  }
.LBB2_10:
0x4b5: {  	[tilespmem:s17+$0x4010] =	vst v37  }
0x4b6: {  	[tilespmem:s17+$0x4810] =	vst v36  }
0x4b7: {  	[tilespmem:s17+$0x5010] =	vst v33  }
0x4b8: {  	[tilespmem:s17+$0x5810] =	vst v32  }
0x4b9: {  	s20 =	sshra.s32 s19, $0x2;
	[tilespmem:s17+$0x6010] =	vst v30  }
0x4ba: {  	[tilespmem:s17+$0x6810] =	vst v19;
	v51 =	vld [tilespmem:s20+$0x1030]  }
0x4bb: {  	[tilespmem:s17+$0x4020] =	vst v18;
	v41 =	vld [tilespmem:s20+$0x30]  }
0x4bc: {  	v40 =	vor.u32 v31, v34;
	v21 =	vor.u32 v21, v31;
	[tilespmem:s17+$0x4820] =	vst v29;
	v31 =	vld [tilespmem:s20+$0x830]  }
0x4bd: {  	v56 =	vsel vm10, $0x42800000, v12;
	v12 =	vld [tilespmem:s20+$0x20];
	[tilespmem:s17+$0x5020] =	vst v28  }
0x4be: {  	v54 =	vsel vm13, $0x42800000, v8;
	v8 =	vld [tilespmem:s20+$0x0];
	[tilespmem:s17+$0x4030] =	vst v22  }
0x4bf: {  	v0 =	vor.u32 v16, v24;
	v24 =	vor.u32 v24, v4;
	v1 =	vor.u32 v23, v4;
	v4 =	vld [tilespmem:s20+$0x800];
	[tilespmem:s17+$0x4830] =	vst v17  }
0x4c0: {  	v39 =	vor.u32 v38, v39;
	v52 =	vor.u32 v35, v42;
	v5 =	vld [tilespmem:s20+$0x10];
	[tilespmem:s17+$0x5030] =	vst v0  }
0x4c1: {  	v53 =	vor.u32 v20, v38;
	v55 =	vor.u32 v15, v35;
	v47 =	vsel vm14, $0x42800000, v9;
	v9 =	vld [tilespmem:s20+$0x810];
	[tilespmem:s17+$0x5830] =	vst v24  }
0x4c2: {  	v43 =	vsel vm8, $0x42800000, v13;
	v46 =	vsel vm12, $0x42800000, v14;
	v45 =	vsel vm7, $0x42800000, v62;
	v29 =	vld [tilespmem:s20+$0x820];
	[tilespmem:s17+$0x5820] =	vst v27  }
0x4c3: {  	v44 =	vsel vm9, $0x42800000, v11;
	v14 =	vsel vm15, $0x42800000, v6;
	v13 =	vsel vm6, $0x42800000, v63;
	v59 =	vld [tilespmem:s20+$0x1010];
	[tilespmem:s17+$0x6020] =	vst v26  }
0x4c4: {  	[tilespmem:s17+$0x6820] =	vst v25;
	v2 =	vor.u32 v16, v2;
	v16 =	vor.u32 v16, v23;
	v6 =	vadd.f32 $1.000000000e+00, v41  }
0x4c5: {  	[tilespmem:s17+$0x3810] =	vst v39;
	v25 =	vld [tilespmem:s20+$0x1020];
	v23 =	vsel vm3, $0x42800000, v3;
	v10 =	vadd.f32 $1.000000000e+00, v51;
	v3 =	vadd.f32 $1.000000000e+00, v31  }
0x4c6: {  	v57 =	vsel vm4, $0x42800000, v61;
	[tilespmem:s17+$0x3830] =	vst v1;
	v28 =	vadd.f32 $1.000000000e+00, v8;
	v27 =	vadd.f32 $1.000000000e+00, v4  }
0x4c7: {  	v58 =	vsel vm1, $0x42800000, v7;
	[tilespmem:s17+$0x3010] =	vst v53;
	v26 =	vadd.f32 $1.000000000e+00, v5;
	v17 =	vadd.f32 $1.000000000e+00, v9  }
0x4c8: {  	[tilespmem:s17+$0x16010] =	vst v46;
	v0 =	vadd.f32 $1.000000000e+00, v12;
	v61 =	vadd.f32 $1.000000000e+00, v59;
	v18 =	vmul.f32 $6.400000000e+01, v6  }
0x4c9: {  	[tilespmem:s17+$0x16810] =	vst v45;
	v60 =	vadd.f32 $1.000000000e+00, v29;
	v20 =	vmul.f32 $6.400000000e+01, v10;
	v15 =	vmul.f32 $6.400000000e+01, v3  }
0x4ca: {  	[tilespmem:s17+$0x3030] =	vst v16;
	v10 =	vld [tilespmem:s20+$0x1000];
	v16 =	vadd.f32 $1.000000000e+00, v25;
	v27 =	vmul.f32 $6.400000000e+01, v27;
	v25 =	vmul.f32 $6.400000000e+01, v17  }
0x4cb: {  	[tilespmem:s17+$0x16800] =	vst v23;
	v23 =	vmul.f32 $6.400000000e+01, v60;
	v3 =	vmax.f32 v18, $0.0e+00;
	v5 =	vmax.f32 v20, $0.0e+00  }
0x4cc: {  	[tilespmem:s17+$0x17010] =	vst v44;
	v11 =	vmax.f32 v15, $0.0e+00;
	v4 =	vmin.f32 v3, $1.270000000e+02;
	v3 =	vmin.f32 v5, $1.270000000e+02  }
0x4cd: {  	[tilespmem:$0x1F7C0] =	vst v4;
	v22 =	vtrunc.f32 v4;
	v4 =	vmin.f32 v11, $1.270000000e+02;
	v11 =	vtrunc.f32 v3  }
0x4ce: {  	[tilespmem:s17+$0x3820] =	vst v52;
	v63 =	vmax.f32 v25, $0.0e+00;
	v19 =	vcvt.f32.s32 v11;
	v31 =	vcvt.f32.s32 v22  }
0x4cf: {  	[tilespmem:s17+$0x17000] =	vst v43;
	v43 =	vmax.f32 v23, $0.0e+00;
	v9 =	vtrunc.f32 v4;
	v12 =	vadd.f32 $1.000000000e+00, v10  }
0x4d0: {  	[tilespmem:s17+$0x6030] =	vst v2;
	v30 =	vcvt.f32.s32 v9;
	v9 =	vadd.s32 $0x1, v19;
	v2 =	vadd.s32 $0x1, v31  }
0x4d1: {  	[tilespmem:s17+$0x3020] =	vst v55;
	v35 =	vshll.u32 v31, $0xE;
	v44 =	vshll.u32 v31, $0x6;
	v31 =	vcvt.s32.f32 v31  }
0x4d2: {  	[tilespmem:s17+$0x16020] =	vst v56;
	v10 =	vadd.s32 $0x1, v30;
	vm0 =	vlt.s32 v9, $0x7F;
	vm1 =	vlt.s32 v2, $0x7F  }
0x4d3: {  	[tilespmem:s17+$0x16820] =	vst v14;
	vm2 =	vlt.s32 v10, $0x7F;
	v9 =	vnsel vm0, $0x7F, v9;
	v2 =	vnsel vm1, $0x7F, v2  }
0x4d4: {  	[tilespmem:s17+$0x17020] =	vst v13;
	v10 =	vnsel vm2, $0x7F, v10;
	v22 =	vand.u32 $0x7, v9;
	v24 =	vshll.u32 v2, $0xE  }
0x4d5: {  	[tilespmem:s17+$0x3800] =	vst v40;
	v2 =	vshll.u32 v2, $0x6;
	v29 =	vshll.u32 v9, $0x6;
	v1 =	vand.u32 $0xFFFE0000, v24  }
0x4d6: {  	[tilespmem:s17+$0x3000] =	vst v21;
	v9 =	vshll.u32 v10, $0xA;
	v10 =	vshll.u32 v10, $0x3;
	v2 =	vand.u32 $0x1C0, v2  }
0x4d7: {  	[tilespmem:s17+$0x16000] =	vst v54;
	v24 =	vmul.f32 $6.400000000e+01, v28;
	v28 =	vmul.f32 $6.400000000e+01, v61;
	v21 =	vand.u32 $0xFFFFE000, v9  }
0x4d8: {  	[tilespmem:$0x1F800] =	vst v3;
	v10 =	vand.u32 $0x38, v10;
	v2 =	vor.u32 v2, v1;
	v1 =	vand.u32 $0xFFFFFE00, v29  }
0x4d9: {  	[tilespmem:$0x1F7F0] =	vst v4;
	v29 =	vmul.f32 $6.400000000e+01, v12;
	v3 =	vor.u32 v10, v21;
	v1 =	vor.u32 v22, v1  }
0x4da: {  	[tilespmem:$0x1F700] =	vst v2;
	v22 =	vmul.f32 $6.400000000e+01, v26;
	v62 =	vmax.f32 v24, $0.0e+00;
	v26 =	vmul.f32 $6.400000000e+01, v16  }
0x4db: {  	v46 =	vmax.f32 v28, $0.0e+00;
	[tilespmem:$0x1F6F0] =	vst v3;
	v2 =	vor.u32 v2, v3;
	v5 =	vmin.f32 v62, $1.270000000e+02  }
0x4dc: {  	v3 =	vmin.f32 v63, $1.270000000e+02;
	[tilespmem:$0x1F960] =	vst v2;
	v21 =	vor.u32 v1, v2;
	v12 =	vmax.f32 v22, $0.0e+00  }
0x4dd: {  	[tilespmem:$0x1F750] =	vst v3;
	v2 =	vmin.f32 v43, $1.270000000e+02;
	v48 =	vmax.f32 v26, $0.0e+00;
	v37 =	vtrunc.f32 v5  }
0x4de: {  	v50 =	vtrunc.f32 v3;
	v3 =	vmin.f32 v46, $1.270000000e+02;
	[tilespmem:s20+$0x6830] =	vst v21;
	v21 =	vmul.f32 $6.400000000e+01, v0  }
0x4df: {  	[tilespmem:$0x1F7D0] =	vst v31;
	v0 =	vmax.f32 v27, $0.0e+00;
	v4 =	vmin.f32 v12, $1.270000000e+02;
	v39 =	vcvt.f32.s32 v37  }
0x4e0: {  	[tilespmem:$0x1F970] =	vst v1;
	v36 =	vcvt.f32.s32 v50;
	v6 =	vmin.f32 v0, $1.270000000e+02;
	v0 =	vmax.f32 v29, $0.0e+00  }
0x4e1: {  	[tilespmem:$0x1F710] =	vst v5;
	v42 =	vmax.f32 v21, $0.0e+00;
	v49 =	vtrunc.f32 v6;
	v5 =	vmin.f32 v0, $1.270000000e+02  }
0x4e2: {  	[tilespmem:$0x1F780] =	vst v2;
	v0 =	vtrunc.f32 v4;
	v53 =	vadd.s32 $0x1, v39;
	v40 =	vcvt.f32.s32 v49  }
0x4e3: {  	[tilespmem:$0x1F760] =	vst v3;
	v1 =	vmin.f32 v42, $1.270000000e+02;
	v41 =	vcvt.f32.s32 v0;
	v54 =	vtrunc.f32 v5  }
0x4e4: {  	vm0 =	vlt.s32 v53, $0x7F;
	[tilespmem:$0x1F770] =	vst v1;
	v51 =	vtrunc.f32 v1;
	v1 =	vmin.f32 v48, $1.270000000e+02  }
0x4e5: {  	[tilespmem:s17+$0x16830] =	vst v57;
	v32 =	vcvt.f32.s32 v54;
	v37 =	vcvt.f32.s32 v51;
	v55 =	vadd.s32 $0x1, v40  }
0x4e6: {  	[tilespmem:s17+$0x17030] =	vst v58;
	v57 =	vadd.s32 $0x1, v41;
	v58 =	vtrunc.f32 v1;
	v61 =	vshll.u32 v40, $0x3  }
0x4e7: {  	[tilespmem:$0x1F740] =	vst v4;
	v17 =	vcvt.s32.f32 v40;
	v34 =	vcvt.f32.s32 v58;
	v60 =	vadd.s32 $0x1, v37  }
0x4e8: {  	[tilespmem:s17+$0x16030] =	vst v47;
	vm2 =	vlt.s32 v57, $0x7F;
	v49 =	vadd.s32 $0x1, v32;
	vm4 =	vlt.s32 v60, $0x7F  }
0x4e9: {  	[tilespmem:$0x1F720] =	vst v6;
	v47 =	vnsel vm4, $0x7F, v60;
	v60 =	vshll.u32 v40, $0xA;
	v40 =	vcvt.s32.f32 v34  }
0x4ea: {  	[tilespmem:$0x1F730] =	vst v5;
	v42 =	vnsel vm0, $0x7F, v53;
	v45 =	vnsel vm2, $0x7F, v57;
	vm0 =	vlt.s32 v49, $0x7F  }
0x4eb: {  	v57 =	vnsel vm0, $0x7F, v49;
	vm0 =	veq.f32 v24, $0.0e+00;
	[tilespmem:$0x1F7B0] =	vst v40;
	v40 =	vimm.s32 $0x0  }
0x4ec: {  	v52 =	vtrunc.f32 v2;
	v2 =	vshll.u32 v36, $0xA;
	[tilespmem:$0x1F7A0] =	vst v1;
	v40 =	vsel vm0, $0xFFFFFFFF, v40  }
0x4ed: {  	v12 =	vand.u32 $0xFFFFE000, v2;
	v2 =	vand.u32 $0x1C0, v44;
	[tilespmem:$0x1F660] =	vst v40  }
0x4ee: {  	vm0 =	veq.f32 v24, $1.270000000e+02;
	[tilespmem:$0x1F980] =	vst v2;
	v2 =	vimm.s32 $0x0  }
0x4ef: {  	v1 =	vshll.u32 v36, $0x3;
	v2 =	vsel vm0, $0xFFFFFFFF, v2  }
0x4f0: {  	v8 =	vand.u32 $0x38, v1;
	v1 =	vshll.u32 v32, $0x6;
	[tilespmem:$0x1F650] =	vst v2  }
0x4f1: {  	vm0 =	veq.f32 v27, $0.0e+00;
	v2 =	vld [tilespmem:$0x1F980];
	[tilespmem:$0x1F980] =	vst v1;
	v1 =	vimm.s32 $0x0  }
0x4f2: {  	v1 =	vsel vm0, $0xFFFFFFFF, v1  }
0x4f3: {  	[tilespmem:$0x1F670] =	vst v1  }
0x4f4: {  	v1 =	vld [tilespmem:$0x1F980];
	_ =	sdelay $0x3  }
0x4f5: {  	v56 =	vtrunc.f32 v3  }
0x4f6: {  	v33 =	vcvt.f32.s32 v56;
	vm0 =	veq.f32 v27, $1.270000000e+02;
	[tilespmem:$0x1F980] =	vst v1;
	v1 =	vimm.s32 $0x0  }
0x4f7: {  	v1 =	vsel vm0, $0xFFFFFFFF, v1  }
0x4f8: {  	v0 =	vshll.u32 v33, $0x6;
	[tilespmem:$0x1F680] =	vst v1  }
0x4f9: {  	vm0 =	veq.f32 v29, $0.0e+00;
	v1 =	vld [tilespmem:$0x1F980];
	[tilespmem:$0x1F980] =	vst v0;
	v0 =	vimm.s32 $0x0  }
0x4fa: {  	v0 =	vsel vm0, $0xFFFFFFFF, v0  }
0x4fb: {  	[tilespmem:$0x1F690] =	vst v0  }
0x4fc: {  	v0 =	vld [tilespmem:$0x1F980];
	_ =	sdelay $0x4  }
0x4fd: {  	vm0 =	veq.f32 v29, $1.270000000e+02;
	[tilespmem:$0x1F980] =	vst v0;
	v0 =	vimm.s32 $0x0  }
0x4fe: {  	v0 =	vsel vm0, $0xFFFFFFFF, v0  }
0x4ff: {  	[tilespmem:$0x1F6A0] =	vst v0  }
0x500: {  	v0 =	vld [tilespmem:$0x1F980];
	_ =	sdelay $0x4  }
0x501: {  	vm0 =	veq.f32 v22, $0.0e+00;
	[tilespmem:$0x1F980] =	vst v0;
	v0 =	vimm.s32 $0x0  }
0x502: {  	v0 =	vsel vm0, $0xFFFFFFFF, v0  }
0x503: {  	[tilespmem:$0x1F6B0] =	vst v0  }
0x504: {  	v0 =	vld [tilespmem:$0x1F980];
	_ =	sdelay $0x4  }
0x505: {  	vm0 =	veq.f32 v22, $1.270000000e+02;
	[tilespmem:$0x1F980] =	vst v0;
	v0 =	vimm.s32 $0x0  }
0x506: {  	v0 =	vsel vm0, $0xFFFFFFFF, v0  }
0x507: {  	[tilespmem:$0x1F6C0] =	vst v0  }
0x508: {  	v0 =	vld [tilespmem:$0x1F980];
	_ =	sdelay $0x4  }
0x509: {  	vm0 =	veq.f32 v25, $0.0e+00;
	[tilespmem:$0x1F980] =	vst v0;
	v0 =	vimm.s32 $0x0  }
0x50a: {  	v0 =	vsel vm0, $0xFFFFFFFF, v0  }
0x50b: {  	[tilespmem:$0x1F6D0] =	vst v0  }
0x50c: {  	v0 =	vld [tilespmem:$0x1F980];
	_ =	sdelay $0x4  }
0x50d: {  	vm0 =	veq.f32 v25, $1.270000000e+02;
	[tilespmem:$0x1F980] =	vst v0;
	v0 =	vimm.s32 $0x0  }
0x50e: {  	v0 =	vsel vm0, $0xFFFFFFFF, v0  }
0x50f: {  	[tilespmem:$0x1F6E0] =	vst v0  }
0x510: {  	v31 =	vshll.u32 v19, $0x6;
	v0 =	vld [tilespmem:$0x1F980]  }
0x511: {  	v8 =	vor.u32 v8, v12;
	v12 =	vand.u32 $0xFFFFFE00, v31;
	v31 =	vld [tilespmem:$0x1F650];
	_ =	sdelay $0x4  }
0x512: {  	vm12 =	vnez.u8 v31;
	v31 =	vld [tilespmem:$0x1F660];
	_ =	sdelay $0x4  }
0x513: {  	vm10 =	vnez.u8 v31  }
0x514: {  	v31 =	vimm.s32 $0x0;
	vm12 =	vmor vm10, vm12  }
0x515: {  	v31 =	vsel vm12, $0xFFFFFFFF, v31  }
0x516: {  	[tilespmem:$0x1F790] =	vst v31;
	v31 =	vld [tilespmem:$0x1F670];
	_ =	sdelay $0x4  }
0x517: {  	vm10 =	vnez.u8 v31;
	v31 =	vld [tilespmem:$0x1F680];
	_ =	sdelay $0x4  }
0x518: {  	vm12 =	vnez.u8 v31  }
0x519: {  	v31 =	vimm.s32 $0x0;
	vm12 =	vmor vm10, vm12  }
0x51a: {  	v31 =	vsel vm12, $0xFFFFFFFF, v31  }
0x51b: {  	[tilespmem:$0x1F7E0] =	vst v31;
	v31 =	vld [tilespmem:$0x1F690];
	_ =	sdelay $0x4  }
0x51c: {  	vm10 =	vnez.u8 v31;
	v31 =	vld [tilespmem:$0x1F6A0];
	_ =	sdelay $0x4  }
0x51d: {  	vm12 =	vnez.u8 v31  }
0x51e: {  	v31 =	vimm.s32 $0x0;
	vm12 =	vmor vm10, vm12  }
0x51f: {  	v31 =	vsel vm12, $0xFFFFFFFF, v31  }
0x520: {  	[tilespmem:$0x1F810] =	vst v31;
	v31 =	vld [tilespmem:$0x1F6B0];
	_ =	sdelay $0x4  }
0x521: {  	vm10 =	vnez.u8 v31;
	v31 =	vld [tilespmem:$0x1F6C0];
	_ =	sdelay $0x4  }
0x522: {  	vm12 =	vnez.u8 v31  }
0x523: {  	v31 =	vimm.s32 $0x0;
	vm12 =	vmor vm10, vm12  }
0x524: {  	v31 =	vsel vm12, $0xFFFFFFFF, v31  }
0x525: {  	[tilespmem:$0x1F820] =	vst v31;
	v31 =	vld [tilespmem:$0x1F6D0];
	_ =	sdelay $0x4  }
0x526: {  	vm10 =	vnez.u8 v31;
	v31 =	vld [tilespmem:$0x1F6E0]  }
0x527: {  	vm9 =	veq.f32 v23, $0.0e+00;
	vm8 =	veq.f32 v23, $1.270000000e+02  }
0x528: {  	vm8 =	vmor vm9, vm8  }
0x529: {  	v35 =	vand.u32 $0xFFFE0000, v35;
	vm11 =	veq.f32 v28, $0.0e+00;
	v38 =	vcvt.f32.s32 v52  }
0x52a: {  	vm14 =	veq.f32 v28, $1.270000000e+02;
	vm13 =	veq.f32 v21, $0.0e+00;
	vm15 =	veq.f32 v21, $1.270000000e+02  }
0x52b: {  	v50 =	vadd.s32 $0x1, v33;
	v5 =	vshll.u32 v38, $0xA;
	vm12 =	vnez.u8 v31  }
0x52c: {  	v9 =	vshll.u32 v38, $0x3;
	v31 =	vimm.s32 $0x0;
	vm10 =	vmor vm10, vm12  }
0x52d: {  	v48 =	vadd.s32 $0x1, v38;
	v5 =	vand.u32 $0xFFFFE000, v5;
	v31 =	vsel vm10, $0xFFFFFFFF, v31  }
0x52e: {  	vm5 =	vlt.s32 v48, $0x7F;
	vm10 =	vmor vm11, vm14;
	[tilespmem:$0x1F830] =	vst v31;
	v31 =	vimm.s32 $0x0  }
0x52f: {  	vm1 =	vlt.s32 v55, $0x7F;
	v48 =	vnsel vm5, $0x7F, v48;
	v31 =	vsel vm10, $0xFFFFFFFF, v31  }
0x530: {  	v43 =	vnsel vm1, $0x7F, v55;
	vm10 =	vmor vm13, vm15;
	[tilespmem:$0x1F840] =	vst v31;
	v31 =	vimm.s32 $0x0  }
0x531: {  	vm1 =	vlt.s32 v50, $0x7F;
	v3 =	vshll.u32 v37, $0xE;
	v31 =	vsel vm10, $0xFFFFFFFF, v31  }
0x532: {  	v4 =	vshll.u32 v37, $0x6;
	v50 =	vnsel vm1, $0x7F, v50;
	[tilespmem:$0x1F850] =	vst v31;
	v31 =	vimm.s32 $0x0  }
0x533: {  	vm1 =	veq.f32 v20, $0.0e+00;
	vm0 =	veq.f32 v20, $1.270000000e+02;
	v31 =	vsel vm8, $0xFFFFFFFF, v31  }
0x534: {  	vm0 =	vmor vm1, vm0;
	vm13 =	vgt.f32 v24, $0.0e+00;
	[tilespmem:$0x1F860] =	vst v31;
	v31 =	vimm.s32 $0x0  }
0x535: {  	v31 =	vsel vm0, $0xFFFFFFFF, v31;
	vm0 =	vlt.f32 v24, $1.270000000e+02;
	v24 =	vimm.s32 $0x0  }
0x536: {  	v49 =	vshll.u32 v48, $0xA;
	v48 =	vshll.u32 v48, $0x3;
	v24 =	vsel vm0, $0xFFFFFFFF, v24  }
0x537: {  	v11 =	vand.u32 $0xFFFE0000, v3;
	vm0 =	vgt.f32 v27, $0.0e+00;
	[tilespmem:$0x1F870] =	vst v24;
	v24 =	vimm.s32 $0x0  }
0x538: {  	v7 =	vand.u32 $0x1C0, v4;
	v3 =	vand.u32 $0x38, v9;
	v24 =	vsel vm0, $0xFFFFFFFF, v24  }
0x539: {  	v49 =	vand.u32 $0xFFFFE000, v49;
	vm0 =	vlt.f32 v27, $1.270000000e+02;
	[tilespmem:$0x1F880] =	vst v24;
	v24 =	vimm.s32 $0x0  }
0x53a: {  	v48 =	vand.u32 $0x38, v48;
	v6 =	vshll.u32 v57, $0x6;
	v24 =	vsel vm0, $0xFFFFFFFF, v24  }
0x53b: {  	v7 =	vor.u32 v7, v11;
	vm0 =	vgt.f32 v29, $0.0e+00;
	[tilespmem:$0x1F890] =	vst v24;
	v24 =	vimm.s32 $0x0  }
0x53c: {  	v3 =	vor.u32 v3, v5;
	v56 =	vshll.u32 v47, $0xE;
	v24 =	vsel vm0, $0xFFFFFFFF, v24  }
0x53d: {  	v47 =	vshll.u32 v47, $0x6;
	vm0 =	vlt.f32 v29, $1.270000000e+02;
	[tilespmem:$0x1F8B0] =	vst v24;
	v24 =	vimm.s32 $0x0  }
0x53e: {  	v48 =	vor.u32 v48, v49;
	v56 =	vand.u32 $0xFFFE0000, v56;
	v24 =	vsel vm0, $0xFFFFFFFF, v24  }
0x53f: {  	v47 =	vand.u32 $0x1C0, v47;
	vm0 =	vgt.f32 v22, $0.0e+00;
	[tilespmem:$0x1F8C0] =	vst v24;
	v24 =	vimm.s32 $0x0  }
0x540: {  	v24 =	vsel vm0, $0xFFFFFFFF, v24;
	vm0 =	vlt.f32 v22, $1.270000000e+02;
	v22 =	vimm.s32 $0x0  }
0x541: {  	v49 =	vand.u32 $0x7, v57;
	v47 =	vor.u32 v47, v56;
	v22 =	vsel vm0, $0xFFFFFFFF, v22  }
0x542: {  	v57 =	vor.u32 v3, v47;
	vm0 =	vgt.f32 v25, $0.0e+00;
	[tilespmem:$0x1F8E0] =	vst v22;
	v22 =	vimm.s32 $0x0  }
0x543: {  	v2 =	vor.u32 v2, v35;
	v35 =	vor.u32 v7, v3;
	v3 =	vld [tilespmem:$0x1F720];
	v22 =	vsel vm0, $0xFFFFFFFF, v22  }
0x544: {  	vm0 =	vgt.f32 v28, $0.0e+00;
	[tilespmem:$0x1F8F0] =	vst v22;
	v22 =	vimm.s32 $0x0  }
0x545: {  	v22 =	vsel vm0, $0xFFFFFFFF, v22  }
0x546: {  	vm0 =	vlt.f32 v28, $1.270000000e+02;
	[tilespmem:$0x1F900] =	vst v22;
	v22 =	vimm.s32 $0x0  }
0x547: {  	v16 =	vshll.u32 v30, $0xA;
	v59 =	vadd.s32 $0x1, v36;
	v22 =	vsel vm0, $0xFFFFFFFF, v22  }
0x548: {  	v3 =	vsub.f32 v3, v17;
	vm0 =	vgt.f32 v21, $0.0e+00;
	[tilespmem:$0x1F910] =	vst v22;
	v22 =	vimm.s32 $0x0  }
0x549: {  	s17 =	smov.u32 s20;
	v22 =	vsel vm0, $0xFFFFFFFF, v22;
	vm0 =	vlt.f32 v21, $1.270000000e+02;
	v21 =	vimm.s32 $0x0  }
0x54a: {  	v10 =	vshll.u32 v30, $0x3;
	vm3 =	vlt.s32 v59, $0x7F;
	[tilespmem:s17+$0x13800] =	vst v3;
	v3 =	vld [tilespmem:$0x1F770];
	v21 =	vsel vm0, $0xFFFFFFFF, v21  }
0x54b: {  	v62 =	vshll.u32 v41, $0xE;
	vm0 =	vgt.f32 v23, $0.0e+00;
	[tilespmem:$0x1F930] =	vst v21;
	v21 =	vimm.s32 $0x0  }
0x54c: {  	v63 =	vshll.u32 v41, $0x6;
	v9 =	vcvt.s32.f32 v41;
	v21 =	vsel vm0, $0xFFFFFFFF, v21  }
0x54d: {  	v41 =	vcvt.s32.f32 v37;
	vm0 =	vgt.f32 v26, $0.0e+00;
	[tilespmem:$0x1F940] =	vst v21;
	v21 =	vimm.s32 $0x0  }
0x54e: {  	v5 =	vand.u32 $0x7, v32;
	v1 =	vand.u32 $0xFFFFFE00, v1;
	v21 =	vsel vm0, $0xFFFFFFFF, v21  }
0x54f: {  	v46 =	vnsel vm3, $0x7F, v59;
	[tilespmem:$0x1F950] =	vst v21;
	v21 =	vor.u32 v5, v1;
	v5 =	vsub.f32 v3, v41;
	v3 =	vld [tilespmem:$0x1F780]  }
0x550: {  	v59 =	vshll.u32 v39, $0x6;
	v52 =	vshll.u32 v42, $0xE;
	v58 =	vshll.u32 v39, $0xE  }
0x551: {  	v51 =	vadd.s32 $0x1, v34;
	v37 =	vcvt.s32.f32 v38;
	v6 =	vand.u32 $0xFFFFFE00, v6;
	v1 =	vld [tilespmem:$0x1F730]  }
0x552: {  	v38 =	vshll.u32 v34, $0x6;
	v56 =	vand.u32 $0x7, v34;
	v34 =	vor.u32 v49, v6;
	v6 =	vld [tilespmem:$0x1F6F0]  }
0x553: {  	v4 =	vand.u32 $0xFFFFE000, v16;
	v16 =	vcvt.s32.f32 v39;
	v39 =	vand.u32 $0x38, v10  }
0x554: {  	v10 =	vcvt.s32.f32 v32;
	v29 =	vor.u32 v7, v48;
	v7 =	vsub.f32 v3, v37;
	v3 =	vld [tilespmem:$0x1F790]  }
0x555: {  	v42 =	vshll.u32 v42, $0x6;
	v59 =	vand.u32 $0x1C0, v59;
	v52 =	vand.u32 $0xFFFE0000, v52  }
0x556: {  	v42 =	vand.u32 $0x1C0, v42;
	v58 =	vand.u32 $0xFFFE0000, v58;
	v1 =	vsub.f32 v1, v10  }
0x557: {  	v42 =	vor.u32 v42, v52;
	v52 =	vor.u32 v59, v58;
	v59 =	vor.u32 v2, v6;
	v6 =	vld [tilespmem:$0x1F700]  }
0x558: {  	[tilespmem:s17+$0x14000] =	vst v1;
	v1 =	vld [tilespmem:$0x1F7A0]  }
0x559: {  	vm8 =	vnez.u8 v3;
	v3 =	vld [tilespmem:$0x1F7B0];
	_ =	sdelay $0x2  }
0x55a: {  	v4 =	vor.u32 v39, v4  }
0x55b: {  	[tilespmem:$0x1F8D0] =	vst v24;
	v24 =	vor.u32 v4, v6;
	v6 =	vld [tilespmem:$0x1F7D0]  }
0x55c: {  	vm7 =	veq.f32 v18, $0.0e+00;
	v1 =	vsub.f32 v1, v3;
	v3 =	vld [tilespmem:$0x1F7C0]  }
0x55d: {  	vm6 =	veq.f32 v26, $0.0e+00;
	v44 =	vcvt.s32.f32 v36;
	v61 =	vand.u32 $0x38, v61  }
0x55e: {  	v62 =	vand.u32 $0xFFFE0000, v62;
	v63 =	vand.u32 $0x1C0, v63;
	vm5 =	veq.f32 v26, $1.270000000e+02  }
0x55f: {  	v55 =	vshll.u32 v46, $0xA;
	v46 =	vshll.u32 v46, $0x3;
	v63 =	vor.u32 v63, v62  }
0x560: {  	vm9 =	vmor vm6, vm5;
	vm6 =	vlt.f32 v23, $1.270000000e+02;
	vm5 =	vlt.f32 v20, $1.270000000e+02  }
0x561: {  	v53 =	vshll.u32 v43, $0xA;
	v43 =	vshll.u32 v43, $0x3;
	v10 =	vsub.f32 v3, v6;
	v6 =	vld [tilespmem:$0x1F800]  }
0x562: {  	v54 =	vshll.u32 v45, $0xE;
	v45 =	vshll.u32 v45, $0x6;
	v55 =	vand.u32 $0xFFFFE000, v55  }
0x563: {  	v46 =	vand.u32 $0x38, v46;
	vm2 =	vlt.s32 v51, $0x7F;
	v53 =	vand.u32 $0xFFFFE000, v53  }
0x564: {  	v43 =	vand.u32 $0x38, v43;
	v40 =	vcvt.s32.f32 v19;
	v23 =	vor.u32 v2, v4;
	v2 =	vld [tilespmem:$0x1F710]  }
0x565: {  	v54 =	vand.u32 $0xFFFE0000, v54;
	v45 =	vand.u32 $0x1C0, v45;
	v46 =	vor.u32 v46, v55;
	v3 =	vld [tilespmem:$0x1F7E0]  }
0x566: {  	v11 =	vand.u32 $0xFFFFFE00, v38;
	v55 =	vand.u32 $0x7, v33;
	v17 =	vsub.f32 v6, v40;
	v6 =	vld [tilespmem:$0x1F810]  }
0x567: {  	v38 =	vor.u32 v63, v8;
	v45 =	vor.u32 v45, v54;
	v0 =	vand.u32 $0xFFFFFE00, v0  }
0x568: {  	v19 =	vand.u32 $0x7, v19;
	vm11 =	vgt.f32 v20, $0.0e+00;
	v20 =	vor.u32 v55, v0  }
0x569: {  	v2 =	vsub.f32 v2, v16;
	v16 =	vor.u32 v19, v12;
	v19 =	vimm.f32 $0.0e+00  }
0x56a: {  	v0 =	vld [tilespmem:$0x1F750];
	v27 =	vor.u32 v8, v45;
	v8 =	vsel vm8, $0x42000000, v19;
	vm8 =	vnez.u8 v3  }
0x56b: {  	vm4 =	veq.f32 v18, $1.270000000e+02;
	v3 =	vsel vm8, $0x42000000, v19;
	vm8 =	vnez.u8 v6;
	v6 =	vld [tilespmem:$0x1F820]  }
0x56c: {  	v51 =	vnsel vm2, $0x7F, v51;
	v60 =	vand.u32 $0xFFFFE000, v60;
	v43 =	vor.u32 v43, v53  }
0x56d: {  	v13 =	vshll.u32 v51, $0x6;
	v51 =	vand.u32 $0x7, v51;
	v61 =	vor.u32 v61, v60  }
0x56e: {  	v13 =	vand.u32 $0xFFFFFE00, v13;
	vm12 =	vmor vm7, vm4;
	vm7 =	vlt.f32 v25, $1.270000000e+02  }
0x56f: {  	v0 =	vsub.f32 v0, v44;
	v25 =	vor.u32 v42, v43;
	[tilespmem:$0x1F920] =	vst v22;
	v22 =	vor.u32 v61, v42  }
0x570: {  	v42 =	vor.u32 v51, v13;
	v13 =	vsel vm8, $0x42000000, v19;
	vm8 =	vnez.u8 v6;
	v6 =	vld [tilespmem:$0x1F830]  }
0x571: {  	[tilespmem:s17+$0x13810] =	vst v0;
	v0 =	vld [tilespmem:$0x1F840];
	_ =	sdelay $0x1  }
0x572: {  	v14 =	vshll.u32 v50, $0x6  }
0x573: {  	v50 =	vand.u32 $0x7, v50;
	v14 =	vand.u32 $0xFFFFFE00, v14  }
0x574: {  	v39 =	vor.u32 v50, v14;
	v14 =	vsel vm8, $0x42000000, v19;
	vm8 =	vnez.u8 v6  }
0x575: {  	v62 =	vsel vm8, $0x42000000, v19;
	vm8 =	vnez.u8 v0;
	v0 =	vld [tilespmem:$0x1F850];
	_ =	sdelay $0x2  }
0x576: {  	vm3 =	veq.f32 v15, $0.0e+00;
	vm2 =	veq.f32 v15, $1.270000000e+02  }
0x577: {  	vm3 =	vmor vm3, vm2;
	vm2 =	vgt.f32 v15, $0.0e+00;
	vm0 =	vlt.f32 v15, $1.270000000e+02  }
0x578: {  	v15 =	vor.u32 v56, v11;
	v11 =	vsel vm8, $0x42000000, v19;
	vm8 =	vnez.u8 v0;
	v0 =	vld [tilespmem:$0x1F860];
	_ =	sdelay $0x4  }
0x579: {  	v12 =	vsel vm8, $0x42000000, v19;
	vm8 =	vnez.u8 v0;
	v0 =	vld [tilespmem:$0x1F870];
	_ =	sdelay $0x4  }
0x57a: {  	[tilespmem:$0x1F8A0] =	vst v31;
	v31 =	vor.u32 v52, v61;
	v61 =	vsel vm3, $0x42000000, v19;
	vm3 =	vnez.u8 v0;
	v0 =	vld [tilespmem:$0x1F880];
	_ =	sdelay $0x4  }
0x57b: {  	vm13 =	vmand vm13, vm3;
	vm3 =	vnez.u8 v0;
	v0 =	vld [tilespmem:$0x1F890];
	_ =	sdelay $0x4  }
0x57c: {  	v6 =	vsel vm8, $0x42000000, v19;
	vm8 =	vnez.u8 v0;
	v0 =	vld [tilespmem:$0x1F8A0];
	_ =	sdelay $0x4  }
0x57d: {  	vm3 =	vmand vm3, vm8;
	vm8 =	vnez.u8 v0;
	v0 =	vld [tilespmem:$0x1F8B0];
	_ =	sdelay $0x4  }
0x57e: {  	[tilespmem:s17+$0x13820] =	vst v7;
	v7 =	vsel vm8, $0x42000000, v19;
	vm8 =	vnez.u8 v0;
	v0 =	vld [tilespmem:$0x1F8C0];
	_ =	sdelay $0x3  }
0x57f: {  	vm14 =	vlt.f32 v26, $1.270000000e+02  }
0x580: {  	v26 =	vor.u32 v63, v46;
	v63 =	vsel vm9, $0x42000000, v19;
	vm9 =	vnez.u8 v0;
	v0 =	vld [tilespmem:$0x1F8D0];
	_ =	sdelay $0x3  }
0x581: {  	v4 =	vld [tilespmem:$0x1F740]  }
0x582: {  	vm8 =	vmand vm8, vm9;
	vm9 =	vnez.u8 v0;
	v0 =	vld [tilespmem:$0x1F8E0];
	_ =	sdelay $0x4  }
0x583: {  	v4 =	vsub.f32 v4, v9;
	v9 =	vsel vm12, $0x42000000, v19;
	vm12 =	vnez.u8 v0;
	v0 =	vld [tilespmem:$0x1F8F0];
	_ =	sdelay $0x4  }
0x584: {  	vm12 =	vmand vm9, vm12;
	vm9 =	vnez.u8 v0;
	v0 =	vld [tilespmem:$0x1F900];
	_ =	sdelay $0x4  }
0x585: {  	vm7 =	vmand vm9, vm7;
	vm9 =	vnez.u8 v0;
	v0 =	vld [tilespmem:$0x1F910];
	_ =	sdelay $0x4  }
0x586: {  	vm10 =	vnez.u8 v0;
	v0 =	vld [tilespmem:$0x1F920];
	_ =	sdelay $0x4  }
0x587: {  	vm9 =	vmand vm9, vm10;
	vm10 =	vnez.u8 v0;
	v0 =	vld [tilespmem:$0x1F930]  }
0x588: {  	[tilespmem:s17+$0x13010] =	vst v4;
	v4 =	vld [tilespmem:$0x1F7F0];
	_ =	sdelay $0x1  }
0x589: {  	[tilespmem:s17+$0x13000] =	vst v2;
	v2 =	vld [tilespmem:$0x1F760]  }
0x58a: {  	v30 =	vcvt.s32.f32 v30  }
0x58b: {  	vm15 =	vnez.u8 v0;
	v0 =	vld [tilespmem:$0x1F940]  }
0x58c: {  	v36 =	vcvt.s32.f32 v33;
	v4 =	vsub.f32 v4, v30  }
0x58d: {  	v58 =	vor.u32 v47, v48;
	[tilespmem:s17+$0x13020] =	vst v5  }
0x58e: {  	vm1 =	vlt.f32 v18, $1.270000000e+02;
	v2 =	vsub.f32 v2, v36;
	[tilespmem:s17+$0x13830] =	vst v4;
	v4 =	vor.u32 v21, v25  }
0x58f: {  	vm4 =	vgt.f32 v18, $0.0e+00;
	v18 =	vor.u32 v52, v43;
	v33 =	vor.u32 v20, v27;
	[tilespmem:s17+$0x6000] =	vst v4;
	v4 =	vld [tilespmem:$0x1F970]  }
0x590: {  	[tilespmem:s17+$0x14010] =	vst v2;
	v2 =	vor.u32 v22, v34;
	vm10 =	vmand vm10, vm15;
	vm15 =	vnez.u8 v0;
	v0 =	vld [tilespmem:$0x1F950]  }
0x591: {  	v32 =	vor.u32 v27, v39;
	v28 =	vor.u32 v45, v46;
	v27 =	vor.u32 v57, v42;
	[tilespmem:s17+$0x5800] =	vst v2  }
0x592: {  	s18 =	sadd.s32 $0x4, s18;
	v37 =	vor.u32 v20, v26;
	v36 =	vor.u32 v39, v26;
	[tilespmem:s17+$0x14020] =	vst v1;
	v1 =	vor.u32 v34, v18  }
0x593: {  	p1 =	slt.u32 s18, $0x7C;
	v30 =	vor.u32 v20, v28;
	v26 =	vor.u32 v15, v58;
	[tilespmem:s17+$0x4800] =	vst v1;
	v1 =	vor.u32 v34, v25  }
.Ltmp4:
0x594: {  	v25 =	vor.u32 v42, v58;
	[tilespmem:s17+$0x14030] =	vst v17;
	v17 =	vor.u32 v4, v59;
	v19 =	vor.u32 v39, v28;
	(pc) =	sbr.rel @p1 .LBB2_10-.Ltmp4, $4  }
0x595: {  	[tilespmem:s17+$0x6800] =	vst v1;
	v28 =	vor.u32 v15, v57;
	vm15 =	vmand vm15, vm6;
	vm6 =	vnez.u8 v0  }
0x596: {  	[tilespmem:s17+$0x13030] =	vst v10;
	v0 =	vor.u32 v21, v18;
	v18 =	vor.u32 v15, v29;
	v29 =	vor.u32 v42, v29  }
0x597: {  	vm6 =	vmand vm6, vm14;
	vm14 =	vmand vm4, vm1;
	[tilespmem:s17+$0x4000] =	vst v0;
	v0 =	vor.u32 v21, v22  }
0x598: {  	s19 =	sadd.s32 $0x100, s19;
	v2 =	vld [tilespmem:$0x1F960];
	vm4 =	vmand vm2, vm0;
	vm1 =	vmand vm11, vm5;
	v22 =	vor.u32 v16, v59;
	[tilespmem:s17+$0x5000] =	vst v0  }
0x599: {  	[tilespmem:s17+$0x4010] =	vst v37  }
0x59a: {  	[tilespmem:s17+$0x4810] =	vst v36  }
0x59b: {  	[tilespmem:s17+$0x5010] =	vst v33  }
0x59c: {  	[tilespmem:s17+$0x5810] =	vst v32  }
0x59d: {  	[tilespmem:s17+$0x6010] =	vst v30  }
0x59e: {  	[tilespmem:s17+$0x6810] =	vst v19  }
0x59f: {  	[tilespmem:s17+$0x4020] =	vst v18  }
0x5a0: {  	[tilespmem:s17+$0x4820] =	vst v29  }
0x5a1: {  	[tilespmem:s17+$0x5020] =	vst v28  }
0x5a2: {  	[tilespmem:s17+$0x5820] =	vst v27  }
0x5a3: {  	[tilespmem:s17+$0x6020] =	vst v26  }
0x5a4: {  	[tilespmem:s17+$0x6820] =	vst v25  }
0x5a5: {  	[tilespmem:s17+$0x4030] =	vst v22  }
0x5a6: {  	v0 =	vor.u32 v16, v24;
	[tilespmem:s17+$0x4830] =	vst v17  }
0x5a7: {  	v1 =	vor.u32 v24, v4;
	[tilespmem:s17+$0x5030] =	vst v0  }
0x5a8: {  	v43 =	vor.u32 v31, v34;
	[tilespmem:s17+$0x5830] =	vst v1  }
0x5a9: {  	v44 =	vor.u32 v38, v39;
	[tilespmem:s17+$0x3800] =	vst v43  }
0x5aa: {  	v45 =	vor.u32 v35, v42;
	[tilespmem:s17+$0x3810] =	vst v44  }
0x5ab: {  	v46 =	vor.u32 v23, v4;
	[tilespmem:s17+$0x3820] =	vst v45  }
0x5ac: {  	v47 =	vor.u32 v21, v31;
	[tilespmem:s17+$0x3830] =	vst v46  }
0x5ad: {  	v48 =	vor.u32 v20, v38;
	[tilespmem:s17+$0x3000] =	vst v47  }
0x5ae: {  	v49 =	vor.u32 v15, v35;
	[tilespmem:s17+$0x3010] =	vst v48  }
0x5af: {  	v50 =	vor.u32 v16, v23;
	[tilespmem:s17+$0x3020] =	vst v49  }
0x5b0: {  	v51 =	vsel vm13, $0x42800000, v8;
	[tilespmem:s17+$0x3030] =	vst v50  }
0x5b1: {  	v52 =	vsel vm3, $0x42800000, v3;
	[tilespmem:s17+$0x16000] =	vst v51  }
0x5b2: {  	v53 =	vsel vm8, $0x42800000, v13;
	[tilespmem:s17+$0x16800] =	vst v52  }
0x5b3: {  	v54 =	vsel vm12, $0x42800000, v14;
	[tilespmem:s17+$0x17000] =	vst v53  }
0x5b4: {  	v55 =	vsel vm7, $0x42800000, v62;
	[tilespmem:s17+$0x16010] =	vst v54  }
0x5b5: {  	v56 =	vsel vm9, $0x42800000, v11;
	[tilespmem:s17+$0x16810] =	vst v55  }
0x5b6: {  	v57 =	vsel vm10, $0x42800000, v12;
	[tilespmem:s17+$0x17010] =	vst v56  }
0x5b7: {  	v58 =	vsel vm15, $0x42800000, v6;
	[tilespmem:s17+$0x16020] =	vst v57  }
0x5b8: {  	v59 =	vsel vm6, $0x42800000, v63;
	[tilespmem:s17+$0x16820] =	vst v58  }
0x5b9: {  	v60 =	vsel vm14, $0x42800000, v9;
	[tilespmem:s17+$0x17020] =	vst v59  }
0x5ba: {  	v62 =	vsel vm4, $0x42800000, v61;
	[tilespmem:s17+$0x16030] =	vst v60  }
0x5bb: {  	v63 =	vsel vm1, $0x42800000, v7;
	[tilespmem:s17+$0x16830] =	vst v62  }
0x5bc: {  	[tilespmem:s17+$0x17030] =	vst v63;
	v41 =	vor.u32 v16, v2  }
0x5bd: {  	s20 =	simm.s32 $0x3000;
	s18 =	simm.s32 $0xB000;
	[tilespmem:s17+$0x6030] =	vst v41  }
0x5be: {  	[tilespmem:s18], [sflag:$0x1] =	stream.indirect.gather [hbm4b:s2+s24], $0x1, s20, s24, $0xb8;
	[tilespmem:$0x1D000] =	vst v63  }
0x5bf: {  	s19 =	simm.s32 $0x3800;
	s20 =	simm.s32 $0xB800  }
0x5c0: {  	[tilespmem:s20], [sflag:$0x1] =	stream.indirect.gather [hbm4b:s2+s24], $0x1, s19, s24, $0xb8;
	[tilespmem:$0x1D000] =	vst v63  }
0x5c1: {  	s19 =	simm.s32 $0x4000;
	s20 =	simm.s32 $0xC000  }
0x5c2: {  	[tilespmem:s20], [sflag:$0x1] =	stream.indirect.gather [hbm4b:s2+s24], $0x1, s19, s24, $0xb8;
	[tilespmem:$0x1D000] =	vst v63  }
0x5c3: {  	s19 =	simm.s32 $0x4800;
	s20 =	simm.s32 $0xC800  }
0x5c4: {  	[tilespmem:s20], [sflag:$0x1] =	stream.indirect.gather [hbm4b:s2+s24], $0x1, s19, s24, $0xb8;
	[tilespmem:$0x1D000] =	vst v63  }
0x5c5: {  	p1 =	sgt.u32 s14, $0x5;
	s19 =	simm.s32 $0x5000;
	s20 =	simm.s32 $0xD000  }
0x5c6: {  	[tilespmem:s20], [sflag:$0x1] =	stream.indirect.gather [hbm4b:s2+s24], $0x1, s19, s24, $0xb8;
	[tilespmem:$0x1D000] =	vst v63  }
0x5c7: {  	s17 =	rddreg [dreg:$0xe];
	s19 =	simm.s32 $0x5800;
	s20 =	simm.s32 $0xD800  }
0x5c8: {  	[tilespmem:s20], [sflag:$0x1] =	stream.indirect.gather [hbm4b:s2+s24], $0x1, s19, s24, $0xb8;
	[tilespmem:$0x1D000] =	vst v63  }
0x5c9: {  	s16 =	sadd.s32 @!p1 s16, s17;
	s19 =	simm.s32 $0x6000;
	s20 =	simm.s32 $0xE000  }
0x5ca: {  	[tilespmem:s20], [sflag:$0x1] =	stream.indirect.gather [hbm4b:s2+s24], $0x1, s19, s24, $0xb8;
	[tilespmem:$0x1D000] =	vst v63  }
0x5cb: {  	s16 =	sshrl.u32 @!p1 s16, $0x3;
	s19 =	simm.s32 $0x6800;
	s20 =	simm.s32 $0xE800  }
0x5cc: {  	[tilespmem:s20], [sflag:$0x1] =	stream.indirect.gather [hbm4b:s2+s24], $0x1, s19, s24, $0xb8;
	[tilespmem:$0x1D000] =	vst v63  }
0x5cd: {  	s18 =	simm.s32 @!p1 $0x0;
	s17 =	sadd.s32 @!p1 s6, s16  }
0x5ce: {  	[tilespmem:s18], [sflag:$0x3] =	stream.linear.gather @!p1 [hbm4b:s17+s18], $0x800, $0x38;
	[tilespmem:$0x1D000] =	vst v63  }
0x5cf: {  	s19 =	simm.s32 @!p1 $0x800;
	s17 =	sadd.s32 @!p1 s7, s16  }
0x5d0: {  	[tilespmem:s19], [sflag:$0x3] =	stream.linear.gather @!p1 [hbm4b:s17+s18], $0x800, $0x38;
	[tilespmem:$0x1D000] =	vst v63  }
0x5d1: {  	s20 =	simm.s32 $0x7000;
	s16 =	sadd.s32 @!p1 s1, s16;
	s17 =	simm.s32 @!p1 $0x1000  }
0x5d2: {  	[tilespmem:s17], [sflag:$0x3] =	stream.linear.gather @!p1 [hbm4b:s16+s18], $0x800, $0x38;
	[tilespmem:$0x1D000] =	vst v63  }
.LBB2_12:
0x5d3: {  	_ =	swait.ge [sflag:s28], $0x800  }
0x5d4: {  	[sflag:s28] =	ssyncset.done $0x0  }
0x5d5: {  	[sflag:s28] =	ssyncadd.s32 $0xFFFFF800  }
0x5d6: {  	_ =	swait.ge [sflag:s28], $0x800  }
0x5d7: {  	[sflag:s28] =	ssyncset.done $0x0  }
0x5d8: {  	[sflag:s28] =	ssyncadd.s32 $0xFFFFF800  }
0x5d9: {  	_ =	swait.ge [sflag:s28], $0x800  }
0x5da: {  	[sflag:s28] =	ssyncset.done $0x0  }
0x5db: {  	[sflag:s28] =	ssyncadd.s32 $0xFFFFF800  }
0x5dc: {  	_ =	swait.ge [sflag:s28], $0x800  }
0x5dd: {  	[sflag:s28] =	ssyncset.done $0x0  }
0x5de: {  	[sflag:s28] =	ssyncadd.s32 $0xFFFFF800  }
0x5df: {  	_ =	swait.ge [sflag:s28], $0x800  }
0x5e0: {  	[sflag:s28] =	ssyncset.done $0x0  }
0x5e1: {  	[sflag:s28] =	ssyncadd.s32 $0xFFFFF800  }
0x5e2: {  	_ =	swait.ge [sflag:s28], $0x800  }
0x5e3: {  	[sflag:s28] =	ssyncset.done $0x0  }
0x5e4: {  	[sflag:s28] =	ssyncadd.s32 $0xFFFFF800  }
0x5e5: {  	_ =	swait.ge [sflag:s28], $0x800  }
0x5e6: {  	[sflag:s28] =	ssyncset.done $0x0  }
0x5e7: {  	[sflag:s28] =	ssyncadd.s32 $0xFFFFF800  }
0x5e8: {  	_ =	swait.ge [sflag:s28], $0x800  }
0x5e9: {  	[sflag:s28] =	ssyncset.done $0x0  }
0x5ea: {  	s16 =	simm.s32 @!p0 $0x6;
	[sflag:s28] =	ssyncadd.s32 $0xFFFFF800  }
0x5eb: {  	_ =	swait.ge @!p0 [sflag:s16], $0x800  }
0x5ec: {  	[sflag:s16] =	ssyncset.done @!p0 $0x0  }
0x5ed: {  	[sflag:s16] =	ssyncadd.s32 @!p0 $0xFFFFF800  }
0x5ee: {  	_ =	swait.ge @!p0 [sflag:s16], $0x800  }
0x5ef: {  	[sflag:s16] =	ssyncset.done @!p0 $0x0  }
0x5f0: {  	[sflag:s16] =	ssyncadd.s32 @!p0 $0xFFFFF800  }
0x5f1: {  	_ =	swait.ge @!p0 [sflag:s16], $0x800  }
0x5f2: {  	[sflag:s16] =	ssyncset.done @!p0 $0x0  }
0x5f3: {  	[sflag:s16] =	ssyncadd.s32 @!p0 $0xFFFFF800  }
0x5f4: {  	_ =	swait.ge @!p0 [sflag:s16], $0x800  }
0x5f5: {  	[sflag:s16] =	ssyncset.done @!p0 $0x0  }
0x5f6: {  	[sflag:s16] =	ssyncadd.s32 @!p0 $0xFFFFF800;
	s16 =	simm.s32 $0x0  }
0x5f7: {  	v0 =	vld [tilespmem:s16+$0x15030]  }
0x5f8: {  	v1 =	vld [tilespmem:s16+$0xF030]  }
0x5f9: {  	v2 =	vld [tilespmem:s16+$0xF830]  }
0x5fa: {  	v4 =	vld [tilespmem:s16+$0x10030]  }
0x5fb: {  	v3 =	vld [tilespmem:s16+$0x10830]  }
0x5fc: {  	v5 =	vld [tilespmem:s16+$0x11830]  }
0x5fd: {  	v6 =	vld [tilespmem:s16+$0x15830]  }
0x5fe: {  	v7 =	vld [tilespmem:s16+$0x12830]  }
0x5ff: {  	v8 =	vld [tilespmem:s16+$0x11030]  }
0x600: {  	v9 =	vld [tilespmem:s16+$0x12030]  }
0x601: {  	v11 =	vld [tilespmem:s16+$0x15800]  }
0x602: {  	v20 =	vld [tilespmem:s16+$0xF800]  }
0x603: {  	v12 =	vld [tilespmem:s16+$0x15810]  }
0x604: {  	v17 =	vld [tilespmem:s16+$0x15000];
	v10 =	vsub.f32 v2, v1  }
0x605: {  	v13 =	vsub.f32 $1.000000000e+00, v6;
	v2 =	vmul.f32 v2, v6;
	v14 =	vmul.f32 v3, v6  }
0x606: {  	v15 =	vsub.f32 v3, v4;
	v16 =	vmul.f32 v5, v6;
	v6 =	vmul.f32 v7, v6  }
0x607: {  	v18 =	vld [tilespmem:s16+$0xF000];
	v5 =	vsub.f32 v5, v8;
	v19 =	vsub.f32 $1.000000000e+00, v0;
	v31 =	vmul.f32 v20, v11  }
0x608: {  	v22 =	vld [tilespmem:s16+$0x11000];
	v23 =	vsub.f32 $1.000000000e+00, v12;
	v1 =	vmul.f32 v1, v13;
	v4 =	vmul.f32 v4, v13  }
0x609: {  	v3 =	vld [tilespmem:s16+$0x15820];
	v27 =	vsub.f32 $1.000000000e+00, v17;
	v8 =	vmul.f32 v8, v13;
	v13 =	vmul.f32 v9, v13  }
0x60a: {  	v21 =	vadd.f32 v2, v1;
	v14 =	vadd.f32 v14, v4;
	v4 =	vmul.f32 v15, v0;
	v15 =	vld [tilespmem:s16+$0x10000]  }
0x60b: {  	v8 =	vadd.f32 v16, v8;
	v13 =	vadd.f32 v6, v13;
	v6 =	vmul.f32 v10, v19;
	v10 =	vld [tilespmem:s16+$0x10800]  }
0x60c: {  	v29 =	vld [tilespmem:s16+$0x17830];
	v16 =	vsub.f32 $1.000000000e+00, v11;
	v1 =	vmul.f32 v21, v19;
	v2 =	vmul.f32 v14, v0  }
0x60d: {  	v30 =	vld [tilespmem:s16+$0x11800];
	v7 =	vsub.f32 v7, v9;
	v24 =	vmul.f32 v8, v19;
	v25 =	vmul.f32 v13, v0  }
0x60e: {  	v55 =	vld [tilespmem:s16+$0x10020];
	v28 =	vsub.f32 $1.000000000e+00, v3;
	v26 =	vmul.f32 v18, v16;
	v18 =	vsub.f32 v20, v18  }
0x60f: {  	v19 =	vmul.f32 v5, v19;
	v2 =	vadd.f32 v2, v1;
	v1 =	vadd.f32 v25, v24;
	v24 =	vld [tilespmem:s16+$0x12000]  }
0x610: {  	v9 =	vld [tilespmem:s16+$0x12800];
	v41 =	vsub.f32 v14, v21;
	v25 =	vmul.f32 v15, v16;
	v20 =	vmul.f32 v10, v11  }
0x611: {  	v32 =	vld [tilespmem:s16+$0x15010];
	v0 =	vmul.f32 v7, v0;
	v10 =	vsub.f32 v10, v15;
	v15 =	vsub.f32 v1, v2  }
0x612: {  	v26 =	vadd.f32 v31, v26;
	v31 =	vmul.f32 v22, v16;
	v20 =	vadd.f32 v20, v25;
	v25 =	vld [tilespmem:s16+$0xF010]  }
0x613: {  	v22 =	vsub.f32 v30, v22;
	v15 =	vmul.f32 v15, v29;
	v29 =	vmul.f32 v30, v11;
	v30 =	vld [tilespmem:s16+$0xF810]  }
0x614: {  	v13 =	vsub.f32 v13, v8;
	v58 =	vmul.f32 v55, v28;
	v5 =	vmul.f32 v24, v16;
	v16 =	vld [tilespmem:s16+$0x10010]  }
0x615: {  	v18 =	vmul.f32 v18, v27;
	v11 =	vmul.f32 v9, v11;
	v9 =	vsub.f32 v9, v24;
	v24 =	vld [tilespmem:s16+$0x10810]  }
0x616: {  	v10 =	vmul.f32 v10, v17;
	v33 =	vsub.f32 v20, v26;
	v35 =	vmul.f32 v20, v17;
	v20 =	vld [tilespmem:s16+$0x12010]  }
0x617: {  	v22 =	vmul.f32 v22, v27;
	v7 =	vadd.f32 v29, v31;
	v31 =	vmul.f32 v26, v27;
	v26 =	vld [tilespmem:s16+$0x11010]  }
0x618: {  	v18 =	vadd.f32 v10, v18;
	v5 =	vadd.f32 v11, v5;
	v11 =	vmul.f32 v9, v17;
	v9 =	vld [tilespmem:s16+$0x11810]  }
0x619: {  	v29 =	vsub.f32 $1.000000000e+00, v32;
	v34 =	vmul.f32 v25, v23;
	v36 =	vmul.f32 v30, v12  }
0x61a: {  	v25 =	vsub.f32 v30, v25;
	v30 =	vmul.f32 v7, v27;
	v27 =	vld [tilespmem:s16+$0x12810];
	v56 =	vmul.f32 v5, v17  }
0x61b: {  	v39 =	vld [tilespmem:s16+$0xF020];
	v7 =	vsub.f32 v5, v7;
	v37 =	vmul.f32 v16, v23;
	v54 =	vmul.f32 v24, v12  }
0x61c: {  	v5 =	vld [tilespmem:s16+$0x11020];
	v16 =	vsub.f32 v24, v16;
	v38 =	vmul.f32 v26, v23;
	v25 =	vmul.f32 v25, v29  }
0x61d: {  	v40 =	vld [tilespmem:s16+$0x12020];
	v34 =	vadd.f32 v36, v34;
	v23 =	vmul.f32 v20, v23;
	v21 =	vmul.f32 v9, v12  }
0x61e: {  	v24 =	vld [tilespmem:s16+$0x15020];
	v14 =	vadd.f32 v54, v37;
	v9 =	vsub.f32 v9, v26;
	v16 =	vmul.f32 v16, v32  }
0x61f: {  	v26 =	vld [tilespmem:s16+$0xF820];
	v57 =	vmul.f32 v34, v29;
	v8 =	vadd.f32 v21, v38;
	v12 =	vmul.f32 v27, v12  }
0x620: {  	v20 =	vsub.f32 v27, v20;
	v17 =	vmul.f32 v9, v29;
	v43 =	vmul.f32 v14, v32  }
0x621: {  	v21 =	vld [tilespmem:s16+$0x10820];
	v34 =	vsub.f32 v14, v34;
	v44 =	vmul.f32 v5, v28;
	v49 =	vadd.f32 v16, v25  }
0x622: {  	v9 =	vld [tilespmem:s16+$0x11820];
	v12 =	vadd.f32 v12, v23;
	v20 =	vmul.f32 v20, v32;
	v23 =	vmul.f32 v39, v28  }
0x623: {  	v14 =	vld [tilespmem:s16+$0x12820];
	v27 =	vsub.f32 $1.000000000e+00, v24;
	v28 =	vmul.f32 v40, v28;
	v62 =	vmul.f32 v8, v29  }
0x624: {  	v10 =	vld [tilespmem:s16+$0x14810];
	v36 =	vadd.f32 v43, v57;
	v42 =	vmul.f32 v26, v3;
	v26 =	vsub.f32 v26, v39  }
0x625: {  	[tilespmem:s16+$0x1B830] =	vst v15;
	v60 =	vsub.f32 v12, v8;
	v15 =	vmul.f32 v12, v32;
	v50 =	vadd.f32 v20, v17  }
0x626: {  	v23 =	vadd.f32 v42, v23;
	v59 =	vmul.f32 v21, v3;
	v21 =	vsub.f32 v21, v55  }
0x627: {  	v26 =	vmul.f32 v26, v27;
	v61 =	vmul.f32 v9, v3;
	v5 =	vsub.f32 v9, v5  }
0x628: {  	v3 =	vmul.f32 v14, v3;
	v14 =	vsub.f32 v14, v40;
	v40 =	vadd.f32 v56, v30  }
0x629: {  	v16 =	vld [tilespmem:s16+$0x18000];
	v51 =	vmul.f32 v60, v10;
	v38 =	vadd.f32 v15, v62;
	v30 =	vmul.f32 v50, v10  }
0x62a: {  	v8 =	vld [tilespmem:s16+$0x14820];
	v39 =	vadd.f32 v59, v58;
	v21 =	vmul.f32 v21, v24;
	v42 =	vadd.f32 v61, v44  }
0x62b: {  	v9 =	vld [tilespmem:s16+$0x14800];
	v29 =	vmul.f32 v5, v27;
	v3 =	vadd.f32 v3, v28;
	v12 =	vmul.f32 v14, v24  }
0x62c: {  	v17 =	vld [tilespmem:s16+$0x18010];
	v14 =	vadd.f32 v11, v22;
	v28 =	vmul.f32 v23, v27;
	v45 =	vsub.f32 v39, v23  }
0x62d: {  	v5 =	vld [tilespmem:s16+$0x14830];
	v63 =	vmul.f32 v39, v24;
	v22 =	vsub.f32 v3, v42;
	v52 =	vadd.f32 v21, v26  }
0x62e: {  	v11 =	vld [tilespmem:s16+$0x17800];
	v47 =	vmul.f32 v3, v24;
	v53 =	vadd.f32 v12, v29;
	v24 =	vadd.f32 v4, v6  }
0x62f: {  	v46 =	vmul.f32 v42, v27;
	v3 =	vld [tilespmem:s16+$0x18800];
	v21 =	vadd.f32 v0, v19;
	v26 =	vsub.f32 $1.000000000e+00, v8  }
0x630: {  	v12 =	vld [tilespmem:s16+$0x17810];
	v27 =	vsub.f32 $1.000000000e+00, v10;
	v48 =	vmul.f32 v7, v9;
	v20 =	vmul.f32 v14, v9  }
0x631: {  	v19 =	vld [tilespmem:s16+$0x18020];
	v29 =	vsub.f32 $1.000000000e+00, v9;
	v25 =	vmul.f32 v22, v8;
	v42 =	vmul.f32 v45, v26  }
0x632: {  	v39 =	vadd.f32 v35, v31;
	v4 =	vld [tilespmem:s16+$0x18820];
	v31 =	vmul.f32 v52, v26;
	v32 =	vmul.f32 v53, v8  }
0x633: {  	v6 =	vld [tilespmem:s16+$0x18830];
	v22 =	vmul.f32 v13, v5;
	v23 =	vsub.f32 $1.000000000e+00, v5;
	v0 =	vmul.f32 v33, v29  }
0x634: {  	v7 =	vld [tilespmem:s16+$0x18810];
	v13 =	vmul.f32 v34, v27;
	v33 =	vadd.f32 v63, v28;
	v34 =	vadd.f32 v47, v46  }
0x635: {  	v14 =	vld [tilespmem:s16+$0x17820];
	v15 =	vmul.f32 v18, v29;
	v28 =	vmul.f32 v49, v27;
	v43 =	vadd.f32 v48, v0  }
0x636: {  	s17 =	simm.s32 $0x0;
	s18 =	simm.s32 $0x100;
	v18 =	vld [tilespmem:s16+$0x18030];
	v35 =	vmul.f32 v41, v23;
	v41 =	vsub.f32 v40, v39;
	v37 =	vadd.f32 v51, v13  }
.LBB2_13:
0x637: {  	s19 =	sshra.s32 s18, $0x2;
	v0 =	vsub.f32 v38, v36;
	v24 =	vmul.f32 v24, v23;
	v21 =	vmul.f32 v21, v5  }
0x638: {  	v29 =	vmul.f32 v39, v29;
	v9 =	vmul.f32 v40, v9;
	v25 =	vadd.f32 v25, v42;
	v13 =	vld [tilespmem:s19+$0x15030]  }
0x639: {  	v27 =	vmul.f32 v36, v27;
	v10 =	vmul.f32 v38, v10;
	v36 =	vsub.f32 v34, v33;
	v39 =	vld [tilespmem:s19+$0xF030]  }
0x63a: {  	v26 =	vmul.f32 v33, v26;
	v8 =	vmul.f32 v34, v8;
	v22 =	vadd.f32 v22, v35;
	v38 =	vld [tilespmem:s19+$0xF830]  }
0x63b: {  	v15 =	vadd.f32 v20, v15;
	v2 =	vmul.f32 v2, v23;
	v1 =	vmul.f32 v1, v5;
	v33 =	vld [tilespmem:s19+$0x10030]  }
0x63c: {  	v5 =	vmul.f32 v43, v16;
	v16 =	vadd.f32 v30, v28;
	v23 =	vadd.f32 v32, v31;
	v20 =	vld [tilespmem:s19+$0x10830]  }
0x63d: {  	v11 =	vmul.f32 v41, v11;
	v9 =	vadd.f32 v9, v29;
	v21 =	vadd.f32 v21, v24;
	v28 =	vld [tilespmem:s19+$0x11830]  }
0x63e: {  	s17 =	sadd.s32 $0x4, s17;
	v0 =	vmul.f32 v0, v12;
	v24 =	vld [tilespmem:s19+$0x15830];
	[tilespmem:s16+$0x1C000] =	vst v5;
	v5 =	vadd.f32 v10, v27;
	v10 =	vmul.f32 v37, v17  }
0x63f: {  	p0 =	slt.u32 s17, $0x7C;
	v8 =	vadd.f32 v8, v26;
	v12 =	vld [tilespmem:s19+$0x12830];
	v17 =	vsub.f32 v38, v39;
	[tilespmem:s16+$0x1B000] =	vst v9;
	v9 =	vmul.f32 v25, v19  }
0x640: {  	v1 =	vadd.f32 v1, v2;
	v2 =	vmul.f32 v22, v18;
	v19 =	vld [tilespmem:s19+$0x11030];
	[tilespmem:s16+$0x1B800] =	vst v11;
	v11 =	vmul.f32 v36, v14  }
0x641: {  	v15 =	vmul.f32 v15, v3;
	v16 =	vmul.f32 v16, v7;
	v14 =	vld [tilespmem:s19+$0x12030];
	v18 =	vsub.f32 v20, v33;
	[tilespmem:s16+$0x1B010] =	vst v5  }
0x642: {  	v21 =	vmul.f32 v21, v6;
	v22 =	vld [tilespmem:s19+$0x15800];
	[tilespmem:s16+$0x1C010] =	vst v10;
	v10 =	vmul.f32 v23, v4  }
0x643: {  	v5 =	vld [tilespmem:s19+$0x15810];
	v4 =	vsub.f32 $1.000000000e+00, v24;
	v6 =	vmul.f32 v38, v24;
	v20 =	vmul.f32 v20, v24;
	[tilespmem:s16+$0x1B810] =	vst v0  }
0x644: {  	v0 =	vmul.f32 v28, v24;
	v3 =	vld [tilespmem:s19+$0x15820];
	v23 =	vmul.f32 v12, v24;
	[tilespmem:s16+$0x1B020] =	vst v8  }
0x645: {  	v7 =	vld [tilespmem:s19+$0x15000];
	v8 =	vmul.f32 v39, v4;
	v24 =	vmul.f32 v33, v4;
	v25 =	vsub.f32 v28, v19;
	[tilespmem:s16+$0x1C020] =	vst v9  }
0x646: {  	v27 =	vsub.f32 $1.000000000e+00, v13;
	v19 =	vmul.f32 v19, v4;
	v9 =	vld [tilespmem:s19+$0xF000];
	v26 =	vmul.f32 v14, v4;
	[tilespmem:s16+$0x1B820] =	vst v11  }
0x647: {  	v4 =	vmul.f32 v18, v13;
	v11 =	vld [tilespmem:s19+$0xF800];
	v8 =	vadd.f32 v6, v8;
	v24 =	vadd.f32 v20, v24;
	[tilespmem:s16+$0x1B030] =	vst v1  }
0x648: {  	v0 =	vadd.f32 v0, v19;
	v6 =	vmul.f32 v17, v27;
	v18 =	vld [tilespmem:s19+$0x10000];
	v19 =	vadd.f32 v23, v26;
	[tilespmem:s16+$0x1C030] =	vst v2  }
0x649: {  	v20 =	vsub.f32 $1.000000000e+00, v22;
	v17 =	vld [tilespmem:s19+$0x10800];
	v1 =	vmul.f32 v8, v27;
	v2 =	vmul.f32 v24, v13;
	[tilespmem:s16+$0x1C800] =	vst v15  }
0x64a: {  	v23 =	vsub.f32 $1.000000000e+00, v5;
	v26 =	vmul.f32 v0, v27;
	v15 =	vld [tilespmem:s19+$0x11000];
	v28 =	vmul.f32 v19, v13;
	[tilespmem:s16+$0x1C810] =	vst v16  }
0x64b: {  	v30 =	vsub.f32 $1.000000000e+00, v3;
	v29 =	vsub.f32 $1.000000000e+00, v7;
	v16 =	vmul.f32 v9, v20;
	v31 =	vld [tilespmem:s19+$0x17830];
	[tilespmem:s16+$0x1C820] =	vst v10  }
0x64c: {  	v2 =	vadd.f32 v2, v1;
	v10 =	vld [tilespmem:s19+$0x11800];
	v32 =	vmul.f32 v11, v22;
	v1 =	vadd.f32 v28, v26;
	[tilespmem:s16+$0x1C830] =	vst v21;
	s16 =	smov.u32 s19  }
0x64d: {  	v9 =	vsub.f32 v11, v9;
	v11 =	vsub.f32 v12, v14;
	v21 =	vld [tilespmem:s16+$0x12000];
	v26 =	vmul.f32 v18, v20  }
0x64e: {  	v12 =	vld [tilespmem:s16+$0x12800];
	v14 =	vmul.f32 v17, v22;
	v17 =	vsub.f32 v17, v18;
	v18 =	vsub.f32 v1, v2  }
0x64f: {  	v16 =	vadd.f32 v32, v16;
	v32 =	vmul.f32 v9, v29;
	v28 =	vmul.f32 v15, v20;
	v33 =	vld [tilespmem:s16+$0x15010]  }
0x650: {  	v9 =	vadd.f32 v14, v26;
	v14 =	vmul.f32 v17, v7;
	v17 =	vld [tilespmem:s16+$0xF010];
	v26 =	vmul.f32 v18, v31  }
0x651: {  	v18 =	vmul.f32 v25, v27;
	v31 =	vmul.f32 v10, v22;
	v10 =	vsub.f32 v10, v15;
	v34 =	vld [tilespmem:s16+$0xF810]  }
0x652: {  	v25 =	vmul.f32 v21, v20;
	v15 =	vsub.f32 v9, v16;
	v27 =	vld [tilespmem:s16+$0x10010];
	v20 =	vmul.f32 v11, v13;
	[tilespmem:s16+$0x1B830] =	vst v26  }
0x653: {  	v11 =	vadd.f32 v31, v28;
	v22 =	vmul.f32 v12, v22;
	v12 =	vsub.f32 v12, v21;
	v21 =	vld [tilespmem:s16+$0x10810]  }
0x654: {  	v13 =	vmul.f32 v16, v29;
	v26 =	vmul.f32 v10, v29;
	v10 =	vld [tilespmem:s16+$0x11010];
	v28 =	vsub.f32 $1.000000000e+00, v33  }
0x655: {  	v16 =	vadd.f32 v22, v25;
	v12 =	vmul.f32 v12, v7;
	v22 =	vld [tilespmem:s16+$0x11810];
	v25 =	vmul.f32 v17, v23  }
0x656: {  	v31 =	vmul.f32 v9, v7;
	v9 =	vld [tilespmem:s16+$0x12010];
	v35 =	vmul.f32 v34, v5;
	v17 =	vsub.f32 v34, v17  }
0x657: {  	v34 =	vmul.f32 v11, v29;
	v29 =	vsub.f32 v16, v11;
	v11 =	vld [tilespmem:s16+$0x12810];
	v36 =	vmul.f32 v27, v23  }
0x658: {  	v25 =	vadd.f32 v35, v25;
	v35 =	vmul.f32 v21, v5;
	v21 =	vsub.f32 v21, v27;
	v27 =	vld [tilespmem:s16+$0x15020]  }
0x659: {  	v41 =	vsub.f32 v24, v8;
	v38 =	vmul.f32 v17, v28;
	v37 =	vmul.f32 v10, v23;
	v17 =	vld [tilespmem:s16+$0xF020]  }
0x65a: {  	v8 =	vadd.f32 v35, v36;
	v24 =	vmul.f32 v22, v5;
	v10 =	vsub.f32 v22, v10;
	v22 =	vld [tilespmem:s16+$0xF820]  }
0x65b: {  	v0 =	vsub.f32 v19, v0;
	v21 =	vmul.f32 v21, v33;
	v23 =	vmul.f32 v9, v23;
	v35 =	vld [tilespmem:s16+$0x10020]  }
0x65c: {  	v19 =	vadd.f32 v24, v37;
	v5 =	vmul.f32 v11, v5;
	v9 =	vsub.f32 v11, v9;
	v11 =	vld [tilespmem:s16+$0x10820]  }
0x65d: {  	v36 =	vmul.f32 v16, v7;
	v24 =	vmul.f32 v10, v28;
	v7 =	vld [tilespmem:s16+$0x11020];
	v37 =	vsub.f32 $1.000000000e+00, v27  }
0x65e: {  	v23 =	vadd.f32 v5, v23;
	v39 =	vmul.f32 v9, v33;
	v5 =	vld [tilespmem:s16+$0x11820];
	v10 =	vmul.f32 v17, v30  }
0x65f: {  	v42 =	vmul.f32 v25, v28;
	v16 =	vld [tilespmem:s16+$0x12020];
	v40 =	vmul.f32 v22, v3;
	v17 =	vsub.f32 v22, v17  }
0x660: {  	v43 =	vmul.f32 v8, v33;
	v44 =	vsub.f32 v8, v25;
	v22 =	vld [tilespmem:s16+$0x12820];
	v25 =	vmul.f32 v35, v30  }
0x661: {  	v9 =	vld [tilespmem:s16+$0x14800];
	v40 =	vadd.f32 v40, v10;
	v45 =	vmul.f32 v11, v3;
	v11 =	vsub.f32 v11, v35  }
0x662: {  	v35 =	vsub.f32 v23, v19;
	v47 =	vmul.f32 v17, v37;
	v10 =	vld [tilespmem:s16+$0x14810];
	v46 =	vmul.f32 v7, v30  }
0x663: {  	v8 =	vld [tilespmem:s16+$0x14820];
	v17 =	vadd.f32 v45, v25;
	v25 =	vmul.f32 v5, v3;
	v7 =	vsub.f32 v5, v7  }
0x664: {  	v32 =	vadd.f32 v14, v32;
	v14 =	vmul.f32 v16, v30;
	v30 =	vmul.f32 v11, v27;
	v5 =	vld [tilespmem:s16+$0x14830]  }
0x665: {  	v11 =	vld [tilespmem:s16+$0x17800];
	v25 =	vadd.f32 v25, v46;
	v45 =	vmul.f32 v22, v3;
	v22 =	vsub.f32 v22, v16  }
0x666: {  	v28 =	vmul.f32 v19, v28;
	v19 =	vmul.f32 v7, v37;
	v46 =	vsub.f32 v17, v40;
	v16 =	vld [tilespmem:s16+$0x18000]  }
0x667: {  	v33 =	vmul.f32 v23, v33;
	v3 =	vld [tilespmem:s16+$0x18800];
	v7 =	vadd.f32 v45, v14;
	v22 =	vmul.f32 v22, v27  }
0x668: {  	v23 =	vadd.f32 v12, v26;
	v48 =	vmul.f32 v17, v27;
	v45 =	vmul.f32 v40, v37;
	v12 =	vld [tilespmem:s16+$0x17810]  }
0x669: {  	v37 =	vmul.f32 v25, v37;
	v17 =	vld [tilespmem:s16+$0x18010];
	v49 =	vmul.f32 v7, v27;
	v25 =	vsub.f32 v7, v25  }
0x66a: {  	v51 =	vadd.f32 v21, v38;
	v52 =	vadd.f32 v39, v24;
	v50 =	vmul.f32 v29, v9;
	v7 =	vld [tilespmem:s16+$0x18810]  }
0x66b: {  	v47 =	vadd.f32 v30, v47;
	v53 =	vmul.f32 v35, v10;
	v54 =	vadd.f32 v22, v19;
	v14 =	vld [tilespmem:s16+$0x17820]  }
0x66c: {  	v21 =	vadd.f32 v20, v18;
	v24 =	vadd.f32 v4, v6;
	v25 =	vmul.f32 v25, v8;
	v19 =	vld [tilespmem:s16+$0x18020]  }
0x66d: {  	v29 =	vsub.f32 $1.000000000e+00, v9;
	v27 =	vsub.f32 $1.000000000e+00, v10;
	v22 =	vmul.f32 v0, v5;
	v4 =	vld [tilespmem:s16+$0x18820]  }
0x66e: {  	v20 =	vmul.f32 v23, v9;
	v26 =	vsub.f32 $1.000000000e+00, v8;
	v23 =	vsub.f32 $1.000000000e+00, v5;
	v18 =	vld [tilespmem:s16+$0x18030]  }
0x66f: {  	v39 =	vadd.f32 v31, v13;
	v40 =	vadd.f32 v36, v34;
	v0 =	vmul.f32 v15, v29;
	v6 =	vld [tilespmem:s16+$0x18830]  }
.Ltmp5:
0x670: {  	v38 =	vadd.f32 v33, v28;
	v36 =	vadd.f32 v43, v42;
	v13 =	vmul.f32 v44, v27;
	(pc) =	sbr.rel @p0 .LBB2_13-.Ltmp5, $4  }
0x671: {  	v33 =	vadd.f32 v48, v45;
	v42 =	vmul.f32 v46, v26;
	v34 =	vadd.f32 v49, v37  }
0x672: {  	v15 =	vmul.f32 v32, v29;
	v43 =	vadd.f32 v50, v0;
	v35 =	vmul.f32 v41, v23  }
0x673: {  	v30 =	vmul.f32 v52, v10;
	v41 =	vsub.f32 v40, v39;
	v28 =	vmul.f32 v51, v27  }
0x674: {  	s18 =	sadd.s32 $0x100, s18;
	v31 =	vmul.f32 v47, v26;
	v32 =	vmul.f32 v54, v8;
	v37 =	vadd.f32 v53, v13  }
0x675: {  	v0 =	vmul.f32 v39, v29  }
0x676: {  	v9 =	vmul.f32 v40, v9;
	v13 =	vmul.f32 v43, v16  }
0x677: {  	v51 =	vmul.f32 v36, v27;
	v52 =	vmul.f32 v41, v11  }
0x678: {  	v10 =	vmul.f32 v38, v10;
	v55 =	vmul.f32 v37, v17;
	[tilespmem:s16+$0x1C000] =	vst v13  }
0x679: {  	v53 =	vsub.f32 v38, v36;
	v54 =	vmul.f32 v33, v26;
	v0 =	vadd.f32 v9, v0;
	[tilespmem:s16+$0x1B800] =	vst v52  }
0x67a: {  	v56 =	vadd.f32 v25, v42;
	v2 =	vmul.f32 v2, v23;
	v10 =	vadd.f32 v10, v51;
	[tilespmem:s16+$0x1C010] =	vst v55  }
0x67b: {  	v1 =	vmul.f32 v1, v5;
	v11 =	vmul.f32 v53, v12;
	[tilespmem:s16+$0x1B000] =	vst v0  }
0x67c: {  	v58 =	vmul.f32 v56, v19;
	v0 =	vmul.f32 v34, v8;
	[tilespmem:s16+$0x1B010] =	vst v10  }
0x67d: {  	v59 =	vadd.f32 v22, v35;
	v1 =	vadd.f32 v1, v2;
	[tilespmem:s16+$0x1B810] =	vst v11  }
0x67e: {  	v60 =	vadd.f32 v20, v15;
	[tilespmem:s16+$0x1C020] =	vst v58;
	v0 =	vadd.f32 v0, v54  }
0x67f: {  	v57 =	vsub.f32 v34, v33;
	v2 =	vmul.f32 v21, v5;
	v62 =	vmul.f32 v59, v18;
	[tilespmem:s16+$0x1B030] =	vst v1  }
0x680: {  	v61 =	vadd.f32 v30, v28;
	v3 =	vmul.f32 v60, v3;
	[tilespmem:s16+$0x1B020] =	vst v0;
	v0 =	vmul.f32 v24, v23  }
0x681: {  	v63 =	vadd.f32 v32, v31;
	v10 =	vmul.f32 v57, v14;
	[tilespmem:s16+$0x1C030] =	vst v62  }
0x682: {  	v1 =	vmul.f32 v61, v7;
	[tilespmem:s16+$0x1C800] =	vst v3;
	v0 =	vadd.f32 v2, v0  }
0x683: {  	[tilespmem:s16+$0x1B820] =	vst v10;
	v2 =	vmul.f32 v63, v4  }
0x684: {  	[tilespmem:s16+$0x1C810] =	vst v1;
	v0 =	vmul.f32 v0, v6  }
0x685: {  	s15 =	sor.u32 $0x100, s15;
	[tilespmem:s16+$0x1C820] =	vst v2  }
0x686: {  	s14 =	sadd.s32 $0x1, s14;
	s17 =	sadd.s32 s3, s15;
	[tilespmem:s16+$0x1C830] =	vst v0  }
0x687: {  	[hbm4b:s17+s4] =	stream.linear.scatter [tilespmem:s29], [sflag:$0x6], $0x800, $0x38;
	[tilespmem:$0x1D000] =	vst v63  }
0x688: {  	s18 =	sadd.s32 s8, s15;
	p0 =	sne.s32 s14, $0x8  }
0x689: {  	[hbm4b:s18+s4] =	stream.linear.scatter [tilespmem:s25], [sflag:$0x6], $0x800, $0x38;
	[tilespmem:$0x1D000] =	vst v63  }
.Ltmp6:
0x68a: {  	_ = 	snop;
	(pc) =	sbr.rel @p0 .LBB2_4-.Ltmp6, $4  }
0x68b: {  	s19 =	sadd.s32 s9, s15  }
0x68c: {  	[hbm4b:s19+s4] =	stream.linear.scatter [tilespmem:s12], [sflag:$0x6], $0x800, $0x38;
	[tilespmem:$0x1D000] =	vst v63  }
0x68d: {  	s15 =	sadd.s32 s11, s15  }
0x68e: {  	v0 =	vimm.f32 $0.0e+00;
	[hbm4b:s15+s4] =	stream.linear.scatter [tilespmem:s13], [sflag:$0x6], $0x800, $0x38;
	[tilespmem:$0x1D000] =	vst v63  }
0x68f: {  	s14 =	simm.s32 $0x5  }
0x690: {  	_ =	swait.ge [sflag:s14], $0x800  }
0x691: {  	[sflag:s14] =	ssyncset.done $0x0  }
0x692: {  	[sflag:s14] =	ssyncadd.s32 $0xFFFFF800  }
0x693: {  	_ =	swait.ge [sflag:s14], $0x800  }
0x694: {  	[sflag:s14] =	ssyncset.done $0x0  }
0x695: {  	[sflag:s14] =	ssyncadd.s32 $0xFFFFF800  }
0x696: {  	_ =	swait.ge [sflag:s14], $0x800  }
0x697: {  	[sflag:s14] =	ssyncset.done $0x0  }
0x698: {  	[sflag:s14] =	ssyncadd.s32 $0xFFFFF800  }
0x699: {  	_ =	swait.ge [sflag:s14], $0x800  }
0x69a: {  	[sflag:s14] =	ssyncset.done $0x0  }
0x69b: {  	s15 =	simm.s32 $0x6;
	[sflag:s14] =	ssyncadd.s32 $0xFFFFF800  }
0x69c: {  	_ =	swait.ge [sflag:s15], $0x800  }
0x69d: {  	[sflag:s15] =	ssyncset.done $0x0  }
0x69e: {  	[sflag:s15] =	ssyncadd.s32 $0xFFFFF800  }
0x69f: {  	_ =	swait.ge [sflag:s15], $0x800  }
0x6a0: {  	[sflag:s15] =	ssyncset.done $0x0  }
0x6a1: {  	[sflag:s15] =	ssyncadd.s32 $0xFFFFF800  }
0x6a2: {  	_ =	swait.ge [sflag:s15], $0x800  }
0x6a3: {  	[sflag:s15] =	ssyncset.done $0x0  }
0x6a4: {  	[sflag:s15] =	ssyncadd.s32 $0xFFFFF800  }
0x6a5: {  	_ =	swait.ge [sflag:s15], $0x800  }
0x6a6: {  	s16 =	rddreg [dreg:$0x10]  }
0x6a7: {  	s19 =	rddreg [dreg:$0xf];
	s16 =	sadd.s32 $0x1, s16  }
0x6a8: {  	p0 =	sne.s32 s16, s19  }
.Ltmp7:
0x6a9: {  	_ = 	snop;
	(pc) =	sbr.rel @p0 .LBB2_1-.Ltmp7, $3  }
0x6aa: {  	_ =	sdelay $0x1  }
0x6ab: {  	[sflag:s15] =	ssyncset.done $0x0  }
0x6ac: {  	s18 =	simm.s32 $0x1000;
	[sflag:s15] =	ssyncadd.s32 $0xFFFFF800  }
0x6ad: {  	_ =	sfence.sel $0x180000  }
0x6ae: {  	[bflag:$0x0] =	sbarrier.arrive $0xFFFF  }
0x6af: {  	_ =	strace $0x90000047  }
0x6b0: {  	s0 =	stileid.u32;
	[bflag:$0x2] =	sbarrier.arrive $0xFFFF  }
0x6b1: {  	p0 =	sne.s32 s0, $0x0;
	s0 =	rddreg [dreg:$0x4]  }
0x6b2: {  	s0 =	sadd.s32 @!p0 $0x100000, s0  }
0x6b3: {  	[sflag:s0] =	ssyncadd.tile.s32 @!p0 $0x1;
	_ =	shalt  }
.Lfunc_end2:
_tile_overlayer_lowered:
.L_overlay_start_2:
0x6b4: {  	(tag) =	ssettag $0x2  }
0x6b5: {  	s0 =	rddreg [dreg:$0x0];
	s2 =	stileid.u32  }
0x6b6: {  	s1 =	rddreg [dreg:$0x1];
	p0 =	sne.s32 s2, $0x0  }
0x6b7: {  	s3 =	rddreg [dreg:$0x2];
	[bflag:$0x3] =	sbarrier.arrive $0xFFFF;
	s2 =	simm.s32 @!p0 $0x1C07  }
0x6b8: {  	[timem:s3], [sflag:s2] =	dma.local @!p0 [hbm:s0], s1  }
0x6b9: {  	s0 =	simm.s32 @!p0 $0x7  }
0x6ba: {  	_ =	swait.ge @!p0 [sflag:s0], s1  }
0x6bb: {  	s1 =	ssub.s32 @!p0 $0x0, s1;
	[sflag:s0] =	ssyncset.done @!p0 $0x0  }
0x6bc: {  	[sflag:s0] =	ssyncadd.s32 @!p0 s1  }
0x6bd: {  	[bflag:$0x3] =	sbarrier.arrive $0xFFFF  }
0x6be: {  	_ =	shalt  }

</sc_bundles>
